<compile_context>
chip_gen: v7x
topology: tpu7x:2x2x1
jax: 0.10.2.dev20260603
libtpu: 0.0.44.dev20260713+nightly
codegen_flags: <defaults>
</compile_context>

<pallas_src>
import functools

import jax
import jax.numpy as jnp
from jax import lax
from jax.experimental import pallas as pl
from jax.experimental.pallas import tpu as pltpu
from jax.experimental.pallas import tpu_sc as plsc

NUM_CLASSES = 64
D = 128
N = 320000
NC, NS = 2, 16
NW = NC * NS
BLK = 256
NB = N // BLK
ITERS = (NB + NW - 1) // NW
SAMP = ((NB + 16 + 7) // 8) * 8
LPAD = BLK + 16
NBUF = 3


def _first_ge1(lref, c):
  def step(_, carry):
    lo, hi = carry
    mid = (lo + hi) // 2
    pred = lref[pl.ds(mid, 16)][0] < c
    return jnp.where(pred, mid + 1, lo), jnp.where(pred, hi, mid)

  _, hi = lax.fori_loop(0, 8, step, (jnp.int32(0), jnp.int32(BLK)))
  return hi


def _pos_of_class(samp_v, lab_blocks_hbm, lblk, c):
  def step(_, carry):
    lo, hi = carry
    mid = (lo + hi) // 2
    pred = samp_v[pl.ds(mid, 16)][0] < c
    return jnp.where(pred, mid + 1, lo), jnp.where(pred, hi, mid)

  lo, hi = lax.fori_loop(0, 12, step, (jnp.int32(0), jnp.int32(NB)))
  b = jnp.maximum(hi - 1, 0)
  pltpu.sync_copy(lab_blocks_hbm.at[b], lblk.at[pl.ds(0, BLK)])
  return (b * BLK + _first_ge1(lblk, c)).astype(jnp.float32)


def _sc_body(feat_hbm, lab_blocks_hbm, samp_hbm,
             sums_out, cnts_out, fblk2, lb_a, lb_b, lb_c, lblk,
             samp_v, cvec, acc2, gsem):
  cid = lax.axis_index("c")
  sid = lax.axis_index("s")
  wid = sid * NC + cid
  lbufs = (lb_a, lb_b, lb_c)

  def gather_start(bid, b):
    pltpu.async_copy(feat_hbm.at[bid], fblk2.at[b], gsem)
    pltpu.async_copy(lab_blocks_hbm.at[bid], lbufs[b].at[pl.ds(0, BLK)],
                     gsem)

  def gather_wait(b):
    pltpu.make_async_copy(feat_hbm.at[0], fblk2.at[b], gsem).wait()
    pltpu.make_async_copy(lab_blocks_hbm.at[0], lbufs[b].at[pl.ds(0, BLK)],
                          gsem).wait()

  for m in range(NBUF - 1):
    gather_start(m * NW + wid, m)

  pltpu.sync_copy(samp_hbm, samp_v)

  c0 = 2 * wid
  p0 = _pos_of_class(samp_v, lab_blocks_hbm, lblk, c0)
  p1 = _pos_of_class(samp_v, lab_blocks_hbm, lblk, c0 + 1)
  p2 = _pos_of_class(samp_v, lab_blocks_hbm, lblk, c0 + 2)
  lane = lax.iota(jnp.int32, 16)
  cnts = jnp.where(lane == 0, p1 - p0, jnp.where(lane == 1, p2 - p1, 0.0))
  cvec[...] = cnts
  pltpu.sync_copy(cvec, cnts_out.at[wid])

  zeros16 = jnp.zeros((16,), jnp.float32)

  @pl.loop(0, NUM_CLASSES)
  def _(i):
    for k in range(D // 16):
      acc2[i, pl.ds(k * 16, 16)] = zeros16

  @pl.loop(0, ITERS, step=NBUF)
  def _(j0):
    for b in range(NBUF):
      j = j0 + b
      bid = j * NW + wid

      @pl.when(bid < NB)
      def _():
        @pl.when(bid + (NBUF - 1) * NW < NB)
        def _():
          gather_start(bid + (NBUF - 1) * NW, (b + NBUF - 1) % NBUF)

        gather_wait(b)

        lb = lbufs[b]
        first = lb[pl.ds(0, 16)][0]
        last = lb[pl.ds(BLK - 1, 16)][0]
        zvs = tuple(jnp.zeros((16,), jnp.float32) for _ in range(D // 16))

        def flush(cls, vs):
          for k in range(D // 16):
            acc2[cls, pl.ds(k * 16, 16)] = (
                acc2[cls, pl.ds(k * 16, 16)] + vs[k])

        @pl.when(first == last)
        def _():
          def row8(i, vs):
            for u in range(8):
              r = i * 8 + u
              vs = tuple(
                  vs[k] + fblk2[b, r, pl.ds(k * 16, 16)]
                  for k in range(D // 16))
            return vs

          vs = lax.fori_loop(0, BLK // 8, row8, zvs)
          flush(first, vs)

        @pl.when(first != last)
        def _():
          def per_class(t, s):
            cls = first + t
            e = _first_ge1(lb, cls + 1)

            def per_row(r, vs):
              return tuple(
                  vs[k] + fblk2[b, r, pl.ds(k * 16, 16)]
                  for k in range(D // 16))

            vs = lax.fori_loop(s, e, per_row, zvs)
            flush(cls, vs)
            return e

          lax.fori_loop(0, last - first + 1, per_class, jnp.int32(0))

  pltpu.sync_copy(acc2, sums_out.at[wid])


_sc_segment_sums = functools.partial(
    pl.kernel,
    out_type=(
        jax.ShapeDtypeStruct((NW, NUM_CLASSES, D), jnp.float32),
        jax.ShapeDtypeStruct((NW, 16), jnp.float32),
    ),
    mesh=plsc.VectorSubcoreMesh(core_axis_name="c", subcore_axis_name="s",
                                num_cores=NC, num_subcores=NS),
    scratch_types=[
        pltpu.VMEM((NBUF, BLK, D), jnp.float32),
        pltpu.VMEM((LPAD,), jnp.int32),
        pltpu.VMEM((LPAD,), jnp.int32),
        pltpu.VMEM((LPAD,), jnp.int32),
        pltpu.VMEM((LPAD,), jnp.int32),
        pltpu.VMEM((SAMP,), jnp.int32),
        pltpu.VMEM((16,), jnp.float32),
        pltpu.VMEM((NUM_CLASSES, D), jnp.float32),
        pltpu.SemaphoreType.DMA,
    ],
)(_sc_body)


def _combine_body(sums_ref, cnts_ref, out_ref):
  s = jnp.sum(sums_ref[...], axis=0)
  out_ref[...] = s / cnts_ref[...]


def kernel(support_features, support_labels):
  feat = support_features.reshape(NB, BLK, D)
  lab = support_labels.astype(jnp.int32).reshape(NB, BLK)
  samp = jnp.pad(lab[:, 0], (0, SAMP - NB))

  sums, cnts = _sc_segment_sums(feat, lab, samp)
  counts_col = cnts[:, :2].reshape(NUM_CLASSES, 1)

  return pl.pallas_call(
      _combine_body,
      out_shape=jax.ShapeDtypeStruct((NUM_CLASSES, D), jnp.float32),
  )(sums, counts_col)

# --- scband reference (transcript-rebuilt; emitter-appended) ---
"""Pipeline reference for scband-prototypical-network-88802743812492 (READ-ONLY COPY).

The authoritative reference and input builder live on the scoring server;
editing this copy changes nothing except your own understanding.
"""

import jax, jax.numpy as jnp
import numpy as np

NUM_CLASSES = 64
FEATURE_DIM = 128
N = 320000

def setup_inputs(seed: int = 0) -> dict:
    key = jax.random.key(seed)
    k1, k2 = jax.random.split(key)
    support_features = jax.random.normal(k1, (N, FEATURE_DIM), dtype=jnp.float32)
    support_labels = jnp.sort(jax.random.randint(k2, (N,), 0, NUM_CLASSES, dtype=jnp.int64))
    return {"support_features": support_features, "support_labels": support_labels}

def reference(support_features, support_labels):
    # Faithful translation of PrototypicalNetwork.forward(stage='simple'):
    # prototypes[c] = mean of features with label == c (segment mean).
    sums = jax.ops.segment_sum(support_features, support_labels, num_segments=NUM_CLASSES)
    counts = jax.ops.segment_sum(jnp.ones((support_features.shape[0],), dtype=support_features.dtype),
                                 support_labels, num_segments=NUM_CLASSES)
    prototypes = sums / counts[:, None]
    return prototypes

if __name__ == "__main__":
    import jax
    _d = setup_inputs()
    print(jax.jit(kernel)(*tuple(_d.values())))

</pallas_src>

<mosaic_0001>
#map = affine_map<(d0, d1) -> (0, 0, 0)>
#map1 = affine_map<(d0, d1) -> (0, 0)>
#map2 = affine_map<(d0, d1) -> (0)>
module attributes {stable_mosaic.version = 14 : i64} {
  func.func @_sc_body(%arg0: i32, %arg1: i32, %arg2: memref<1250x256x128xf32, #tpu.memory_space<hbm>>, %arg3: memref<1250x256xi32, #tpu.memory_space<hbm>>, %arg4: memref<1272xi32, #tpu.memory_space<hbm>>, %arg5: memref<32x64x128xf32, #tpu.memory_space<hbm>>, %arg6: memref<32x16xf32, #tpu.memory_space<hbm>>, %arg7: memref<3x256x128xf32, #tpu.memory_space<vmem>>, %arg8: memref<272xi32, #tpu.memory_space<vmem>>, %arg9: memref<272xi32, #tpu.memory_space<vmem>>, %arg10: memref<272xi32, #tpu.memory_space<vmem>>, %arg11: memref<272xi32, #tpu.memory_space<vmem>>, %arg12: memref<1272xi32, #tpu.memory_space<vmem>>, %arg13: memref<16xf32, #tpu.memory_space<vmem>>, %arg14: memref<64x128xf32, #tpu.memory_space<vmem>>, %arg15: memref<!tpu.dma_semaphore, #tpu.memory_space<semaphore_mem>>) attributes {dimension_semantics = [#tpu.dimension_semantics<core_parallel>, #tpu.dimension_semantics<subcore_parallel>], iteration_bounds = array<i64: 2, 16>, scalar_prefetch = 0 : i64, scratch_operands = 9 : i64, tpu.core_type = #tpu.core_type<sc_vector_subcore>, window_params = [{transform_indices = #map}, {transform_indices = #map1}, {transform_indices = #map2}, {transform_indices = #map}, {transform_indices = #map1}]} {
    %mul3A = arith.constant 2 : i32
    %mul3A_0 = arith.muli %arg1, %mul3A : i32
    %add3A = arith.addi %mul3A_0, %arg0 : i32
    %add3A_1 = arith.constant 0 : i32
    %add3A_2 = arith.addi %add3A_1, %add3A : i32
    %dma_start3A = arith.constant 0 : i32
    %dma_start3A_3 = arith.constant 0 : i32
    %dma_start3A_4 = arith.constant 0 : i32
    %dma_start3A_5 = tpu.memref_slice %arg7[%dma_start3A, %dma_start3A_3, %dma_start3A_4] : memref<3x256x128xf32, #tpu.memory_space<vmem>> -> memref<1x256x128xf32, #tpu.memory_space<vmem>>
    %dma_start3A_6 = tpu.memref_squeeze %dma_start3A_5 : memref<1x256x128xf32, #tpu.memory_space<vmem>> -> memref<256x128xf32, #tpu.memory_space<vmem>>
    %dma_start3A_7 = arith.constant 0 : i32
    %dma_start3A_8 = arith.constant 0 : i32
    %dma_start3A_9 = tpu.memref_slice %arg2[%add3A_2, %dma_start3A_7, %dma_start3A_8] : memref<1250x256x128xf32, #tpu.memory_space<hbm>> -> memref<1x256x128xf32, #tpu.memory_space<hbm>>
    %dma_start3A_10 = tpu.memref_squeeze %dma_start3A_9 : memref<1x256x128xf32, #tpu.memory_space<hbm>> -> memref<256x128xf32, #tpu.memory_space<hbm>>
    %dma_start3A_11 = arith.constant 0 : i32
    %dma_start3A_12 = arith.constant 0 : i32
    %dma_start3A_13 = tpu.memref_slice %arg7[%dma_start3A, %dma_start3A_11, %dma_start3A_12] : memref<3x256x128xf32, #tpu.memory_space<vmem>> -> memref<1x256x128xf32, #tpu.memory_space<vmem>>
    %dma_start3A_14 = tpu.memref_squeeze %dma_start3A_13 : memref<1x256x128xf32, #tpu.memory_space<vmem>> -> memref<256x128xf32, #tpu.memory_space<vmem>>
    %dma_start3A_15 = arith.constant 0 : i32
    %dma_start3A_16 = arith.constant 0 : i32
    %dma_start3A_17 = tpu.memref_slice %arg2[%add3A_2, %dma_start3A_15, %dma_start3A_16] : memref<1250x256x128xf32, #tpu.memory_space<hbm>> -> memref<1x256x128xf32, #tpu.memory_space<hbm>>
    %dma_start3A_18 = tpu.memref_squeeze %dma_start3A_17 : memref<1x256x128xf32, #tpu.memory_space<hbm>> -> memref<256x128xf32, #tpu.memory_space<hbm>>
    tpu.enqueue_dma source(%dma_start3A_18 : memref<256x128xf32, #tpu.memory_space<hbm>>) target(%dma_start3A_14 : memref<256x128xf32, #tpu.memory_space<vmem>>) target_semaphore(%arg15 : memref<!tpu.dma_semaphore, #tpu.memory_space<semaphore_mem>>)
    %dma_start3A_19 = arith.constant 0 : i32
    %dma_start3A_20 = tpu.memref_slice %arg8[%dma_start3A_19] : memref<272xi32, #tpu.memory_space<vmem>> -> memref<256xi32, #tpu.memory_space<vmem>>
    %dma_start3A_21 = arith.constant 0 : i32
    %dma_start3A_22 = tpu.memref_slice %arg3[%add3A_2, %dma_start3A_21] : memref<1250x256xi32, #tpu.memory_space<hbm>> -> memref<1x256xi32, #tpu.memory_space<hbm>>
    %dma_start3A_23 = tpu.memref_squeeze %dma_start3A_22 : memref<1x256xi32, #tpu.memory_space<hbm>> -> memref<256xi32, #tpu.memory_space<hbm>>
    %dma_start3A_24 = arith.constant 0 : i32
    %dma_start3A_25 = tpu.memref_slice %arg8[%dma_start3A_24] : memref<272xi32, #tpu.memory_space<vmem>> -> memref<256xi32, #tpu.memory_space<vmem>>
    %dma_start3A_26 = arith.constant 0 : i32
    %dma_start3A_27 = tpu.memref_slice %arg3[%add3A_2, %dma_start3A_26] : memref<1250x256xi32, #tpu.memory_space<hbm>> -> memref<1x256xi32, #tpu.memory_space<hbm>>
    %dma_start3A_28 = tpu.memref_squeeze %dma_start3A_27 : memref<1x256xi32, #tpu.memory_space<hbm>> -> memref<256xi32, #tpu.memory_space<hbm>>
    tpu.enqueue_dma source(%dma_start3A_28 : memref<256xi32, #tpu.memory_space<hbm>>) target(%dma_start3A_25 : memref<256xi32, #tpu.memory_space<vmem>>) target_semaphore(%arg15 : memref<!tpu.dma_semaphore, #tpu.memory_space<semaphore_mem>>)
    %add3A_29 = arith.constant 32 : i32
    %add3A_30 = arith.addi %add3A_29, %add3A : i32
    %dma_start3A_31 = arith.constant 1 : i32
    %dma_start3A_32 = arith.constant 0 : i32
    %dma_start3A_33 = arith.constant 0 : i32
    %dma_start3A_34 = tpu.memref_slice %arg7[%dma_start3A_31, %dma_start3A_32, %dma_start3A_33] : memref<3x256x128xf32, #tpu.memory_space<vmem>> -> memref<1x256x128xf32, #tpu.memory_space<vmem>>
    %dma_start3A_35 = tpu.memref_squeeze %dma_start3A_34 : memref<1x256x128xf32, #tpu.memory_space<vmem>> -> memref<256x128xf32, #tpu.memory_space<vmem>>
    %dma_start3A_36 = arith.constant 0 : i32
    %dma_start3A_37 = arith.constant 0 : i32
    %dma_start3A_38 = tpu.memref_slice %arg2[%add3A_30, %dma_start3A_36, %dma_start3A_37] : memref<1250x256x128xf32, #tpu.memory_space<hbm>> -> memref<1x256x128xf32, #tpu.memory_space<hbm>>
    %dma_start3A_39 = tpu.memref_squeeze %dma_start3A_38 : memref<1x256x128xf32, #tpu.memory_space<hbm>> -> memref<256x128xf32, #tpu.memory_space<hbm>>
    %dma_start3A_40 = arith.constant 0 : i32
    %dma_start3A_41 = arith.constant 0 : i32
    %dma_start3A_42 = tpu.memref_slice %arg7[%dma_start3A_31, %dma_start3A_40, %dma_start3A_41] : memref<3x256x128xf32, #tpu.memory_space<vmem>> -> memref<1x256x128xf32, #tpu.memory_space<vmem>>
    %dma_start3A_43 = tpu.memref_squeeze %dma_start3A_42 : memref<1x256x128xf32, #tpu.memory_space<vmem>> -> memref<256x128xf32, #tpu.memory_space<vmem>>
    %dma_start3A_44 = arith.constant 0 : i32
    %dma_start3A_45 = arith.constant 0 : i32
    %dma_start3A_46 = tpu.memref_slice %arg2[%add3A_30, %dma_start3A_44, %dma_start3A_45] : memref<1250x256x128xf32, #tpu.memory_space<hbm>> -> memref<1x256x128xf32, #tpu.memory_space<hbm>>
    %dma_start3A_47 = tpu.memref_squeeze %dma_start3A_46 : memref<1x256x128xf32, #tpu.memory_space<hbm>> -> memref<256x128xf32, #tpu.memory_space<hbm>>
    tpu.enqueue_dma source(%dma_start3A_47 : memref<256x128xf32, #tpu.memory_space<hbm>>) target(%dma_start3A_43 : memref<256x128xf32, #tpu.memory_space<vmem>>) target_semaphore(%arg15 : memref<!tpu.dma_semaphore, #tpu.memory_space<semaphore_mem>>)
    %dma_start3A_48 = arith.constant 0 : i32
    %dma_start3A_49 = tpu.memref_slice %arg9[%dma_start3A_48] : memref<272xi32, #tpu.memory_space<vmem>> -> memref<256xi32, #tpu.memory_space<vmem>>
    %dma_start3A_50 = arith.constant 0 : i32
    %dma_start3A_51 = tpu.memref_slice %arg3[%add3A_30, %dma_start3A_50] : memref<1250x256xi32, #tpu.memory_space<hbm>> -> memref<1x256xi32, #tpu.memory_space<hbm>>
    %dma_start3A_52 = tpu.memref_squeeze %dma_start3A_51 : memref<1x256xi32, #tpu.memory_space<hbm>> -> memref<256xi32, #tpu.memory_space<hbm>>
    %dma_start3A_53 = arith.constant 0 : i32
    %dma_start3A_54 = tpu.memref_slice %arg9[%dma_start3A_53] : memref<272xi32, #tpu.memory_space<vmem>> -> memref<256xi32, #tpu.memory_space<vmem>>
    %dma_start3A_55 = arith.constant 0 : i32
    %dma_start3A_56 = tpu.memref_slice %arg3[%add3A_30, %dma_start3A_55] : memref<1250x256xi32, #tpu.memory_space<hbm>> -> memref<1x256xi32, #tpu.memory_space<hbm>>
    %dma_start3A_57 = tpu.memref_squeeze %dma_start3A_56 : memref<1x256xi32, #tpu.memory_space<hbm>> -> memref<256xi32, #tpu.memory_space<hbm>>
    tpu.enqueue_dma source(%dma_start3A_57 : memref<256xi32, #tpu.memory_space<hbm>>) target(%dma_start3A_54 : memref<256xi32, #tpu.memory_space<vmem>>) target_semaphore(%arg15 : memref<!tpu.dma_semaphore, #tpu.memory_space<semaphore_mem>>)
    "tpu.region"() ({
      %run_scoped3A = tpu.sem_alloc : memref<!tpu.dma_semaphore, #tpu.memory_space<semaphore_mem>>
      tpu.enqueue_dma source(%arg4 : memref<1272xi32, #tpu.memory_space<hbm>>) target(%arg12 : memref<1272xi32, #tpu.memory_space<vmem>>) target_semaphore(%run_scoped3A : memref<!tpu.dma_semaphore, #tpu.memory_space<semaphore_mem>>)
      tpu.wait_dma2 semaphore(%run_scoped3A : memref<!tpu.dma_semaphore, #tpu.memory_space<semaphore_mem>>) src(%arg4 : memref<1272xi32, #tpu.memory_space<hbm>>) dst(%arg12 : memref<1272xi32, #tpu.memory_space<vmem>>)
      tpu.yield
    }) : () -> ()
    %mul3A_58 = arith.constant 2 : i32
    %mul3A_59 = arith.muli %mul3A_58, %add3A : i32
    %scan3A = arith.constant 0 : i32
    %scan3A_60 = arith.constant 1250 : i32
    %scan3A_61 = arith.constant 0 : i32
    %scan3A_62 = arith.constant 12 : i32
    %scan3A_63 = arith.addi %scan3A_61, %scan3A_62 : i32
    %scan3A_64 = arith.constant 1 : i32
    %scan3A_65:2 = scf.for %scan3A_157 = %scan3A_61 to %scan3A_63 step %scan3A_64 iter_args(%scan3A_158 = %scan3A, %scan3A_159 = %scan3A_60) -> (i32, i32)  : i32 {
      %add3A_160 = arith.addi %scan3A_158, %scan3A_159 : i32
      %jit3A_161 = arith.constant 2 : i32
      %div3A = arith.divsi %add3A_160, %jit3A_161 : i32
      %sign3A = arith.constant 0 : i32
      %sign3A_162 = arith.cmpi sgt, %add3A_160, %sign3A : i32
      %sign3A_163 = arith.extui %sign3A_162 : i1 to i32
      %sign3A_164 = arith.constant 0 : i32
      %sign3A_165 = arith.cmpi slt, %add3A_160, %sign3A_164 : i32
      %sign3A_166 = arith.extui %sign3A_165 : i1 to i32
      %sign3A_167 = arith.subi %sign3A_163, %sign3A_166 : i32
      %sign3A_168 = arith.constant 0 : i32
      %sign3A_169 = arith.cmpi sgt, %jit3A_161, %sign3A_168 : i32
      %sign3A_170 = arith.extui %sign3A_169 : i1 to i32
      %sign3A_171 = arith.constant 0 : i32
      %sign3A_172 = arith.cmpi slt, %jit3A_161, %sign3A_171 : i32
      %sign3A_173 = arith.extui %sign3A_172 : i1 to i32
      %sign3A_174 = arith.subi %sign3A_170, %sign3A_173 : i32
      %ne3A = arith.cmpi ne, %sign3A_167, %sign3A_174 : i32
      %rem3A = arith.remsi %add3A_160, %jit3A_161 : i32
      %ne3A_175 = arith.constant 0 : i32
      %ne3A_176 = arith.cmpi ne, %rem3A, %ne3A_175 : i32
      %and3A = arith.andi %ne3A, %ne3A_176 : i1
      %sub3A_177 = arith.constant 1 : i32
      %sub3A_178 = arith.subi %div3A, %sub3A_177 : i32
      %select_n3A_179 = arith.select %and3A, %sub3A_178, %div3A : i32
      %get3A = arith.index_cast %select_n3A_179 : i32 to index
      %get3A_180 = tpu.vector_load %arg12[%get3A] {strides = array<i32>} : memref<1272xi32, #tpu.memory_space<vmem>>, vector<16xi32>,
      %get3A_181 = vector.shape_cast %get3A_180 : vector<16xi32> to vector<16xi32>
      %slice3A = vector.extract_strided_slice %get3A_181 {offsets = [0], sizes = [1], strides = [1]} : vector<16xi32> to vector<1xi32>
      %squeeze3A = vector.extract %slice3A[0] : i32 from vector<1xi32>
      %lt3A = arith.cmpi slt, %squeeze3A, %mul3A_59 : i32
      %add3A_182 = arith.constant 1 : i32
      %add3A_183 = arith.addi %select_n3A_179, %add3A_182 : i32
      %select_n3A_184 = arith.select %lt3A, %add3A_183, %scan3A_158 : i32
      %select_n3A_185 = arith.select %lt3A, %scan3A_159, %select_n3A_179 : i32
      scf.yield %select_n3A_184, %select_n3A_185 : i32, i32
    }
    %scan3A_66 = arith.constant 12 : i32
    %sub3A = arith.constant 1 : i32
    %sub3A_67 = arith.subi %scan3A_65#1, %sub3A : i32
    %max3A = arith.constant 0 : i32
    %max3A_68 = arith.maxsi %sub3A_67, %max3A : i32
    "tpu.region"() ({
      %run_scoped3A = tpu.sem_alloc : memref<!tpu.dma_semaphore, #tpu.memory_space<semaphore_mem>>
      %dma_start3A_157 = arith.constant 0 : i32
      %dma_start3A_158 = tpu.memref_slice %arg11[%dma_start3A_157] : memref<272xi32, #tpu.memory_space<vmem>> -> memref<256xi32, #tpu.memory_space<vmem>>
      %dma_start3A_159 = arith.constant 0 : i32
      %dma_start3A_160 = tpu.memref_slice %arg3[%max3A_68, %dma_start3A_159] : memref<1250x256xi32, #tpu.memory_space<hbm>> -> memref<1x256xi32, #tpu.memory_space<hbm>>
      %dma_start3A_161 = tpu.memref_squeeze %dma_start3A_160 : memref<1x256xi32, #tpu.memory_space<hbm>> -> memref<256xi32, #tpu.memory_space<hbm>>
      %dma_start3A_162 = arith.constant 0 : i32
      %dma_start3A_163 = tpu.memref_slice %arg11[%dma_start3A_162] : memref<272xi32, #tpu.memory_space<vmem>> -> memref<256xi32, #tpu.memory_space<vmem>>
      %dma_start3A_164 = arith.constant 0 : i32
      %dma_start3A_165 = tpu.memref_slice %arg3[%max3A_68, %dma_start3A_164] : memref<1250x256xi32, #tpu.memory_space<hbm>> -> memref<1x256xi32, #tpu.memory_space<hbm>>
      %dma_start3A_166 = tpu.memref_squeeze %dma_start3A_165 : memref<1x256xi32, #tpu.memory_space<hbm>> -> memref<256xi32, #tpu.memory_space<hbm>>
      tpu.enqueue_dma source(%dma_start3A_166 : memref<256xi32, #tpu.memory_space<hbm>>) target(%dma_start3A_163 : memref<256xi32, #tpu.memory_space<vmem>>) target_semaphore(%run_scoped3A : memref<!tpu.dma_semaphore, #tpu.memory_space<semaphore_mem>>)
      %dma_wait3A = arith.constant 0 : i32
      %dma_wait3A_167 = tpu.memref_slice %arg11[%dma_wait3A] : memref<272xi32, #tpu.memory_space<vmem>> -> memref<256xi32, #tpu.memory_space<vmem>>
      %dma_wait3A_168 = arith.constant 0 : i32
      %dma_wait3A_169 = tpu.memref_slice %arg3[%max3A_68, %dma_wait3A_168] : memref<1250x256xi32, #tpu.memory_space<hbm>> -> memref<1x256xi32, #tpu.memory_space<hbm>>
      %dma_wait3A_170 = tpu.memref_squeeze %dma_wait3A_169 : memref<1x256xi32, #tpu.memory_space<hbm>> -> memref<256xi32, #tpu.memory_space<hbm>>
      %dma_wait3A_171 = arith.constant 0 : i32
      %dma_wait3A_172 = tpu.memref_slice %arg11[%dma_wait3A_171] : memref<272xi32, #tpu.memory_space<vmem>> -> memref<256xi32, #tpu.memory_space<vmem>>
      %dma_wait3A_173 = arith.constant 0 : i32
      %dma_wait3A_174 = tpu.memref_slice %arg3[%max3A_68, %dma_wait3A_173] : memref<1250x256xi32, #tpu.memory_space<hbm>> -> memref<1x256xi32, #tpu.memory_space<hbm>>
      %dma_wait3A_175 = tpu.memref_squeeze %dma_wait3A_174 : memref<1x256xi32, #tpu.memory_space<hbm>> -> memref<256xi32, #tpu.memory_space<hbm>>
      tpu.wait_dma2 semaphore(%run_scoped3A : memref<!tpu.dma_semaphore, #tpu.memory_space<semaphore_mem>>) src(%dma_wait3A_175 : memref<256xi32, #tpu.memory_space<hbm>>) dst(%dma_wait3A_172 : memref<256xi32, #tpu.memory_space<vmem>>)
      tpu.yield
    }) : () -> ()
    %mul3A_69 = arith.constant 256 : i32
    %mul3A_70 = arith.muli %max3A_68, %mul3A_69 : i32
    %scan3A_71 = arith.constant 0 : i32
    %scan3A_72 = arith.constant 256 : i32
    %scan3A_73 = arith.constant 0 : i32
    %scan3A_74 = arith.constant 8 : i32
    %scan3A_75 = arith.addi %scan3A_73, %scan3A_74 : i32
    %scan3A_76 = arith.constant 1 : i32
    %scan3A_77:2 = scf.for %scan3A_157 = %scan3A_73 to %scan3A_75 step %scan3A_76 iter_args(%scan3A_158 = %scan3A_71, %scan3A_159 = %scan3A_72) -> (i32, i32)  : i32 {
      %add3A_160 = arith.addi %scan3A_158, %scan3A_159 : i32
      %jit3A_161 = arith.constant 2 : i32
      %div3A = arith.divsi %add3A_160, %jit3A_161 : i32
      %sign3A = arith.constant 0 : i32
      %sign3A_162 = arith.cmpi sgt, %add3A_160, %sign3A : i32
      %sign3A_163 = arith.extui %sign3A_162 : i1 to i32
      %sign3A_164 = arith.constant 0 : i32
      %sign3A_165 = arith.cmpi slt, %add3A_160, %sign3A_164 : i32
      %sign3A_166 = arith.extui %sign3A_165 : i1 to i32
      %sign3A_167 = arith.subi %sign3A_163, %sign3A_166 : i32
      %sign3A_168 = arith.constant 0 : i32
      %sign3A_169 = arith.cmpi sgt, %jit3A_161, %sign3A_168 : i32
      %sign3A_170 = arith.extui %sign3A_169 : i1 to i32
      %sign3A_171 = arith.constant 0 : i32
      %sign3A_172 = arith.cmpi slt, %jit3A_161, %sign3A_171 : i32
      %sign3A_173 = arith.extui %sign3A_172 : i1 to i32
      %sign3A_174 = arith.subi %sign3A_170, %sign3A_173 : i32
      %ne3A = arith.cmpi ne, %sign3A_167, %sign3A_174 : i32
      %rem3A = arith.remsi %add3A_160, %jit3A_161 : i32
      %ne3A_175 = arith.constant 0 : i32
      %ne3A_176 = arith.cmpi ne, %rem3A, %ne3A_175 : i32
      %and3A = arith.andi %ne3A, %ne3A_176 : i1
      %sub3A_177 = arith.constant 1 : i32
      %sub3A_178 = arith.subi %div3A, %sub3A_177 : i32
      %select_n3A_179 = arith.select %and3A, %sub3A_178, %div3A : i32
      %get3A = arith.index_cast %select_n3A_179 : i32 to index
      %get3A_180 = tpu.vector_load %arg11[%get3A] {strides = array<i32>} : memref<272xi32, #tpu.memory_space<vmem>>, vector<16xi32>,
      %get3A_181 = vector.shape_cast %get3A_180 : vector<16xi32> to vector<16xi32>
      %slice3A = vector.extract_strided_slice %get3A_181 {offsets = [0], sizes = [1], strides = [1]} : vector<16xi32> to vector<1xi32>
      %squeeze3A = vector.extract %slice3A[0] : i32 from vector<1xi32>
      %lt3A = arith.cmpi slt, %squeeze3A, %mul3A_59 : i32
      %add3A_182 = arith.constant 1 : i32
      %add3A_183 = arith.addi %select_n3A_179, %add3A_182 : i32
      %select_n3A_184 = arith.select %lt3A, %add3A_183, %scan3A_158 : i32
      %select_n3A_185 = arith.select %lt3A, %scan3A_159, %select_n3A_179 : i32
      scf.yield %select_n3A_184, %select_n3A_185 : i32, i32
    }
    %scan3A_78 = arith.constant 8 : i32
    %add3A_79 = arith.addi %mul3A_70, %scan3A_77#1 : i32
    %convert_element_type3A = arith.sitofp %add3A_79 : i32 to f32
    %add3A_80 = arith.constant 1 : i32
    %add3A_81 = arith.addi %mul3A_59, %add3A_80 : i32
    %scan3A_82 = arith.constant 0 : i32
    %scan3A_83 = arith.constant 1250 : i32
    %scan3A_84 = arith.constant 0 : i32
    %scan3A_85 = arith.constant 12 : i32
    %scan3A_86 = arith.addi %scan3A_84, %scan3A_85 : i32
    %scan3A_87 = arith.constant 1 : i32
    %scan3A_88:2 = scf.for %scan3A_157 = %scan3A_84 to %scan3A_86 step %scan3A_87 iter_args(%scan3A_158 = %scan3A_82, %scan3A_159 = %scan3A_83) -> (i32, i32)  : i32 {
      %add3A_160 = arith.addi %scan3A_158, %scan3A_159 : i32
      %jit3A_161 = arith.constant 2 : i32
      %div3A = arith.divsi %add3A_160, %jit3A_161 : i32
      %sign3A = arith.constant 0 : i32
      %sign3A_162 = arith.cmpi sgt, %add3A_160, %sign3A : i32
      %sign3A_163 = arith.extui %sign3A_162 : i1 to i32
      %sign3A_164 = arith.constant 0 : i32
      %sign3A_165 = arith.cmpi slt, %add3A_160, %sign3A_164 : i32
      %sign3A_166 = arith.extui %sign3A_165 : i1 to i32
      %sign3A_167 = arith.subi %sign3A_163, %sign3A_166 : i32
      %sign3A_168 = arith.constant 0 : i32
      %sign3A_169 = arith.cmpi sgt, %jit3A_161, %sign3A_168 : i32
      %sign3A_170 = arith.extui %sign3A_169 : i1 to i32
      %sign3A_171 = arith.constant 0 : i32
      %sign3A_172 = arith.cmpi slt, %jit3A_161, %sign3A_171 : i32
      %sign3A_173 = arith.extui %sign3A_172 : i1 to i32
      %sign3A_174 = arith.subi %sign3A_170, %sign3A_173 : i32
      %ne3A = arith.cmpi ne, %sign3A_167, %sign3A_174 : i32
      %rem3A = arith.remsi %add3A_160, %jit3A_161 : i32
      %ne3A_175 = arith.constant 0 : i32
      %ne3A_176 = arith.cmpi ne, %rem3A, %ne3A_175 : i32
      %and3A = arith.andi %ne3A, %ne3A_176 : i1
      %sub3A_177 = arith.constant 1 : i32
      %sub3A_178 = arith.subi %div3A, %sub3A_177 : i32
      %select_n3A_179 = arith.select %and3A, %sub3A_178, %div3A : i32
      %get3A = arith.index_cast %select_n3A_179 : i32 to index
      %get3A_180 = tpu.vector_load %arg12[%get3A] {strides = array<i32>} : memref<1272xi32, #tpu.memory_space<vmem>>, vector<16xi32>,
      %get3A_181 = vector.shape_cast %get3A_180 : vector<16xi32> to vector<16xi32>
      %slice3A = vector.extract_strided_slice %get3A_181 {offsets = [0], sizes = [1], strides = [1]} : vector<16xi32> to vector<1xi32>
      %squeeze3A = vector.extract %slice3A[0] : i32 from vector<1xi32>
      %lt3A = arith.cmpi slt, %squeeze3A, %add3A_81 : i32
      %add3A_182 = arith.constant 1 : i32
      %add3A_183 = arith.addi %select_n3A_179, %add3A_182 : i32
      %select_n3A_184 = arith.select %lt3A, %add3A_183, %scan3A_158 : i32
      %select_n3A_185 = arith.select %lt3A, %scan3A_159, %select_n3A_179 : i32
      scf.yield %select_n3A_184, %select_n3A_185 : i32, i32
    }
    %scan3A_89 = arith.constant 12 : i32
    %sub3A_90 = arith.constant 1 : i32
    %sub3A_91 = arith.subi %scan3A_88#1, %sub3A_90 : i32
    %max3A_92 = arith.constant 0 : i32
    %max3A_93 = arith.maxsi %sub3A_91, %max3A_92 : i32
    "tpu.region"() ({
      %run_scoped3A = tpu.sem_alloc : memref<!tpu.dma_semaphore, #tpu.memory_space<semaphore_mem>>
      %dma_start3A_157 = arith.constant 0 : i32
      %dma_start3A_158 = tpu.memref_slice %arg11[%dma_start3A_157] : memref<272xi32, #tpu.memory_space<vmem>> -> memref<256xi32, #tpu.memory_space<vmem>>
      %dma_start3A_159 = arith.constant 0 : i32
      %dma_start3A_160 = tpu.memref_slice %arg3[%max3A_93, %dma_start3A_159] : memref<1250x256xi32, #tpu.memory_space<hbm>> -> memref<1x256xi32, #tpu.memory_space<hbm>>
      %dma_start3A_161 = tpu.memref_squeeze %dma_start3A_160 : memref<1x256xi32, #tpu.memory_space<hbm>> -> memref<256xi32, #tpu.memory_space<hbm>>
      %dma_start3A_162 = arith.constant 0 : i32
      %dma_start3A_163 = tpu.memref_slice %arg11[%dma_start3A_162] : memref<272xi32, #tpu.memory_space<vmem>> -> memref<256xi32, #tpu.memory_space<vmem>>
      %dma_start3A_164 = arith.constant 0 : i32
      %dma_start3A_165 = tpu.memref_slice %arg3[%max3A_93, %dma_start3A_164] : memref<1250x256xi32, #tpu.memory_space<hbm>> -> memref<1x256xi32, #tpu.memory_space<hbm>>
      %dma_start3A_166 = tpu.memref_squeeze %dma_start3A_165 : memref<1x256xi32, #tpu.memory_space<hbm>> -> memref<256xi32, #tpu.memory_space<hbm>>
      tpu.enqueue_dma source(%dma_start3A_166 : memref<256xi32, #tpu.memory_space<hbm>>) target(%dma_start3A_163 : memref<256xi32, #tpu.memory_space<vmem>>) target_semaphore(%run_scoped3A : memref<!tpu.dma_semaphore, #tpu.memory_space<semaphore_mem>>)
      %dma_wait3A = arith.constant 0 : i32
      %dma_wait3A_167 = tpu.memref_slice %arg11[%dma_wait3A] : memref<272xi32, #tpu.memory_space<vmem>> -> memref<256xi32, #tpu.memory_space<vmem>>
      %dma_wait3A_168 = arith.constant 0 : i32
      %dma_wait3A_169 = tpu.memref_slice %arg3[%max3A_93, %dma_wait3A_168] : memref<1250x256xi32, #tpu.memory_space<hbm>> -> memref<1x256xi32, #tpu.memory_space<hbm>>
      %dma_wait3A_170 = tpu.memref_squeeze %dma_wait3A_169 : memref<1x256xi32, #tpu.memory_space<hbm>> -> memref<256xi32, #tpu.memory_space<hbm>>
      %dma_wait3A_171 = arith.constant 0 : i32
      %dma_wait3A_172 = tpu.memref_slice %arg11[%dma_wait3A_171] : memref<272xi32, #tpu.memory_space<vmem>> -> memref<256xi32, #tpu.memory_space<vmem>>
      %dma_wait3A_173 = arith.constant 0 : i32
      %dma_wait3A_174 = tpu.memref_slice %arg3[%max3A_93, %dma_wait3A_173] : memref<1250x256xi32, #tpu.memory_space<hbm>> -> memref<1x256xi32, #tpu.memory_space<hbm>>
      %dma_wait3A_175 = tpu.memref_squeeze %dma_wait3A_174 : memref<1x256xi32, #tpu.memory_space<hbm>> -> memref<256xi32, #tpu.memory_space<hbm>>
      tpu.wait_dma2 semaphore(%run_scoped3A : memref<!tpu.dma_semaphore, #tpu.memory_space<semaphore_mem>>) src(%dma_wait3A_175 : memref<256xi32, #tpu.memory_space<hbm>>) dst(%dma_wait3A_172 : memref<256xi32, #tpu.memory_space<vmem>>)
      tpu.yield
    }) : () -> ()
    %mul3A_94 = arith.constant 256 : i32
    %mul3A_95 = arith.muli %max3A_93, %mul3A_94 : i32
    %scan3A_96 = arith.constant 0 : i32
    %scan3A_97 = arith.constant 256 : i32
    %scan3A_98 = arith.constant 0 : i32
    %scan3A_99 = arith.constant 8 : i32
    %scan3A_100 = arith.addi %scan3A_98, %scan3A_99 : i32
    %scan3A_101 = arith.constant 1 : i32
    %scan3A_102:2 = scf.for %scan3A_157 = %scan3A_98 to %scan3A_100 step %scan3A_101 iter_args(%scan3A_158 = %scan3A_96, %scan3A_159 = %scan3A_97) -> (i32, i32)  : i32 {
      %add3A_160 = arith.addi %scan3A_158, %scan3A_159 : i32
      %jit3A_161 = arith.constant 2 : i32
      %div3A = arith.divsi %add3A_160, %jit3A_161 : i32
      %sign3A = arith.constant 0 : i32
      %sign3A_162 = arith.cmpi sgt, %add3A_160, %sign3A : i32
      %sign3A_163 = arith.extui %sign3A_162 : i1 to i32
      %sign3A_164 = arith.constant 0 : i32
      %sign3A_165 = arith.cmpi slt, %add3A_160, %sign3A_164 : i32
      %sign3A_166 = arith.extui %sign3A_165 : i1 to i32
      %sign3A_167 = arith.subi %sign3A_163, %sign3A_166 : i32
      %sign3A_168 = arith.constant 0 : i32
      %sign3A_169 = arith.cmpi sgt, %jit3A_161, %sign3A_168 : i32
      %sign3A_170 = arith.extui %sign3A_169 : i1 to i32
      %sign3A_171 = arith.constant 0 : i32
      %sign3A_172 = arith.cmpi slt, %jit3A_161, %sign3A_171 : i32
      %sign3A_173 = arith.extui %sign3A_172 : i1 to i32
      %sign3A_174 = arith.subi %sign3A_170, %sign3A_173 : i32
      %ne3A = arith.cmpi ne, %sign3A_167, %sign3A_174 : i32
      %rem3A = arith.remsi %add3A_160, %jit3A_161 : i32
      %ne3A_175 = arith.constant 0 : i32
      %ne3A_176 = arith.cmpi ne, %rem3A, %ne3A_175 : i32
      %and3A = arith.andi %ne3A, %ne3A_176 : i1
      %sub3A_177 = arith.constant 1 : i32
      %sub3A_178 = arith.subi %div3A, %sub3A_177 : i32
      %select_n3A_179 = arith.select %and3A, %sub3A_178, %div3A : i32
      %get3A = arith.index_cast %select_n3A_179 : i32 to index
      %get3A_180 = tpu.vector_load %arg11[%get3A] {strides = array<i32>} : memref<272xi32, #tpu.memory_space<vmem>>, vector<16xi32>,
      %get3A_181 = vector.shape_cast %get3A_180 : vector<16xi32> to vector<16xi32>
      %slice3A = vector.extract_strided_slice %get3A_181 {offsets = [0], sizes = [1], strides = [1]} : vector<16xi32> to vector<1xi32>
      %squeeze3A = vector.extract %slice3A[0] : i32 from vector<1xi32>
      %lt3A = arith.cmpi slt, %squeeze3A, %add3A_81 : i32
      %add3A_182 = arith.constant 1 : i32
      %add3A_183 = arith.addi %select_n3A_179, %add3A_182 : i32
      %select_n3A_184 = arith.select %lt3A, %add3A_183, %scan3A_158 : i32
      %select_n3A_185 = arith.select %lt3A, %scan3A_159, %select_n3A_179 : i32
      scf.yield %select_n3A_184, %select_n3A_185 : i32, i32
    }
    %scan3A_103 = arith.constant 8 : i32
    %add3A_104 = arith.addi %mul3A_95, %scan3A_102#1 : i32
    %convert_element_type3A_105 = arith.sitofp %add3A_104 : i32 to f32
    %add3A_106 = arith.constant 2 : i32
    %add3A_107 = arith.addi %mul3A_59, %add3A_106 : i32
    %scan3A_108 = arith.constant 0 : i32
    %scan3A_109 = arith.constant 1250 : i32
    %scan3A_110 = arith.constant 0 : i32
    %scan3A_111 = arith.constant 12 : i32
    %scan3A_112 = arith.addi %scan3A_110, %scan3A_111 : i32
    %scan3A_113 = arith.constant 1 : i32
    %scan3A_114:2 = scf.for %scan3A_157 = %scan3A_110 to %scan3A_112 step %scan3A_113 iter_args(%scan3A_158 = %scan3A_108, %scan3A_159 = %scan3A_109) -> (i32, i32)  : i32 {
      %add3A_160 = arith.addi %scan3A_158, %scan3A_159 : i32
      %jit3A_161 = arith.constant 2 : i32
      %div3A = arith.divsi %add3A_160, %jit3A_161 : i32
      %sign3A = arith.constant 0 : i32
      %sign3A_162 = arith.cmpi sgt, %add3A_160, %sign3A : i32
      %sign3A_163 = arith.extui %sign3A_162 : i1 to i32
      %sign3A_164 = arith.constant 0 : i32
      %sign3A_165 = arith.cmpi slt, %add3A_160, %sign3A_164 : i32
      %sign3A_166 = arith.extui %sign3A_165 : i1 to i32
      %sign3A_167 = arith.subi %sign3A_163, %sign3A_166 : i32
      %sign3A_168 = arith.constant 0 : i32
      %sign3A_169 = arith.cmpi sgt, %jit3A_161, %sign3A_168 : i32
      %sign3A_170 = arith.extui %sign3A_169 : i1 to i32
      %sign3A_171 = arith.constant 0 : i32
      %sign3A_172 = arith.cmpi slt, %jit3A_161, %sign3A_171 : i32
      %sign3A_173 = arith.extui %sign3A_172 : i1 to i32
      %sign3A_174 = arith.subi %sign3A_170, %sign3A_173 : i32
      %ne3A = arith.cmpi ne, %sign3A_167, %sign3A_174 : i32
      %rem3A = arith.remsi %add3A_160, %jit3A_161 : i32
      %ne3A_175 = arith.constant 0 : i32
      %ne3A_176 = arith.cmpi ne, %rem3A, %ne3A_175 : i32
      %and3A = arith.andi %ne3A, %ne3A_176 : i1
      %sub3A_177 = arith.constant 1 : i32
      %sub3A_178 = arith.subi %div3A, %sub3A_177 : i32
      %select_n3A_179 = arith.select %and3A, %sub3A_178, %div3A : i32
      %get3A = arith.index_cast %select_n3A_179 : i32 to index
      %get3A_180 = tpu.vector_load %arg12[%get3A] {strides = array<i32>} : memref<1272xi32, #tpu.memory_space<vmem>>, vector<16xi32>,
      %get3A_181 = vector.shape_cast %get3A_180 : vector<16xi32> to vector<16xi32>
      %slice3A = vector.extract_strided_slice %get3A_181 {offsets = [0], sizes = [1], strides = [1]} : vector<16xi32> to vector<1xi32>
      %squeeze3A = vector.extract %slice3A[0] : i32 from vector<1xi32>
      %lt3A = arith.cmpi slt, %squeeze3A, %add3A_107 : i32
      %add3A_182 = arith.constant 1 : i32
      %add3A_183 = arith.addi %select_n3A_179, %add3A_182 : i32
      %select_n3A_184 = arith.select %lt3A, %add3A_183, %scan3A_158 : i32
      %select_n3A_185 = arith.select %lt3A, %scan3A_159, %select_n3A_179 : i32
      scf.yield %select_n3A_184, %select_n3A_185 : i32, i32
    }
    %scan3A_115 = arith.constant 12 : i32
    %sub3A_116 = arith.constant 1 : i32
    %sub3A_117 = arith.subi %scan3A_114#1, %sub3A_116 : i32
    %max3A_118 = arith.constant 0 : i32
    %max3A_119 = arith.maxsi %sub3A_117, %max3A_118 : i32
    "tpu.region"() ({
      %run_scoped3A = tpu.sem_alloc : memref<!tpu.dma_semaphore, #tpu.memory_space<semaphore_mem>>
      %dma_start3A_157 = arith.constant 0 : i32
      %dma_start3A_158 = tpu.memref_slice %arg11[%dma_start3A_157] : memref<272xi32, #tpu.memory_space<vmem>> -> memref<256xi32, #tpu.memory_space<vmem>>
      %dma_start3A_159 = arith.constant 0 : i32
      %dma_start3A_160 = tpu.memref_slice %arg3[%max3A_119, %dma_start3A_159] : memref<1250x256xi32, #tpu.memory_space<hbm>> -> memref<1x256xi32, #tpu.memory_space<hbm>>
      %dma_start3A_161 = tpu.memref_squeeze %dma_start3A_160 : memref<1x256xi32, #tpu.memory_space<hbm>> -> memref<256xi32, #tpu.memory_space<hbm>>
      %dma_start3A_162 = arith.constant 0 : i32
      %dma_start3A_163 = tpu.memref_slice %arg11[%dma_start3A_162] : memref<272xi32, #tpu.memory_space<vmem>> -> memref<256xi32, #tpu.memory_space<vmem>>
      %dma_start3A_164 = arith.constant 0 : i32
      %dma_start3A_165 = tpu.memref_slice %arg3[%max3A_119, %dma_start3A_164] : memref<1250x256xi32, #tpu.memory_space<hbm>> -> memref<1x256xi32, #tpu.memory_space<hbm>>
      %dma_start3A_166 = tpu.memref_squeeze %dma_start3A_165 : memref<1x256xi32, #tpu.memory_space<hbm>> -> memref<256xi32, #tpu.memory_space<hbm>>
      tpu.enqueue_dma source(%dma_start3A_166 : memref<256xi32, #tpu.memory_space<hbm>>) target(%dma_start3A_163 : memref<256xi32, #tpu.memory_space<vmem>>) target_semaphore(%run_scoped3A : memref<!tpu.dma_semaphore, #tpu.memory_space<semaphore_mem>>)
      %dma_wait3A = arith.constant 0 : i32
      %dma_wait3A_167 = tpu.memref_slice %arg11[%dma_wait3A] : memref<272xi32, #tpu.memory_space<vmem>> -> memref<256xi32, #tpu.memory_space<vmem>>
      %dma_wait3A_168 = arith.constant 0 : i32
      %dma_wait3A_169 = tpu.memref_slice %arg3[%max3A_119, %dma_wait3A_168] : memref<1250x256xi32, #tpu.memory_space<hbm>> -> memref<1x256xi32, #tpu.memory_space<hbm>>
      %dma_wait3A_170 = tpu.memref_squeeze %dma_wait3A_169 : memref<1x256xi32, #tpu.memory_space<hbm>> -> memref<256xi32, #tpu.memory_space<hbm>>
      %dma_wait3A_171 = arith.constant 0 : i32
      %dma_wait3A_172 = tpu.memref_slice %arg11[%dma_wait3A_171] : memref<272xi32, #tpu.memory_space<vmem>> -> memref<256xi32, #tpu.memory_space<vmem>>
      %dma_wait3A_173 = arith.constant 0 : i32
      %dma_wait3A_174 = tpu.memref_slice %arg3[%max3A_119, %dma_wait3A_173] : memref<1250x256xi32, #tpu.memory_space<hbm>> -> memref<1x256xi32, #tpu.memory_space<hbm>>
      %dma_wait3A_175 = tpu.memref_squeeze %dma_wait3A_174 : memref<1x256xi32, #tpu.memory_space<hbm>> -> memref<256xi32, #tpu.memory_space<hbm>>
      tpu.wait_dma2 semaphore(%run_scoped3A : memref<!tpu.dma_semaphore, #tpu.memory_space<semaphore_mem>>) src(%dma_wait3A_175 : memref<256xi32, #tpu.memory_space<hbm>>) dst(%dma_wait3A_172 : memref<256xi32, #tpu.memory_space<vmem>>)
      tpu.yield
    }) : () -> ()
    %mul3A_120 = arith.constant 256 : i32
    %mul3A_121 = arith.muli %max3A_119, %mul3A_120 : i32
    %scan3A_122 = arith.constant 0 : i32
    %scan3A_123 = arith.constant 256 : i32
    %scan3A_124 = arith.constant 0 : i32
    %scan3A_125 = arith.constant 8 : i32
    %scan3A_126 = arith.addi %scan3A_124, %scan3A_125 : i32
    %scan3A_127 = arith.constant 1 : i32
    %scan3A_128:2 = scf.for %scan3A_157 = %scan3A_124 to %scan3A_126 step %scan3A_127 iter_args(%scan3A_158 = %scan3A_122, %scan3A_159 = %scan3A_123) -> (i32, i32)  : i32 {
      %add3A_160 = arith.addi %scan3A_158, %scan3A_159 : i32
      %jit3A_161 = arith.constant 2 : i32
      %div3A = arith.divsi %add3A_160, %jit3A_161 : i32
      %sign3A = arith.constant 0 : i32
      %sign3A_162 = arith.cmpi sgt, %add3A_160, %sign3A : i32
      %sign3A_163 = arith.extui %sign3A_162 : i1 to i32
      %sign3A_164 = arith.constant 0 : i32
      %sign3A_165 = arith.cmpi slt, %add3A_160, %sign3A_164 : i32
      %sign3A_166 = arith.extui %sign3A_165 : i1 to i32
      %sign3A_167 = arith.subi %sign3A_163, %sign3A_166 : i32
      %sign3A_168 = arith.constant 0 : i32
      %sign3A_169 = arith.cmpi sgt, %jit3A_161, %sign3A_168 : i32
      %sign3A_170 = arith.extui %sign3A_169 : i1 to i32
      %sign3A_171 = arith.constant 0 : i32
      %sign3A_172 = arith.cmpi slt, %jit3A_161, %sign3A_171 : i32
      %sign3A_173 = arith.extui %sign3A_172 : i1 to i32
      %sign3A_174 = arith.subi %sign3A_170, %sign3A_173 : i32
      %ne3A = arith.cmpi ne, %sign3A_167, %sign3A_174 : i32
      %rem3A = arith.remsi %add3A_160, %jit3A_161 : i32
      %ne3A_175 = arith.constant 0 : i32
      %ne3A_176 = arith.cmpi ne, %rem3A, %ne3A_175 : i32
      %and3A = arith.andi %ne3A, %ne3A_176 : i1
      %sub3A_177 = arith.constant 1 : i32
      %sub3A_178 = arith.subi %div3A, %sub3A_177 : i32
      %select_n3A_179 = arith.select %and3A, %sub3A_178, %div3A : i32
      %get3A = arith.index_cast %select_n3A_179 : i32 to index
      %get3A_180 = tpu.vector_load %arg11[%get3A] {strides = array<i32>} : memref<272xi32, #tpu.memory_space<vmem>>, vector<16xi32>,
      %get3A_181 = vector.shape_cast %get3A_180 : vector<16xi32> to vector<16xi32>
      %slice3A = vector.extract_strided_slice %get3A_181 {offsets = [0], sizes = [1], strides = [1]} : vector<16xi32> to vector<1xi32>
      %squeeze3A = vector.extract %slice3A[0] : i32 from vector<1xi32>
      %lt3A = arith.cmpi slt, %squeeze3A, %add3A_107 : i32
      %add3A_182 = arith.constant 1 : i32
      %add3A_183 = arith.addi %select_n3A_179, %add3A_182 : i32
      %select_n3A_184 = arith.select %lt3A, %add3A_183, %scan3A_158 : i32
      %select_n3A_185 = arith.select %lt3A, %scan3A_159, %select_n3A_179 : i32
      scf.yield %select_n3A_184, %select_n3A_185 : i32, i32
    }
    %scan3A_129 = arith.constant 8 : i32
    %add3A_130 = arith.addi %mul3A_121, %scan3A_128#1 : i32
    %convert_element_type3A_131 = arith.sitofp %add3A_130 : i32 to f32
    %iota3A = tpu.iota {dimensions = array<i32: 0>} : vector<16xi32>
    %eq3A = arith.constant 0 : i32
    %eq3A_132 = vector.broadcast %eq3A : i32 to vector<16xi32>
    %eq3A_133 = arith.cmpi eq, %iota3A, %eq3A_132 : vector<16xi32>
    %sub3A_134 = arith.subf %convert_element_type3A_105, %convert_element_type3A : f32
    %eq3A_135 = arith.constant 1 : i32
    %eq3A_136 = vector.broadcast %eq3A_135 : i32 to vector<16xi32>
    %eq3A_137 = arith.cmpi eq, %iota3A, %eq3A_136 : vector<16xi32>
    %sub3A_138 = arith.subf %convert_element_type3A_131, %convert_element_type3A_105 : f32
    %jit3A = arith.constant 0.000000e+00 : f32
    %broadcast_in_dim3A = vector.broadcast %sub3A_138 : f32 to vector<16xf32>
    %broadcast_in_dim3A_139 = vector.broadcast %jit3A : f32 to vector<16xf32>
    %select_n3A = arith.select %eq3A_137, %broadcast_in_dim3A, %broadcast_in_dim3A_139 : vector<16xi1>, vector<16xf32>
    %broadcast_in_dim3A_140 = vector.broadcast %sub3A_134 : f32 to vector<16xf32>
    %select_n3A_141 = arith.select %eq3A_133, %broadcast_in_dim3A_140, %select_n3A : vector<16xi1>, vector<16xf32>
    %swap3A = arith.constant 0 : index
    %swap3A_142 = tpu.vector_load %arg13[%swap3A] {strides = array<i32>} : memref<16xf32, #tpu.memory_space<vmem>>, vector<16xf32>,
    %swap3A_143 = vector.shape_cast %swap3A_142 : vector<16xf32> to vector<16xf32>
    %swap3A_144 = vector.shape_cast %select_n3A_141 : vector<16xf32> to vector<16xf32>
    tpu.vector_store %arg13[%swap3A], %swap3A_144 {strides = array<i32>} : memref<16xf32, #tpu.memory_space<vmem>>, vector<16xf32>,
    "tpu.region"() ({
      %run_scoped3A = tpu.sem_alloc : memref<!tpu.dma_semaphore, #tpu.memory_space<semaphore_mem>>
      %dma_start3A_157 = arith.constant 0 : i32
      %dma_start3A_158 = tpu.memref_slice %arg6[%add3A, %dma_start3A_157] : memref<32x16xf32, #tpu.memory_space<hbm>> -> memref<1x16xf32, #tpu.memory_space<hbm>>
      %dma_start3A_159 = tpu.memref_squeeze %dma_start3A_158 : memref<1x16xf32, #tpu.memory_space<hbm>> -> memref<16xf32, #tpu.memory_space<hbm>>
      %dma_start3A_160 = arith.constant 0 : i32
      %dma_start3A_161 = tpu.memref_slice %arg6[%add3A, %dma_start3A_160] : memref<32x16xf32, #tpu.memory_space<hbm>> -> memref<1x16xf32, #tpu.memory_space<hbm>>
      %dma_start3A_162 = tpu.memref_squeeze %dma_start3A_161 : memref<1x16xf32, #tpu.memory_space<hbm>> -> memref<16xf32, #tpu.memory_space<hbm>>
      tpu.enqueue_dma source(%arg13 : memref<16xf32, #tpu.memory_space<vmem>>) target(%dma_start3A_162 : memref<16xf32, #tpu.memory_space<hbm>>) target_semaphore(%run_scoped3A : memref<!tpu.dma_semaphore, #tpu.memory_space<semaphore_mem>>)
      %dma_wait3A = arith.constant 0 : i32
      %dma_wait3A_163 = tpu.memref_slice %arg6[%add3A, %dma_wait3A] : memref<32x16xf32, #tpu.memory_space<hbm>> -> memref<1x16xf32, #tpu.memory_space<hbm>>
      %dma_wait3A_164 = tpu.memref_squeeze %dma_wait3A_163 : memref<1x16xf32, #tpu.memory_space<hbm>> -> memref<16xf32, #tpu.memory_space<hbm>>
      %dma_wait3A_165 = arith.constant 0 : i32
      %dma_wait3A_166 = tpu.memref_slice %arg6[%add3A, %dma_wait3A_165] : memref<32x16xf32, #tpu.memory_space<hbm>> -> memref<1x16xf32, #tpu.memory_space<hbm>>
      %dma_wait3A_167 = tpu.memref_squeeze %dma_wait3A_166 : memref<1x16xf32, #tpu.memory_space<hbm>> -> memref<16xf32, #tpu.memory_space<hbm>>
      tpu.wait_dma2 semaphore(%run_scoped3A : memref<!tpu.dma_semaphore, #tpu.memory_space<semaphore_mem>>) src(%arg13 : memref<16xf32, #tpu.memory_space<vmem>>) dst(%dma_wait3A_167 : memref<16xf32, #tpu.memory_space<hbm>>)
      tpu.yield
    }) : () -> ()
    %broadcast_in_dim3A_145 = arith.constant 0.000000e+00 : f32
    %broadcast_in_dim3A_146 = vector.broadcast %broadcast_in_dim3A_145 : f32 to vector<16xf32>
    %scan3A_147 = arith.constant 0 : i32
    %scan3A_148 = arith.constant 64 : i32
    %scan3A_149 = arith.addi %scan3A_147, %scan3A_148 : i32
    %scan3A_150 = arith.constant 1 : i32
    scf.for %scan3A_157 = %scan3A_147 to %scan3A_149 step %scan3A_150  : i32 {
      %mul3A_158 = arith.constant 1 : i32
      %mul3A_159 = arith.muli %scan3A_157, %mul3A_158 : i32
      %add3A_160 = arith.constant 0 : i32
      %add3A_161 = arith.addi %add3A_160, %mul3A_159 : i32
      %swap3A_162 = arith.index_cast %add3A_161 : i32 to index
      %swap3A_163 = arith.constant 0 : index
      %swap3A_164 = tpu.vector_load %arg14[%swap3A_162, %swap3A_163] {strides = array<i32>} : memref<64x128xf32, #tpu.memory_space<vmem>>, vector<1x16xf32>,
      %swap3A_165 = vector.shape_cast %swap3A_164 : vector<1x16xf32> to vector<16xf32>
      %swap3A_166 = vector.shape_cast %broadcast_in_dim3A_146 : vector<16xf32> to vector<1x16xf32>
      tpu.vector_store %arg14[%swap3A_162, %swap3A_163], %swap3A_166 {strides = array<i32>} : memref<64x128xf32, #tpu.memory_space<vmem>>, vector<1x16xf32>,
      %swap3A_167 = arith.index_cast %add3A_161 : i32 to index
      %swap3A_168 = arith.constant 16 : index
      %swap3A_169 = tpu.vector_load %arg14[%swap3A_167, %swap3A_168] {strides = array<i32>} : memref<64x128xf32, #tpu.memory_space<vmem>>, vector<1x16xf32>,
      %swap3A_170 = vector.shape_cast %swap3A_169 : vector<1x16xf32> to vector<16xf32>
      %swap3A_171 = vector.shape_cast %broadcast_in_dim3A_146 : vector<16xf32> to vector<1x16xf32>
      tpu.vector_store %arg14[%swap3A_167, %swap3A_168], %swap3A_171 {strides = array<i32>} : memref<64x128xf32, #tpu.memory_space<vmem>>, vector<1x16xf32>,
      %swap3A_172 = arith.index_cast %add3A_161 : i32 to index
      %swap3A_173 = arith.constant 32 : index
      %swap3A_174 = tpu.vector_load %arg14[%swap3A_172, %swap3A_173] {strides = array<i32>} : memref<64x128xf32, #tpu.memory_space<vmem>>, vector<1x16xf32>,
      %swap3A_175 = vector.shape_cast %swap3A_174 : vector<1x16xf32> to vector<16xf32>
      %swap3A_176 = vector.shape_cast %broadcast_in_dim3A_146 : vector<16xf32> to vector<1x16xf32>
      tpu.vector_store %arg14[%swap3A_172, %swap3A_173], %swap3A_176 {strides = array<i32>} : memref<64x128xf32, #tpu.memory_space<vmem>>, vector<1x16xf32>,
      %swap3A_177 = arith.index_cast %add3A_161 : i32 to index
      %swap3A_178 = arith.constant 48 : index
      %swap3A_179 = tpu.vector_load %arg14[%swap3A_177, %swap3A_178] {strides = array<i32>} : memref<64x128xf32, #tpu.memory_space<vmem>>, vector<1x16xf32>,
      %swap3A_180 = vector.shape_cast %swap3A_179 : vector<1x16xf32> to vector<16xf32>
      %swap3A_181 = vector.shape_cast %broadcast_in_dim3A_146 : vector<16xf32> to vector<1x16xf32>
      tpu.vector_store %arg14[%swap3A_177, %swap3A_178], %swap3A_181 {strides = array<i32>} : memref<64x128xf32, #tpu.memory_space<vmem>>, vector<1x16xf32>,
      %swap3A_182 = arith.index_cast %add3A_161 : i32 to index
      %swap3A_183 = arith.constant 64 : index
      %swap3A_184 = tpu.vector_load %arg14[%swap3A_182, %swap3A_183] {strides = array<i32>} : memref<64x128xf32, #tpu.memory_space<vmem>>, vector<1x16xf32>,
      %swap3A_185 = vector.shape_cast %swap3A_184 : vector<1x16xf32> to vector<16xf32>
      %swap3A_186 = vector.shape_cast %broadcast_in_dim3A_146 : vector<16xf32> to vector<1x16xf32>
      tpu.vector_store %arg14[%swap3A_182, %swap3A_183], %swap3A_186 {strides = array<i32>} : memref<64x128xf32, #tpu.memory_space<vmem>>, vector<1x16xf32>,
      %swap3A_187 = arith.index_cast %add3A_161 : i32 to index
      %swap3A_188 = arith.constant 80 : index
      %swap3A_189 = tpu.vector_load %arg14[%swap3A_187, %swap3A_188] {strides = array<i32>} : memref<64x128xf32, #tpu.memory_space<vmem>>, vector<1x16xf32>,
      %swap3A_190 = vector.shape_cast %swap3A_189 : vector<1x16xf32> to vector<16xf32>
      %swap3A_191 = vector.shape_cast %broadcast_in_dim3A_146 : vector<16xf32> to vector<1x16xf32>
      tpu.vector_store %arg14[%swap3A_187, %swap3A_188], %swap3A_191 {strides = array<i32>} : memref<64x128xf32, #tpu.memory_space<vmem>>, vector<1x16xf32>,
      %swap3A_192 = arith.index_cast %add3A_161 : i32 to index
      %swap3A_193 = arith.constant 96 : index
      %swap3A_194 = tpu.vector_load %arg14[%swap3A_192, %swap3A_193] {strides = array<i32>} : memref<64x128xf32, #tpu.memory_space<vmem>>, vector<1x16xf32>,
      %swap3A_195 = vector.shape_cast %swap3A_194 : vector<1x16xf32> to vector<16xf32>
      %swap3A_196 = vector.shape_cast %broadcast_in_dim3A_146 : vector<16xf32> to vector<1x16xf32>
      tpu.vector_store %arg14[%swap3A_192, %swap3A_193], %swap3A_196 {strides = array<i32>} : memref<64x128xf32, #tpu.memory_space<vmem>>, vector<1x16xf32>,
      %swap3A_197 = arith.index_cast %add3A_161 : i32 to index
      %swap3A_198 = arith.constant 112 : index
      %swap3A_199 = tpu.vector_load %arg14[%swap3A_197, %swap3A_198] {strides = array<i32>} : memref<64x128xf32, #tpu.memory_space<vmem>>, vector<1x16xf32>,
      %swap3A_200 = vector.shape_cast %swap3A_199 : vector<1x16xf32> to vector<16xf32>
      %swap3A_201 = vector.shape_cast %broadcast_in_dim3A_146 : vector<16xf32> to vector<1x16xf32>
      tpu.vector_store %arg14[%swap3A_197, %swap3A_198], %swap3A_201 {strides = array<i32>} : memref<64x128xf32, #tpu.memory_space<vmem>>, vector<1x16xf32>,
    }
    %scan3A_151 = arith.constant 64 : i32
    %scan3A_152 = arith.constant 0 : i32
    %scan3A_153 = arith.constant 14 : i32
    %scan3A_154 = arith.addi %scan3A_152, %scan3A_153 : i32
    %scan3A_155 = arith.constant 1 : i32
    scf.for %scan3A_157 = %scan3A_152 to %scan3A_154 step %scan3A_155  : i32 {
      %mul3A_158 = arith.constant 3 : i32
      %mul3A_159 = arith.muli %scan3A_157, %mul3A_158 : i32
      %add3A_160 = arith.constant 0 : i32
      %add3A_161 = arith.addi %add3A_160, %mul3A_159 : i32
      %add3A_162 = arith.constant 0 : i32
      %add3A_163 = arith.addi %add3A_161, %add3A_162 : i32
      %mul3A_164 = arith.constant 32 : i32
      %mul3A_165 = arith.muli %add3A_163, %mul3A_164 : i32
      %add3A_166 = arith.addi %mul3A_165, %add3A : i32
      %lt3A = arith.constant 1250 : i32
      %lt3A_167 = arith.cmpi slt, %add3A_166, %lt3A : i32
      %convert_element_type3A_168 = arith.extui %lt3A_167 : i1 to i32
      %cond3A = arith.constant 0 : i32
      %cond3A_169 = arith.cmpi ne, %convert_element_type3A_168, %cond3A : i32
      scf.if %cond3A_169 {
        %add3A_190 = arith.constant 64 : i32
        %add3A_191 = arith.addi %add3A_166, %add3A_190 : i32
        %lt3A_192 = arith.constant 1250 : i32
        %lt3A_193 = arith.cmpi slt, %add3A_191, %lt3A_192 : i32
        %convert_element_type3A_194 = arith.extui %lt3A_193 : i1 to i32
        %cond3A_195 = arith.constant 0 : i32
        %cond3A_196 = arith.cmpi ne, %convert_element_type3A_194, %cond3A_195 : i32
        scf.if %cond3A_196 {
          %add3A_255 = arith.constant 64 : i32
          %add3A_256 = arith.addi %add3A_166, %add3A_255 : i32
          %dma_start3A_257 = arith.constant 2 : i32
          %dma_start3A_258 = arith.constant 0 : i32
          %dma_start3A_259 = arith.constant 0 : i32
          %dma_start3A_260 = tpu.memref_slice %arg7[%dma_start3A_257, %dma_start3A_258, %dma_start3A_259] : memref<3x256x128xf32, #tpu.memory_space<vmem>> -> memref<1x256x128xf32, #tpu.memory_space<vmem>>
          %dma_start3A_261 = tpu.memref_squeeze %dma_start3A_260 : memref<1x256x128xf32, #tpu.memory_space<vmem>> -> memref<256x128xf32, #tpu.memory_space<vmem>>
          %dma_start3A_262 = arith.constant 0 : i32
          %dma_start3A_263 = arith.constant 0 : i32
          %dma_start3A_264 = tpu.memref_slice %arg2[%add3A_256, %dma_start3A_262, %dma_start3A_263] : memref<1250x256x128xf32, #tpu.memory_space<hbm>> -> memref<1x256x128xf32, #tpu.memory_space<hbm>>
          %dma_start3A_265 = tpu.memref_squeeze %dma_start3A_264 : memref<1x256x128xf32, #tpu.memory_space<hbm>> -> memref<256x128xf32, #tpu.memory_space<hbm>>
          %dma_start3A_266 = arith.constant 0 : i32
          %dma_start3A_267 = arith.constant 0 : i32
          %dma_start3A_268 = tpu.memref_slice %arg7[%dma_start3A_257, %dma_start3A_266, %dma_start3A_267] : memref<3x256x128xf32, #tpu.memory_space<vmem>> -> memref<1x256x128xf32, #tpu.memory_space<vmem>>
          %dma_start3A_269 = tpu.memref_squeeze %dma_start3A_268 : memref<1x256x128xf32, #tpu.memory_space<vmem>> -> memref<256x128xf32, #tpu.memory_space<vmem>>
          %dma_start3A_270 = arith.constant 0 : i32
          %dma_start3A_271 = arith.constant 0 : i32
          %dma_start3A_272 = tpu.memref_slice %arg2[%add3A_256, %dma_start3A_270, %dma_start3A_271] : memref<1250x256x128xf32, #tpu.memory_space<hbm>> -> memref<1x256x128xf32, #tpu.memory_space<hbm>>
          %dma_start3A_273 = tpu.memref_squeeze %dma_start3A_272 : memref<1x256x128xf32, #tpu.memory_space<hbm>> -> memref<256x128xf32, #tpu.memory_space<hbm>>
          tpu.enqueue_dma source(%dma_start3A_273 : memref<256x128xf32, #tpu.memory_space<hbm>>) target(%dma_start3A_269 : memref<256x128xf32, #tpu.memory_space<vmem>>) target_semaphore(%arg15 : memref<!tpu.dma_semaphore, #tpu.memory_space<semaphore_mem>>)
          %dma_start3A_274 = arith.constant 0 : i32
          %dma_start3A_275 = tpu.memref_slice %arg10[%dma_start3A_274] : memref<272xi32, #tpu.memory_space<vmem>> -> memref<256xi32, #tpu.memory_space<vmem>>
          %dma_start3A_276 = arith.constant 0 : i32
          %dma_start3A_277 = tpu.memref_slice %arg3[%add3A_256, %dma_start3A_276] : memref<1250x256xi32, #tpu.memory_space<hbm>> -> memref<1x256xi32, #tpu.memory_space<hbm>>
          %dma_start3A_278 = tpu.memref_squeeze %dma_start3A_277 : memref<1x256xi32, #tpu.memory_space<hbm>> -> memref<256xi32, #tpu.memory_space<hbm>>
          %dma_start3A_279 = arith.constant 0 : i32
          %dma_start3A_280 = tpu.memref_slice %arg10[%dma_start3A_279] : memref<272xi32, #tpu.memory_space<vmem>> -> memref<256xi32, #tpu.memory_space<vmem>>
          %dma_start3A_281 = arith.constant 0 : i32
          %dma_start3A_282 = tpu.memref_slice %arg3[%add3A_256, %dma_start3A_281] : memref<1250x256xi32, #tpu.memory_space<hbm>> -> memref<1x256xi32, #tpu.memory_space<hbm>>
          %dma_start3A_283 = tpu.memref_squeeze %dma_start3A_282 : memref<1x256xi32, #tpu.memory_space<hbm>> -> memref<256xi32, #tpu.memory_space<hbm>>
          tpu.enqueue_dma source(%dma_start3A_283 : memref<256xi32, #tpu.memory_space<hbm>>) target(%dma_start3A_280 : memref<256xi32, #tpu.memory_space<vmem>>) target_semaphore(%arg15 : memref<!tpu.dma_semaphore, #tpu.memory_space<semaphore_mem>>)
        } else {
        }
        %dma_wait3A = arith.constant 0 : i32
        %dma_wait3A_197 = arith.constant 0 : i32
        %dma_wait3A_198 = arith.constant 0 : i32
        %dma_wait3A_199 = arith.constant 0 : i32
        %dma_wait3A_200 = tpu.memref_slice %arg7[%dma_wait3A_197, %dma_wait3A_198, %dma_wait3A_199] : memref<3x256x128xf32, #tpu.memory_space<vmem>> -> memref<1x256x128xf32, #tpu.memory_space<vmem>>
        %dma_wait3A_201 = tpu.memref_squeeze %dma_wait3A_200 : memref<1x256x128xf32, #tpu.memory_space<vmem>> -> memref<256x128xf32, #tpu.memory_space<vmem>>
        %dma_wait3A_202 = arith.constant 0 : i32
        %dma_wait3A_203 = arith.constant 0 : i32
        %dma_wait3A_204 = tpu.memref_slice %arg2[%dma_wait3A, %dma_wait3A_202, %dma_wait3A_203] : memref<1250x256x128xf32, #tpu.memory_space<hbm>> -> memref<1x256x128xf32, #tpu.memory_space<hbm>>
        %dma_wait3A_205 = tpu.memref_squeeze %dma_wait3A_204 : memref<1x256x128xf32, #tpu.memory_space<hbm>> -> memref<256x128xf32, #tpu.memory_space<hbm>>
        %dma_wait3A_206 = arith.constant 0 : i32
        %dma_wait3A_207 = arith.constant 0 : i32
        %dma_wait3A_208 = tpu.memref_slice %arg7[%dma_wait3A_197, %dma_wait3A_206, %dma_wait3A_207] : memref<3x256x128xf32, #tpu.memory_space<vmem>> -> memref<1x256x128xf32, #tpu.memory_space<vmem>>
        %dma_wait3A_209 = tpu.memref_squeeze %dma_wait3A_208 : memref<1x256x128xf32, #tpu.memory_space<vmem>> -> memref<256x128xf32, #tpu.memory_space<vmem>>
        %dma_wait3A_210 = arith.constant 0 : i32
        %dma_wait3A_211 = arith.constant 0 : i32
        %dma_wait3A_212 = tpu.memref_slice %arg2[%dma_wait3A, %dma_wait3A_210, %dma_wait3A_211] : memref<1250x256x128xf32, #tpu.memory_space<hbm>> -> memref<1x256x128xf32, #tpu.memory_space<hbm>>
        %dma_wait3A_213 = tpu.memref_squeeze %dma_wait3A_212 : memref<1x256x128xf32, #tpu.memory_space<hbm>> -> memref<256x128xf32, #tpu.memory_space<hbm>>
        tpu.wait_dma2 semaphore(%arg15 : memref<!tpu.dma_semaphore, #tpu.memory_space<semaphore_mem>>) src(%dma_wait3A_213 : memref<256x128xf32, #tpu.memory_space<hbm>>) dst(%dma_wait3A_209 : memref<256x128xf32, #tpu.memory_space<vmem>>)
        %dma_wait3A_214 = arith.constant 0 : i32
        %dma_wait3A_215 = arith.constant 0 : i32
        %dma_wait3A_216 = tpu.memref_slice %arg8[%dma_wait3A_215] : memref<272xi32, #tpu.memory_space<vmem>> -> memref<256xi32, #tpu.memory_space<vmem>>
        %dma_wait3A_217 = arith.constant 0 : i32
        %dma_wait3A_218 = tpu.memref_slice %arg3[%dma_wait3A_214, %dma_wait3A_217] : memref<1250x256xi32, #tpu.memory_space<hbm>> -> memref<1x256xi32, #tpu.memory_space<hbm>>
        %dma_wait3A_219 = tpu.memref_squeeze %dma_wait3A_218 : memref<1x256xi32, #tpu.memory_space<hbm>> -> memref<256xi32, #tpu.memory_space<hbm>>
        %dma_wait3A_220 = arith.constant 0 : i32
        %dma_wait3A_221 = tpu.memref_slice %arg8[%dma_wait3A_220] : memref<272xi32, #tpu.memory_space<vmem>> -> memref<256xi32, #tpu.memory_space<vmem>>
        %dma_wait3A_222 = arith.constant 0 : i32
        %dma_wait3A_223 = tpu.memref_slice %arg3[%dma_wait3A_214, %dma_wait3A_222] : memref<1250x256xi32, #tpu.memory_space<hbm>> -> memref<1x256xi32, #tpu.memory_space<hbm>>
        %dma_wait3A_224 = tpu.memref_squeeze %dma_wait3A_223 : memref<1x256xi32, #tpu.memory_space<hbm>> -> memref<256xi32, #tpu.memory_space<hbm>>
        tpu.wait_dma2 semaphore(%arg15 : memref<!tpu.dma_semaphore, #tpu.memory_space<semaphore_mem>>) src(%dma_wait3A_224 : memref<256xi32, #tpu.memory_space<hbm>>) dst(%dma_wait3A_221 : memref<256xi32, #tpu.memory_space<vmem>>)
        %get3A = arith.constant 0 : index
        %get3A_225 = tpu.vector_load %arg8[%get3A] {strides = array<i32>} : memref<272xi32, #tpu.memory_space<vmem>>, vector<16xi32>,
        %get3A_226 = vector.shape_cast %get3A_225 : vector<16xi32> to vector<16xi32>
        %slice3A = vector.extract_strided_slice %get3A_226 {offsets = [0], sizes = [1], strides = [1]} : vector<16xi32> to vector<1xi32>
        %squeeze3A = vector.extract %slice3A[0] : i32 from vector<1xi32>
        %get3A_227 = arith.constant 255 : index
        %get3A_228 = tpu.vector_load %arg8[%get3A_227] {strides = array<i32>} : memref<272xi32, #tpu.memory_space<vmem>>, vector<16xi32>,
        %get3A_229 = vector.shape_cast %get3A_228 : vector<16xi32> to vector<16xi32>
        %slice3A_230 = vector.extract_strided_slice %get3A_229 {offsets = [0], sizes = [1], strides = [1]} : vector<16xi32> to vector<1xi32>
        %squeeze3A_231 = vector.extract %slice3A_230[0] : i32 from vector<1xi32>
        %broadcast_in_dim3A_232 = arith.constant 0.000000e+00 : f32
        %broadcast_in_dim3A_233 = vector.broadcast %broadcast_in_dim3A_232 : f32 to vector<16xf32>
        %broadcast_in_dim3A_234 = arith.constant 0.000000e+00 : f32
        %broadcast_in_dim3A_235 = vector.broadcast %broadcast_in_dim3A_234 : f32 to vector<16xf32>
        %broadcast_in_dim3A_236 = arith.constant 0.000000e+00 : f32
        %broadcast_in_dim3A_237 = vector.broadcast %broadcast_in_dim3A_236 : f32 to vector<16xf32>
        %broadcast_in_dim3A_238 = arith.constant 0.000000e+00 : f32
        %broadcast_in_dim3A_239 = vector.broadcast %broadcast_in_dim3A_238 : f32 to vector<16xf32>
        %broadcast_in_dim3A_240 = arith.constant 0.000000e+00 : f32
        %broadcast_in_dim3A_241 = vector.broadcast %broadcast_in_dim3A_240 : f32 to vector<16xf32>
        %broadcast_in_dim3A_242 = arith.constant 0.000000e+00 : f32
        %broadcast_in_dim3A_243 = vector.broadcast %broadcast_in_dim3A_242 : f32 to vector<16xf32>
        %broadcast_in_dim3A_244 = arith.constant 0.000000e+00 : f32
        %broadcast_in_dim3A_245 = vector.broadcast %broadcast_in_dim3A_244 : f32 to vector<16xf32>
        %broadcast_in_dim3A_246 = arith.constant 0.000000e+00 : f32
        %broadcast_in_dim3A_247 = vector.broadcast %broadcast_in_dim3A_246 : f32 to vector<16xf32>
        %eq3A_248 = arith.cmpi eq, %squeeze3A, %squeeze3A_231 : i32
        %convert_element_type3A_249 = arith.extui %eq3A_248 : i1 to i32
        %cond3A_250 = arith.constant 0 : i32
        %cond3A_251 = arith.cmpi ne, %convert_element_type3A_249, %cond3A_250 : i32
        scf.if %cond3A_251 {
          %scan3A_255 = arith.constant 0 : i32
          %scan3A_256 = arith.constant 32 : i32
          %scan3A_257 = arith.addi %scan3A_255, %scan3A_256 : i32
          %scan3A_258 = arith.constant 1 : i32
          %scan3A_259:8 = scf.for %scan3A_341 = %scan3A_255 to %scan3A_257 step %scan3A_258 iter_args(%scan3A_342 = %broadcast_in_dim3A_233, %scan3A_343 = %broadcast_in_dim3A_235, %scan3A_344 = %broadcast_in_dim3A_237, %scan3A_345 = %broadcast_in_dim3A_239, %scan3A_346 = %broadcast_in_dim3A_241, %scan3A_347 = %broadcast_in_dim3A_243, %scan3A_348 = %broadcast_in_dim3A_245, %scan3A_349 = %broadcast_in_dim3A_247) -> (vector<16xf32>, vector<16xf32>, vector<16xf32>, vector<16xf32>, vector<16xf32>, vector<16xf32>, vector<16xf32>, vector<16xf32>)  : i32 {
            %mul3A_350 = arith.constant 8 : i32
            %mul3A_351 = arith.muli %scan3A_341, %mul3A_350 : i32
            %add3A_352 = arith.constant 0 : i32
            %add3A_353 = arith.addi %mul3A_351, %add3A_352 : i32
            %get3A_354 = arith.constant 0 : i32
            %get3A_355 = arith.index_cast %get3A_354 : i32 to index
            %get3A_356 = arith.index_cast %add3A_353 : i32 to index
            %get3A_357 = arith.constant 0 : index
            %get3A_358 = tpu.vector_load %arg7[%get3A_355, %get3A_356, %get3A_357] {strides = array<i32>} : memref<3x256x128xf32, #tpu.memory_space<vmem>>, vector<1x1x16xf32>,
            %get3A_359 = vector.shape_cast %get3A_358 : vector<1x1x16xf32> to vector<16xf32>
            %add3A_360 = arith.addf %scan3A_342, %get3A_359 : vector<16xf32>
            %get3A_361 = arith.constant 0 : i32
            %get3A_362 = arith.index_cast %get3A_361 : i32 to index
            %get3A_363 = arith.index_cast %add3A_353 : i32 to index
            %get3A_364 = arith.constant 16 : index
            %get3A_365 = tpu.vector_load %arg7[%get3A_362, %get3A_363, %get3A_364] {strides = array<i32>} : memref<3x256x128xf32, #tpu.memory_space<vmem>>, vector<1x1x16xf32>,
            %get3A_366 = vector.shape_cast %get3A_365 : vector<1x1x16xf32> to vector<16xf32>
            %add3A_367 = arith.addf %scan3A_343, %get3A_366 : vector<16xf32>
            %get3A_368 = arith.constant 0 : i32
            %get3A_369 = arith.index_cast %get3A_368 : i32 to index
            %get3A_370 = arith.index_cast %add3A_353 : i32 to index
            %get3A_371 = arith.constant 32 : index
            %get3A_372 = tpu.vector_load %arg7[%get3A_369, %get3A_370, %get3A_371] {strides = array<i32>} : memref<3x256x128xf32, #tpu.memory_space<vmem>>, vector<1x1x16xf32>,
            %get3A_373 = vector.shape_cast %get3A_372 : vector<1x1x16xf32> to vector<16xf32>
            %add3A_374 = arith.addf %scan3A_344, %get3A_373 : vector<16xf32>
            %get3A_375 = arith.constant 0 : i32
            %get3A_376 = arith.index_cast %get3A_375 : i32 to index
            %get3A_377 = arith.index_cast %add3A_353 : i32 to index
            %get3A_378 = arith.constant 48 : index
            %get3A_379 = tpu.vector_load %arg7[%get3A_376, %get3A_377, %get3A_378] {strides = array<i32>} : memref<3x256x128xf32, #tpu.memory_space<vmem>>, vector<1x1x16xf32>,
            %get3A_380 = vector.shape_cast %get3A_379 : vector<1x1x16xf32> to vector<16xf32>
            %add3A_381 = arith.addf %scan3A_345, %get3A_380 : vector<16xf32>
            %get3A_382 = arith.constant 0 : i32
            %get3A_383 = arith.index_cast %get3A_382 : i32 to index
            %get3A_384 = arith.index_cast %add3A_353 : i32 to index
            %get3A_385 = arith.constant 64 : index
            %get3A_386 = tpu.vector_load %arg7[%get3A_383, %get3A_384, %get3A_385] {strides = array<i32>} : memref<3x256x128xf32, #tpu.memory_space<vmem>>, vector<1x1x16xf32>,
            %get3A_387 = vector.shape_cast %get3A_386 : vector<1x1x16xf32> to vector<16xf32>
            %add3A_388 = arith.addf %scan3A_346, %get3A_387 : vector<16xf32>
            %get3A_389 = arith.constant 0 : i32
            %get3A_390 = arith.index_cast %get3A_389 : i32 to index
            %get3A_391 = arith.index_cast %add3A_353 : i32 to index
            %get3A_392 = arith.constant 80 : index
            %get3A_393 = tpu.vector_load %arg7[%get3A_390, %get3A_391, %get3A_392] {strides = array<i32>} : memref<3x256x128xf32, #tpu.memory_space<vmem>>, vector<1x1x16xf32>,
            %get3A_394 = vector.shape_cast %get3A_393 : vector<1x1x16xf32> to vector<16xf32>
            %add3A_395 = arith.addf %scan3A_347, %get3A_394 : vector<16xf32>
            %get3A_396 = arith.constant 0 : i32
            %get3A_397 = arith.index_cast %get3A_396 : i32 to index
            %get3A_398 = arith.index_cast %add3A_353 : i32 to index
            %get3A_399 = arith.constant 96 : index
            %get3A_400 = tpu.vector_load %arg7[%get3A_397, %get3A_398, %get3A_399] {strides = array<i32>} : memref<3x256x128xf32, #tpu.memory_space<vmem>>, vector<1x1x16xf32>,
            %get3A_401 = vector.shape_cast %get3A_400 : vector<1x1x16xf32> to vector<16xf32>
            %add3A_402 = arith.addf %scan3A_348, %get3A_401 : vector<16xf32>
            %get3A_403 = arith.constant 0 : i32
            %get3A_404 = arith.index_cast %get3A_403 : i32 to index
            %get3A_405 = arith.index_cast %add3A_353 : i32 to index
            %get3A_406 = arith.constant 112 : index
            %get3A_407 = tpu.vector_load %arg7[%get3A_404, %get3A_405, %get3A_406] {strides = array<i32>} : memref<3x256x128xf32, #tpu.memory_space<vmem>>, vector<1x1x16xf32>,
            %get3A_408 = vector.shape_cast %get3A_407 : vector<1x1x16xf32> to vector<16xf32>
            %add3A_409 = arith.addf %scan3A_349, %get3A_408 : vector<16xf32>
            %mul3A_410 = arith.constant 8 : i32
            %mul3A_411 = arith.muli %scan3A_341, %mul3A_410 : i32
            %add3A_412 = arith.constant 1 : i32
            %add3A_413 = arith.addi %mul3A_411, %add3A_412 : i32
            %get3A_414 = arith.constant 0 : i32
            %get3A_415 = arith.index_cast %get3A_414 : i32 to index
            %get3A_416 = arith.index_cast %add3A_413 : i32 to index
            %get3A_417 = arith.constant 0 : index
            %get3A_418 = tpu.vector_load %arg7[%get3A_415, %get3A_416, %get3A_417] {strides = array<i32>} : memref<3x256x128xf32, #tpu.memory_space<vmem>>, vector<1x1x16xf32>,
            %get3A_419 = vector.shape_cast %get3A_418 : vector<1x1x16xf32> to vector<16xf32>
            %add3A_420 = arith.addf %add3A_360, %get3A_419 : vector<16xf32>
            %get3A_421 = arith.constant 0 : i32
            %get3A_422 = arith.index_cast %get3A_421 : i32 to index
            %get3A_423 = arith.index_cast %add3A_413 : i32 to index
            %get3A_424 = arith.constant 16 : index
            %get3A_425 = tpu.vector_load %arg7[%get3A_422, %get3A_423, %get3A_424] {strides = array<i32>} : memref<3x256x128xf32, #tpu.memory_space<vmem>>, vector<1x1x16xf32>,
            %get3A_426 = vector.shape_cast %get3A_425 : vector<1x1x16xf32> to vector<16xf32>
            %add3A_427 = arith.addf %add3A_367, %get3A_426 : vector<16xf32>
            %get3A_428 = arith.constant 0 : i32
            %get3A_429 = arith.index_cast %get3A_428 : i32 to index
            %get3A_430 = arith.index_cast %add3A_413 : i32 to index
            %get3A_431 = arith.constant 32 : index
            %get3A_432 = tpu.vector_load %arg7[%get3A_429, %get3A_430, %get3A_431] {strides = array<i32>} : memref<3x256x128xf32, #tpu.memory_space<vmem>>, vector<1x1x16xf32>,
            %get3A_433 = vector.shape_cast %get3A_432 : vector<1x1x16xf32> to vector<16xf32>
            %add3A_434 = arith.addf %add3A_374, %get3A_433 : vector<16xf32>
            %get3A_435 = arith.constant 0 : i32
            %get3A_436 = arith.index_cast %get3A_435 : i32 to index
            %get3A_437 = arith.index_cast %add3A_413 : i32 to index
            %get3A_438 = arith.constant 48 : index
            %get3A_439 = tpu.vector_load %arg7[%get3A_436, %get3A_437, %get3A_438] {strides = array<i32>} : memref<3x256x128xf32, #tpu.memory_space<vmem>>, vector<1x1x16xf32>,
            %get3A_440 = vector.shape_cast %get3A_439 : vector<1x1x16xf32> to vector<16xf32>
            %add3A_441 = arith.addf %add3A_381, %get3A_440 : vector<16xf32>
            %get3A_442 = arith.constant 0 : i32
            %get3A_443 = arith.index_cast %get3A_442 : i32 to index
            %get3A_444 = arith.index_cast %add3A_413 : i32 to index
            %get3A_445 = arith.constant 64 : index
            %get3A_446 = tpu.vector_load %arg7[%get3A_443, %get3A_444, %get3A_445] {strides = array<i32>} : memref<3x256x128xf32, #tpu.memory_space<vmem>>, vector<1x1x16xf32>,
            %get3A_447 = vector.shape_cast %get3A_446 : vector<1x1x16xf32> to vector<16xf32>
            %add3A_448 = arith.addf %add3A_388, %get3A_447 : vector<16xf32>
            %get3A_449 = arith.constant 0 : i32
            %get3A_450 = arith.index_cast %get3A_449 : i32 to index
            %get3A_451 = arith.index_cast %add3A_413 : i32 to index
            %get3A_452 = arith.constant 80 : index
            %get3A_453 = tpu.vector_load %arg7[%get3A_450, %get3A_451, %get3A_452] {strides = array<i32>} : memref<3x256x128xf32, #tpu.memory_space<vmem>>, vector<1x1x16xf32>,
            %get3A_454 = vector.shape_cast %get3A_453 : vector<1x1x16xf32> to vector<16xf32>
            %add3A_455 = arith.addf %add3A_395, %get3A_454 : vector<16xf32>
            %get3A_456 = arith.constant 0 : i32
            %get3A_457 = arith.index_cast %get3A_456 : i32 to index
            %get3A_458 = arith.index_cast %add3A_413 : i32 to index
            %get3A_459 = arith.constant 96 : index
            %get3A_460 = tpu.vector_load %arg7[%get3A_457, %get3A_458, %get3A_459] {strides = array<i32>} : memref<3x256x128xf32, #tpu.memory_space<vmem>>, vector<1x1x16xf32>,
            %get3A_461 = vector.shape_cast %get3A_460 : vector<1x1x16xf32> to vector<16xf32>
            %add3A_462 = arith.addf %add3A_402, %get3A_461 : vector<16xf32>
            %get3A_463 = arith.constant 0 : i32
            %get3A_464 = arith.index_cast %get3A_463 : i32 to index
            %get3A_465 = arith.index_cast %add3A_413 : i32 to index
            %get3A_466 = arith.constant 112 : index
            %get3A_467 = tpu.vector_load %arg7[%get3A_464, %get3A_465, %get3A_466] {strides = array<i32>} : memref<3x256x128xf32, #tpu.memory_space<vmem>>, vector<1x1x16xf32>,
            %get3A_468 = vector.shape_cast %get3A_467 : vector<1x1x16xf32> to vector<16xf32>
            %add3A_469 = arith.addf %add3A_409, %get3A_468 : vector<16xf32>
            %mul3A_470 = arith.constant 8 : i32
            %mul3A_471 = arith.muli %scan3A_341, %mul3A_470 : i32
            %add3A_472 = arith.constant 2 : i32
            %add3A_473 = arith.addi %mul3A_471, %add3A_472 : i32
            %get3A_474 = arith.constant 0 : i32
            %get3A_475 = arith.index_cast %get3A_474 : i32 to index
            %get3A_476 = arith.index_cast %add3A_473 : i32 to index
            %get3A_477 = arith.constant 0 : index
            %get3A_478 = tpu.vector_load %arg7[%get3A_475, %get3A_476, %get3A_477] {strides = array<i32>} : memref<3x256x128xf32, #tpu.memory_space<vmem>>, vector<1x1x16xf32>,
            %get3A_479 = vector.shape_cast %get3A_478 : vector<1x1x16xf32> to vector<16xf32>
            %add3A_480 = arith.addf %add3A_420, %get3A_479 : vector<16xf32>
            %get3A_481 = arith.constant 0 : i32
            %get3A_482 = arith.index_cast %get3A_481 : i32 to index
            %get3A_483 = arith.index_cast %add3A_473 : i32 to index
            %get3A_484 = arith.constant 16 : index
            %get3A_485 = tpu.vector_load %arg7[%get3A_482, %get3A_483, %get3A_484] {strides = array<i32>} : memref<3x256x128xf32, #tpu.memory_space<vmem>>, vector<1x1x16xf32>,
            %get3A_486 = vector.shape_cast %get3A_485 : vector<1x1x16xf32> to vector<16xf32>
            %add3A_487 = arith.addf %add3A_427, %get3A_486 : vector<16xf32>
            %get3A_488 = arith.constant 0 : i32
            %get3A_489 = arith.index_cast %get3A_488 : i32 to index
            %get3A_490 = arith.index_cast %add3A_473 : i32 to index
            %get3A_491 = arith.constant 32 : index
            %get3A_492 = tpu.vector_load %arg7[%get3A_489, %get3A_490, %get3A_491] {strides = array<i32>} : memref<3x256x128xf32, #tpu.memory_space<vmem>>, vector<1x1x16xf32>,
            %get3A_493 = vector.shape_cast %get3A_492 : vector<1x1x16xf32> to vector<16xf32>
            %add3A_494 = arith.addf %add3A_434, %get3A_493 : vector<16xf32>
            %get3A_495 = arith.constant 0 : i32
            %get3A_496 = arith.index_cast %get3A_495 : i32 to index
            %get3A_497 = arith.index_cast %add3A_473 : i32 to index
            %get3A_498 = arith.constant 48 : index
            %get3A_499 = tpu.vector_load %arg7[%get3A_496, %get3A_497, %get3A_498] {strides = array<i32>} : memref<3x256x128xf32, #tpu.memory_space<vmem>>, vector<1x1x16xf32>,
            %get3A_500 = vector.shape_cast %get3A_499 : vector<1x1x16xf32> to vector<16xf32>
            %add3A_501 = arith.addf %add3A_441, %get3A_500 : vector<16xf32>
            %get3A_502 = arith.constant 0 : i32
            %get3A_503 = arith.index_cast %get3A_502 : i32 to index
            %get3A_504 = arith.index_cast %add3A_473 : i32 to index
            %get3A_505 = arith.constant 64 : index
            %get3A_506 = tpu.vector_load %arg7[%get3A_503, %get3A_504, %get3A_505] {strides = array<i32>} : memref<3x256x128xf32, #tpu.memory_space<vmem>>, vector<1x1x16xf32>,
            %get3A_507 = vector.shape_cast %get3A_506 : vector<1x1x16xf32> to vector<16xf32>
            %add3A_508 = arith.addf %add3A_448, %get3A_507 : vector<16xf32>
            %get3A_509 = arith.constant 0 : i32
            %get3A_510 = arith.index_cast %get3A_509 : i32 to index
            %get3A_511 = arith.index_cast %add3A_473 : i32 to index
            %get3A_512 = arith.constant 80 : index
            %get3A_513 = tpu.vector_load %arg7[%get3A_510, %get3A_511, %get3A_512] {strides = array<i32>} : memref<3x256x128xf32, #tpu.memory_space<vmem>>, vector<1x1x16xf32>,
            %get3A_514 = vector.shape_cast %get3A_513 : vector<1x1x16xf32> to vector<16xf32>
            %add3A_515 = arith.addf %add3A_455, %get3A_514 : vector<16xf32>
            %get3A_516 = arith.constant 0 : i32
            %get3A_517 = arith.index_cast %get3A_516 : i32 to index
            %get3A_518 = arith.index_cast %add3A_473 : i32 to index
            %get3A_519 = arith.constant 96 : index
            %get3A_520 = tpu.vector_load %arg7[%get3A_517, %get3A_518, %get3A_519] {strides = array<i32>} : memref<3x256x128xf32, #tpu.memory_space<vmem>>, vector<1x1x16xf32>,
            %get3A_521 = vector.shape_cast %get3A_520 : vector<1x1x16xf32> to vector<16xf32>
            %add3A_522 = arith.addf %add3A_462, %get3A_521 : vector<16xf32>
            %get3A_523 = arith.constant 0 : i32
            %get3A_524 = arith.index_cast %get3A_523 : i32 to index
            %get3A_525 = arith.index_cast %add3A_473 : i32 to index
            %get3A_526 = arith.constant 112 : index
            %get3A_527 = tpu.vector_load %arg7[%get3A_524, %get3A_525, %get3A_526] {strides = array<i32>} : memref<3x256x128xf32, #tpu.memory_space<vmem>>, vector<1x1x16xf32>,
            %get3A_528 = vector.shape_cast %get3A_527 : vector<1x1x16xf32> to vector<16xf32>
            %add3A_529 = arith.addf %add3A_469, %get3A_528 : vector<16xf32>
            %mul3A_530 = arith.constant 8 : i32
            %mul3A_531 = arith.muli %scan3A_341, %mul3A_530 : i32
            %add3A_532 = arith.constant 3 : i32
            %add3A_533 = arith.addi %mul3A_531, %add3A_532 : i32
            %get3A_534 = arith.constant 0 : i32
            %get3A_535 = arith.index_cast %get3A_534 : i32 to index
            %get3A_536 = arith.index_cast %add3A_533 : i32 to index
            %get3A_537 = arith.constant 0 : index
            %get3A_538 = tpu.vector_load %arg7[%get3A_535, %get3A_536, %get3A_537] {strides = array<i32>} : memref<3x256x128xf32, #tpu.memory_space<vmem>>, vector<1x1x16xf32>,
            %get3A_539 = vector.shape_cast %get3A_538 : vector<1x1x16xf32> to vector<16xf32>
            %add3A_540 = arith.addf %add3A_480, %get3A_539 : vector<16xf32>
            %get3A_541 = arith.constant 0 : i32
            %get3A_542 = arith.index_cast %get3A_541 : i32 to index
            %get3A_543 = arith.index_cast %add3A_533 : i32 to index
            %get3A_544 = arith.constant 16 : index
            %get3A_545 = tpu.vector_load %arg7[%get3A_542, %get3A_543, %get3A_544] {strides = array<i32>} : memref<3x256x128xf32, #tpu.memory_space<vmem>>, vector<1x1x16xf32>,
            %get3A_546 = vector.shape_cast %get3A_545 : vector<1x1x16xf32> to vector<16xf32>
            %add3A_547 = arith.addf %add3A_487, %get3A_546 : vector<16xf32>
            %get3A_548 = arith.constant 0 : i32
            %get3A_549 = arith.index_cast %get3A_548 : i32 to index
            %get3A_550 = arith.index_cast %add3A_533 : i32 to index
            %get3A_551 = arith.constant 32 : index
            %get3A_552 = tpu.vector_load %arg7[%get3A_549, %get3A_550, %get3A_551] {strides = array<i32>} : memref<3x256x128xf32, #tpu.memory_space<vmem>>, vector<1x1x16xf32>,
            %get3A_553 = vector.shape_cast %get3A_552 : vector<1x1x16xf32> to vector<16xf32>
            %add3A_554 = arith.addf %add3A_494, %get3A_553 : vector<16xf32>
            %get3A_555 = arith.constant 0 : i32
            %get3A_556 = arith.index_cast %get3A_555 : i32 to index
            %get3A_557 = arith.index_cast %add3A_533 : i32 to index
            %get3A_558 = arith.constant 48 : index
            %get3A_559 = tpu.vector_load %arg7[%get3A_556, %get3A_557, %get3A_558] {strides = array<i32>} : memref<3x256x128xf32, #tpu.memory_space<vmem>>, vector<1x1x16xf32>,
            %get3A_560 = vector.shape_cast %get3A_559 : vector<1x1x16xf32> to vector<16xf32>
            %add3A_561 = arith.addf %add3A_501, %get3A_560 : vector<16xf32>
            %get3A_562 = arith.constant 0 : i32
            %get3A_563 = arith.index_cast %get3A_562 : i32 to index
            %get3A_564 = arith.index_cast %add3A_533 : i32 to index
            %get3A_565 = arith.constant 64 : index
            %get3A_566 = tpu.vector_load %arg7[%get3A_563, %get3A_564, %get3A_565] {strides = array<i32>} : memref<3x256x128xf32, #tpu.memory_space<vmem>>, vector<1x1x16xf32>,
            %get3A_567 = vector.shape_cast %get3A_566 : vector<1x1x16xf32> to vector<16xf32>
            %add3A_568 = arith.addf %add3A_508, %get3A_567 : vector<16xf32>
            %get3A_569 = arith.constant 0 : i32
            %get3A_570 = arith.index_cast %get3A_569 : i32 to index
            %get3A_571 = arith.index_cast %add3A_533 : i32 to index
            %get3A_572 = arith.constant 80 : index
            %get3A_573 = tpu.vector_load %arg7[%get3A_570, %get3A_571, %get3A_572] {strides = array<i32>} : memref<3x256x128xf32, #tpu.memory_space<vmem>>, vector<1x1x16xf32>,
            %get3A_574 = vector.shape_cast %get3A_573 : vector<1x1x16xf32> to vector<16xf32>
            %add3A_575 = arith.addf %add3A_515, %get3A_574 : vector<16xf32>
            %get3A_576 = arith.constant 0 : i32
            %get3A_577 = arith.index_cast %get3A_576 : i32 to index
            %get3A_578 = arith.index_cast %add3A_533 : i32 to index
            %get3A_579 = arith.constant 96 : index
            %get3A_580 = tpu.vector_load %arg7[%get3A_577, %get3A_578, %get3A_579] {strides = array<i32>} : memref<3x256x128xf32, #tpu.memory_space<vmem>>, vector<1x1x16xf32>,
            %get3A_581 = vector.shape_cast %get3A_580 : vector<1x1x16xf32> to vector<16xf32>
            %add3A_582 = arith.addf %add3A_522, %get3A_581 : vector<16xf32>
            %get3A_583 = arith.constant 0 : i32
            %get3A_584 = arith.index_cast %get3A_583 : i32 to index
            %get3A_585 = arith.index_cast %add3A_533 : i32 to index
            %get3A_586 = arith.constant 112 : index
            %get3A_587 = tpu.vector_load %arg7[%get3A_584, %get3A_585, %get3A_586] {strides = array<i32>} : memref<3x256x128xf32, #tpu.memory_space<vmem>>, vector<1x1x16xf32>,
            %get3A_588 = vector.shape_cast %get3A_587 : vector<1x1x16xf32> to vector<16xf32>
            %add3A_589 = arith.addf %add3A_529, %get3A_588 : vector<16xf32>
            %mul3A_590 = arith.constant 8 : i32
            %mul3A_591 = arith.muli %scan3A_341, %mul3A_590 : i32
            %add3A_592 = arith.constant 4 : i32
            %add3A_593 = arith.addi %mul3A_591, %add3A_592 : i32
            %get3A_594 = arith.constant 0 : i32
            %get3A_595 = arith.index_cast %get3A_594 : i32 to index
            %get3A_596 = arith.index_cast %add3A_593 : i32 to index
            %get3A_597 = arith.constant 0 : index
            %get3A_598 = tpu.vector_load %arg7[%get3A_595, %get3A_596, %get3A_597] {strides = array<i32>} : memref<3x256x128xf32, #tpu.memory_space<vmem>>, vector<1x1x16xf32>,
            %get3A_599 = vector.shape_cast %get3A_598 : vector<1x1x16xf32> to vector<16xf32>
            %add3A_600 = arith.addf %add3A_540, %get3A_599 : vector<16xf32>
            %get3A_601 = arith.constant 0 : i32
            %get3A_602 = arith.index_cast %get3A_601 : i32 to index
            %get3A_603 = arith.index_cast %add3A_593 : i32 to index
            %get3A_604 = arith.constant 16 : index
            %get3A_605 = tpu.vector_load %arg7[%get3A_602, %get3A_603, %get3A_604] {strides = array<i32>} : memref<3x256x128xf32, #tpu.memory_space<vmem>>, vector<1x1x16xf32>,
            %get3A_606 = vector.shape_cast %get3A_605 : vector<1x1x16xf32> to vector<16xf32>
            %add3A_607 = arith.addf %add3A_547, %get3A_606 : vector<16xf32>
            %get3A_608 = arith.constant 0 : i32
            %get3A_609 = arith.index_cast %get3A_608 : i32 to index
            %get3A_610 = arith.index_cast %add3A_593 : i32 to index
            %get3A_611 = arith.constant 32 : index
            %get3A_612 = tpu.vector_load %arg7[%get3A_609, %get3A_610, %get3A_611] {strides = array<i32>} : memref<3x256x128xf32, #tpu.memory_space<vmem>>, vector<1x1x16xf32>,
            %get3A_613 = vector.shape_cast %get3A_612 : vector<1x1x16xf32> to vector<16xf32>
            %add3A_614 = arith.addf %add3A_554, %get3A_613 : vector<16xf32>
            %get3A_615 = arith.constant 0 : i32
            %get3A_616 = arith.index_cast %get3A_615 : i32 to index
            %get3A_617 = arith.index_cast %add3A_593 : i32 to index
            %get3A_618 = arith.constant 48 : index
            %get3A_619 = tpu.vector_load %arg7[%get3A_616, %get3A_617, %get3A_618] {strides = array<i32>} : memref<3x256x128xf32, #tpu.memory_space<vmem>>, vector<1x1x16xf32>,
            %get3A_620 = vector.shape_cast %get3A_619 : vector<1x1x16xf32> to vector<16xf32>
            %add3A_621 = arith.addf %add3A_561, %get3A_620 : vector<16xf32>
            %get3A_622 = arith.constant 0 : i32
            %get3A_623 = arith.index_cast %get3A_622 : i32 to index
            %get3A_624 = arith.index_cast %add3A_593 : i32 to index
            %get3A_625 = arith.constant 64 : index
            %get3A_626 = tpu.vector_load %arg7[%get3A_623, %get3A_624, %get3A_625] {strides = array<i32>} : memref<3x256x128xf32, #tpu.memory_space<vmem>>, vector<1x1x16xf32>,
            %get3A_627 = vector.shape_cast %get3A_626 : vector<1x1x16xf32> to vector<16xf32>
            %add3A_628 = arith.addf %add3A_568, %get3A_627 : vector<16xf32>
            %get3A_629 = arith.constant 0 : i32
            %get3A_630 = arith.index_cast %get3A_629 : i32 to index
            %get3A_631 = arith.index_cast %add3A_593 : i32 to index
            %get3A_632 = arith.constant 80 : index
            %get3A_633 = tpu.vector_load %arg7[%get3A_630, %get3A_631, %get3A_632] {strides = array<i32>} : memref<3x256x128xf32, #tpu.memory_space<vmem>>, vector<1x1x16xf32>,
            %get3A_634 = vector.shape_cast %get3A_633 : vector<1x1x16xf32> to vector<16xf32>
            %add3A_635 = arith.addf %add3A_575, %get3A_634 : vector<16xf32>
            %get3A_636 = arith.constant 0 : i32
            %get3A_637 = arith.index_cast %get3A_636 : i32 to index
            %get3A_638 = arith.index_cast %add3A_593 : i32 to index
            %get3A_639 = arith.constant 96 : index
            %get3A_640 = tpu.vector_load %arg7[%get3A_637, %get3A_638, %get3A_639] {strides = array<i32>} : memref<3x256x128xf32, #tpu.memory_space<vmem>>, vector<1x1x16xf32>,
            %get3A_641 = vector.shape_cast %get3A_640 : vector<1x1x16xf32> to vector<16xf32>
            %add3A_642 = arith.addf %add3A_582, %get3A_641 : vector<16xf32>
            %get3A_643 = arith.constant 0 : i32
            %get3A_644 = arith.index_cast %get3A_643 : i32 to index
            %get3A_645 = arith.index_cast %add3A_593 : i32 to index
            %get3A_646 = arith.constant 112 : index
            %get3A_647 = tpu.vector_load %arg7[%get3A_644, %get3A_645, %get3A_646] {strides = array<i32>} : memref<3x256x128xf32, #tpu.memory_space<vmem>>, vector<1x1x16xf32>,
            %get3A_648 = vector.shape_cast %get3A_647 : vector<1x1x16xf32> to vector<16xf32>
            %add3A_649 = arith.addf %add3A_589, %get3A_648 : vector<16xf32>
            %mul3A_650 = arith.constant 8 : i32
            %mul3A_651 = arith.muli %scan3A_341, %mul3A_650 : i32
            %add3A_652 = arith.constant 5 : i32
            %add3A_653 = arith.addi %mul3A_651, %add3A_652 : i32
            %get3A_654 = arith.constant 0 : i32
            %get3A_655 = arith.index_cast %get3A_654 : i32 to index
            %get3A_656 = arith.index_cast %add3A_653 : i32 to index
            %get3A_657 = arith.constant 0 : index
            %get3A_658 = tpu.vector_load %arg7[%get3A_655, %get3A_656, %get3A_657] {strides = array<i32>} : memref<3x256x128xf32, #tpu.memory_space<vmem>>, vector<1x1x16xf32>,
            %get3A_659 = vector.shape_cast %get3A_658 : vector<1x1x16xf32> to vector<16xf32>
            %add3A_660 = arith.addf %add3A_600, %get3A_659 : vector<16xf32>
            %get3A_661 = arith.constant 0 : i32
            %get3A_662 = arith.index_cast %get3A_661 : i32 to index
            %get3A_663 = arith.index_cast %add3A_653 : i32 to index
            %get3A_664 = arith.constant 16 : index
            %get3A_665 = tpu.vector_load %arg7[%get3A_662, %get3A_663, %get3A_664] {strides = array<i32>} : memref<3x256x128xf32, #tpu.memory_space<vmem>>, vector<1x1x16xf32>,
            %get3A_666 = vector.shape_cast %get3A_665 : vector<1x1x16xf32> to vector<16xf32>
            %add3A_667 = arith.addf %add3A_607, %get3A_666 : vector<16xf32>
            %get3A_668 = arith.constant 0 : i32
            %get3A_669 = arith.index_cast %get3A_668 : i32 to index
            %get3A_670 = arith.index_cast %add3A_653 : i32 to index
            %get3A_671 = arith.constant 32 : index
            %get3A_672 = tpu.vector_load %arg7[%get3A_669, %get3A_670, %get3A_671] {strides = array<i32>} : memref<3x256x128xf32, #tpu.memory_space<vmem>>, vector<1x1x16xf32>,
            %get3A_673 = vector.shape_cast %get3A_672 : vector<1x1x16xf32> to vector<16xf32>
            %add3A_674 = arith.addf %add3A_614, %get3A_673 : vector<16xf32>
            %get3A_675 = arith.constant 0 : i32
            %get3A_676 = arith.index_cast %get3A_675 : i32 to index
            %get3A_677 = arith.index_cast %add3A_653 : i32 to index
            %get3A_678 = arith.constant 48 : index
            %get3A_679 = tpu.vector_load %arg7[%get3A_676, %get3A_677, %get3A_678] {strides = array<i32>} : memref<3x256x128xf32, #tpu.memory_space<vmem>>, vector<1x1x16xf32>,
            %get3A_680 = vector.shape_cast %get3A_679 : vector<1x1x16xf32> to vector<16xf32>
            %add3A_681 = arith.addf %add3A_621, %get3A_680 : vector<16xf32>
            %get3A_682 = arith.constant 0 : i32
            %get3A_683 = arith.index_cast %get3A_682 : i32 to index
            %get3A_684 = arith.index_cast %add3A_653 : i32 to index
            %get3A_685 = arith.constant 64 : index
            %get3A_686 = tpu.vector_load %arg7[%get3A_683, %get3A_684, %get3A_685] {strides = array<i32>} : memref<3x256x128xf32, #tpu.memory_space<vmem>>, vector<1x1x16xf32>,
            %get3A_687 = vector.shape_cast %get3A_686 : vector<1x1x16xf32> to vector<16xf32>
            %add3A_688 = arith.addf %add3A_628, %get3A_687 : vector<16xf32>
            %get3A_689 = arith.constant 0 : i32
            %get3A_690 = arith.index_cast %get3A_689 : i32 to index
            %get3A_691 = arith.index_cast %add3A_653 : i32 to index
            %get3A_692 = arith.constant 80 : index
            %get3A_693 = tpu.vector_load %arg7[%get3A_690, %get3A_691, %get3A_692] {strides = array<i32>} : memref<3x256x128xf32, #tpu.memory_space<vmem>>, vector<1x1x16xf32>,
            %get3A_694 = vector.shape_cast %get3A_693 : vector<1x1x16xf32> to vector<16xf32>
            %add3A_695 = arith.addf %add3A_635, %get3A_694 : vector<16xf32>
            %get3A_696 = arith.constant 0 : i32
            %get3A_697 = arith.index_cast %get3A_696 : i32 to index
            %get3A_698 = arith.index_cast %add3A_653 : i32 to index
            %get3A_699 = arith.constant 96 : index
            %get3A_700 = tpu.vector_load %arg7[%get3A_697, %get3A_698, %get3A_699] {strides = array<i32>} : memref<3x256x128xf32, #tpu.memory_space<vmem>>, vector<1x1x16xf32>,
            %get3A_701 = vector.shape_cast %get3A_700 : vector<1x1x16xf32> to vector<16xf32>
            %add3A_702 = arith.addf %add3A_642, %get3A_701 : vector<16xf32>
            %get3A_703 = arith.constant 0 : i32
            %get3A_704 = arith.index_cast %get3A_703 : i32 to index
            %get3A_705 = arith.index_cast %add3A_653 : i32 to index
            %get3A_706 = arith.constant 112 : index
            %get3A_707 = tpu.vector_load %arg7[%get3A_704, %get3A_705, %get3A_706] {strides = array<i32>} : memref<3x256x128xf32, #tpu.memory_space<vmem>>, vector<1x1x16xf32>,
            %get3A_708 = vector.shape_cast %get3A_707 : vector<1x1x16xf32> to vector<16xf32>
            %add3A_709 = arith.addf %add3A_649, %get3A_708 : vector<16xf32>
            %mul3A_710 = arith.constant 8 : i32
            %mul3A_711 = arith.muli %scan3A_341, %mul3A_710 : i32
            %add3A_712 = arith.constant 6 : i32
            %add3A_713 = arith.addi %mul3A_711, %add3A_712 : i32
            %get3A_714 = arith.constant 0 : i32
            %get3A_715 = arith.index_cast %get3A_714 : i32 to index
            %get3A_716 = arith.index_cast %add3A_713 : i32 to index
            %get3A_717 = arith.constant 0 : index
            %get3A_718 = tpu.vector_load %arg7[%get3A_715, %get3A_716, %get3A_717] {strides = array<i32>} : memref<3x256x128xf32, #tpu.memory_space<vmem>>, vector<1x1x16xf32>,
            %get3A_719 = vector.shape_cast %get3A_718 : vector<1x1x16xf32> to vector<16xf32>
            %add3A_720 = arith.addf %add3A_660, %get3A_719 : vector<16xf32>
            %get3A_721 = arith.constant 0 : i32
            %get3A_722 = arith.index_cast %get3A_721 : i32 to index
            %get3A_723 = arith.index_cast %add3A_713 : i32 to index
            %get3A_724 = arith.constant 16 : index
            %get3A_725 = tpu.vector_load %arg7[%get3A_722, %get3A_723, %get3A_724] {strides = array<i32>} : memref<3x256x128xf32, #tpu.memory_space<vmem>>, vector<1x1x16xf32>,
            %get3A_726 = vector.shape_cast %get3A_725 : vector<1x1x16xf32> to vector<16xf32>
            %add3A_727 = arith.addf %add3A_667, %get3A_726 : vector<16xf32>
            %get3A_728 = arith.constant 0 : i32
            %get3A_729 = arith.index_cast %get3A_728 : i32 to index
            %get3A_730 = arith.index_cast %add3A_713 : i32 to index
            %get3A_731 = arith.constant 32 : index
            %get3A_732 = tpu.vector_load %arg7[%get3A_729, %get3A_730, %get3A_731] {strides = array<i32>} : memref<3x256x128xf32, #tpu.memory_space<vmem>>, vector<1x1x16xf32>,
            %get3A_733 = vector.shape_cast %get3A_732 : vector<1x1x16xf32> to vector<16xf32>
            %add3A_734 = arith.addf %add3A_674, %get3A_733 : vector<16xf32>
            %get3A_735 = arith.constant 0 : i32
            %get3A_736 = arith.index_cast %get3A_735 : i32 to index
            %get3A_737 = arith.index_cast %add3A_713 : i32 to index
            %get3A_738 = arith.constant 48 : index
            %get3A_739 = tpu.vector_load %arg7[%get3A_736, %get3A_737, %get3A_738] {strides = array<i32>} : memref<3x256x128xf32, #tpu.memory_space<vmem>>, vector<1x1x16xf32>,
            %get3A_740 = vector.shape_cast %get3A_739 : vector<1x1x16xf32> to vector<16xf32>
            %add3A_741 = arith.addf %add3A_681, %get3A_740 : vector<16xf32>
            %get3A_742 = arith.constant 0 : i32
            %get3A_743 = arith.index_cast %get3A_742 : i32 to index
            %get3A_744 = arith.index_cast %add3A_713 : i32 to index
            %get3A_745 = arith.constant 64 : index
            %get3A_746 = tpu.vector_load %arg7[%get3A_743, %get3A_744, %get3A_745] {strides = array<i32>} : memref<3x256x128xf32, #tpu.memory_space<vmem>>, vector<1x1x16xf32>,
            %get3A_747 = vector.shape_cast %get3A_746 : vector<1x1x16xf32> to vector<16xf32>
            %add3A_748 = arith.addf %add3A_688, %get3A_747 : vector<16xf32>
            %get3A_749 = arith.constant 0 : i32
            %get3A_750 = arith.index_cast %get3A_749 : i32 to index
            %get3A_751 = arith.index_cast %add3A_713 : i32 to index
            %get3A_752 = arith.constant 80 : index
            %get3A_753 = tpu.vector_load %arg7[%get3A_750, %get3A_751, %get3A_752] {strides = array<i32>} : memref<3x256x128xf32, #tpu.memory_space<vmem>>, vector<1x1x16xf32>,
            %get3A_754 = vector.shape_cast %get3A_753 : vector<1x1x16xf32> to vector<16xf32>
            %add3A_755 = arith.addf %add3A_695, %get3A_754 : vector<16xf32>
            %get3A_756 = arith.constant 0 : i32
            %get3A_757 = arith.index_cast %get3A_756 : i32 to index
            %get3A_758 = arith.index_cast %add3A_713 : i32 to index
            %get3A_759 = arith.constant 96 : index
            %get3A_760 = tpu.vector_load %arg7[%get3A_757, %get3A_758, %get3A_759] {strides = array<i32>} : memref<3x256x128xf32, #tpu.memory_space<vmem>>, vector<1x1x16xf32>,
            %get3A_761 = vector.shape_cast %get3A_760 : vector<1x1x16xf32> to vector<16xf32>
            %add3A_762 = arith.addf %add3A_702, %get3A_761 : vector<16xf32>
            %get3A_763 = arith.constant 0 : i32
            %get3A_764 = arith.index_cast %get3A_763 : i32 to index
            %get3A_765 = arith.index_cast %add3A_713 : i32 to index
            %get3A_766 = arith.constant 112 : index
            %get3A_767 = tpu.vector_load %arg7[%get3A_764, %get3A_765, %get3A_766] {strides = array<i32>} : memref<3x256x128xf32, #tpu.memory_space<vmem>>, vector<1x1x16xf32>,
            %get3A_768 = vector.shape_cast %get3A_767 : vector<1x1x16xf32> to vector<16xf32>
            %add3A_769 = arith.addf %add3A_709, %get3A_768 : vector<16xf32>
            %mul3A_770 = arith.constant 8 : i32
            %mul3A_771 = arith.muli %scan3A_341, %mul3A_770 : i32
            %add3A_772 = arith.constant 7 : i32
            %add3A_773 = arith.addi %mul3A_771, %add3A_772 : i32
            %get3A_774 = arith.constant 0 : i32
            %get3A_775 = arith.index_cast %get3A_774 : i32 to index
            %get3A_776 = arith.index_cast %add3A_773 : i32 to index
            %get3A_777 = arith.constant 0 : index
            %get3A_778 = tpu.vector_load %arg7[%get3A_775, %get3A_776, %get3A_777] {strides = array<i32>} : memref<3x256x128xf32, #tpu.memory_space<vmem>>, vector<1x1x16xf32>,
            %get3A_779 = vector.shape_cast %get3A_778 : vector<1x1x16xf32> to vector<16xf32>
            %add3A_780 = arith.addf %add3A_720, %get3A_779 : vector<16xf32>
            %get3A_781 = arith.constant 0 : i32
            %get3A_782 = arith.index_cast %get3A_781 : i32 to index
            %get3A_783 = arith.index_cast %add3A_773 : i32 to index
            %get3A_784 = arith.constant 16 : index
            %get3A_785 = tpu.vector_load %arg7[%get3A_782, %get3A_783, %get3A_784] {strides = array<i32>} : memref<3x256x128xf32, #tpu.memory_space<vmem>>, vector<1x1x16xf32>,
            %get3A_786 = vector.shape_cast %get3A_785 : vector<1x1x16xf32> to vector<16xf32>
            %add3A_787 = arith.addf %add3A_727, %get3A_786 : vector<16xf32>
            %get3A_788 = arith.constant 0 : i32
            %get3A_789 = arith.index_cast %get3A_788 : i32 to index
            %get3A_790 = arith.index_cast %add3A_773 : i32 to index
            %get3A_791 = arith.constant 32 : index
            %get3A_792 = tpu.vector_load %arg7[%get3A_789, %get3A_790, %get3A_791] {strides = array<i32>} : memref<3x256x128xf32, #tpu.memory_space<vmem>>, vector<1x1x16xf32>,
            %get3A_793 = vector.shape_cast %get3A_792 : vector<1x1x16xf32> to vector<16xf32>
            %add3A_794 = arith.addf %add3A_734, %get3A_793 : vector<16xf32>
            %get3A_795 = arith.constant 0 : i32
            %get3A_796 = arith.index_cast %get3A_795 : i32 to index
            %get3A_797 = arith.index_cast %add3A_773 : i32 to index
            %get3A_798 = arith.constant 48 : index
            %get3A_799 = tpu.vector_load %arg7[%get3A_796, %get3A_797, %get3A_798] {strides = array<i32>} : memref<3x256x128xf32, #tpu.memory_space<vmem>>, vector<1x1x16xf32>,
            %get3A_800 = vector.shape_cast %get3A_799 : vector<1x1x16xf32> to vector<16xf32>
            %add3A_801 = arith.addf %add3A_741, %get3A_800 : vector<16xf32>
            %get3A_802 = arith.constant 0 : i32
            %get3A_803 = arith.index_cast %get3A_802 : i32 to index
            %get3A_804 = arith.index_cast %add3A_773 : i32 to index
            %get3A_805 = arith.constant 64 : index
            %get3A_806 = tpu.vector_load %arg7[%get3A_803, %get3A_804, %get3A_805] {strides = array<i32>} : memref<3x256x128xf32, #tpu.memory_space<vmem>>, vector<1x1x16xf32>,
            %get3A_807 = vector.shape_cast %get3A_806 : vector<1x1x16xf32> to vector<16xf32>
            %add3A_808 = arith.addf %add3A_748, %get3A_807 : vector<16xf32>
            %get3A_809 = arith.constant 0 : i32
            %get3A_810 = arith.index_cast %get3A_809 : i32 to index
            %get3A_811 = arith.index_cast %add3A_773 : i32 to index
            %get3A_812 = arith.constant 80 : index
            %get3A_813 = tpu.vector_load %arg7[%get3A_810, %get3A_811, %get3A_812] {strides = array<i32>} : memref<3x256x128xf32, #tpu.memory_space<vmem>>, vector<1x1x16xf32>,
            %get3A_814 = vector.shape_cast %get3A_813 : vector<1x1x16xf32> to vector<16xf32>
            %add3A_815 = arith.addf %add3A_755, %get3A_814 : vector<16xf32>
            %get3A_816 = arith.constant 0 : i32
            %get3A_817 = arith.index_cast %get3A_816 : i32 to index
            %get3A_818 = arith.index_cast %add3A_773 : i32 to index
            %get3A_819 = arith.constant 96 : index
            %get3A_820 = tpu.vector_load %arg7[%get3A_817, %get3A_818, %get3A_819] {strides = array<i32>} : memref<3x256x128xf32, #tpu.memory_space<vmem>>, vector<1x1x16xf32>,
            %get3A_821 = vector.shape_cast %get3A_820 : vector<1x1x16xf32> to vector<16xf32>
            %add3A_822 = arith.addf %add3A_762, %get3A_821 : vector<16xf32>
            %get3A_823 = arith.constant 0 : i32
            %get3A_824 = arith.index_cast %get3A_823 : i32 to index
            %get3A_825 = arith.index_cast %add3A_773 : i32 to index
            %get3A_826 = arith.constant 112 : index
            %get3A_827 = tpu.vector_load %arg7[%get3A_824, %get3A_825, %get3A_826] {strides = array<i32>} : memref<3x256x128xf32, #tpu.memory_space<vmem>>, vector<1x1x16xf32>,
            %get3A_828 = vector.shape_cast %get3A_827 : vector<1x1x16xf32> to vector<16xf32>
            %add3A_829 = arith.addf %add3A_769, %get3A_828 : vector<16xf32>
            scf.yield %add3A_780, %add3A_787, %add3A_794, %add3A_801, %add3A_808, %add3A_815, %add3A_822, %add3A_829 : vector<16xf32>, vector<16xf32>, vector<16xf32>, vector<16xf32>, vector<16xf32>, vector<16xf32>, vector<16xf32>, vector<16xf32>
          }
          %scan3A_260 = arith.constant 32 : i32
          %get3A_261 = arith.index_cast %squeeze3A : i32 to index
          %get3A_262 = arith.constant 0 : index
          %get3A_263 = tpu.vector_load %arg14[%get3A_261, %get3A_262] {strides = array<i32>} : memref<64x128xf32, #tpu.memory_space<vmem>>, vector<1x16xf32>,
          %get3A_264 = vector.shape_cast %get3A_263 : vector<1x16xf32> to vector<16xf32>
          %add3A_265 = arith.addf %get3A_264, %scan3A_259#0 : vector<16xf32>
          %swap3A_266 = arith.index_cast %squeeze3A : i32 to index
          %swap3A_267 = arith.constant 0 : index
          %swap3A_268 = tpu.vector_load %arg14[%swap3A_266, %swap3A_267] {strides = array<i32>} : memref<64x128xf32, #tpu.memory_space<vmem>>, vector<1x16xf32>,
          %swap3A_269 = vector.shape_cast %swap3A_268 : vector<1x16xf32> to vector<16xf32>
          %swap3A_270 = vector.shape_cast %add3A_265 : vector<16xf32> to vector<1x16xf32>
          tpu.vector_store %arg14[%swap3A_266, %swap3A_267], %swap3A_270 {strides = array<i32>} : memref<64x128xf32, #tpu.memory_space<vmem>>, vector<1x16xf32>,
          %get3A_271 = arith.index_cast %squeeze3A : i32 to index
          %get3A_272 = arith.constant 16 : index
          %get3A_273 = tpu.vector_load %arg14[%get3A_271, %get3A_272] {strides = array<i32>} : memref<64x128xf32, #tpu.memory_space<vmem>>, vector<1x16xf32>,
          %get3A_274 = vector.shape_cast %get3A_273 : vector<1x16xf32> to vector<16xf32>
          %add3A_275 = arith.addf %get3A_274, %scan3A_259#1 : vector<16xf32>
          %swap3A_276 = arith.index_cast %squeeze3A : i32 to index
          %swap3A_277 = arith.constant 16 : index
          %swap3A_278 = tpu.vector_load %arg14[%swap3A_276, %swap3A_277] {strides = array<i32>} : memref<64x128xf32, #tpu.memory_space<vmem>>, vector<1x16xf32>,
          %swap3A_279 = vector.shape_cast %swap3A_278 : vector<1x16xf32> to vector<16xf32>
          %swap3A_280 = vector.shape_cast %add3A_275 : vector<16xf32> to vector<1x16xf32>
          tpu.vector_store %arg14[%swap3A_276, %swap3A_277], %swap3A_280 {strides = array<i32>} : memref<64x128xf32, #tpu.memory_space<vmem>>, vector<1x16xf32>,
          %get3A_281 = arith.index_cast %squeeze3A : i32 to index
          %get3A_282 = arith.constant 32 : index
          %get3A_283 = tpu.vector_load %arg14[%get3A_281, %get3A_282] {strides = array<i32>} : memref<64x128xf32, #tpu.memory_space<vmem>>, vector<1x16xf32>,
          %get3A_284 = vector.shape_cast %get3A_283 : vector<1x16xf32> to vector<16xf32>
          %add3A_285 = arith.addf %get3A_284, %scan3A_259#2 : vector<16xf32>
          %swap3A_286 = arith.index_cast %squeeze3A : i32 to index
          %swap3A_287 = arith.constant 32 : index
          %swap3A_288 = tpu.vector_load %arg14[%swap3A_286, %swap3A_287] {strides = array<i32>} : memref<64x128xf32, #tpu.memory_space<vmem>>, vector<1x16xf32>,
          %swap3A_289 = vector.shape_cast %swap3A_288 : vector<1x16xf32> to vector<16xf32>
          %swap3A_290 = vector.shape_cast %add3A_285 : vector<16xf32> to vector<1x16xf32>
          tpu.vector_store %arg14[%swap3A_286, %swap3A_287], %swap3A_290 {strides = array<i32>} : memref<64x128xf32, #tpu.memory_space<vmem>>, vector<1x16xf32>,
          %get3A_291 = arith.index_cast %squeeze3A : i32 to index
          %get3A_292 = arith.constant 48 : index
          %get3A_293 = tpu.vector_load %arg14[%get3A_291, %get3A_292] {strides = array<i32>} : memref<64x128xf32, #tpu.memory_space<vmem>>, vector<1x16xf32>,
          %get3A_294 = vector.shape_cast %get3A_293 : vector<1x16xf32> to vector<16xf32>
          %add3A_295 = arith.addf %get3A_294, %scan3A_259#3 : vector<16xf32>
          %swap3A_296 = arith.index_cast %squeeze3A : i32 to index
          %swap3A_297 = arith.constant 48 : index
          %swap3A_298 = tpu.vector_load %arg14[%swap3A_296, %swap3A_297] {strides = array<i32>} : memref<64x128xf32, #tpu.memory_space<vmem>>, vector<1x16xf32>,
          %swap3A_299 = vector.shape_cast %swap3A_298 : vector<1x16xf32> to vector<16xf32>
          %swap3A_300 = vector.shape_cast %add3A_295 : vector<16xf32> to vector<1x16xf32>
          tpu.vector_store %arg14[%swap3A_296, %swap3A_297], %swap3A_300 {strides = array<i32>} : memref<64x128xf32, #tpu.memory_space<vmem>>, vector<1x16xf32>,
          %get3A_301 = arith.index_cast %squeeze3A : i32 to index
          %get3A_302 = arith.constant 64 : index
          %get3A_303 = tpu.vector_load %arg14[%get3A_301, %get3A_302] {strides = array<i32>} : memref<64x128xf32, #tpu.memory_space<vmem>>, vector<1x16xf32>,
          %get3A_304 = vector.shape_cast %get3A_303 : vector<1x16xf32> to vector<16xf32>
          %add3A_305 = arith.addf %get3A_304, %scan3A_259#4 : vector<16xf32>
          %swap3A_306 = arith.index_cast %squeeze3A : i32 to index
          %swap3A_307 = arith.constant 64 : index
          %swap3A_308 = tpu.vector_load %arg14[%swap3A_306, %swap3A_307] {strides = array<i32>} : memref<64x128xf32, #tpu.memory_space<vmem>>, vector<1x16xf32>,
          %swap3A_309 = vector.shape_cast %swap3A_308 : vector<1x16xf32> to vector<16xf32>
          %swap3A_310 = vector.shape_cast %add3A_305 : vector<16xf32> to vector<1x16xf32>
          tpu.vector_store %arg14[%swap3A_306, %swap3A_307], %swap3A_310 {strides = array<i32>} : memref<64x128xf32, #tpu.memory_space<vmem>>, vector<1x16xf32>,
          %get3A_311 = arith.index_cast %squeeze3A : i32 to index
          %get3A_312 = arith.constant 80 : index
          %get3A_313 = tpu.vector_load %arg14[%get3A_311, %get3A_312] {strides = array<i32>} : memref<64x128xf32, #tpu.memory_space<vmem>>, vector<1x16xf32>,
          %get3A_314 = vector.shape_cast %get3A_313 : vector<1x16xf32> to vector<16xf32>
          %add3A_315 = arith.addf %get3A_314, %scan3A_259#5 : vector<16xf32>
          %swap3A_316 = arith.index_cast %squeeze3A : i32 to index
          %swap3A_317 = arith.constant 80 : index
          %swap3A_318 = tpu.vector_load %arg14[%swap3A_316, %swap3A_317] {strides = array<i32>} : memref<64x128xf32, #tpu.memory_space<vmem>>, vector<1x16xf32>,
          %swap3A_319 = vector.shape_cast %swap3A_318 : vector<1x16xf32> to vector<16xf32>
          %swap3A_320 = vector.shape_cast %add3A_315 : vector<16xf32> to vector<1x16xf32>
          tpu.vector_store %arg14[%swap3A_316, %swap3A_317], %swap3A_320 {strides = array<i32>} : memref<64x128xf32, #tpu.memory_space<vmem>>, vector<1x16xf32>,
          %get3A_321 = arith.index_cast %squeeze3A : i32 to index
          %get3A_322 = arith.constant 96 : index
          %get3A_323 = tpu.vector_load %arg14[%get3A_321, %get3A_322] {strides = array<i32>} : memref<64x128xf32, #tpu.memory_space<vmem>>, vector<1x16xf32>,
          %get3A_324 = vector.shape_cast %get3A_323 : vector<1x16xf32> to vector<16xf32>
          %add3A_325 = arith.addf %get3A_324, %scan3A_259#6 : vector<16xf32>
          %swap3A_326 = arith.index_cast %squeeze3A : i32 to index
          %swap3A_327 = arith.constant 96 : index
          %swap3A_328 = tpu.vector_load %arg14[%swap3A_326, %swap3A_327] {strides = array<i32>} : memref<64x128xf32, #tpu.memory_space<vmem>>, vector<1x16xf32>,
          %swap3A_329 = vector.shape_cast %swap3A_328 : vector<1x16xf32> to vector<16xf32>
          %swap3A_330 = vector.shape_cast %add3A_325 : vector<16xf32> to vector<1x16xf32>
          tpu.vector_store %arg14[%swap3A_326, %swap3A_327], %swap3A_330 {strides = array<i32>} : memref<64x128xf32, #tpu.memory_space<vmem>>, vector<1x16xf32>,
          %get3A_331 = arith.index_cast %squeeze3A : i32 to index
          %get3A_332 = arith.constant 112 : index
          %get3A_333 = tpu.vector_load %arg14[%get3A_331, %get3A_332] {strides = array<i32>} : memref<64x128xf32, #tpu.memory_space<vmem>>, vector<1x16xf32>,
          %get3A_334 = vector.shape_cast %get3A_333 : vector<1x16xf32> to vector<16xf32>
          %add3A_335 = arith.addf %get3A_334, %scan3A_259#7 : vector<16xf32>
          %swap3A_336 = arith.index_cast %squeeze3A : i32 to index
          %swap3A_337 = arith.constant 112 : index
          %swap3A_338 = tpu.vector_load %arg14[%swap3A_336, %swap3A_337] {strides = array<i32>} : memref<64x128xf32, #tpu.memory_space<vmem>>, vector<1x16xf32>,
          %swap3A_339 = vector.shape_cast %swap3A_338 : vector<1x16xf32> to vector<16xf32>
          %swap3A_340 = vector.shape_cast %add3A_335 : vector<16xf32> to vector<1x16xf32>
          tpu.vector_store %arg14[%swap3A_336, %swap3A_337], %swap3A_340 {strides = array<i32>} : memref<64x128xf32, #tpu.memory_space<vmem>>, vector<1x16xf32>,
        } else {
        }
        %ne3A = arith.cmpi ne, %squeeze3A, %squeeze3A_231 : i32
        %convert_element_type3A_252 = arith.extui %ne3A : i1 to i32
        %cond3A_253 = arith.constant 0 : i32
        %cond3A_254 = arith.cmpi ne, %convert_element_type3A_252, %cond3A_253 : i32
        scf.if %cond3A_254 {
          %sub3A_255 = arith.subi %squeeze3A_231, %squeeze3A : i32
          %add3A_256 = arith.constant 1 : i32
          %add3A_257 = arith.addi %sub3A_255, %add3A_256 : i32
          %while3A = arith.constant 0 : i32
          %while3A_258 = arith.constant 0 : i32
          %while3A_259 = arith.subi %add3A_257, %while3A : i32
          %while3A_260 = arith.addi %while3A, %while3A_259 : i32
          %while3A_261 = arith.constant 1 : i32
          %while3A_262 = arith.divsi %while3A_259, %while3A_261 : i32
          %while3A_263 = arith.muli %while3A_262, %while3A_261 : i32
          %while3A_264 = arith.addi %while3A, %while3A_263 : i32
          %while3A_265 = arith.constant 1 : i32
          %while3A_266 = scf.for %while3A_269 = %while3A to %while3A_264 step %while3A_265 iter_args(%while3A_270 = %while3A_258) -> (i32)  : i32 {
            %add3A_271 = arith.addi %squeeze3A, %while3A_269 : i32
            %add3A_272 = arith.constant 1 : i32
            %add3A_273 = arith.addi %add3A_271, %add3A_272 : i32
            %scan3A_274 = arith.constant 0 : i32
            %scan3A_275 = arith.constant 256 : i32
            %scan3A_276 = arith.constant 0 : i32
            %scan3A_277 = arith.constant 8 : i32
            %scan3A_278 = arith.addi %scan3A_276, %scan3A_277 : i32
            %scan3A_279 = arith.constant 1 : i32
            %scan3A_280:2 = scf.for %scan3A_372 = %scan3A_276 to %scan3A_278 step %scan3A_279 iter_args(%scan3A_373 = %scan3A_274, %scan3A_374 = %scan3A_275) -> (i32, i32)  : i32 {
              %add3A_375 = arith.addi %scan3A_373, %scan3A_374 : i32
              %jit3A_376 = arith.constant 2 : i32
              %div3A = arith.divsi %add3A_375, %jit3A_376 : i32
              %sign3A = arith.constant 0 : i32
              %sign3A_377 = arith.cmpi sgt, %add3A_375, %sign3A : i32
              %sign3A_378 = arith.extui %sign3A_377 : i1 to i32
              %sign3A_379 = arith.constant 0 : i32
              %sign3A_380 = arith.cmpi slt, %add3A_375, %sign3A_379 : i32
              %sign3A_381 = arith.extui %sign3A_380 : i1 to i32
              %sign3A_382 = arith.subi %sign3A_378, %sign3A_381 : i32
              %sign3A_383 = arith.constant 0 : i32
              %sign3A_384 = arith.cmpi sgt, %jit3A_376, %sign3A_383 : i32
              %sign3A_385 = arith.extui %sign3A_384 : i1 to i32
              %sign3A_386 = arith.constant 0 : i32
              %sign3A_387 = arith.cmpi slt, %jit3A_376, %sign3A_386 : i32
              %sign3A_388 = arith.extui %sign3A_387 : i1 to i32
              %sign3A_389 = arith.subi %sign3A_385, %sign3A_388 : i32
              %ne3A_390 = arith.cmpi ne, %sign3A_382, %sign3A_389 : i32
              %rem3A = arith.remsi %add3A_375, %jit3A_376 : i32
              %ne3A_391 = arith.constant 0 : i32
              %ne3A_392 = arith.cmpi ne, %rem3A, %ne3A_391 : i32
              %and3A = arith.andi %ne3A_390, %ne3A_392 : i1
              %sub3A_393 = arith.constant 1 : i32
              %sub3A_394 = arith.subi %div3A, %sub3A_393 : i32
              %select_n3A_395 = arith.select %and3A, %sub3A_394, %div3A : i32
              %get3A_396 = arith.index_cast %select_n3A_395 : i32 to index
              %get3A_397 = tpu.vector_load %arg8[%get3A_396] {strides = array<i32>} : memref<272xi32, #tpu.memory_space<vmem>>, vector<16xi32>,
              %get3A_398 = vector.shape_cast %get3A_397 : vector<16xi32> to vector<16xi32>
              %slice3A_399 = vector.extract_strided_slice %get3A_398 {offsets = [0], sizes = [1], strides = [1]} : vector<16xi32> to vector<1xi32>
              %squeeze3A_400 = vector.extract %slice3A_399[0] : i32 from vector<1xi32>
              %lt3A_401 = arith.cmpi slt, %squeeze3A_400, %add3A_273 : i32
              %add3A_402 = arith.constant 1 : i32
              %add3A_403 = arith.addi %select_n3A_395, %add3A_402 : i32
              %select_n3A_404 = arith.select %lt3A_401, %add3A_403, %scan3A_373 : i32
              %select_n3A_405 = arith.select %lt3A_401, %scan3A_374, %select_n3A_395 : i32
              scf.yield %select_n3A_404, %select_n3A_405 : i32, i32
            }
            %scan3A_281 = arith.constant 8 : i32
            %while3A_282 = arith.subi %scan3A_280#1, %while3A_270 : i32
            %while3A_283 = arith.addi %while3A_270, %while3A_282 : i32
            %while3A_284 = arith.constant 1 : i32
            %while3A_285 = arith.divsi %while3A_282, %while3A_284 : i32
            %while3A_286 = arith.muli %while3A_285, %while3A_284 : i32
            %while3A_287 = arith.addi %while3A_270, %while3A_286 : i32
            %while3A_288 = arith.constant 1 : i32
            %while3A_289:8 = scf.for %while3A_372 = %while3A_270 to %while3A_287 step %while3A_288 iter_args(%while3A_373 = %broadcast_in_dim3A_233, %while3A_374 = %broadcast_in_dim3A_235, %while3A_375 = %broadcast_in_dim3A_237, %while3A_376 = %broadcast_in_dim3A_239, %while3A_377 = %broadcast_in_dim3A_241, %while3A_378 = %broadcast_in_dim3A_243, %while3A_379 = %broadcast_in_dim3A_245, %while3A_380 = %broadcast_in_dim3A_247) -> (vector<16xf32>, vector<16xf32>, vector<16xf32>, vector<16xf32>, vector<16xf32>, vector<16xf32>, vector<16xf32>, vector<16xf32>)  : i32 {
              %get3A_381 = arith.constant 0 : i32
              %get3A_382 = arith.index_cast %get3A_381 : i32 to index
              %get3A_383 = arith.index_cast %while3A_372 : i32 to index
              %get3A_384 = arith.constant 0 : index
              %get3A_385 = tpu.vector_load %arg7[%get3A_382, %get3A_383, %get3A_384] {strides = array<i32>} : memref<3x256x128xf32, #tpu.memory_space<vmem>>, vector<1x1x16xf32>,
              %get3A_386 = vector.shape_cast %get3A_385 : vector<1x1x16xf32> to vector<16xf32>
              %add3A_387 = arith.addf %while3A_373, %get3A_386 : vector<16xf32>
              %get3A_388 = arith.constant 0 : i32
              %get3A_389 = arith.index_cast %get3A_388 : i32 to index
              %get3A_390 = arith.index_cast %while3A_372 : i32 to index
              %get3A_391 = arith.constant 16 : index
              %get3A_392 = tpu.vector_load %arg7[%get3A_389, %get3A_390, %get3A_391] {strides = array<i32>} : memref<3x256x128xf32, #tpu.memory_space<vmem>>, vector<1x1x16xf32>,
              %get3A_393 = vector.shape_cast %get3A_392 : vector<1x1x16xf32> to vector<16xf32>
              %add3A_394 = arith.addf %while3A_374, %get3A_393 : vector<16xf32>
              %get3A_395 = arith.constant 0 : i32
              %get3A_396 = arith.index_cast %get3A_395 : i32 to index
              %get3A_397 = arith.index_cast %while3A_372 : i32 to index
              %get3A_398 = arith.constant 32 : index
              %get3A_399 = tpu.vector_load %arg7[%get3A_396, %get3A_397, %get3A_398] {strides = array<i32>} : memref<3x256x128xf32, #tpu.memory_space<vmem>>, vector<1x1x16xf32>,
              %get3A_400 = vector.shape_cast %get3A_399 : vector<1x1x16xf32> to vector<16xf32>
              %add3A_401 = arith.addf %while3A_375, %get3A_400 : vector<16xf32>
              %get3A_402 = arith.constant 0 : i32
              %get3A_403 = arith.index_cast %get3A_402 : i32 to index
              %get3A_404 = arith.index_cast %while3A_372 : i32 to index
              %get3A_405 = arith.constant 48 : index
              %get3A_406 = tpu.vector_load %arg7[%get3A_403, %get3A_404, %get3A_405] {strides = array<i32>} : memref<3x256x128xf32, #tpu.memory_space<vmem>>, vector<1x1x16xf32>,
              %get3A_407 = vector.shape_cast %get3A_406 : vector<1x1x16xf32> to vector<16xf32>
              %add3A_408 = arith.addf %while3A_376, %get3A_407 : vector<16xf32>
              %get3A_409 = arith.constant 0 : i32
              %get3A_410 = arith.index_cast %get3A_409 : i32 to index
              %get3A_411 = arith.index_cast %while3A_372 : i32 to index
              %get3A_412 = arith.constant 64 : index
              %get3A_413 = tpu.vector_load %arg7[%get3A_410, %get3A_411, %get3A_412] {strides = array<i32>} : memref<3x256x128xf32, #tpu.memory_space<vmem>>, vector<1x1x16xf32>,
              %get3A_414 = vector.shape_cast %get3A_413 : vector<1x1x16xf32> to vector<16xf32>
              %add3A_415 = arith.addf %while3A_377, %get3A_414 : vector<16xf32>
              %get3A_416 = arith.constant 0 : i32
              %get3A_417 = arith.index_cast %get3A_416 : i32 to index
              %get3A_418 = arith.index_cast %while3A_372 : i32 to index
              %get3A_419 = arith.constant 80 : index
              %get3A_420 = tpu.vector_load %arg7[%get3A_417, %get3A_418, %get3A_419] {strides = array<i32>} : memref<3x256x128xf32, #tpu.memory_space<vmem>>, vector<1x1x16xf32>,
              %get3A_421 = vector.shape_cast %get3A_420 : vector<1x1x16xf32> to vector<16xf32>
              %add3A_422 = arith.addf %while3A_378, %get3A_421 : vector<16xf32>
              %get3A_423 = arith.constant 0 : i32
              %get3A_424 = arith.index_cast %get3A_423 : i32 to index
              %get3A_425 = arith.index_cast %while3A_372 : i32 to index
              %get3A_426 = arith.constant 96 : index
              %get3A_427 = tpu.vector_load %arg7[%get3A_424, %get3A_425, %get3A_426] {strides = array<i32>} : memref<3x256x128xf32, #tpu.memory_space<vmem>>, vector<1x1x16xf32>,
              %get3A_428 = vector.shape_cast %get3A_427 : vector<1x1x16xf32> to vector<16xf32>
              %add3A_429 = arith.addf %while3A_379, %get3A_428 : vector<16xf32>
              %get3A_430 = arith.constant 0 : i32
              %get3A_431 = arith.index_cast %get3A_430 : i32 to index
              %get3A_432 = arith.index_cast %while3A_372 : i32 to index
              %get3A_433 = arith.constant 112 : index
              %get3A_434 = tpu.vector_load %arg7[%get3A_431, %get3A_432, %get3A_433] {strides = array<i32>} : memref<3x256x128xf32, #tpu.memory_space<vmem>>, vector<1x1x16xf32>,
              %get3A_435 = vector.shape_cast %get3A_434 : vector<1x1x16xf32> to vector<16xf32>
              %add3A_436 = arith.addf %while3A_380, %get3A_435 : vector<16xf32>
              scf.yield %add3A_387, %add3A_394, %add3A_401, %add3A_408, %add3A_415, %add3A_422, %add3A_429, %add3A_436 : vector<16xf32>, vector<16xf32>, vector<16xf32>, vector<16xf32>, vector<16xf32>, vector<16xf32>, vector<16xf32>, vector<16xf32>
            }
            %while3A_290 = arith.constant 1 : i32
            %while3A_291:8 = scf.for %while3A_372 = %while3A_287 to %while3A_283 step %while3A_290 iter_args(%while3A_373 = %while3A_289#0, %while3A_374 = %while3A_289#1, %while3A_375 = %while3A_289#2, %while3A_376 = %while3A_289#3, %while3A_377 = %while3A_289#4, %while3A_378 = %while3A_289#5, %while3A_379 = %while3A_289#6, %while3A_380 = %while3A_289#7) -> (vector<16xf32>, vector<16xf32>, vector<16xf32>, vector<16xf32>, vector<16xf32>, vector<16xf32>, vector<16xf32>, vector<16xf32>)  : i32 {
              %get3A_381 = arith.constant 0 : i32
              %get3A_382 = arith.index_cast %get3A_381 : i32 to index
              %get3A_383 = arith.index_cast %while3A_372 : i32 to index
              %get3A_384 = arith.constant 0 : index
              %get3A_385 = tpu.vector_load %arg7[%get3A_382, %get3A_383, %get3A_384] {strides = array<i32>} : memref<3x256x128xf32, #tpu.memory_space<vmem>>, vector<1x1x16xf32>,
              %get3A_386 = vector.shape_cast %get3A_385 : vector<1x1x16xf32> to vector<16xf32>
              %add3A_387 = arith.addf %while3A_373, %get3A_386 : vector<16xf32>
              %get3A_388 = arith.constant 0 : i32
              %get3A_389 = arith.index_cast %get3A_388 : i32 to index
              %get3A_390 = arith.index_cast %while3A_372 : i32 to index
              %get3A_391 = arith.constant 16 : index
              %get3A_392 = tpu.vector_load %arg7[%get3A_389, %get3A_390, %get3A_391] {strides = array<i32>} : memref<3x256x128xf32, #tpu.memory_space<vmem>>, vector<1x1x16xf32>,
              %get3A_393 = vector.shape_cast %get3A_392 : vector<1x1x16xf32> to vector<16xf32>
              %add3A_394 = arith.addf %while3A_374, %get3A_393 : vector<16xf32>
              %get3A_395 = arith.constant 0 : i32
              %get3A_396 = arith.index_cast %get3A_395 : i32 to index
              %get3A_397 = arith.index_cast %while3A_372 : i32 to index
              %get3A_398 = arith.constant 32 : index
              %get3A_399 = tpu.vector_load %arg7[%get3A_396, %get3A_397, %get3A_398] {strides = array<i32>} : memref<3x256x128xf32, #tpu.memory_space<vmem>>, vector<1x1x16xf32>,
              %get3A_400 = vector.shape_cast %get3A_399 : vector<1x1x16xf32> to vector<16xf32>
              %add3A_401 = arith.addf %while3A_375, %get3A_400 : vector<16xf32>
              %get3A_402 = arith.constant 0 : i32
              %get3A_403 = arith.index_cast %get3A_402 : i32 to index
              %get3A_404 = arith.index_cast %while3A_372 : i32 to index
              %get3A_405 = arith.constant 48 : index
              %get3A_406 = tpu.vector_load %arg7[%get3A_403, %get3A_404, %get3A_405] {strides = array<i32>} : memref<3x256x128xf32, #tpu.memory_space<vmem>>, vector<1x1x16xf32>,
              %get3A_407 = vector.shape_cast %get3A_406 : vector<1x1x16xf32> to vector<16xf32>
              %add3A_408 = arith.addf %while3A_376, %get3A_407 : vector<16xf32>
              %get3A_409 = arith.constant 0 : i32
              %get3A_410 = arith.index_cast %get3A_409 : i32 to index
              %get3A_411 = arith.index_cast %while3A_372 : i32 to index
              %get3A_412 = arith.constant 64 : index
              %get3A_413 = tpu.vector_load %arg7[%get3A_410, %get3A_411, %get3A_412] {strides = array<i32>} : memref<3x256x128xf32, #tpu.memory_space<vmem>>, vector<1x1x16xf32>,
              %get3A_414 = vector.shape_cast %get3A_413 : vector<1x1x16xf32> to vector<16xf32>
              %add3A_415 = arith.addf %while3A_377, %get3A_414 : vector<16xf32>
              %get3A_416 = arith.constant 0 : i32
              %get3A_417 = arith.index_cast %get3A_416 : i32 to index
              %get3A_418 = arith.index_cast %while3A_372 : i32 to index
              %get3A_419 = arith.constant 80 : index
              %get3A_420 = tpu.vector_load %arg7[%get3A_417, %get3A_418, %get3A_419] {strides = array<i32>} : memref<3x256x128xf32, #tpu.memory_space<vmem>>, vector<1x1x16xf32>,
              %get3A_421 = vector.shape_cast %get3A_420 : vector<1x1x16xf32> to vector<16xf32>
              %add3A_422 = arith.addf %while3A_378, %get3A_421 : vector<16xf32>
              %get3A_423 = arith.constant 0 : i32
              %get3A_424 = arith.index_cast %get3A_423 : i32 to index
              %get3A_425 = arith.index_cast %while3A_372 : i32 to index
              %get3A_426 = arith.constant 96 : index
              %get3A_427 = tpu.vector_load %arg7[%get3A_424, %get3A_425, %get3A_426] {strides = array<i32>} : memref<3x256x128xf32, #tpu.memory_space<vmem>>, vector<1x1x16xf32>,
              %get3A_428 = vector.shape_cast %get3A_427 : vector<1x1x16xf32> to vector<16xf32>
              %add3A_429 = arith.addf %while3A_379, %get3A_428 : vector<16xf32>
              %get3A_430 = arith.constant 0 : i32
              %get3A_431 = arith.index_cast %get3A_430 : i32 to index
              %get3A_432 = arith.index_cast %while3A_372 : i32 to index
              %get3A_433 = arith.constant 112 : index
              %get3A_434 = tpu.vector_load %arg7[%get3A_431, %get3A_432, %get3A_433] {strides = array<i32>} : memref<3x256x128xf32, #tpu.memory_space<vmem>>, vector<1x1x16xf32>,
              %get3A_435 = vector.shape_cast %get3A_434 : vector<1x1x16xf32> to vector<16xf32>
              %add3A_436 = arith.addf %while3A_380, %get3A_435 : vector<16xf32>
              scf.yield %add3A_387, %add3A_394, %add3A_401, %add3A_408, %add3A_415, %add3A_422, %add3A_429, %add3A_436 : vector<16xf32>, vector<16xf32>, vector<16xf32>, vector<16xf32>, vector<16xf32>, vector<16xf32>, vector<16xf32>, vector<16xf32>
            }
            %get3A_292 = arith.index_cast %add3A_271 : i32 to index
            %get3A_293 = arith.constant 0 : index
            %get3A_294 = tpu.vector_load %arg14[%get3A_292, %get3A_293] {strides = array<i32>} : memref<64x128xf32, #tpu.memory_space<vmem>>, vector<1x16xf32>,
            %get3A_295 = vector.shape_cast %get3A_294 : vector<1x16xf32> to vector<16xf32>
            %add3A_296 = arith.addf %get3A_295, %while3A_291#0 : vector<16xf32>
            %swap3A_297 = arith.index_cast %add3A_271 : i32 to index
            %swap3A_298 = arith.constant 0 : index
            %swap3A_299 = tpu.vector_load %arg14[%swap3A_297, %swap3A_298] {strides = array<i32>} : memref<64x128xf32, #tpu.memory_space<vmem>>, vector<1x16xf32>,
            %swap3A_300 = vector.shape_cast %swap3A_299 : vector<1x16xf32> to vector<16xf32>
            %swap3A_301 = vector.shape_cast %add3A_296 : vector<16xf32> to vector<1x16xf32>
            tpu.vector_store %arg14[%swap3A_297, %swap3A_298], %swap3A_301 {strides = array<i32>} : memref<64x128xf32, #tpu.memory_space<vmem>>, vector<1x16xf32>,
            %get3A_302 = arith.index_cast %add3A_271 : i32 to index
            %get3A_303 = arith.constant 16 : index
            %get3A_304 = tpu.vector_load %arg14[%get3A_302, %get3A_303] {strides = array<i32>} : memref<64x128xf32, #tpu.memory_space<vmem>>, vector<1x16xf32>,
            %get3A_305 = vector.shape_cast %get3A_304 : vector<1x16xf32> to vector<16xf32>
            %add3A_306 = arith.addf %get3A_305, %while3A_291#1 : vector<16xf32>
            %swap3A_307 = arith.index_cast %add3A_271 : i32 to index
            %swap3A_308 = arith.constant 16 : index
            %swap3A_309 = tpu.vector_load %arg14[%swap3A_307, %swap3A_308] {strides = array<i32>} : memref<64x128xf32, #tpu.memory_space<vmem>>, vector<1x16xf32>,
            %swap3A_310 = vector.shape_cast %swap3A_309 : vector<1x16xf32> to vector<16xf32>
            %swap3A_311 = vector.shape_cast %add3A_306 : vector<16xf32> to vector<1x16xf32>
            tpu.vector_store %arg14[%swap3A_307, %swap3A_308], %swap3A_311 {strides = array<i32>} : memref<64x128xf32, #tpu.memory_space<vmem>>, vector<1x16xf32>,
            %get3A_312 = arith.index_cast %add3A_271 : i32 to index
            %get3A_313 = arith.constant 32 : index
            %get3A_314 = tpu.vector_load %arg14[%get3A_312, %get3A_313] {strides = array<i32>} : memref<64x128xf32, #tpu.memory_space<vmem>>, vector<1x16xf32>,
            %get3A_315 = vector.shape_cast %get3A_314 : vector<1x16xf32> to vector<16xf32>
            %add3A_316 = arith.addf %get3A_315, %while3A_291#2 : vector<16xf32>
            %swap3A_317 = arith.index_cast %add3A_271 : i32 to index
            %swap3A_318 = arith.constant 32 : index
            %swap3A_319 = tpu.vector_load %arg14[%swap3A_317, %swap3A_318] {strides = array<i32>} : memref<64x128xf32, #tpu.memory_space<vmem>>, vector<1x16xf32>,
            %swap3A_320 = vector.shape_cast %swap3A_319 : vector<1x16xf32> to vector<16xf32>
            %swap3A_321 = vector.shape_cast %add3A_316 : vector<16xf32> to vector<1x16xf32>
            tpu.vector_store %arg14[%swap3A_317, %swap3A_318], %swap3A_321 {strides = array<i32>} : memref<64x128xf32, #tpu.memory_space<vmem>>, vector<1x16xf32>,
            %get3A_322 = arith.index_cast %add3A_271 : i32 to index
            %get3A_323 = arith.constant 48 : index
            %get3A_324 = tpu.vector_load %arg14[%get3A_322, %get3A_323] {strides = array<i32>} : memref<64x128xf32, #tpu.memory_space<vmem>>, vector<1x16xf32>,
            %get3A_325 = vector.shape_cast %get3A_324 : vector<1x16xf32> to vector<16xf32>
            %add3A_326 = arith.addf %get3A_325, %while3A_291#3 : vector<16xf32>
            %swap3A_327 = arith.index_cast %add3A_271 : i32 to index
            %swap3A_328 = arith.constant 48 : index
            %swap3A_329 = tpu.vector_load %arg14[%swap3A_327, %swap3A_328] {strides = array<i32>} : memref<64x128xf32, #tpu.memory_space<vmem>>, vector<1x16xf32>,
            %swap3A_330 = vector.shape_cast %swap3A_329 : vector<1x16xf32> to vector<16xf32>
            %swap3A_331 = vector.shape_cast %add3A_326 : vector<16xf32> to vector<1x16xf32>
            tpu.vector_store %arg14[%swap3A_327, %swap3A_328], %swap3A_331 {strides = array<i32>} : memref<64x128xf32, #tpu.memory_space<vmem>>, vector<1x16xf32>,
            %get3A_332 = arith.index_cast %add3A_271 : i32 to index
            %get3A_333 = arith.constant 64 : index
            %get3A_334 = tpu.vector_load %arg14[%get3A_332, %get3A_333] {strides = array<i32>} : memref<64x128xf32, #tpu.memory_space<vmem>>, vector<1x16xf32>,
            %get3A_335 = vector.shape_cast %get3A_334 : vector<1x16xf32> to vector<16xf32>
            %add3A_336 = arith.addf %get3A_335, %while3A_291#4 : vector<16xf32>
            %swap3A_337 = arith.index_cast %add3A_271 : i32 to index
            %swap3A_338 = arith.constant 64 : index
            %swap3A_339 = tpu.vector_load %arg14[%swap3A_337, %swap3A_338] {strides = array<i32>} : memref<64x128xf32, #tpu.memory_space<vmem>>, vector<1x16xf32>,
            %swap3A_340 = vector.shape_cast %swap3A_339 : vector<1x16xf32> to vector<16xf32>
            %swap3A_341 = vector.shape_cast %add3A_336 : vector<16xf32> to vector<1x16xf32>
            tpu.vector_store %arg14[%swap3A_337, %swap3A_338], %swap3A_341 {strides = array<i32>} : memref<64x128xf32, #tpu.memory_space<vmem>>, vector<1x16xf32>,
            %get3A_342 = arith.index_cast %add3A_271 : i32 to index
            %get3A_343 = arith.constant 80 : index
            %get3A_344 = tpu.vector_load %arg14[%get3A_342, %get3A_343] {strides = array<i32>} : memref<64x128xf32, #tpu.memory_space<vmem>>, vector<1x16xf32>,
            %get3A_345 = vector.shape_cast %get3A_344 : vector<1x16xf32> to vector<16xf32>
            %add3A_346 = arith.addf %get3A_345, %while3A_291#5 : vector<16xf32>
            %swap3A_347 = arith.index_cast %add3A_271 : i32 to index
            %swap3A_348 = arith.constant 80 : index
            %swap3A_349 = tpu.vector_load %arg14[%swap3A_347, %swap3A_348] {strides = array<i32>} : memref<64x128xf32, #tpu.memory_space<vmem>>, vector<1x16xf32>,
            %swap3A_350 = vector.shape_cast %swap3A_349 : vector<1x16xf32> to vector<16xf32>
            %swap3A_351 = vector.shape_cast %add3A_346 : vector<16xf32> to vector<1x16xf32>
            tpu.vector_store %arg14[%swap3A_347, %swap3A_348], %swap3A_351 {strides = array<i32>} : memref<64x128xf32, #tpu.memory_space<vmem>>, vector<1x16xf32>,
            %get3A_352 = arith.index_cast %add3A_271 : i32 to index
            %get3A_353 = arith.constant 96 : index
            %get3A_354 = tpu.vector_load %arg14[%get3A_352, %get3A_353] {strides = array<i32>} : memref<64x128xf32, #tpu.memory_space<vmem>>, vector<1x16xf32>,
            %get3A_355 = vector.shape_cast %get3A_354 : vector<1x16xf32> to vector<16xf32>
            %add3A_356 = arith.addf %get3A_355, %while3A_291#6 : vector<16xf32>
            %swap3A_357 = arith.index_cast %add3A_271 : i32 to index
            %swap3A_358 = arith.constant 96 : index
            %swap3A_359 = tpu.vector_load %arg14[%swap3A_357, %swap3A_358] {strides = array<i32>} : memref<64x128xf32, #tpu.memory_space<vmem>>, vector<1x16xf32>,
            %swap3A_360 = vector.shape_cast %swap3A_359 : vector<1x16xf32> to vector<16xf32>
            %swap3A_361 = vector.shape_cast %add3A_356 : vector<16xf32> to vector<1x16xf32>
            tpu.vector_store %arg14[%swap3A_357, %swap3A_358], %swap3A_361 {strides = array<i32>} : memref<64x128xf32, #tpu.memory_space<vmem>>, vector<1x16xf32>,
            %get3A_362 = arith.index_cast %add3A_271 : i32 to index
            %get3A_363 = arith.constant 112 : index
            %get3A_364 = tpu.vector_load %arg14[%get3A_362, %get3A_363] {strides = array<i32>} : memref<64x128xf32, #tpu.memory_space<vmem>>, vector<1x16xf32>,
            %get3A_365 = vector.shape_cast %get3A_364 : vector<1x16xf32> to vector<16xf32>
            %add3A_366 = arith.addf %get3A_365, %while3A_291#7 : vector<16xf32>
            %swap3A_367 = arith.index_cast %add3A_271 : i32 to index
            %swap3A_368 = arith.constant 112 : index
            %swap3A_369 = tpu.vector_load %arg14[%swap3A_367, %swap3A_368] {strides = array<i32>} : memref<64x128xf32, #tpu.memory_space<vmem>>, vector<1x16xf32>,
            %swap3A_370 = vector.shape_cast %swap3A_369 : vector<1x16xf32> to vector<16xf32>
            %swap3A_371 = vector.shape_cast %add3A_366 : vector<16xf32> to vector<1x16xf32>
            tpu.vector_store %arg14[%swap3A_367, %swap3A_368], %swap3A_371 {strides = array<i32>} : memref<64x128xf32, #tpu.memory_space<vmem>>, vector<1x16xf32>,
            scf.yield %scan3A_280#1 : i32
          }
          %while3A_267 = arith.constant 1 : i32
          %while3A_268 = scf.for %while3A_269 = %while3A_264 to %while3A_260 step %while3A_267 iter_args(%while3A_270 = %while3A_266) -> (i32)  : i32 {
            %add3A_271 = arith.addi %squeeze3A, %while3A_269 : i32
            %add3A_272 = arith.constant 1 : i32
            %add3A_273 = arith.addi %add3A_271, %add3A_272 : i32
            %scan3A_274 = arith.constant 0 : i32
            %scan3A_275 = arith.constant 256 : i32
            %scan3A_276 = arith.constant 0 : i32
            %scan3A_277 = arith.constant 8 : i32
            %scan3A_278 = arith.addi %scan3A_276, %scan3A_277 : i32
            %scan3A_279 = arith.constant 1 : i32
            %scan3A_280:2 = scf.for %scan3A_372 = %scan3A_276 to %scan3A_278 step %scan3A_279 iter_args(%scan3A_373 = %scan3A_274, %scan3A_374 = %scan3A_275) -> (i32, i32)  : i32 {
              %add3A_375 = arith.addi %scan3A_373, %scan3A_374 : i32
              %jit3A_376 = arith.constant 2 : i32
              %div3A = arith.divsi %add3A_375, %jit3A_376 : i32
              %sign3A = arith.constant 0 : i32
              %sign3A_377 = arith.cmpi sgt, %add3A_375, %sign3A : i32
              %sign3A_378 = arith.extui %sign3A_377 : i1 to i32
              %sign3A_379 = arith.constant 0 : i32
              %sign3A_380 = arith.cmpi slt, %add3A_375, %sign3A_379 : i32
              %sign3A_381 = arith.extui %sign3A_380 : i1 to i32
              %sign3A_382 = arith.subi %sign3A_378, %sign3A_381 : i32
              %sign3A_383 = arith.constant 0 : i32
              %sign3A_384 = arith.cmpi sgt, %jit3A_376, %sign3A_383 : i32
              %sign3A_385 = arith.extui %sign3A_384 : i1 to i32
              %sign3A_386 = arith.constant 0 : i32
              %sign3A_387 = arith.cmpi slt, %jit3A_376, %sign3A_386 : i32
              %sign3A_388 = arith.extui %sign3A_387 : i1 to i32
              %sign3A_389 = arith.subi %sign3A_385, %sign3A_388 : i32
              %ne3A_390 = arith.cmpi ne, %sign3A_382, %sign3A_389 : i32
              %rem3A = arith.remsi %add3A_375, %jit3A_376 : i32
              %ne3A_391 = arith.constant 0 : i32
              %ne3A_392 = arith.cmpi ne, %rem3A, %ne3A_391 : i32
              %and3A = arith.andi %ne3A_390, %ne3A_392 : i1
              %sub3A_393 = arith.constant 1 : i32
              %sub3A_394 = arith.subi %div3A, %sub3A_393 : i32
              %select_n3A_395 = arith.select %and3A, %sub3A_394, %div3A : i32
              %get3A_396 = arith.index_cast %select_n3A_395 : i32 to index
              %get3A_397 = tpu.vector_load %arg8[%get3A_396] {strides = array<i32>} : memref<272xi32, #tpu.memory_space<vmem>>, vector<16xi32>,
              %get3A_398 = vector.shape_cast %get3A_397 : vector<16xi32> to vector<16xi32>
              %slice3A_399 = vector.extract_strided_slice %get3A_398 {offsets = [0], sizes = [1], strides = [1]} : vector<16xi32> to vector<1xi32>
              %squeeze3A_400 = vector.extract %slice3A_399[0] : i32 from vector<1xi32>
              %lt3A_401 = arith.cmpi slt, %squeeze3A_400, %add3A_273 : i32
              %add3A_402 = arith.constant 1 : i32
              %add3A_403 = arith.addi %select_n3A_395, %add3A_402 : i32
              %select_n3A_404 = arith.select %lt3A_401, %add3A_403, %scan3A_373 : i32
              %select_n3A_405 = arith.select %lt3A_401, %scan3A_374, %select_n3A_395 : i32
              scf.yield %select_n3A_404, %select_n3A_405 : i32, i32
            }
            %scan3A_281 = arith.constant 8 : i32
            %while3A_282 = arith.subi %scan3A_280#1, %while3A_270 : i32
            %while3A_283 = arith.addi %while3A_270, %while3A_282 : i32
            %while3A_284 = arith.constant 1 : i32
            %while3A_285 = arith.divsi %while3A_282, %while3A_284 : i32
            %while3A_286 = arith.muli %while3A_285, %while3A_284 : i32
            %while3A_287 = arith.addi %while3A_270, %while3A_286 : i32
            %while3A_288 = arith.constant 1 : i32
            %while3A_289:8 = scf.for %while3A_372 = %while3A_270 to %while3A_287 step %while3A_288 iter_args(%while3A_373 = %broadcast_in_dim3A_233, %while3A_374 = %broadcast_in_dim3A_235, %while3A_375 = %broadcast_in_dim3A_237, %while3A_376 = %broadcast_in_dim3A_239, %while3A_377 = %broadcast_in_dim3A_241, %while3A_378 = %broadcast_in_dim3A_243, %while3A_379 = %broadcast_in_dim3A_245, %while3A_380 = %broadcast_in_dim3A_247) -> (vector<16xf32>, vector<16xf32>, vector<16xf32>, vector<16xf32>, vector<16xf32>, vector<16xf32>, vector<16xf32>, vector<16xf32>)  : i32 {
              %get3A_381 = arith.constant 0 : i32
              %get3A_382 = arith.index_cast %get3A_381 : i32 to index
              %get3A_383 = arith.index_cast %while3A_372 : i32 to index
              %get3A_384 = arith.constant 0 : index
              %get3A_385 = tpu.vector_load %arg7[%get3A_382, %get3A_383, %get3A_384] {strides = array<i32>} : memref<3x256x128xf32, #tpu.memory_space<vmem>>, vector<1x1x16xf32>,
              %get3A_386 = vector.shape_cast %get3A_385 : vector<1x1x16xf32> to vector<16xf32>
              %add3A_387 = arith.addf %while3A_373, %get3A_386 : vector<16xf32>
              %get3A_388 = arith.constant 0 : i32
              %get3A_389 = arith.index_cast %get3A_388 : i32 to index
              %get3A_390 = arith.index_cast %while3A_372 : i32 to index
              %get3A_391 = arith.constant 16 : index
              %get3A_392 = tpu.vector_load %arg7[%get3A_389, %get3A_390, %get3A_391] {strides = array<i32>} : memref<3x256x128xf32, #tpu.memory_space<vmem>>, vector<1x1x16xf32>,
              %get3A_393 = vector.shape_cast %get3A_392 : vector<1x1x16xf32> to vector<16xf32>
              %add3A_394 = arith.addf %while3A_374, %get3A_393 : vector<16xf32>
              %get3A_395 = arith.constant 0 : i32
              %get3A_396 = arith.index_cast %get3A_395 : i32 to index
              %get3A_397 = arith.index_cast %while3A_372 : i32 to index
              %get3A_398 = arith.constant 32 : index
              %get3A_399 = tpu.vector_load %arg7[%get3A_396, %get3A_397, %get3A_398] {strides = array<i32>} : memref<3x256x128xf32, #tpu.memory_space<vmem>>, vector<1x1x16xf32>,
              %get3A_400 = vector.shape_cast %get3A_399 : vector<1x1x16xf32> to vector<16xf32>
              %add3A_401 = arith.addf %while3A_375, %get3A_400 : vector<16xf32>
              %get3A_402 = arith.constant 0 : i32
              %get3A_403 = arith.index_cast %get3A_402 : i32 to index
              %get3A_404 = arith.index_cast %while3A_372 : i32 to index
              %get3A_405 = arith.constant 48 : index
              %get3A_406 = tpu.vector_load %arg7[%get3A_403, %get3A_404, %get3A_405] {strides = array<i32>} : memref<3x256x128xf32, #tpu.memory_space<vmem>>, vector<1x1x16xf32>,
              %get3A_407 = vector.shape_cast %get3A_406 : vector<1x1x16xf32> to vector<16xf32>
              %add3A_408 = arith.addf %while3A_376, %get3A_407 : vector<16xf32>
              %get3A_409 = arith.constant 0 : i32
              %get3A_410 = arith.index_cast %get3A_409 : i32 to index
              %get3A_411 = arith.index_cast %while3A_372 : i32 to index
              %get3A_412 = arith.constant 64 : index
              %get3A_413 = tpu.vector_load %arg7[%get3A_410, %get3A_411, %get3A_412] {strides = array<i32>} : memref<3x256x128xf32, #tpu.memory_space<vmem>>, vector<1x1x16xf32>,
              %get3A_414 = vector.shape_cast %get3A_413 : vector<1x1x16xf32> to vector<16xf32>
              %add3A_415 = arith.addf %while3A_377, %get3A_414 : vector<16xf32>
              %get3A_416 = arith.constant 0 : i32
              %get3A_417 = arith.index_cast %get3A_416 : i32 to index
              %get3A_418 = arith.index_cast %while3A_372 : i32 to index
              %get3A_419 = arith.constant 80 : index
              %get3A_420 = tpu.vector_load %arg7[%get3A_417, %get3A_418, %get3A_419] {strides = array<i32>} : memref<3x256x128xf32, #tpu.memory_space<vmem>>, vector<1x1x16xf32>,
              %get3A_421 = vector.shape_cast %get3A_420 : vector<1x1x16xf32> to vector<16xf32>
              %add3A_422 = arith.addf %while3A_378, %get3A_421 : vector<16xf32>
              %get3A_423 = arith.constant 0 : i32
              %get3A_424 = arith.index_cast %get3A_423 : i32 to index
              %get3A_425 = arith.index_cast %while3A_372 : i32 to index
              %get3A_426 = arith.constant 96 : index
              %get3A_427 = tpu.vector_load %arg7[%get3A_424, %get3A_425, %get3A_426] {strides = array<i32>} : memref<3x256x128xf32, #tpu.memory_space<vmem>>, vector<1x1x16xf32>,
              %get3A_428 = vector.shape_cast %get3A_427 : vector<1x1x16xf32> to vector<16xf32>
              %add3A_429 = arith.addf %while3A_379, %get3A_428 : vector<16xf32>
              %get3A_430 = arith.constant 0 : i32
              %get3A_431 = arith.index_cast %get3A_430 : i32 to index
              %get3A_432 = arith.index_cast %while3A_372 : i32 to index
              %get3A_433 = arith.constant 112 : index
              %get3A_434 = tpu.vector_load %arg7[%get3A_431, %get3A_432, %get3A_433] {strides = array<i32>} : memref<3x256x128xf32, #tpu.memory_space<vmem>>, vector<1x1x16xf32>,
              %get3A_435 = vector.shape_cast %get3A_434 : vector<1x1x16xf32> to vector<16xf32>
              %add3A_436 = arith.addf %while3A_380, %get3A_435 : vector<16xf32>
              scf.yield %add3A_387, %add3A_394, %add3A_401, %add3A_408, %add3A_415, %add3A_422, %add3A_429, %add3A_436 : vector<16xf32>, vector<16xf32>, vector<16xf32>, vector<16xf32>, vector<16xf32>, vector<16xf32>, vector<16xf32>, vector<16xf32>
            }
            %while3A_290 = arith.constant 1 : i32
            %while3A_291:8 = scf.for %while3A_372 = %while3A_287 to %while3A_283 step %while3A_290 iter_args(%while3A_373 = %while3A_289#0, %while3A_374 = %while3A_289#1, %while3A_375 = %while3A_289#2, %while3A_376 = %while3A_289#3, %while3A_377 = %while3A_289#4, %while3A_378 = %while3A_289#5, %while3A_379 = %while3A_289#6, %while3A_380 = %while3A_289#7) -> (vector<16xf32>, vector<16xf32>, vector<16xf32>, vector<16xf32>, vector<16xf32>, vector<16xf32>, vector<16xf32>, vector<16xf32>)  : i32 {
              %get3A_381 = arith.constant 0 : i32
              %get3A_382 = arith.index_cast %get3A_381 : i32 to index
              %get3A_383 = arith.index_cast %while3A_372 : i32 to index
              %get3A_384 = arith.constant 0 : index
              %get3A_385 = tpu.vector_load %arg7[%get3A_382, %get3A_383, %get3A_384] {strides = array<i32>} : memref<3x256x128xf32, #tpu.memory_space<vmem>>, vector<1x1x16xf32>,
              %get3A_386 = vector.shape_cast %get3A_385 : vector<1x1x16xf32> to vector<16xf32>
              %add3A_387 = arith.addf %while3A_373, %get3A_386 : vector<16xf32>
              %get3A_388 = arith.constant 0 : i32
              %get3A_389 = arith.index_cast %get3A_388 : i32 to index
              %get3A_390 = arith.index_cast %while3A_372 : i32 to index
              %get3A_391 = arith.constant 16 : index
              %get3A_392 = tpu.vector_load %arg7[%get3A_389, %get3A_390, %get3A_391] {strides = array<i32>} : memref<3x256x128xf32, #tpu.memory_space<vmem>>, vector<1x1x16xf32>,
              %get3A_393 = vector.shape_cast %get3A_392 : vector<1x1x16xf32> to vector<16xf32>
              %add3A_394 = arith.addf %while3A_374, %get3A_393 : vector<16xf32>
              %get3A_395 = arith.constant 0 : i32
              %get3A_396 = arith.index_cast %get3A_395 : i32 to index
              %get3A_397 = arith.index_cast %while3A_372 : i32 to index
              %get3A_398 = arith.constant 32 : index
              %get3A_399 = tpu.vector_load %arg7[%get3A_396, %get3A_397, %get3A_398] {strides = array<i32>} : memref<3x256x128xf32, #tpu.memory_space<vmem>>, vector<1x1x16xf32>,
              %get3A_400 = vector.shape_cast %get3A_399 : vector<1x1x16xf32> to vector<16xf32>
              %add3A_401 = arith.addf %while3A_375, %get3A_400 : vector<16xf32>
              %get3A_402 = arith.constant 0 : i32
              %get3A_403 = arith.index_cast %get3A_402 : i32 to index
              %get3A_404 = arith.index_cast %while3A_372 : i32 to index
              %get3A_405 = arith.constant 48 : index
              %get3A_406 = tpu.vector_load %arg7[%get3A_403, %get3A_404, %get3A_405] {strides = array<i32>} : memref<3x256x128xf32, #tpu.memory_space<vmem>>, vector<1x1x16xf32>,
              %get3A_407 = vector.shape_cast %get3A_406 : vector<1x1x16xf32> to vector<16xf32>
              %add3A_408 = arith.addf %while3A_376, %get3A_407 : vector<16xf32>
              %get3A_409 = arith.constant 0 : i32
              %get3A_410 = arith.index_cast %get3A_409 : i32 to index
              %get3A_411 = arith.index_cast %while3A_372 : i32 to index
              %get3A_412 = arith.constant 64 : index
              %get3A_413 = tpu.vector_load %arg7[%get3A_410, %get3A_411, %get3A_412] {strides = array<i32>} : memref<3x256x128xf32, #tpu.memory_space<vmem>>, vector<1x1x16xf32>,
              %get3A_414 = vector.shape_cast %get3A_413 : vector<1x1x16xf32> to vector<16xf32>
              %add3A_415 = arith.addf %while3A_377, %get3A_414 : vector<16xf32>
              %get3A_416 = arith.constant 0 : i32
              %get3A_417 = arith.index_cast %get3A_416 : i32 to index
              %get3A_418 = arith.index_cast %while3A_372 : i32 to index
              %get3A_419 = arith.constant 80 : index
              %get3A_420 = tpu.vector_load %arg7[%get3A_417, %get3A_418, %get3A_419] {strides = array<i32>} : memref<3x256x128xf32, #tpu.memory_space<vmem>>, vector<1x1x16xf32>,
              %get3A_421 = vector.shape_cast %get3A_420 : vector<1x1x16xf32> to vector<16xf32>
              %add3A_422 = arith.addf %while3A_378, %get3A_421 : vector<16xf32>
              %get3A_423 = arith.constant 0 : i32
              %get3A_424 = arith.index_cast %get3A_423 : i32 to index
              %get3A_425 = arith.index_cast %while3A_372 : i32 to index
              %get3A_426 = arith.constant 96 : index
              %get3A_427 = tpu.vector_load %arg7[%get3A_424, %get3A_425, %get3A_426] {strides = array<i32>} : memref<3x256x128xf32, #tpu.memory_space<vmem>>, vector<1x1x16xf32>,
              %get3A_428 = vector.shape_cast %get3A_427 : vector<1x1x16xf32> to vector<16xf32>
              %add3A_429 = arith.addf %while3A_379, %get3A_428 : vector<16xf32>
              %get3A_430 = arith.constant 0 : i32
              %get3A_431 = arith.index_cast %get3A_430 : i32 to index
              %get3A_432 = arith.index_cast %while3A_372 : i32 to index
              %get3A_433 = arith.constant 112 : index
              %get3A_434 = tpu.vector_load %arg7[%get3A_431, %get3A_432, %get3A_433] {strides = array<i32>} : memref<3x256x128xf32, #tpu.memory_space<vmem>>, vector<1x1x16xf32>,
              %get3A_435 = vector.shape_cast %get3A_434 : vector<1x1x16xf32> to vector<16xf32>
              %add3A_436 = arith.addf %while3A_380, %get3A_435 : vector<16xf32>
              scf.yield %add3A_387, %add3A_394, %add3A_401, %add3A_408, %add3A_415, %add3A_422, %add3A_429, %add3A_436 : vector<16xf32>, vector<16xf32>, vector<16xf32>, vector<16xf32>, vector<16xf32>, vector<16xf32>, vector<16xf32>, vector<16xf32>
            }
            %get3A_292 = arith.index_cast %add3A_271 : i32 to index
            %get3A_293 = arith.constant 0 : index
            %get3A_294 = tpu.vector_load %arg14[%get3A_292, %get3A_293] {strides = array<i32>} : memref<64x128xf32, #tpu.memory_space<vmem>>, vector<1x16xf32>,
            %get3A_295 = vector.shape_cast %get3A_294 : vector<1x16xf32> to vector<16xf32>
            %add3A_296 = arith.addf %get3A_295, %while3A_291#0 : vector<16xf32>
            %swap3A_297 = arith.index_cast %add3A_271 : i32 to index
            %swap3A_298 = arith.constant 0 : index
            %swap3A_299 = tpu.vector_load %arg14[%swap3A_297, %swap3A_298] {strides = array<i32>} : memref<64x128xf32, #tpu.memory_space<vmem>>, vector<1x16xf32>,
            %swap3A_300 = vector.shape_cast %swap3A_299 : vector<1x16xf32> to vector<16xf32>
            %swap3A_301 = vector.shape_cast %add3A_296 : vector<16xf32> to vector<1x16xf32>
            tpu.vector_store %arg14[%swap3A_297, %swap3A_298], %swap3A_301 {strides = array<i32>} : memref<64x128xf32, #tpu.memory_space<vmem>>, vector<1x16xf32>,
            %get3A_302 = arith.index_cast %add3A_271 : i32 to index
            %get3A_303 = arith.constant 16 : index
            %get3A_304 = tpu.vector_load %arg14[%get3A_302, %get3A_303] {strides = array<i32>} : memref<64x128xf32, #tpu.memory_space<vmem>>, vector<1x16xf32>,
            %get3A_305 = vector.shape_cast %get3A_304 : vector<1x16xf32> to vector<16xf32>
            %add3A_306 = arith.addf %get3A_305, %while3A_291#1 : vector<16xf32>
            %swap3A_307 = arith.index_cast %add3A_271 : i32 to index
            %swap3A_308 = arith.constant 16 : index
            %swap3A_309 = tpu.vector_load %arg14[%swap3A_307, %swap3A_308] {strides = array<i32>} : memref<64x128xf32, #tpu.memory_space<vmem>>, vector<1x16xf32>,
            %swap3A_310 = vector.shape_cast %swap3A_309 : vector<1x16xf32> to vector<16xf32>
            %swap3A_311 = vector.shape_cast %add3A_306 : vector<16xf32> to vector<1x16xf32>
            tpu.vector_store %arg14[%swap3A_307, %swap3A_308], %swap3A_311 {strides = array<i32>} : memref<64x128xf32, #tpu.memory_space<vmem>>, vector<1x16xf32>,
            %get3A_312 = arith.index_cast %add3A_271 : i32 to index
            %get3A_313 = arith.constant 32 : index
            %get3A_314 = tpu.vector_load %arg14[%get3A_312, %get3A_313] {strides = array<i32>} : memref<64x128xf32, #tpu.memory_space<vmem>>, vector<1x16xf32>,
            %get3A_315 = vector.shape_cast %get3A_314 : vector<1x16xf32> to vector<16xf32>
            %add3A_316 = arith.addf %get3A_315, %while3A_291#2 : vector<16xf32>
            %swap3A_317 = arith.index_cast %add3A_271 : i32 to index
            %swap3A_318 = arith.constant 32 : index
            %swap3A_319 = tpu.vector_load %arg14[%swap3A_317, %swap3A_318] {strides = array<i32>} : memref<64x128xf32, #tpu.memory_space<vmem>>, vector<1x16xf32>,
            %swap3A_320 = vector.shape_cast %swap3A_319 : vector<1x16xf32> to vector<16xf32>
            %swap3A_321 = vector.shape_cast %add3A_316 : vector<16xf32> to vector<1x16xf32>
            tpu.vector_store %arg14[%swap3A_317, %swap3A_318], %swap3A_321 {strides = array<i32>} : memref<64x128xf32, #tpu.memory_space<vmem>>, vector<1x16xf32>,
            %get3A_322 = arith.index_cast %add3A_271 : i32 to index
            %get3A_323 = arith.constant 48 : index
            %get3A_324 = tpu.vector_load %arg14[%get3A_322, %get3A_323] {strides = array<i32>} : memref<64x128xf32, #tpu.memory_space<vmem>>, vector<1x16xf32>,
            %get3A_325 = vector.shape_cast %get3A_324 : vector<1x16xf32> to vector<16xf32>
            %add3A_326 = arith.addf %get3A_325, %while3A_291#3 : vector<16xf32>
            %swap3A_327 = arith.index_cast %add3A_271 : i32 to index
            %swap3A_328 = arith.constant 48 : index
            %swap3A_329 = tpu.vector_load %arg14[%swap3A_327, %swap3A_328] {strides = array<i32>} : memref<64x128xf32, #tpu.memory_space<vmem>>, vector<1x16xf32>,
            %swap3A_330 = vector.shape_cast %swap3A_329 : vector<1x16xf32> to vector<16xf32>
            %swap3A_331 = vector.shape_cast %add3A_326 : vector<16xf32> to vector<1x16xf32>
            tpu.vector_store %arg14[%swap3A_327, %swap3A_328], %swap3A_331 {strides = array<i32>} : memref<64x128xf32, #tpu.memory_space<vmem>>, vector<1x16xf32>,
            %get3A_332 = arith.index_cast %add3A_271 : i32 to index
            %get3A_333 = arith.constant 64 : index
            %get3A_334 = tpu.vector_load %arg14[%get3A_332, %get3A_333] {strides = array<i32>} : memref<64x128xf32, #tpu.memory_space<vmem>>, vector<1x16xf32>,
            %get3A_335 = vector.shape_cast %get3A_334 : vector<1x16xf32> to vector<16xf32>
            %add3A_336 = arith.addf %get3A_335, %while3A_291#4 : vector<16xf32>
            %swap3A_337 = arith.index_cast %add3A_271 : i32 to index
            %swap3A_338 = arith.constant 64 : index
            %swap3A_339 = tpu.vector_load %arg14[%swap3A_337, %swap3A_338] {strides = array<i32>} : memref<64x128xf32, #tpu.memory_space<vmem>>, vector<1x16xf32>,
            %swap3A_340 = vector.shape_cast %swap3A_339 : vector<1x16xf32> to vector<16xf32>
            %swap3A_341 = vector.shape_cast %add3A_336 : vector<16xf32> to vector<1x16xf32>
            tpu.vector_store %arg14[%swap3A_337, %swap3A_338], %swap3A_341 {strides = array<i32>} : memref<64x128xf32, #tpu.memory_space<vmem>>, vector<1x16xf32>,
            %get3A_342 = arith.index_cast %add3A_271 : i32 to index
            %get3A_343 = arith.constant 80 : index
            %get3A_344 = tpu.vector_load %arg14[%get3A_342, %get3A_343] {strides = array<i32>} : memref<64x128xf32, #tpu.memory_space<vmem>>, vector<1x16xf32>,
            %get3A_345 = vector.shape_cast %get3A_344 : vector<1x16xf32> to vector<16xf32>
            %add3A_346 = arith.addf %get3A_345, %while3A_291#5 : vector<16xf32>
            %swap3A_347 = arith.index_cast %add3A_271 : i32 to index
            %swap3A_348 = arith.constant 80 : index
            %swap3A_349 = tpu.vector_load %arg14[%swap3A_347, %swap3A_348] {strides = array<i32>} : memref<64x128xf32, #tpu.memory_space<vmem>>, vector<1x16xf32>,
            %swap3A_350 = vector.shape_cast %swap3A_349 : vector<1x16xf32> to vector<16xf32>
            %swap3A_351 = vector.shape_cast %add3A_346 : vector<16xf32> to vector<1x16xf32>
            tpu.vector_store %arg14[%swap3A_347, %swap3A_348], %swap3A_351 {strides = array<i32>} : memref<64x128xf32, #tpu.memory_space<vmem>>, vector<1x16xf32>,
            %get3A_352 = arith.index_cast %add3A_271 : i32 to index
            %get3A_353 = arith.constant 96 : index
            %get3A_354 = tpu.vector_load %arg14[%get3A_352, %get3A_353] {strides = array<i32>} : memref<64x128xf32, #tpu.memory_space<vmem>>, vector<1x16xf32>,
            %get3A_355 = vector.shape_cast %get3A_354 : vector<1x16xf32> to vector<16xf32>
            %add3A_356 = arith.addf %get3A_355, %while3A_291#6 : vector<16xf32>
            %swap3A_357 = arith.index_cast %add3A_271 : i32 to index
            %swap3A_358 = arith.constant 96 : index
            %swap3A_359 = tpu.vector_load %arg14[%swap3A_357, %swap3A_358] {strides = array<i32>} : memref<64x128xf32, #tpu.memory_space<vmem>>, vector<1x16xf32>,
            %swap3A_360 = vector.shape_cast %swap3A_359 : vector<1x16xf32> to vector<16xf32>
            %swap3A_361 = vector.shape_cast %add3A_356 : vector<16xf32> to vector<1x16xf32>
            tpu.vector_store %arg14[%swap3A_357, %swap3A_358], %swap3A_361 {strides = array<i32>} : memref<64x128xf32, #tpu.memory_space<vmem>>, vector<1x16xf32>,
            %get3A_362 = arith.index_cast %add3A_271 : i32 to index
            %get3A_363 = arith.constant 112 : index
            %get3A_364 = tpu.vector_load %arg14[%get3A_362, %get3A_363] {strides = array<i32>} : memref<64x128xf32, #tpu.memory_space<vmem>>, vector<1x16xf32>,
            %get3A_365 = vector.shape_cast %get3A_364 : vector<1x16xf32> to vector<16xf32>
            %add3A_366 = arith.addf %get3A_365, %while3A_291#7 : vector<16xf32>
            %swap3A_367 = arith.index_cast %add3A_271 : i32 to index
            %swap3A_368 = arith.constant 112 : index
            %swap3A_369 = tpu.vector_load %arg14[%swap3A_367, %swap3A_368] {strides = array<i32>} : memref<64x128xf32, #tpu.memory_space<vmem>>, vector<1x16xf32>,
            %swap3A_370 = vector.shape_cast %swap3A_369 : vector<1x16xf32> to vector<16xf32>
            %swap3A_371 = vector.shape_cast %add3A_366 : vector<16xf32> to vector<1x16xf32>
            tpu.vector_store %arg14[%swap3A_367, %swap3A_368], %swap3A_371 {strides = array<i32>} : memref<64x128xf32, #tpu.memory_space<vmem>>, vector<1x16xf32>,
            scf.yield %scan3A_280#1 : i32
          }
        } else {
        }
      } else {
      }
      %add3A_170 = arith.constant 1 : i32
      %add3A_171 = arith.addi %add3A_161, %add3A_170 : i32
      %mul3A_172 = arith.constant 32 : i32
      %mul3A_173 = arith.muli %add3A_171, %mul3A_172 : i32
      %add3A_174 = arith.addi %mul3A_173, %add3A : i32
      %lt3A_175 = arith.constant 1250 : i32
      %lt3A_176 = arith.cmpi slt, %add3A_174, %lt3A_175 : i32
      %convert_element_type3A_177 = arith.extui %lt3A_176 : i1 to i32
      %cond3A_178 = arith.constant 0 : i32
      %cond3A_179 = arith.cmpi ne, %convert_element_type3A_177, %cond3A_178 : i32
      scf.if %cond3A_179 {
        %add3A_190 = arith.constant 64 : i32
        %add3A_191 = arith.addi %add3A_174, %add3A_190 : i32
        %lt3A_192 = arith.constant 1250 : i32
        %lt3A_193 = arith.cmpi slt, %add3A_191, %lt3A_192 : i32
        %convert_element_type3A_194 = arith.extui %lt3A_193 : i1 to i32
        %cond3A_195 = arith.constant 0 : i32
        %cond3A_196 = arith.cmpi ne, %convert_element_type3A_194, %cond3A_195 : i32
        scf.if %cond3A_196 {
          %add3A_255 = arith.constant 64 : i32
          %add3A_256 = arith.addi %add3A_174, %add3A_255 : i32
          %dma_start3A_257 = arith.constant 0 : i32
          %dma_start3A_258 = arith.constant 0 : i32
          %dma_start3A_259 = arith.constant 0 : i32
          %dma_start3A_260 = tpu.memref_slice %arg7[%dma_start3A_257, %dma_start3A_258, %dma_start3A_259] : memref<3x256x128xf32, #tpu.memory_space<vmem>> -> memref<1x256x128xf32, #tpu.memory_space<vmem>>
          %dma_start3A_261 = tpu.memref_squeeze %dma_start3A_260 : memref<1x256x128xf32, #tpu.memory_space<vmem>> -> memref<256x128xf32, #tpu.memory_space<vmem>>
          %dma_start3A_262 = arith.constant 0 : i32
          %dma_start3A_263 = arith.constant 0 : i32
          %dma_start3A_264 = tpu.memref_slice %arg2[%add3A_256, %dma_start3A_262, %dma_start3A_263] : memref<1250x256x128xf32, #tpu.memory_space<hbm>> -> memref<1x256x128xf32, #tpu.memory_space<hbm>>
          %dma_start3A_265 = tpu.memref_squeeze %dma_start3A_264 : memref<1x256x128xf32, #tpu.memory_space<hbm>> -> memref<256x128xf32, #tpu.memory_space<hbm>>
          %dma_start3A_266 = arith.constant 0 : i32
          %dma_start3A_267 = arith.constant 0 : i32
          %dma_start3A_268 = tpu.memref_slice %arg7[%dma_start3A_257, %dma_start3A_266, %dma_start3A_267] : memref<3x256x128xf32, #tpu.memory_space<vmem>> -> memref<1x256x128xf32, #tpu.memory_space<vmem>>
          %dma_start3A_269 = tpu.memref_squeeze %dma_start3A_268 : memref<1x256x128xf32, #tpu.memory_space<vmem>> -> memref<256x128xf32, #tpu.memory_space<vmem>>
          %dma_start3A_270 = arith.constant 0 : i32
          %dma_start3A_271 = arith.constant 0 : i32
          %dma_start3A_272 = tpu.memref_slice %arg2[%add3A_256, %dma_start3A_270, %dma_start3A_271] : memref<1250x256x128xf32, #tpu.memory_space<hbm>> -> memref<1x256x128xf32, #tpu.memory_space<hbm>>
          %dma_start3A_273 = tpu.memref_squeeze %dma_start3A_272 : memref<1x256x128xf32, #tpu.memory_space<hbm>> -> memref<256x128xf32, #tpu.memory_space<hbm>>
          tpu.enqueue_dma source(%dma_start3A_273 : memref<256x128xf32, #tpu.memory_space<hbm>>) target(%dma_start3A_269 : memref<256x128xf32, #tpu.memory_space<vmem>>) target_semaphore(%arg15 : memref<!tpu.dma_semaphore, #tpu.memory_space<semaphore_mem>>)
          %dma_start3A_274 = arith.constant 0 : i32
          %dma_start3A_275 = tpu.memref_slice %arg8[%dma_start3A_274] : memref<272xi32, #tpu.memory_space<vmem>> -> memref<256xi32, #tpu.memory_space<vmem>>
          %dma_start3A_276 = arith.constant 0 : i32
          %dma_start3A_277 = tpu.memref_slice %arg3[%add3A_256, %dma_start3A_276] : memref<1250x256xi32, #tpu.memory_space<hbm>> -> memref<1x256xi32, #tpu.memory_space<hbm>>
          %dma_start3A_278 = tpu.memref_squeeze %dma_start3A_277 : memref<1x256xi32, #tpu.memory_space<hbm>> -> memref<256xi32, #tpu.memory_space<hbm>>
          %dma_start3A_279 = arith.constant 0 : i32
          %dma_start3A_280 = tpu.memref_slice %arg8[%dma_start3A_279] : memref<272xi32, #tpu.memory_space<vmem>> -> memref<256xi32, #tpu.memory_space<vmem>>
          %dma_start3A_281 = arith.constant 0 : i32
          %dma_start3A_282 = tpu.memref_slice %arg3[%add3A_256, %dma_start3A_281] : memref<1250x256xi32, #tpu.memory_space<hbm>> -> memref<1x256xi32, #tpu.memory_space<hbm>>
          %dma_start3A_283 = tpu.memref_squeeze %dma_start3A_282 : memref<1x256xi32, #tpu.memory_space<hbm>> -> memref<256xi32, #tpu.memory_space<hbm>>
          tpu.enqueue_dma source(%dma_start3A_283 : memref<256xi32, #tpu.memory_space<hbm>>) target(%dma_start3A_280 : memref<256xi32, #tpu.memory_space<vmem>>) target_semaphore(%arg15 : memref<!tpu.dma_semaphore, #tpu.memory_space<semaphore_mem>>)
        } else {
        }
        %dma_wait3A = arith.constant 0 : i32
        %dma_wait3A_197 = arith.constant 1 : i32
        %dma_wait3A_198 = arith.constant 0 : i32
        %dma_wait3A_199 = arith.constant 0 : i32
        %dma_wait3A_200 = tpu.memref_slice %arg7[%dma_wait3A_197, %dma_wait3A_198, %dma_wait3A_199] : memref<3x256x128xf32, #tpu.memory_space<vmem>> -> memref<1x256x128xf32, #tpu.memory_space<vmem>>
        %dma_wait3A_201 = tpu.memref_squeeze %dma_wait3A_200 : memref<1x256x128xf32, #tpu.memory_space<vmem>> -> memref<256x128xf32, #tpu.memory_space<vmem>>
        %dma_wait3A_202 = arith.constant 0 : i32
        %dma_wait3A_203 = arith.constant 0 : i32
        %dma_wait3A_204 = tpu.memref_slice %arg2[%dma_wait3A, %dma_wait3A_202, %dma_wait3A_203] : memref<1250x256x128xf32, #tpu.memory_space<hbm>> -> memref<1x256x128xf32, #tpu.memory_space<hbm>>
        %dma_wait3A_205 = tpu.memref_squeeze %dma_wait3A_204 : memref<1x256x128xf32, #tpu.memory_space<hbm>> -> memref<256x128xf32, #tpu.memory_space<hbm>>
        %dma_wait3A_206 = arith.constant 0 : i32
        %dma_wait3A_207 = arith.constant 0 : i32
        %dma_wait3A_208 = tpu.memref_slice %arg7[%dma_wait3A_197, %dma_wait3A_206, %dma_wait3A_207] : memref<3x256x128xf32, #tpu.memory_space<vmem>> -> memref<1x256x128xf32, #tpu.memory_space<vmem>>
        %dma_wait3A_209 = tpu.memref_squeeze %dma_wait3A_208 : memref<1x256x128xf32, #tpu.memory_space<vmem>> -> memref<256x128xf32, #tpu.memory_space<vmem>>
        %dma_wait3A_210 = arith.constant 0 : i32
        %dma_wait3A_211 = arith.constant 0 : i32
        %dma_wait3A_212 = tpu.memref_slice %arg2[%dma_wait3A, %dma_wait3A_210, %dma_wait3A_211] : memref<1250x256x128xf32, #tpu.memory_space<hbm>> -> memref<1x256x128xf32, #tpu.memory_space<hbm>>
        %dma_wait3A_213 = tpu.memref_squeeze %dma_wait3A_212 : memref<1x256x128xf32, #tpu.memory_space<hbm>> -> memref<256x128xf32, #tpu.memory_space<hbm>>
        tpu.wait_dma2 semaphore(%arg15 : memref<!tpu.dma_semaphore, #tpu.memory_space<semaphore_mem>>) src(%dma_wait3A_213 : memref<256x128xf32, #tpu.memory_space<hbm>>) dst(%dma_wait3A_209 : memref<256x128xf32, #tpu.memory_space<vmem>>)
        %dma_wait3A_214 = arith.constant 0 : i32
        %dma_wait3A_215 = arith.constant 0 : i32
        %dma_wait3A_216 = tpu.memref_slice %arg9[%dma_wait3A_215] : memref<272xi32, #tpu.memory_space<vmem>> -> memref<256xi32, #tpu.memory_space<vmem>>
        %dma_wait3A_217 = arith.constant 0 : i32
        %dma_wait3A_218 = tpu.memref_slice %arg3[%dma_wait3A_214, %dma_wait3A_217] : memref<1250x256xi32, #tpu.memory_space<hbm>> -> memref<1x256xi32, #tpu.memory_space<hbm>>
        %dma_wait3A_219 = tpu.memref_squeeze %dma_wait3A_218 : memref<1x256xi32, #tpu.memory_space<hbm>> -> memref<256xi32, #tpu.memory_space<hbm>>
        %dma_wait3A_220 = arith.constant 0 : i32
        %dma_wait3A_221 = tpu.memref_slice %arg9[%dma_wait3A_220] : memref<272xi32, #tpu.memory_space<vmem>> -> memref<256xi32, #tpu.memory_space<vmem>>
        %dma_wait3A_222 = arith.constant 0 : i32
        %dma_wait3A_223 = tpu.memref_slice %arg3[%dma_wait3A_214, %dma_wait3A_222] : memref<1250x256xi32, #tpu.memory_space<hbm>> -> memref<1x256xi32, #tpu.memory_space<hbm>>
        %dma_wait3A_224 = tpu.memref_squeeze %dma_wait3A_223 : memref<1x256xi32, #tpu.memory_space<hbm>> -> memref<256xi32, #tpu.memory_space<hbm>>
        tpu.wait_dma2 semaphore(%arg15 : memref<!tpu.dma_semaphore, #tpu.memory_space<semaphore_mem>>) src(%dma_wait3A_224 : memref<256xi32, #tpu.memory_space<hbm>>) dst(%dma_wait3A_221 : memref<256xi32, #tpu.memory_space<vmem>>)
        %get3A = arith.constant 0 : index
        %get3A_225 = tpu.vector_load %arg9[%get3A] {strides = array<i32>} : memref<272xi32, #tpu.memory_space<vmem>>, vector<16xi32>,
        %get3A_226 = vector.shape_cast %get3A_225 : vector<16xi32> to vector<16xi32>
        %slice3A = vector.extract_strided_slice %get3A_226 {offsets = [0], sizes = [1], strides = [1]} : vector<16xi32> to vector<1xi32>
        %squeeze3A = vector.extract %slice3A[0] : i32 from vector<1xi32>
        %get3A_227 = arith.constant 255 : index
        %get3A_228 = tpu.vector_load %arg9[%get3A_227] {strides = array<i32>} : memref<272xi32, #tpu.memory_space<vmem>>, vector<16xi32>,
        %get3A_229 = vector.shape_cast %get3A_228 : vector<16xi32> to vector<16xi32>
        %slice3A_230 = vector.extract_strided_slice %get3A_229 {offsets = [0], sizes = [1], strides = [1]} : vector<16xi32> to vector<1xi32>
        %squeeze3A_231 = vector.extract %slice3A_230[0] : i32 from vector<1xi32>
        %broadcast_in_dim3A_232 = arith.constant 0.000000e+00 : f32
        %broadcast_in_dim3A_233 = vector.broadcast %broadcast_in_dim3A_232 : f32 to vector<16xf32>
        %broadcast_in_dim3A_234 = arith.constant 0.000000e+00 : f32
        %broadcast_in_dim3A_235 = vector.broadcast %broadcast_in_dim3A_234 : f32 to vector<16xf32>
        %broadcast_in_dim3A_236 = arith.constant 0.000000e+00 : f32
        %broadcast_in_dim3A_237 = vector.broadcast %broadcast_in_dim3A_236 : f32 to vector<16xf32>
        %broadcast_in_dim3A_238 = arith.constant 0.000000e+00 : f32
        %broadcast_in_dim3A_239 = vector.broadcast %broadcast_in_dim3A_238 : f32 to vector<16xf32>
        %broadcast_in_dim3A_240 = arith.constant 0.000000e+00 : f32
        %broadcast_in_dim3A_241 = vector.broadcast %broadcast_in_dim3A_240 : f32 to vector<16xf32>
        %broadcast_in_dim3A_242 = arith.constant 0.000000e+00 : f32
        %broadcast_in_dim3A_243 = vector.broadcast %broadcast_in_dim3A_242 : f32 to vector<16xf32>
        %broadcast_in_dim3A_244 = arith.constant 0.000000e+00 : f32
        %broadcast_in_dim3A_245 = vector.broadcast %broadcast_in_dim3A_244 : f32 to vector<16xf32>
        %broadcast_in_dim3A_246 = arith.constant 0.000000e+00 : f32
        %broadcast_in_dim3A_247 = vector.broadcast %broadcast_in_dim3A_246 : f32 to vector<16xf32>
        %eq3A_248 = arith.cmpi eq, %squeeze3A, %squeeze3A_231 : i32
        %convert_element_type3A_249 = arith.extui %eq3A_248 : i1 to i32
        %cond3A_250 = arith.constant 0 : i32
        %cond3A_251 = arith.cmpi ne, %convert_element_type3A_249, %cond3A_250 : i32
        scf.if %cond3A_251 {
          %scan3A_255 = arith.constant 0 : i32
          %scan3A_256 = arith.constant 32 : i32
          %scan3A_257 = arith.addi %scan3A_255, %scan3A_256 : i32
          %scan3A_258 = arith.constant 1 : i32
          %scan3A_259:8 = scf.for %scan3A_341 = %scan3A_255 to %scan3A_257 step %scan3A_258 iter_args(%scan3A_342 = %broadcast_in_dim3A_233, %scan3A_343 = %broadcast_in_dim3A_235, %scan3A_344 = %broadcast_in_dim3A_237, %scan3A_345 = %broadcast_in_dim3A_239, %scan3A_346 = %broadcast_in_dim3A_241, %scan3A_347 = %broadcast_in_dim3A_243, %scan3A_348 = %broadcast_in_dim3A_245, %scan3A_349 = %broadcast_in_dim3A_247) -> (vector<16xf32>, vector<16xf32>, vector<16xf32>, vector<16xf32>, vector<16xf32>, vector<16xf32>, vector<16xf32>, vector<16xf32>)  : i32 {
            %mul3A_350 = arith.constant 8 : i32
            %mul3A_351 = arith.muli %scan3A_341, %mul3A_350 : i32
            %add3A_352 = arith.constant 0 : i32
            %add3A_353 = arith.addi %mul3A_351, %add3A_352 : i32
            %get3A_354 = arith.constant 1 : i32
            %get3A_355 = arith.index_cast %get3A_354 : i32 to index
            %get3A_356 = arith.index_cast %add3A_353 : i32 to index
            %get3A_357 = arith.constant 0 : index
            %get3A_358 = tpu.vector_load %arg7[%get3A_355, %get3A_356, %get3A_357] {strides = array<i32>} : memref<3x256x128xf32, #tpu.memory_space<vmem>>, vector<1x1x16xf32>,
            %get3A_359 = vector.shape_cast %get3A_358 : vector<1x1x16xf32> to vector<16xf32>
            %add3A_360 = arith.addf %scan3A_342, %get3A_359 : vector<16xf32>
            %get3A_361 = arith.constant 1 : i32
            %get3A_362 = arith.index_cast %get3A_361 : i32 to index
            %get3A_363 = arith.index_cast %add3A_353 : i32 to index
            %get3A_364 = arith.constant 16 : index
            %get3A_365 = tpu.vector_load %arg7[%get3A_362, %get3A_363, %get3A_364] {strides = array<i32>} : memref<3x256x128xf32, #tpu.memory_space<vmem>>, vector<1x1x16xf32>,
            %get3A_366 = vector.shape_cast %get3A_365 : vector<1x1x16xf32> to vector<16xf32>
            %add3A_367 = arith.addf %scan3A_343, %get3A_366 : vector<16xf32>
            %get3A_368 = arith.constant 1 : i32
            %get3A_369 = arith.index_cast %get3A_368 : i32 to index
            %get3A_370 = arith.index_cast %add3A_353 : i32 to index
            %get3A_371 = arith.constant 32 : index
            %get3A_372 = tpu.vector_load %arg7[%get3A_369, %get3A_370, %get3A_371] {strides = array<i32>} : memref<3x256x128xf32, #tpu.memory_space<vmem>>, vector<1x1x16xf32>,
            %get3A_373 = vector.shape_cast %get3A_372 : vector<1x1x16xf32> to vector<16xf32>
            %add3A_374 = arith.addf %scan3A_344, %get3A_373 : vector<16xf32>
            %get3A_375 = arith.constant 1 : i32
            %get3A_376 = arith.index_cast %get3A_375 : i32 to index
            %get3A_377 = arith.index_cast %add3A_353 : i32 to index
            %get3A_378 = arith.constant 48 : index
            %get3A_379 = tpu.vector_load %arg7[%get3A_376, %get3A_377, %get3A_378] {strides = array<i32>} : memref<3x256x128xf32, #tpu.memory_space<vmem>>, vector<1x1x16xf32>,
            %get3A_380 = vector.shape_cast %get3A_379 : vector<1x1x16xf32> to vector<16xf32>
            %add3A_381 = arith.addf %scan3A_345, %get3A_380 : vector<16xf32>
            %get3A_382 = arith.constant 1 : i32
            %get3A_383 = arith.index_cast %get3A_382 : i32 to index
            %get3A_384 = arith.index_cast %add3A_353 : i32 to index
            %get3A_385 = arith.constant 64 : index
            %get3A_386 = tpu.vector_load %arg7[%get3A_383, %get3A_384, %get3A_385] {strides = array<i32>} : memref<3x256x128xf32, #tpu.memory_space<vmem>>, vector<1x1x16xf32>,
            %get3A_387 = vector.shape_cast %get3A_386 : vector<1x1x16xf32> to vector<16xf32>
            %add3A_388 = arith.addf %scan3A_346, %get3A_387 : vector<16xf32>
            %get3A_389 = arith.constant 1 : i32
            %get3A_390 = arith.index_cast %get3A_389 : i32 to index
            %get3A_391 = arith.index_cast %add3A_353 : i32 to index
            %get3A_392 = arith.constant 80 : index
            %get3A_393 = tpu.vector_load %arg7[%get3A_390, %get3A_391, %get3A_392] {strides = array<i32>} : memref<3x256x128xf32, #tpu.memory_space<vmem>>, vector<1x1x16xf32>,
            %get3A_394 = vector.shape_cast %get3A_393 : vector<1x1x16xf32> to vector<16xf32>
            %add3A_395 = arith.addf %scan3A_347, %get3A_394 : vector<16xf32>
            %get3A_396 = arith.constant 1 : i32
            %get3A_397 = arith.index_cast %get3A_396 : i32 to index
            %get3A_398 = arith.index_cast %add3A_353 : i32 to index
            %get3A_399 = arith.constant 96 : index
            %get3A_400 = tpu.vector_load %arg7[%get3A_397, %get3A_398, %get3A_399] {strides = array<i32>} : memref<3x256x128xf32, #tpu.memory_space<vmem>>, vector<1x1x16xf32>,
            %get3A_401 = vector.shape_cast %get3A_400 : vector<1x1x16xf32> to vector<16xf32>
            %add3A_402 = arith.addf %scan3A_348, %get3A_401 : vector<16xf32>
            %get3A_403 = arith.constant 1 : i32
            %get3A_404 = arith.index_cast %get3A_403 : i32 to index
            %get3A_405 = arith.index_cast %add3A_353 : i32 to index
            %get3A_406 = arith.constant 112 : index
            %get3A_407 = tpu.vector_load %arg7[%get3A_404, %get3A_405, %get3A_406] {strides = array<i32>} : memref<3x256x128xf32, #tpu.memory_space<vmem>>, vector<1x1x16xf32>,
            %get3A_408 = vector.shape_cast %get3A_407 : vector<1x1x16xf32> to vector<16xf32>
            %add3A_409 = arith.addf %scan3A_349, %get3A_408 : vector<16xf32>
            %mul3A_410 = arith.constant 8 : i32
            %mul3A_411 = arith.muli %scan3A_341, %mul3A_410 : i32
            %add3A_412 = arith.constant 1 : i32
            %add3A_413 = arith.addi %mul3A_411, %add3A_412 : i32
            %get3A_414 = arith.constant 1 : i32
            %get3A_415 = arith.index_cast %get3A_414 : i32 to index
            %get3A_416 = arith.index_cast %add3A_413 : i32 to index
            %get3A_417 = arith.constant 0 : index
            %get3A_418 = tpu.vector_load %arg7[%get3A_415, %get3A_416, %get3A_417] {strides = array<i32>} : memref<3x256x128xf32, #tpu.memory_space<vmem>>, vector<1x1x16xf32>,
            %get3A_419 = vector.shape_cast %get3A_418 : vector<1x1x16xf32> to vector<16xf32>
            %add3A_420 = arith.addf %add3A_360, %get3A_419 : vector<16xf32>
            %get3A_421 = arith.constant 1 : i32
            %get3A_422 = arith.index_cast %get3A_421 : i32 to index
            %get3A_423 = arith.index_cast %add3A_413 : i32 to index
            %get3A_424 = arith.constant 16 : index
            %get3A_425 = tpu.vector_load %arg7[%get3A_422, %get3A_423, %get3A_424] {strides = array<i32>} : memref<3x256x128xf32, #tpu.memory_space<vmem>>, vector<1x1x16xf32>,
            %get3A_426 = vector.shape_cast %get3A_425 : vector<1x1x16xf32> to vector<16xf32>
            %add3A_427 = arith.addf %add3A_367, %get3A_426 : vector<16xf32>
            %get3A_428 = arith.constant 1 : i32
            %get3A_429 = arith.index_cast %get3A_428 : i32 to index
            %get3A_430 = arith.index_cast %add3A_413 : i32 to index
            %get3A_431 = arith.constant 32 : index
            %get3A_432 = tpu.vector_load %arg7[%get3A_429, %get3A_430, %get3A_431] {strides = array<i32>} : memref<3x256x128xf32, #tpu.memory_space<vmem>>, vector<1x1x16xf32>,
            %get3A_433 = vector.shape_cast %get3A_432 : vector<1x1x16xf32> to vector<16xf32>
            %add3A_434 = arith.addf %add3A_374, %get3A_433 : vector<16xf32>
            %get3A_435 = arith.constant 1 : i32
            %get3A_436 = arith.index_cast %get3A_435 : i32 to index
            %get3A_437 = arith.index_cast %add3A_413 : i32 to index
            %get3A_438 = arith.constant 48 : index
            %get3A_439 = tpu.vector_load %arg7[%get3A_436, %get3A_437, %get3A_438] {strides = array<i32>} : memref<3x256x128xf32, #tpu.memory_space<vmem>>, vector<1x1x16xf32>,
            %get3A_440 = vector.shape_cast %get3A_439 : vector<1x1x16xf32> to vector<16xf32>
            %add3A_441 = arith.addf %add3A_381, %get3A_440 : vector<16xf32>
            %get3A_442 = arith.constant 1 : i32
            %get3A_443 = arith.index_cast %get3A_442 : i32 to index
            %get3A_444 = arith.index_cast %add3A_413 : i32 to index
            %get3A_445 = arith.constant 64 : index
            %get3A_446 = tpu.vector_load %arg7[%get3A_443, %get3A_444, %get3A_445] {strides = array<i32>} : memref<3x256x128xf32, #tpu.memory_space<vmem>>, vector<1x1x16xf32>,
            %get3A_447 = vector.shape_cast %get3A_446 : vector<1x1x16xf32> to vector<16xf32>
            %add3A_448 = arith.addf %add3A_388, %get3A_447 : vector<16xf32>
            %get3A_449 = arith.constant 1 : i32
            %get3A_450 = arith.index_cast %get3A_449 : i32 to index
            %get3A_451 = arith.index_cast %add3A_413 : i32 to index
            %get3A_452 = arith.constant 80 : index
            %get3A_453 = tpu.vector_load %arg7[%get3A_450, %get3A_451, %get3A_452] {strides = array<i32>} : memref<3x256x128xf32, #tpu.memory_space<vmem>>, vector<1x1x16xf32>,
            %get3A_454 = vector.shape_cast %get3A_453 : vector<1x1x16xf32> to vector<16xf32>
            %add3A_455 = arith.addf %add3A_395, %get3A_454 : vector<16xf32>
            %get3A_456 = arith.constant 1 : i32
            %get3A_457 = arith.index_cast %get3A_456 : i32 to index
            %get3A_458 = arith.index_cast %add3A_413 : i32 to index
            %get3A_459 = arith.constant 96 : index
            %get3A_460 = tpu.vector_load %arg7[%get3A_457, %get3A_458, %get3A_459] {strides = array<i32>} : memref<3x256x128xf32, #tpu.memory_space<vmem>>, vector<1x1x16xf32>,
            %get3A_461 = vector.shape_cast %get3A_460 : vector<1x1x16xf32> to vector<16xf32>
            %add3A_462 = arith.addf %add3A_402, %get3A_461 : vector<16xf32>
            %get3A_463 = arith.constant 1 : i32
            %get3A_464 = arith.index_cast %get3A_463 : i32 to index
            %get3A_465 = arith.index_cast %add3A_413 : i32 to index
            %get3A_466 = arith.constant 112 : index
            %get3A_467 = tpu.vector_load %arg7[%get3A_464, %get3A_465, %get3A_466] {strides = array<i32>} : memref<3x256x128xf32, #tpu.memory_space<vmem>>, vector<1x1x16xf32>,
            %get3A_468 = vector.shape_cast %get3A_467 : vector<1x1x16xf32> to vector<16xf32>
            %add3A_469 = arith.addf %add3A_409, %get3A_468 : vector<16xf32>
            %mul3A_470 = arith.constant 8 : i32
            %mul3A_471 = arith.muli %scan3A_341, %mul3A_470 : i32
            %add3A_472 = arith.constant 2 : i32
            %add3A_473 = arith.addi %mul3A_471, %add3A_472 : i32
            %get3A_474 = arith.constant 1 : i32
            %get3A_475 = arith.index_cast %get3A_474 : i32 to index
            %get3A_476 = arith.index_cast %add3A_473 : i32 to index
            %get3A_477 = arith.constant 0 : index
            %get3A_478 = tpu.vector_load %arg7[%get3A_475, %get3A_476, %get3A_477] {strides = array<i32>} : memref<3x256x128xf32, #tpu.memory_space<vmem>>, vector<1x1x16xf32>,
            %get3A_479 = vector.shape_cast %get3A_478 : vector<1x1x16xf32> to vector<16xf32>
            %add3A_480 = arith.addf %add3A_420, %get3A_479 : vector<16xf32>
            %get3A_481 = arith.constant 1 : i32
            %get3A_482 = arith.index_cast %get3A_481 : i32 to index
            %get3A_483 = arith.index_cast %add3A_473 : i32 to index
            %get3A_484 = arith.constant 16 : index
            %get3A_485 = tpu.vector_load %arg7[%get3A_482, %get3A_483, %get3A_484] {strides = array<i32>} : memref<3x256x128xf32, #tpu.memory_space<vmem>>, vector<1x1x16xf32>,
            %get3A_486 = vector.shape_cast %get3A_485 : vector<1x1x16xf32> to vector<16xf32>
            %add3A_487 = arith.addf %add3A_427, %get3A_486 : vector<16xf32>
            %get3A_488 = arith.constant 1 : i32
            %get3A_489 = arith.index_cast %get3A_488 : i32 to index
            %get3A_490 = arith.index_cast %add3A_473 : i32 to index
            %get3A_491 = arith.constant 32 : index
            %get3A_492 = tpu.vector_load %arg7[%get3A_489, %get3A_490, %get3A_491] {strides = array<i32>} : memref<3x256x128xf32, #tpu.memory_space<vmem>>, vector<1x1x16xf32>,
            %get3A_493 = vector.shape_cast %get3A_492 : vector<1x1x16xf32> to vector<16xf32>
            %add3A_494 = arith.addf %add3A_434, %get3A_493 : vector<16xf32>
            %get3A_495 = arith.constant 1 : i32
            %get3A_496 = arith.index_cast %get3A_495 : i32 to index
            %get3A_497 = arith.index_cast %add3A_473 : i32 to index
            %get3A_498 = arith.constant 48 : index
            %get3A_499 = tpu.vector_load %arg7[%get3A_496, %get3A_497, %get3A_498] {strides = array<i32>} : memref<3x256x128xf32, #tpu.memory_space<vmem>>, vector<1x1x16xf32>,
            %get3A_500 = vector.shape_cast %get3A_499 : vector<1x1x16xf32> to vector<16xf32>
            %add3A_501 = arith.addf %add3A_441, %get3A_500 : vector<16xf32>
            %get3A_502 = arith.constant 1 : i32
            %get3A_503 = arith.index_cast %get3A_502 : i32 to index
            %get3A_504 = arith.index_cast %add3A_473 : i32 to index
            %get3A_505 = arith.constant 64 : index
            %get3A_506 = tpu.vector_load %arg7[%get3A_503, %get3A_504, %get3A_505] {strides = array<i32>} : memref<3x256x128xf32, #tpu.memory_space<vmem>>, vector<1x1x16xf32>,
            %get3A_507 = vector.shape_cast %get3A_506 : vector<1x1x16xf32> to vector<16xf32>
            %add3A_508 = arith.addf %add3A_448, %get3A_507 : vector<16xf32>
            %get3A_509 = arith.constant 1 : i32
            %get3A_510 = arith.index_cast %get3A_509 : i32 to index
            %get3A_511 = arith.index_cast %add3A_473 : i32 to index
            %get3A_512 = arith.constant 80 : index
            %get3A_513 = tpu.vector_load %arg7[%get3A_510, %get3A_511, %get3A_512] {strides = array<i32>} : memref<3x256x128xf32, #tpu.memory_space<vmem>>, vector<1x1x16xf32>,
            %get3A_514 = vector.shape_cast %get3A_513 : vector<1x1x16xf32> to vector<16xf32>
            %add3A_515 = arith.addf %add3A_455, %get3A_514 : vector<16xf32>
            %get3A_516 = arith.constant 1 : i32
            %get3A_517 = arith.index_cast %get3A_516 : i32 to index
            %get3A_518 = arith.index_cast %add3A_473 : i32 to index
            %get3A_519 = arith.constant 96 : index
            %get3A_520 = tpu.vector_load %arg7[%get3A_517, %get3A_518, %get3A_519] {strides = array<i32>} : memref<3x256x128xf32, #tpu.memory_space<vmem>>, vector<1x1x16xf32>,
            %get3A_521 = vector.shape_cast %get3A_520 : vector<1x1x16xf32> to vector<16xf32>
            %add3A_522 = arith.addf %add3A_462, %get3A_521 : vector<16xf32>
            %get3A_523 = arith.constant 1 : i32
            %get3A_524 = arith.index_cast %get3A_523 : i32 to index
            %get3A_525 = arith.index_cast %add3A_473 : i32 to index
            %get3A_526 = arith.constant 112 : index
            %get3A_527 = tpu.vector_load %arg7[%get3A_524, %get3A_525, %get3A_526] {strides = array<i32>} : memref<3x256x128xf32, #tpu.memory_space<vmem>>, vector<1x1x16xf32>,
            %get3A_528 = vector.shape_cast %get3A_527 : vector<1x1x16xf32> to vector<16xf32>
            %add3A_529 = arith.addf %add3A_469, %get3A_528 : vector<16xf32>
            %mul3A_530 = arith.constant 8 : i32
            %mul3A_531 = arith.muli %scan3A_341, %mul3A_530 : i32
            %add3A_532 = arith.constant 3 : i32
            %add3A_533 = arith.addi %mul3A_531, %add3A_532 : i32
            %get3A_534 = arith.constant 1 : i32
            %get3A_535 = arith.index_cast %get3A_534 : i32 to index
            %get3A_536 = arith.index_cast %add3A_533 : i32 to index
            %get3A_537 = arith.constant 0 : index
            %get3A_538 = tpu.vector_load %arg7[%get3A_535, %get3A_536, %get3A_537] {strides = array<i32>} : memref<3x256x128xf32, #tpu.memory_space<vmem>>, vector<1x1x16xf32>,
            %get3A_539 = vector.shape_cast %get3A_538 : vector<1x1x16xf32> to vector<16xf32>
            %add3A_540 = arith.addf %add3A_480, %get3A_539 : vector<16xf32>
            %get3A_541 = arith.constant 1 : i32
            %get3A_542 = arith.index_cast %get3A_541 : i32 to index
            %get3A_543 = arith.index_cast %add3A_533 : i32 to index
            %get3A_544 = arith.constant 16 : index
            %get3A_545 = tpu.vector_load %arg7[%get3A_542, %get3A_543, %get3A_544] {strides = array<i32>} : memref<3x256x128xf32, #tpu.memory_space<vmem>>, vector<1x1x16xf32>,
            %get3A_546 = vector.shape_cast %get3A_545 : vector<1x1x16xf32> to vector<16xf32>
            %add3A_547 = arith.addf %add3A_487, %get3A_546 : vector<16xf32>
            %get3A_548 = arith.constant 1 : i32
            %get3A_549 = arith.index_cast %get3A_548 : i32 to index
            %get3A_550 = arith.index_cast %add3A_533 : i32 to index
            %get3A_551 = arith.constant 32 : index
            %get3A_552 = tpu.vector_load %arg7[%get3A_549, %get3A_550, %get3A_551] {strides = array<i32>} : memref<3x256x128xf32, #tpu.memory_space<vmem>>, vector<1x1x16xf32>,
            %get3A_553 = vector.shape_cast %get3A_552 : vector<1x1x16xf32> to vector<16xf32>
            %add3A_554 = arith.addf %add3A_494, %get3A_553 : vector<16xf32>
            %get3A_555 = arith.constant 1 : i32
            %get3A_556 = arith.index_cast %get3A_555 : i32 to index
            %get3A_557 = arith.index_cast %add3A_533 : i32 to index
            %get3A_558 = arith.constant 48 : index
            %get3A_559 = tpu.vector_load %arg7[%get3A_556, %get3A_557, %get3A_558] {strides = array<i32>} : memref<3x256x128xf32, #tpu.memory_space<vmem>>, vector<1x1x16xf32>,
            %get3A_560 = vector.shape_cast %get3A_559 : vector<1x1x16xf32> to vector<16xf32>
            %add3A_561 = arith.addf %add3A_501, %get3A_560 : vector<16xf32>
            %get3A_562 = arith.constant 1 : i32
            %get3A_563 = arith.index_cast %get3A_562 : i32 to index
            %get3A_564 = arith.index_cast %add3A_533 : i32 to index
            %get3A_565 = arith.constant 64 : index
            %get3A_566 = tpu.vector_load %arg7[%get3A_563, %get3A_564, %get3A_565] {strides = array<i32>} : memref<3x256x128xf32, #tpu.memory_space<vmem>>, vector<1x1x16xf32>,
            %get3A_567 = vector.shape_cast %get3A_566 : vector<1x1x16xf32> to vector<16xf32>
            %add3A_568 = arith.addf %add3A_508, %get3A_567 : vector<16xf32>
            %get3A_569 = arith.constant 1 : i32
            %get3A_570 = arith.index_cast %get3A_569 : i32 to index
            %get3A_571 = arith.index_cast %add3A_533 : i32 to index
            %get3A_572 = arith.constant 80 : index
            %get3A_573 = tpu.vector_load %arg7[%get3A_570, %get3A_571, %get3A_572] {strides = array<i32>} : memref<3x256x128xf32, #tpu.memory_space<vmem>>, vector<1x1x16xf32>,
            %get3A_574 = vector.shape_cast %get3A_573 : vector<1x1x16xf32> to vector<16xf32>
            %add3A_575 = arith.addf %add3A_515, %get3A_574 : vector<16xf32>
            %get3A_576 = arith.constant 1 : i32
            %get3A_577 = arith.index_cast %get3A_576 : i32 to index
            %get3A_578 = arith.index_cast %add3A_533 : i32 to index
            %get3A_579 = arith.constant 96 : index
            %get3A_580 = tpu.vector_load %arg7[%get3A_577, %get3A_578, %get3A_579] {strides = array<i32>} : memref<3x256x128xf32, #tpu.memory_space<vmem>>, vector<1x1x16xf32>,
            %get3A_581 = vector.shape_cast %get3A_580 : vector<1x1x16xf32> to vector<16xf32>
            %add3A_582 = arith.addf %add3A_522, %get3A_581 : vector<16xf32>
            %get3A_583 = arith.constant 1 : i32
            %get3A_584 = arith.index_cast %get3A_583 : i32 to index
            %get3A_585 = arith.index_cast %add3A_533 : i32 to index
            %get3A_586 = arith.constant 112 : index
            %get3A_587 = tpu.vector_load %arg7[%get3A_584, %get3A_585, %get3A_586] {strides = array<i32>} : memref<3x256x128xf32, #tpu.memory_space<vmem>>, vector<1x1x16xf32>,
            %get3A_588 = vector.shape_cast %get3A_587 : vector<1x1x16xf32> to vector<16xf32>
            %add3A_589 = arith.addf %add3A_529, %get3A_588 : vector<16xf32>
            %mul3A_590 = arith.constant 8 : i32
            %mul3A_591 = arith.muli %scan3A_341, %mul3A_590 : i32
            %add3A_592 = arith.constant 4 : i32
            %add3A_593 = arith.addi %mul3A_591, %add3A_592 : i32
            %get3A_594 = arith.constant 1 : i32
            %get3A_595 = arith.index_cast %get3A_594 : i32 to index
            %get3A_596 = arith.index_cast %add3A_593 : i32 to index
            %get3A_597 = arith.constant 0 : index
            %get3A_598 = tpu.vector_load %arg7[%get3A_595, %get3A_596, %get3A_597] {strides = array<i32>} : memref<3x256x128xf32, #tpu.memory_space<vmem>>, vector<1x1x16xf32>,
            %get3A_599 = vector.shape_cast %get3A_598 : vector<1x1x16xf32> to vector<16xf32>
            %add3A_600 = arith.addf %add3A_540, %get3A_599 : vector<16xf32>
            %get3A_601 = arith.constant 1 : i32
            %get3A_602 = arith.index_cast %get3A_601 : i32 to index
            %get3A_603 = arith.index_cast %add3A_593 : i32 to index
            %get3A_604 = arith.constant 16 : index
            %get3A_605 = tpu.vector_load %arg7[%get3A_602, %get3A_603, %get3A_604] {strides = array<i32>} : memref<3x256x128xf32, #tpu.memory_space<vmem>>, vector<1x1x16xf32>,
            %get3A_606 = vector.shape_cast %get3A_605 : vector<1x1x16xf32> to vector<16xf32>
            %add3A_607 = arith.addf %add3A_547, %get3A_606 : vector<16xf32>
            %get3A_608 = arith.constant 1 : i32
            %get3A_609 = arith.index_cast %get3A_608 : i32 to index
            %get3A_610 = arith.index_cast %add3A_593 : i32 to index
            %get3A_611 = arith.constant 32 : index
            %get3A_612 = tpu.vector_load %arg7[%get3A_609, %get3A_610, %get3A_611] {strides = array<i32>} : memref<3x256x128xf32, #tpu.memory_space<vmem>>, vector<1x1x16xf32>,
            %get3A_613 = vector.shape_cast %get3A_612 : vector<1x1x16xf32> to vector<16xf32>
            %add3A_614 = arith.addf %add3A_554, %get3A_613 : vector<16xf32>
            %get3A_615 = arith.constant 1 : i32
            %get3A_616 = arith.index_cast %get3A_615 : i32 to index
            %get3A_617 = arith.index_cast %add3A_593 : i32 to index
            %get3A_618 = arith.constant 48 : index
            %get3A_619 = tpu.vector_load %arg7[%get3A_616, %get3A_617, %get3A_618] {strides = array<i32>} : memref<3x256x128xf32, #tpu.memory_space<vmem>>, vector<1x1x16xf32>,
            %get3A_620 = vector.shape_cast %get3A_619 : vector<1x1x16xf32> to vector<16xf32>
            %add3A_621 = arith.addf %add3A_561, %get3A_620 : vector<16xf32>
            %get3A_622 = arith.constant 1 : i32
            %get3A_623 = arith.index_cast %get3A_622 : i32 to index
            %get3A_624 = arith.index_cast %add3A_593 : i32 to index
            %get3A_625 = arith.constant 64 : index
            %get3A_626 = tpu.vector_load %arg7[%get3A_623, %get3A_624, %get3A_625] {strides = array<i32>} : memref<3x256x128xf32, #tpu.memory_space<vmem>>, vector<1x1x16xf32>,
            %get3A_627 = vector.shape_cast %get3A_626 : vector<1x1x16xf32> to vector<16xf32>
            %add3A_628 = arith.addf %add3A_568, %get3A_627 : vector<16xf32>
            %get3A_629 = arith.constant 1 : i32
            %get3A_630 = arith.index_cast %get3A_629 : i32 to index
            %get3A_631 = arith.index_cast %add3A_593 : i32 to index
            %get3A_632 = arith.constant 80 : index
            %get3A_633 = tpu.vector_load %arg7[%get3A_630, %get3A_631, %get3A_632] {strides = array<i32>} : memref<3x256x128xf32, #tpu.memory_space<vmem>>, vector<1x1x16xf32>,
            %get3A_634 = vector.shape_cast %get3A_633 : vector<1x1x16xf32> to vector<16xf32>
            %add3A_635 = arith.addf %add3A_575, %get3A_634 : vector<16xf32>
            %get3A_636 = arith.constant 1 : i32
            %get3A_637 = arith.index_cast %get3A_636 : i32 to index
            %get3A_638 = arith.index_cast %add3A_593 : i32 to index
            %get3A_639 = arith.constant 96 : index
            %get3A_640 = tpu.vector_load %arg7[%get3A_637, %get3A_638, %get3A_639] {strides = array<i32>} : memref<3x256x128xf32, #tpu.memory_space<vmem>>, vector<1x1x16xf32>,
            %get3A_641 = vector.shape_cast %get3A_640 : vector<1x1x16xf32> to vector<16xf32>
            %add3A_642 = arith.addf %add3A_582, %get3A_641 : vector<16xf32>
            %get3A_643 = arith.constant 1 : i32
            %get3A_644 = arith.index_cast %get3A_643 : i32 to index
            %get3A_645 = arith.index_cast %add3A_593 : i32 to index
            %get3A_646 = arith.constant 112 : index
            %get3A_647 = tpu.vector_load %arg7[%get3A_644, %get3A_645, %get3A_646] {strides = array<i32>} : memref<3x256x128xf32, #tpu.memory_space<vmem>>, vector<1x1x16xf32>,
            %get3A_648 = vector.shape_cast %get3A_647 : vector<1x1x16xf32> to vector<16xf32>
            %add3A_649 = arith.addf %add3A_589, %get3A_648 : vector<16xf32>
            %mul3A_650 = arith.constant 8 : i32
            %mul3A_651 = arith.muli %scan3A_341, %mul3A_650 : i32
            %add3A_652 = arith.constant 5 : i32
            %add3A_653 = arith.addi %mul3A_651, %add3A_652 : i32
            %get3A_654 = arith.constant 1 : i32
            %get3A_655 = arith.index_cast %get3A_654 : i32 to index
            %get3A_656 = arith.index_cast %add3A_653 : i32 to index
            %get3A_657 = arith.constant 0 : index
            %get3A_658 = tpu.vector_load %arg7[%get3A_655, %get3A_656, %get3A_657] {strides = array<i32>} : memref<3x256x128xf32, #tpu.memory_space<vmem>>, vector<1x1x16xf32>,
            %get3A_659 = vector.shape_cast %get3A_658 : vector<1x1x16xf32> to vector<16xf32>
            %add3A_660 = arith.addf %add3A_600, %get3A_659 : vector<16xf32>
            %get3A_661 = arith.constant 1 : i32
            %get3A_662 = arith.index_cast %get3A_661 : i32 to index
            %get3A_663 = arith.index_cast %add3A_653 : i32 to index
            %get3A_664 = arith.constant 16 : index
            %get3A_665 = tpu.vector_load %arg7[%get3A_662, %get3A_663, %get3A_664] {strides = array<i32>} : memref<3x256x128xf32, #tpu.memory_space<vmem>>, vector<1x1x16xf32>,
            %get3A_666 = vector.shape_cast %get3A_665 : vector<1x1x16xf32> to vector<16xf32>
            %add3A_667 = arith.addf %add3A_607, %get3A_666 : vector<16xf32>
            %get3A_668 = arith.constant 1 : i32
            %get3A_669 = arith.index_cast %get3A_668 : i32 to index
            %get3A_670 = arith.index_cast %add3A_653 : i32 to index
            %get3A_671 = arith.constant 32 : index
            %get3A_672 = tpu.vector_load %arg7[%get3A_669, %get3A_670, %get3A_671] {strides = array<i32>} : memref<3x256x128xf32, #tpu.memory_space<vmem>>, vector<1x1x16xf32>,
            %get3A_673 = vector.shape_cast %get3A_672 : vector<1x1x16xf32> to vector<16xf32>
            %add3A_674 = arith.addf %add3A_614, %get3A_673 : vector<16xf32>
            %get3A_675 = arith.constant 1 : i32
            %get3A_676 = arith.index_cast %get3A_675 : i32 to index
            %get3A_677 = arith.index_cast %add3A_653 : i32 to index
            %get3A_678 = arith.constant 48 : index
            %get3A_679 = tpu.vector_load %arg7[%get3A_676, %get3A_677, %get3A_678] {strides = array<i32>} : memref<3x256x128xf32, #tpu.memory_space<vmem>>, vector<1x1x16xf32>,
            %get3A_680 = vector.shape_cast %get3A_679 : vector<1x1x16xf32> to vector<16xf32>
            %add3A_681 = arith.addf %add3A_621, %get3A_680 : vector<16xf32>
            %get3A_682 = arith.constant 1 : i32
            %get3A_683 = arith.index_cast %get3A_682 : i32 to index
            %get3A_684 = arith.index_cast %add3A_653 : i32 to index
            %get3A_685 = arith.constant 64 : index
            %get3A_686 = tpu.vector_load %arg7[%get3A_683, %get3A_684, %get3A_685] {strides = array<i32>} : memref<3x256x128xf32, #tpu.memory_space<vmem>>, vector<1x1x16xf32>,
            %get3A_687 = vector.shape_cast %get3A_686 : vector<1x1x16xf32> to vector<16xf32>
            %add3A_688 = arith.addf %add3A_628, %get3A_687 : vector<16xf32>
            %get3A_689 = arith.constant 1 : i32
            %get3A_690 = arith.index_cast %get3A_689 : i32 to index
            %get3A_691 = arith.index_cast %add3A_653 : i32 to index
            %get3A_692 = arith.constant 80 : index
            %get3A_693 = tpu.vector_load %arg7[%get3A_690, %get3A_691, %get3A_692] {strides = array<i32>} : memref<3x256x128xf32, #tpu.memory_space<vmem>>, vector<1x1x16xf32>,
            %get3A_694 = vector.shape_cast %get3A_693 : vector<1x1x16xf32> to vector<16xf32>
            %add3A_695 = arith.addf %add3A_635, %get3A_694 : vector<16xf32>
            %get3A_696 = arith.constant 1 : i32
            %get3A_697 = arith.index_cast %get3A_696 : i32 to index
            %get3A_698 = arith.index_cast %add3A_653 : i32 to index
            %get3A_699 = arith.constant 96 : index
            %get3A_700 = tpu.vector_load %arg7[%get3A_697, %get3A_698, %get3A_699] {strides = array<i32>} : memref<3x256x128xf32, #tpu.memory_space<vmem>>, vector<1x1x16xf32>,
            %get3A_701 = vector.shape_cast %get3A_700 : vector<1x1x16xf32> to vector<16xf32>
            %add3A_702 = arith.addf %add3A_642, %get3A_701 : vector<16xf32>
            %get3A_703 = arith.constant 1 : i32
            %get3A_704 = arith.index_cast %get3A_703 : i32 to index
            %get3A_705 = arith.index_cast %add3A_653 : i32 to index
            %get3A_706 = arith.constant 112 : index
            %get3A_707 = tpu.vector_load %arg7[%get3A_704, %get3A_705, %get3A_706] {strides = array<i32>} : memref<3x256x128xf32, #tpu.memory_space<vmem>>, vector<1x1x16xf32>,
            %get3A_708 = vector.shape_cast %get3A_707 : vector<1x1x16xf32> to vector<16xf32>
            %add3A_709 = arith.addf %add3A_649, %get3A_708 : vector<16xf32>
            %mul3A_710 = arith.constant 8 : i32
            %mul3A_711 = arith.muli %scan3A_341, %mul3A_710 : i32
            %add3A_712 = arith.constant 6 : i32
            %add3A_713 = arith.addi %mul3A_711, %add3A_712 : i32
            %get3A_714 = arith.constant 1 : i32
            %get3A_715 = arith.index_cast %get3A_714 : i32 to index
            %get3A_716 = arith.index_cast %add3A_713 : i32 to index
            %get3A_717 = arith.constant 0 : index
            %get3A_718 = tpu.vector_load %arg7[%get3A_715, %get3A_716, %get3A_717] {strides = array<i32>} : memref<3x256x128xf32, #tpu.memory_space<vmem>>, vector<1x1x16xf32>,
            %get3A_719 = vector.shape_cast %get3A_718 : vector<1x1x16xf32> to vector<16xf32>
            %add3A_720 = arith.addf %add3A_660, %get3A_719 : vector<16xf32>
            %get3A_721 = arith.constant 1 : i32
            %get3A_722 = arith.index_cast %get3A_721 : i32 to index
            %get3A_723 = arith.index_cast %add3A_713 : i32 to index
            %get3A_724 = arith.constant 16 : index
            %get3A_725 = tpu.vector_load %arg7[%get3A_722, %get3A_723, %get3A_724] {strides = array<i32>} : memref<3x256x128xf32, #tpu.memory_space<vmem>>, vector<1x1x16xf32>,
            %get3A_726 = vector.shape_cast %get3A_725 : vector<1x1x16xf32> to vector<16xf32>
            %add3A_727 = arith.addf %add3A_667, %get3A_726 : vector<16xf32>
            %get3A_728 = arith.constant 1 : i32
            %get3A_729 = arith.index_cast %get3A_728 : i32 to index
            %get3A_730 = arith.index_cast %add3A_713 : i32 to index
            %get3A_731 = arith.constant 32 : index
            %get3A_732 = tpu.vector_load %arg7[%get3A_729, %get3A_730, %get3A_731] {strides = array<i32>} : memref<3x256x128xf32, #tpu.memory_space<vmem>>, vector<1x1x16xf32>,
            %get3A_733 = vector.shape_cast %get3A_732 : vector<1x1x16xf32> to vector<16xf32>
            %add3A_734 = arith.addf %add3A_674, %get3A_733 : vector<16xf32>
            %get3A_735 = arith.constant 1 : i32
            %get3A_736 = arith.index_cast %get3A_735 : i32 to index
            %get3A_737 = arith.index_cast %add3A_713 : i32 to index
            %get3A_738 = arith.constant 48 : index
            %get3A_739 = tpu.vector_load %arg7[%get3A_736, %get3A_737, %get3A_738] {strides = array<i32>} : memref<3x256x128xf32, #tpu.memory_space<vmem>>, vector<1x1x16xf32>,
            %get3A_740 = vector.shape_cast %get3A_739 : vector<1x1x16xf32> to vector<16xf32>
            %add3A_741 = arith.addf %add3A_681, %get3A_740 : vector<16xf32>
            %get3A_742 = arith.constant 1 : i32
            %get3A_743 = arith.index_cast %get3A_742 : i32 to index
            %get3A_744 = arith.index_cast %add3A_713 : i32 to index
            %get3A_745 = arith.constant 64 : index
            %get3A_746 = tpu.vector_load %arg7[%get3A_743, %get3A_744, %get3A_745] {strides = array<i32>} : memref<3x256x128xf32, #tpu.memory_space<vmem>>, vector<1x1x16xf32>,
            %get3A_747 = vector.shape_cast %get3A_746 : vector<1x1x16xf32> to vector<16xf32>
            %add3A_748 = arith.addf %add3A_688, %get3A_747 : vector<16xf32>
            %get3A_749 = arith.constant 1 : i32
            %get3A_750 = arith.index_cast %get3A_749 : i32 to index
            %get3A_751 = arith.index_cast %add3A_713 : i32 to index
            %get3A_752 = arith.constant 80 : index
            %get3A_753 = tpu.vector_load %arg7[%get3A_750, %get3A_751, %get3A_752] {strides = array<i32>} : memref<3x256x128xf32, #tpu.memory_space<vmem>>, vector<1x1x16xf32>,
            %get3A_754 = vector.shape_cast %get3A_753 : vector<1x1x16xf32> to vector<16xf32>
            %add3A_755 = arith.addf %add3A_695, %get3A_754 : vector<16xf32>
            %get3A_756 = arith.constant 1 : i32
            %get3A_757 = arith.index_cast %get3A_756 : i32 to index
            %get3A_758 = arith.index_cast %add3A_713 : i32 to index
            %get3A_759 = arith.constant 96 : index
            %get3A_760 = tpu.vector_load %arg7[%get3A_757, %get3A_758, %get3A_759] {strides = array<i32>} : memref<3x256x128xf32, #tpu.memory_space<vmem>>, vector<1x1x16xf32>,
            %get3A_761 = vector.shape_cast %get3A_760 : vector<1x1x16xf32> to vector<16xf32>
            %add3A_762 = arith.addf %add3A_702, %get3A_761 : vector<16xf32>
            %get3A_763 = arith.constant 1 : i32
            %get3A_764 = arith.index_cast %get3A_763 : i32 to index
            %get3A_765 = arith.index_cast %add3A_713 : i32 to index
            %get3A_766 = arith.constant 112 : index
            %get3A_767 = tpu.vector_load %arg7[%get3A_764, %get3A_765, %get3A_766] {strides = array<i32>} : memref<3x256x128xf32, #tpu.memory_space<vmem>>, vector<1x1x16xf32>,
            %get3A_768 = vector.shape_cast %get3A_767 : vector<1x1x16xf32> to vector<16xf32>
            %add3A_769 = arith.addf %add3A_709, %get3A_768 : vector<16xf32>
            %mul3A_770 = arith.constant 8 : i32
            %mul3A_771 = arith.muli %scan3A_341, %mul3A_770 : i32
            %add3A_772 = arith.constant 7 : i32
            %add3A_773 = arith.addi %mul3A_771, %add3A_772 : i32
            %get3A_774 = arith.constant 1 : i32
            %get3A_775 = arith.index_cast %get3A_774 : i32 to index
            %get3A_776 = arith.index_cast %add3A_773 : i32 to index
            %get3A_777 = arith.constant 0 : index
            %get3A_778 = tpu.vector_load %arg7[%get3A_775, %get3A_776, %get3A_777] {strides = array<i32>} : memref<3x256x128xf32, #tpu.memory_space<vmem>>, vector<1x1x16xf32>,
            %get3A_779 = vector.shape_cast %get3A_778 : vector<1x1x16xf32> to vector<16xf32>
            %add3A_780 = arith.addf %add3A_720, %get3A_779 : vector<16xf32>
            %get3A_781 = arith.constant 1 : i32
            %get3A_782 = arith.index_cast %get3A_781 : i32 to index
            %get3A_783 = arith.index_cast %add3A_773 : i32 to index
            %get3A_784 = arith.constant 16 : index
            %get3A_785 = tpu.vector_load %arg7[%get3A_782, %get3A_783, %get3A_784] {strides = array<i32>} : memref<3x256x128xf32, #tpu.memory_space<vmem>>, vector<1x1x16xf32>,
            %get3A_786 = vector.shape_cast %get3A_785 : vector<1x1x16xf32> to vector<16xf32>
            %add3A_787 = arith.addf %add3A_727, %get3A_786 : vector<16xf32>
            %get3A_788 = arith.constant 1 : i32
            %get3A_789 = arith.index_cast %get3A_788 : i32 to index
            %get3A_790 = arith.index_cast %add3A_773 : i32 to index
            %get3A_791 = arith.constant 32 : index
            %get3A_792 = tpu.vector_load %arg7[%get3A_789, %get3A_790, %get3A_791] {strides = array<i32>} : memref<3x256x128xf32, #tpu.memory_space<vmem>>, vector<1x1x16xf32>,
            %get3A_793 = vector.shape_cast %get3A_792 : vector<1x1x16xf32> to vector<16xf32>
            %add3A_794 = arith.addf %add3A_734, %get3A_793 : vector<16xf32>
            %get3A_795 = arith.constant 1 : i32
            %get3A_796 = arith.index_cast %get3A_795 : i32 to index
            %get3A_797 = arith.index_cast %add3A_773 : i32 to index
            %get3A_798 = arith.constant 48 : index
            %get3A_799 = tpu.vector_load %arg7[%get3A_796, %get3A_797, %get3A_798] {strides = array<i32>} : memref<3x256x128xf32, #tpu.memory_space<vmem>>, vector<1x1x16xf32>,
            %get3A_800 = vector.shape_cast %get3A_799 : vector<1x1x16xf32> to vector<16xf32>
            %add3A_801 = arith.addf %add3A_741, %get3A_800 : vector<16xf32>
            %get3A_802 = arith.constant 1 : i32
            %get3A_803 = arith.index_cast %get3A_802 : i32 to index
            %get3A_804 = arith.index_cast %add3A_773 : i32 to index
            %get3A_805 = arith.constant 64 : index
            %get3A_806 = tpu.vector_load %arg7[%get3A_803, %get3A_804, %get3A_805] {strides = array<i32>} : memref<3x256x128xf32, #tpu.memory_space<vmem>>, vector<1x1x16xf32>,
            %get3A_807 = vector.shape_cast %get3A_806 : vector<1x1x16xf32> to vector<16xf32>
            %add3A_808 = arith.addf %add3A_748, %get3A_807 : vector<16xf32>
            %get3A_809 = arith.constant 1 : i32
            %get3A_810 = arith.index_cast %get3A_809 : i32 to index
            %get3A_811 = arith.index_cast %add3A_773 : i32 to index
            %get3A_812 = arith.constant 80 : index
            %get3A_813 = tpu.vector_load %arg7[%get3A_810, %get3A_811, %get3A_812] {strides = array<i32>} : memref<3x256x128xf32, #tpu.memory_space<vmem>>, vector<1x1x16xf32>,
            %get3A_814 = vector.shape_cast %get3A_813 : vector<1x1x16xf32> to vector<16xf32>
            %add3A_815 = arith.addf %add3A_755, %get3A_814 : vector<16xf32>
            %get3A_816 = arith.constant 1 : i32
            %get3A_817 = arith.index_cast %get3A_816 : i32 to index
            %get3A_818 = arith.index_cast %add3A_773 : i32 to index
            %get3A_819 = arith.constant 96 : index
            %get3A_820 = tpu.vector_load %arg7[%get3A_817, %get3A_818, %get3A_819] {strides = array<i32>} : memref<3x256x128xf32, #tpu.memory_space<vmem>>, vector<1x1x16xf32>,
            %get3A_821 = vector.shape_cast %get3A_820 : vector<1x1x16xf32> to vector<16xf32>
            %add3A_822 = arith.addf %add3A_762, %get3A_821 : vector<16xf32>
            %get3A_823 = arith.constant 1 : i32
            %get3A_824 = arith.index_cast %get3A_823 : i32 to index
            %get3A_825 = arith.index_cast %add3A_773 : i32 to index
            %get3A_826 = arith.constant 112 : index
            %get3A_827 = tpu.vector_load %arg7[%get3A_824, %get3A_825, %get3A_826] {strides = array<i32>} : memref<3x256x128xf32, #tpu.memory_space<vmem>>, vector<1x1x16xf32>,
            %get3A_828 = vector.shape_cast %get3A_827 : vector<1x1x16xf32> to vector<16xf32>
            %add3A_829 = arith.addf %add3A_769, %get3A_828 : vector<16xf32>
            scf.yield %add3A_780, %add3A_787, %add3A_794, %add3A_801, %add3A_808, %add3A_815, %add3A_822, %add3A_829 : vector<16xf32>, vector<16xf32>, vector<16xf32>, vector<16xf32>, vector<16xf32>, vector<16xf32>, vector<16xf32>, vector<16xf32>
          }
          %scan3A_260 = arith.constant 32 : i32
          %get3A_261 = arith.index_cast %squeeze3A : i32 to index
          %get3A_262 = arith.constant 0 : index
          %get3A_263 = tpu.vector_load %arg14[%get3A_261, %get3A_262] {strides = array<i32>} : memref<64x128xf32, #tpu.memory_space<vmem>>, vector<1x16xf32>,
          %get3A_264 = vector.shape_cast %get3A_263 : vector<1x16xf32> to vector<16xf32>
          %add3A_265 = arith.addf %get3A_264, %scan3A_259#0 : vector<16xf32>
          %swap3A_266 = arith.index_cast %squeeze3A : i32 to index
          %swap3A_267 = arith.constant 0 : index
          %swap3A_268 = tpu.vector_load %arg14[%swap3A_266, %swap3A_267] {strides = array<i32>} : memref<64x128xf32, #tpu.memory_space<vmem>>, vector<1x16xf32>,
          %swap3A_269 = vector.shape_cast %swap3A_268 : vector<1x16xf32> to vector<16xf32>
          %swap3A_270 = vector.shape_cast %add3A_265 : vector<16xf32> to vector<1x16xf32>
          tpu.vector_store %arg14[%swap3A_266, %swap3A_267], %swap3A_270 {strides = array<i32>} : memref<64x128xf32, #tpu.memory_space<vmem>>, vector<1x16xf32>,
          %get3A_271 = arith.index_cast %squeeze3A : i32 to index
          %get3A_272 = arith.constant 16 : index
          %get3A_273 = tpu.vector_load %arg14[%get3A_271, %get3A_272] {strides = array<i32>} : memref<64x128xf32, #tpu.memory_space<vmem>>, vector<1x16xf32>,
          %get3A_274 = vector.shape_cast %get3A_273 : vector<1x16xf32> to vector<16xf32>
          %add3A_275 = arith.addf %get3A_274, %scan3A_259#1 : vector<16xf32>
          %swap3A_276 = arith.index_cast %squeeze3A : i32 to index
          %swap3A_277 = arith.constant 16 : index
          %swap3A_278 = tpu.vector_load %arg14[%swap3A_276, %swap3A_277] {strides = array<i32>} : memref<64x128xf32, #tpu.memory_space<vmem>>, vector<1x16xf32>,
          %swap3A_279 = vector.shape_cast %swap3A_278 : vector<1x16xf32> to vector<16xf32>
          %swap3A_280 = vector.shape_cast %add3A_275 : vector<16xf32> to vector<1x16xf32>
          tpu.vector_store %arg14[%swap3A_276, %swap3A_277], %swap3A_280 {strides = array<i32>} : memref<64x128xf32, #tpu.memory_space<vmem>>, vector<1x16xf32>,
          %get3A_281 = arith.index_cast %squeeze3A : i32 to index
          %get3A_282 = arith.constant 32 : index
          %get3A_283 = tpu.vector_load %arg14[%get3A_281, %get3A_282] {strides = array<i32>} : memref<64x128xf32, #tpu.memory_space<vmem>>, vector<1x16xf32>,
          %get3A_284 = vector.shape_cast %get3A_283 : vector<1x16xf32> to vector<16xf32>
          %add3A_285 = arith.addf %get3A_284, %scan3A_259#2 : vector<16xf32>
          %swap3A_286 = arith.index_cast %squeeze3A : i32 to index
          %swap3A_287 = arith.constant 32 : index
          %swap3A_288 = tpu.vector_load %arg14[%swap3A_286, %swap3A_287] {strides = array<i32>} : memref<64x128xf32, #tpu.memory_space<vmem>>, vector<1x16xf32>,
          %swap3A_289 = vector.shape_cast %swap3A_288 : vector<1x16xf32> to vector<16xf32>
          %swap3A_290 = vector.shape_cast %add3A_285 : vector<16xf32> to vector<1x16xf32>
          tpu.vector_store %arg14[%swap3A_286, %swap3A_287], %swap3A_290 {strides = array<i32>} : memref<64x128xf32, #tpu.memory_space<vmem>>, vector<1x16xf32>,
          %get3A_291 = arith.index_cast %squeeze3A : i32 to index
          %get3A_292 = arith.constant 48 : index
          %get3A_293 = tpu.vector_load %arg14[%get3A_291, %get3A_292] {strides = array<i32>} : memref<64x128xf32, #tpu.memory_space<vmem>>, vector<1x16xf32>,
          %get3A_294 = vector.shape_cast %get3A_293 : vector<1x16xf32> to vector<16xf32>
          %add3A_295 = arith.addf %get3A_294, %scan3A_259#3 : vector<16xf32>
          %swap3A_296 = arith.index_cast %squeeze3A : i32 to index
          %swap3A_297 = arith.constant 48 : index
          %swap3A_298 = tpu.vector_load %arg14[%swap3A_296, %swap3A_297] {strides = array<i32>} : memref<64x128xf32, #tpu.memory_space<vmem>>, vector<1x16xf32>,
          %swap3A_299 = vector.shape_cast %swap3A_298 : vector<1x16xf32> to vector<16xf32>
          %swap3A_300 = vector.shape_cast %add3A_295 : vector<16xf32> to vector<1x16xf32>
          tpu.vector_store %arg14[%swap3A_296, %swap3A_297], %swap3A_300 {strides = array<i32>} : memref<64x128xf32, #tpu.memory_space<vmem>>, vector<1x16xf32>,
          %get3A_301 = arith.index_cast %squeeze3A : i32 to index
          %get3A_302 = arith.constant 64 : index
          %get3A_303 = tpu.vector_load %arg14[%get3A_301, %get3A_302] {strides = array<i32>} : memref<64x128xf32, #tpu.memory_space<vmem>>, vector<1x16xf32>,
          %get3A_304 = vector.shape_cast %get3A_303 : vector<1x16xf32> to vector<16xf32>
          %add3A_305 = arith.addf %get3A_304, %scan3A_259#4 : vector<16xf32>
          %swap3A_306 = arith.index_cast %squeeze3A : i32 to index
          %swap3A_307 = arith.constant 64 : index
          %swap3A_308 = tpu.vector_load %arg14[%swap3A_306, %swap3A_307] {strides = array<i32>} : memref<64x128xf32, #tpu.memory_space<vmem>>, vector<1x16xf32>,
          %swap3A_309 = vector.shape_cast %swap3A_308 : vector<1x16xf32> to vector<16xf32>
          %swap3A_310 = vector.shape_cast %add3A_305 : vector<16xf32> to vector<1x16xf32>
          tpu.vector_store %arg14[%swap3A_306, %swap3A_307], %swap3A_310 {strides = array<i32>} : memref<64x128xf32, #tpu.memory_space<vmem>>, vector<1x16xf32>,
          %get3A_311 = arith.index_cast %squeeze3A : i32 to index
          %get3A_312 = arith.constant 80 : index
          %get3A_313 = tpu.vector_load %arg14[%get3A_311, %get3A_312] {strides = array<i32>} : memref<64x128xf32, #tpu.memory_space<vmem>>, vector<1x16xf32>,
          %get3A_314 = vector.shape_cast %get3A_313 : vector<1x16xf32> to vector<16xf32>
          %add3A_315 = arith.addf %get3A_314, %scan3A_259#5 : vector<16xf32>
          %swap3A_316 = arith.index_cast %squeeze3A : i32 to index
          %swap3A_317 = arith.constant 80 : index
          %swap3A_318 = tpu.vector_load %arg14[%swap3A_316, %swap3A_317] {strides = array<i32>} : memref<64x128xf32, #tpu.memory_space<vmem>>, vector<1x16xf32>,
          %swap3A_319 = vector.shape_cast %swap3A_318 : vector<1x16xf32> to vector<16xf32>
          %swap3A_320 = vector.shape_cast %add3A_315 : vector<16xf32> to vector<1x16xf32>
          tpu.vector_store %arg14[%swap3A_316, %swap3A_317], %swap3A_320 {strides = array<i32>} : memref<64x128xf32, #tpu.memory_space<vmem>>, vector<1x16xf32>,
          %get3A_321 = arith.index_cast %squeeze3A : i32 to index
          %get3A_322 = arith.constant 96 : index
          %get3A_323 = tpu.vector_load %arg14[%get3A_321, %get3A_322] {strides = array<i32>} : memref<64x128xf32, #tpu.memory_space<vmem>>, vector<1x16xf32>,
          %get3A_324 = vector.shape_cast %get3A_323 : vector<1x16xf32> to vector<16xf32>
          %add3A_325 = arith.addf %get3A_324, %scan3A_259#6 : vector<16xf32>
          %swap3A_326 = arith.index_cast %squeeze3A : i32 to index
          %swap3A_327 = arith.constant 96 : index
          %swap3A_328 = tpu.vector_load %arg14[%swap3A_326, %swap3A_327] {strides = array<i32>} : memref<64x128xf32, #tpu.memory_space<vmem>>, vector<1x16xf32>,
          %swap3A_329 = vector.shape_cast %swap3A_328 : vector<1x16xf32> to vector<16xf32>
          %swap3A_330 = vector.shape_cast %add3A_325 : vector<16xf32> to vector<1x16xf32>
          tpu.vector_store %arg14[%swap3A_326, %swap3A_327], %swap3A_330 {strides = array<i32>} : memref<64x128xf32, #tpu.memory_space<vmem>>, vector<1x16xf32>,
          %get3A_331 = arith.index_cast %squeeze3A : i32 to index
          %get3A_332 = arith.constant 112 : index
          %get3A_333 = tpu.vector_load %arg14[%get3A_331, %get3A_332] {strides = array<i32>} : memref<64x128xf32, #tpu.memory_space<vmem>>, vector<1x16xf32>,
          %get3A_334 = vector.shape_cast %get3A_333 : vector<1x16xf32> to vector<16xf32>
          %add3A_335 = arith.addf %get3A_334, %scan3A_259#7 : vector<16xf32>
          %swap3A_336 = arith.index_cast %squeeze3A : i32 to index
          %swap3A_337 = arith.constant 112 : index
          %swap3A_338 = tpu.vector_load %arg14[%swap3A_336, %swap3A_337] {strides = array<i32>} : memref<64x128xf32, #tpu.memory_space<vmem>>, vector<1x16xf32>,
          %swap3A_339 = vector.shape_cast %swap3A_338 : vector<1x16xf32> to vector<16xf32>
          %swap3A_340 = vector.shape_cast %add3A_335 : vector<16xf32> to vector<1x16xf32>
          tpu.vector_store %arg14[%swap3A_336, %swap3A_337], %swap3A_340 {strides = array<i32>} : memref<64x128xf32, #tpu.memory_space<vmem>>, vector<1x16xf32>,
        } else {
        }
        %ne3A = arith.cmpi ne, %squeeze3A, %squeeze3A_231 : i32
        %convert_element_type3A_252 = arith.extui %ne3A : i1 to i32
        %cond3A_253 = arith.constant 0 : i32
        %cond3A_254 = arith.cmpi ne, %convert_element_type3A_252, %cond3A_253 : i32
        scf.if %cond3A_254 {
          %sub3A_255 = arith.subi %squeeze3A_231, %squeeze3A : i32
          %add3A_256 = arith.constant 1 : i32
          %add3A_257 = arith.addi %sub3A_255, %add3A_256 : i32
          %while3A = arith.constant 0 : i32
          %while3A_258 = arith.constant 0 : i32
          %while3A_259 = arith.subi %add3A_257, %while3A : i32
          %while3A_260 = arith.addi %while3A, %while3A_259 : i32
          %while3A_261 = arith.constant 1 : i32
          %while3A_262 = arith.divsi %while3A_259, %while3A_261 : i32
          %while3A_263 = arith.muli %while3A_262, %while3A_261 : i32
          %while3A_264 = arith.addi %while3A, %while3A_263 : i32
          %while3A_265 = arith.constant 1 : i32
          %while3A_266 = scf.for %while3A_269 = %while3A to %while3A_264 step %while3A_265 iter_args(%while3A_270 = %while3A_258) -> (i32)  : i32 {
            %add3A_271 = arith.addi %squeeze3A, %while3A_269 : i32
            %add3A_272 = arith.constant 1 : i32
            %add3A_273 = arith.addi %add3A_271, %add3A_272 : i32
            %scan3A_274 = arith.constant 0 : i32
            %scan3A_275 = arith.constant 256 : i32
            %scan3A_276 = arith.constant 0 : i32
            %scan3A_277 = arith.constant 8 : i32
            %scan3A_278 = arith.addi %scan3A_276, %scan3A_277 : i32
            %scan3A_279 = arith.constant 1 : i32
            %scan3A_280:2 = scf.for %scan3A_372 = %scan3A_276 to %scan3A_278 step %scan3A_279 iter_args(%scan3A_373 = %scan3A_274, %scan3A_374 = %scan3A_275) -> (i32, i32)  : i32 {
              %add3A_375 = arith.addi %scan3A_373, %scan3A_374 : i32
              %jit3A_376 = arith.constant 2 : i32
              %div3A = arith.divsi %add3A_375, %jit3A_376 : i32
              %sign3A = arith.constant 0 : i32
              %sign3A_377 = arith.cmpi sgt, %add3A_375, %sign3A : i32
              %sign3A_378 = arith.extui %sign3A_377 : i1 to i32
              %sign3A_379 = arith.constant 0 : i32
              %sign3A_380 = arith.cmpi slt, %add3A_375, %sign3A_379 : i32
              %sign3A_381 = arith.extui %sign3A_380 : i1 to i32
              %sign3A_382 = arith.subi %sign3A_378, %sign3A_381 : i32
              %sign3A_383 = arith.constant 0 : i32
              %sign3A_384 = arith.cmpi sgt, %jit3A_376, %sign3A_383 : i32
              %sign3A_385 = arith.extui %sign3A_384 : i1 to i32
              %sign3A_386 = arith.constant 0 : i32
              %sign3A_387 = arith.cmpi slt, %jit3A_376, %sign3A_386 : i32
              %sign3A_388 = arith.extui %sign3A_387 : i1 to i32
              %sign3A_389 = arith.subi %sign3A_385, %sign3A_388 : i32
              %ne3A_390 = arith.cmpi ne, %sign3A_382, %sign3A_389 : i32
              %rem3A = arith.remsi %add3A_375, %jit3A_376 : i32
              %ne3A_391 = arith.constant 0 : i32
              %ne3A_392 = arith.cmpi ne, %rem3A, %ne3A_391 : i32
              %and3A = arith.andi %ne3A_390, %ne3A_392 : i1
              %sub3A_393 = arith.constant 1 : i32
              %sub3A_394 = arith.subi %div3A, %sub3A_393 : i32
              %select_n3A_395 = arith.select %and3A, %sub3A_394, %div3A : i32
              %get3A_396 = arith.index_cast %select_n3A_395 : i32 to index
              %get3A_397 = tpu.vector_load %arg9[%get3A_396] {strides = array<i32>} : memref<272xi32, #tpu.memory_space<vmem>>, vector<16xi32>,
              %get3A_398 = vector.shape_cast %get3A_397 : vector<16xi32> to vector<16xi32>
              %slice3A_399 = vector.extract_strided_slice %get3A_398 {offsets = [0], sizes = [1], strides = [1]} : vector<16xi32> to vector<1xi32>
              %squeeze3A_400 = vector.extract %slice3A_399[0] : i32 from vector<1xi32>
              %lt3A_401 = arith.cmpi slt, %squeeze3A_400, %add3A_273 : i32
              %add3A_402 = arith.constant 1 : i32
              %add3A_403 = arith.addi %select_n3A_395, %add3A_402 : i32
              %select_n3A_404 = arith.select %lt3A_401, %add3A_403, %scan3A_373 : i32
              %select_n3A_405 = arith.select %lt3A_401, %scan3A_374, %select_n3A_395 : i32
              scf.yield %select_n3A_404, %select_n3A_405 : i32, i32
            }
            %scan3A_281 = arith.constant 8 : i32
            %while3A_282 = arith.subi %scan3A_280#1, %while3A_270 : i32
            %while3A_283 = arith.addi %while3A_270, %while3A_282 : i32
            %while3A_284 = arith.constant 1 : i32
            %while3A_285 = arith.divsi %while3A_282, %while3A_284 : i32
            %while3A_286 = arith.muli %while3A_285, %while3A_284 : i32
            %while3A_287 = arith.addi %while3A_270, %while3A_286 : i32
            %while3A_288 = arith.constant 1 : i32
            %while3A_289:8 = scf.for %while3A_372 = %while3A_270 to %while3A_287 step %while3A_288 iter_args(%while3A_373 = %broadcast_in_dim3A_233, %while3A_374 = %broadcast_in_dim3A_235, %while3A_375 = %broadcast_in_dim3A_237, %while3A_376 = %broadcast_in_dim3A_239, %while3A_377 = %broadcast_in_dim3A_241, %while3A_378 = %broadcast_in_dim3A_243, %while3A_379 = %broadcast_in_dim3A_245, %while3A_380 = %broadcast_in_dim3A_247) -> (vector<16xf32>, vector<16xf32>, vector<16xf32>, vector<16xf32>, vector<16xf32>, vector<16xf32>, vector<16xf32>, vector<16xf32>)  : i32 {
              %get3A_381 = arith.constant 1 : i32
              %get3A_382 = arith.index_cast %get3A_381 : i32 to index
              %get3A_383 = arith.index_cast %while3A_372 : i32 to index
              %get3A_384 = arith.constant 0 : index
              %get3A_385 = tpu.vector_load %arg7[%get3A_382, %get3A_383, %get3A_384] {strides = array<i32>} : memref<3x256x128xf32, #tpu.memory_space<vmem>>, vector<1x1x16xf32>,
              %get3A_386 = vector.shape_cast %get3A_385 : vector<1x1x16xf32> to vector<16xf32>
              %add3A_387 = arith.addf %while3A_373, %get3A_386 : vector<16xf32>
              %get3A_388 = arith.constant 1 : i32
              %get3A_389 = arith.index_cast %get3A_388 : i32 to index
              %get3A_390 = arith.index_cast %while3A_372 : i32 to index
              %get3A_391 = arith.constant 16 : index
              %get3A_392 = tpu.vector_load %arg7[%get3A_389, %get3A_390, %get3A_391] {strides = array<i32>} : memref<3x256x128xf32, #tpu.memory_space<vmem>>, vector<1x1x16xf32>,
              %get3A_393 = vector.shape_cast %get3A_392 : vector<1x1x16xf32> to vector<16xf32>
              %add3A_394 = arith.addf %while3A_374, %get3A_393 : vector<16xf32>
              %get3A_395 = arith.constant 1 : i32
              %get3A_396 = arith.index_cast %get3A_395 : i32 to index
              %get3A_397 = arith.index_cast %while3A_372 : i32 to index
              %get3A_398 = arith.constant 32 : index
              %get3A_399 = tpu.vector_load %arg7[%get3A_396, %get3A_397, %get3A_398] {strides = array<i32>} : memref<3x256x128xf32, #tpu.memory_space<vmem>>, vector<1x1x16xf32>,
              %get3A_400 = vector.shape_cast %get3A_399 : vector<1x1x16xf32> to vector<16xf32>
              %add3A_401 = arith.addf %while3A_375, %get3A_400 : vector<16xf32>
              %get3A_402 = arith.constant 1 : i32
              %get3A_403 = arith.index_cast %get3A_402 : i32 to index
              %get3A_404 = arith.index_cast %while3A_372 : i32 to index
              %get3A_405 = arith.constant 48 : index
              %get3A_406 = tpu.vector_load %arg7[%get3A_403, %get3A_404, %get3A_405] {strides = array<i32>} : memref<3x256x128xf32, #tpu.memory_space<vmem>>, vector<1x1x16xf32>,
              %get3A_407 = vector.shape_cast %get3A_406 : vector<1x1x16xf32> to vector<16xf32>
              %add3A_408 = arith.addf %while3A_376, %get3A_407 : vector<16xf32>
              %get3A_409 = arith.constant 1 : i32
              %get3A_410 = arith.index_cast %get3A_409 : i32 to index
              %get3A_411 = arith.index_cast %while3A_372 : i32 to index
              %get3A_412 = arith.constant 64 : index
              %get3A_413 = tpu.vector_load %arg7[%get3A_410, %get3A_411, %get3A_412] {strides = array<i32>} : memref<3x256x128xf32, #tpu.memory_space<vmem>>, vector<1x1x16xf32>,
              %get3A_414 = vector.shape_cast %get3A_413 : vector<1x1x16xf32> to vector<16xf32>
              %add3A_415 = arith.addf %while3A_377, %get3A_414 : vector<16xf32>
              %get3A_416 = arith.constant 1 : i32
              %get3A_417 = arith.index_cast %get3A_416 : i32 to index
              %get3A_418 = arith.index_cast %while3A_372 : i32 to index
              %get3A_419 = arith.constant 80 : index
              %get3A_420 = tpu.vector_load %arg7[%get3A_417, %get3A_418, %get3A_419] {strides = array<i32>} : memref<3x256x128xf32, #tpu.memory_space<vmem>>, vector<1x1x16xf32>,
              %get3A_421 = vector.shape_cast %get3A_420 : vector<1x1x16xf32> to vector<16xf32>
              %add3A_422 = arith.addf %while3A_378, %get3A_421 : vector<16xf32>
              %get3A_423 = arith.constant 1 : i32
              %get3A_424 = arith.index_cast %get3A_423 : i32 to index
              %get3A_425 = arith.index_cast %while3A_372 : i32 to index
              %get3A_426 = arith.constant 96 : index
              %get3A_427 = tpu.vector_load %arg7[%get3A_424, %get3A_425, %get3A_426] {strides = array<i32>} : memref<3x256x128xf32, #tpu.memory_space<vmem>>, vector<1x1x16xf32>,
              %get3A_428 = vector.shape_cast %get3A_427 : vector<1x1x16xf32> to vector<16xf32>
              %add3A_429 = arith.addf %while3A_379, %get3A_428 : vector<16xf32>
              %get3A_430 = arith.constant 1 : i32
              %get3A_431 = arith.index_cast %get3A_430 : i32 to index
              %get3A_432 = arith.index_cast %while3A_372 : i32 to index
              %get3A_433 = arith.constant 112 : index
              %get3A_434 = tpu.vector_load %arg7[%get3A_431, %get3A_432, %get3A_433] {strides = array<i32>} : memref<3x256x128xf32, #tpu.memory_space<vmem>>, vector<1x1x16xf32>,
              %get3A_435 = vector.shape_cast %get3A_434 : vector<1x1x16xf32> to vector<16xf32>
              %add3A_436 = arith.addf %while3A_380, %get3A_435 : vector<16xf32>
              scf.yield %add3A_387, %add3A_394, %add3A_401, %add3A_408, %add3A_415, %add3A_422, %add3A_429, %add3A_436 : vector<16xf32>, vector<16xf32>, vector<16xf32>, vector<16xf32>, vector<16xf32>, vector<16xf32>, vector<16xf32>, vector<16xf32>
            }
            %while3A_290 = arith.constant 1 : i32
            %while3A_291:8 = scf.for %while3A_372 = %while3A_287 to %while3A_283 step %while3A_290 iter_args(%while3A_373 = %while3A_289#0, %while3A_374 = %while3A_289#1, %while3A_375 = %while3A_289#2, %while3A_376 = %while3A_289#3, %while3A_377 = %while3A_289#4, %while3A_378 = %while3A_289#5, %while3A_379 = %while3A_289#6, %while3A_380 = %while3A_289#7) -> (vector<16xf32>, vector<16xf32>, vector<16xf32>, vector<16xf32>, vector<16xf32>, vector<16xf32>, vector<16xf32>, vector<16xf32>)  : i32 {
              %get3A_381 = arith.constant 1 : i32
              %get3A_382 = arith.index_cast %get3A_381 : i32 to index
              %get3A_383 = arith.index_cast %while3A_372 : i32 to index
              %get3A_384 = arith.constant 0 : index
              %get3A_385 = tpu.vector_load %arg7[%get3A_382, %get3A_383, %get3A_384] {strides = array<i32>} : memref<3x256x128xf32, #tpu.memory_space<vmem>>, vector<1x1x16xf32>,
              %get3A_386 = vector.shape_cast %get3A_385 : vector<1x1x16xf32> to vector<16xf32>
              %add3A_387 = arith.addf %while3A_373, %get3A_386 : vector<16xf32>
              %get3A_388 = arith.constant 1 : i32
              %get3A_389 = arith.index_cast %get3A_388 : i32 to index
              %get3A_390 = arith.index_cast %while3A_372 : i32 to index
              %get3A_391 = arith.constant 16 : index
              %get3A_392 = tpu.vector_load %arg7[%get3A_389, %get3A_390, %get3A_391] {strides = array<i32>} : memref<3x256x128xf32, #tpu.memory_space<vmem>>, vector<1x1x16xf32>,
              %get3A_393 = vector.shape_cast %get3A_392 : vector<1x1x16xf32> to vector<16xf32>
              %add3A_394 = arith.addf %while3A_374, %get3A_393 : vector<16xf32>
              %get3A_395 = arith.constant 1 : i32
              %get3A_396 = arith.index_cast %get3A_395 : i32 to index
              %get3A_397 = arith.index_cast %while3A_372 : i32 to index
              %get3A_398 = arith.constant 32 : index
              %get3A_399 = tpu.vector_load %arg7[%get3A_396, %get3A_397, %get3A_398] {strides = array<i32>} : memref<3x256x128xf32, #tpu.memory_space<vmem>>, vector<1x1x16xf32>,
              %get3A_400 = vector.shape_cast %get3A_399 : vector<1x1x16xf32> to vector<16xf32>
              %add3A_401 = arith.addf %while3A_375, %get3A_400 : vector<16xf32>
              %get3A_402 = arith.constant 1 : i32
              %get3A_403 = arith.index_cast %get3A_402 : i32 to index
              %get3A_404 = arith.index_cast %while3A_372 : i32 to index
              %get3A_405 = arith.constant 48 : index
              %get3A_406 = tpu.vector_load %arg7[%get3A_403, %get3A_404, %get3A_405] {strides = array<i32>} : memref<3x256x128xf32, #tpu.memory_space<vmem>>, vector<1x1x16xf32>,
              %get3A_407 = vector.shape_cast %get3A_406 : vector<1x1x16xf32> to vector<16xf32>
              %add3A_408 = arith.addf %while3A_376, %get3A_407 : vector<16xf32>
              %get3A_409 = arith.constant 1 : i32
              %get3A_410 = arith.index_cast %get3A_409 : i32 to index
              %get3A_411 = arith.index_cast %while3A_372 : i32 to index
              %get3A_412 = arith.constant 64 : index
              %get3A_413 = tpu.vector_load %arg7[%get3A_410, %get3A_411, %get3A_412] {strides = array<i32>} : memref<3x256x128xf32, #tpu.memory_space<vmem>>, vector<1x1x16xf32>,
              %get3A_414 = vector.shape_cast %get3A_413 : vector<1x1x16xf32> to vector<16xf32>
              %add3A_415 = arith.addf %while3A_377, %get3A_414 : vector<16xf32>
              %get3A_416 = arith.constant 1 : i32
              %get3A_417 = arith.index_cast %get3A_416 : i32 to index
              %get3A_418 = arith.index_cast %while3A_372 : i32 to index
              %get3A_419 = arith.constant 80 : index
              %get3A_420 = tpu.vector_load %arg7[%get3A_417, %get3A_418, %get3A_419] {strides = array<i32>} : memref<3x256x128xf32, #tpu.memory_space<vmem>>, vector<1x1x16xf32>,
              %get3A_421 = vector.shape_cast %get3A_420 : vector<1x1x16xf32> to vector<16xf32>
              %add3A_422 = arith.addf %while3A_378, %get3A_421 : vector<16xf32>
              %get3A_423 = arith.constant 1 : i32
              %get3A_424 = arith.index_cast %get3A_423 : i32 to index
              %get3A_425 = arith.index_cast %while3A_372 : i32 to index
              %get3A_426 = arith.constant 96 : index
              %get3A_427 = tpu.vector_load %arg7[%get3A_424, %get3A_425, %get3A_426] {strides = array<i32>} : memref<3x256x128xf32, #tpu.memory_space<vmem>>, vector<1x1x16xf32>,
              %get3A_428 = vector.shape_cast %get3A_427 : vector<1x1x16xf32> to vector<16xf32>
              %add3A_429 = arith.addf %while3A_379, %get3A_428 : vector<16xf32>
              %get3A_430 = arith.constant 1 : i32
              %get3A_431 = arith.index_cast %get3A_430 : i32 to index
              %get3A_432 = arith.index_cast %while3A_372 : i32 to index
              %get3A_433 = arith.constant 112 : index
              %get3A_434 = tpu.vector_load %arg7[%get3A_431, %get3A_432, %get3A_433] {strides = array<i32>} : memref<3x256x128xf32, #tpu.memory_space<vmem>>, vector<1x1x16xf32>,
              %get3A_435 = vector.shape_cast %get3A_434 : vector<1x1x16xf32> to vector<16xf32>
              %add3A_436 = arith.addf %while3A_380, %get3A_435 : vector<16xf32>
              scf.yield %add3A_387, %add3A_394, %add3A_401, %add3A_408, %add3A_415, %add3A_422, %add3A_429, %add3A_436 : vector<16xf32>, vector<16xf32>, vector<16xf32>, vector<16xf32>, vector<16xf32>, vector<16xf32>, vector<16xf32>, vector<16xf32>
            }
            %get3A_292 = arith.index_cast %add3A_271 : i32 to index
            %get3A_293 = arith.constant 0 : index
            %get3A_294 = tpu.vector_load %arg14[%get3A_292, %get3A_293] {strides = array<i32>} : memref<64x128xf32, #tpu.memory_space<vmem>>, vector<1x16xf32>,
            %get3A_295 = vector.shape_cast %get3A_294 : vector<1x16xf32> to vector<16xf32>
            %add3A_296 = arith.addf %get3A_295, %while3A_291#0 : vector<16xf32>
            %swap3A_297 = arith.index_cast %add3A_271 : i32 to index
            %swap3A_298 = arith.constant 0 : index
            %swap3A_299 = tpu.vector_load %arg14[%swap3A_297, %swap3A_298] {strides = array<i32>} : memref<64x128xf32, #tpu.memory_space<vmem>>, vector<1x16xf32>,
            %swap3A_300 = vector.shape_cast %swap3A_299 : vector<1x16xf32> to vector<16xf32>
            %swap3A_301 = vector.shape_cast %add3A_296 : vector<16xf32> to vector<1x16xf32>
            tpu.vector_store %arg14[%swap3A_297, %swap3A_298], %swap3A_301 {strides = array<i32>} : memref<64x128xf32, #tpu.memory_space<vmem>>, vector<1x16xf32>,
            %get3A_302 = arith.index_cast %add3A_271 : i32 to index
            %get3A_303 = arith.constant 16 : index
            %get3A_304 = tpu.vector_load %arg14[%get3A_302, %get3A_303] {strides = array<i32>} : memref<64x128xf32, #tpu.memory_space<vmem>>, vector<1x16xf32>,
            %get3A_305 = vector.shape_cast %get3A_304 : vector<1x16xf32> to vector<16xf32>
            %add3A_306 = arith.addf %get3A_305, %while3A_291#1 : vector<16xf32>
            %swap3A_307 = arith.index_cast %add3A_271 : i32 to index
            %swap3A_308 = arith.constant 16 : index
            %swap3A_309 = tpu.vector_load %arg14[%swap3A_307, %swap3A_308] {strides = array<i32>} : memref<64x128xf32, #tpu.memory_space<vmem>>, vector<1x16xf32>,
            %swap3A_310 = vector.shape_cast %swap3A_309 : vector<1x16xf32> to vector<16xf32>
            %swap3A_311 = vector.shape_cast %add3A_306 : vector<16xf32> to vector<1x16xf32>
            tpu.vector_store %arg14[%swap3A_307, %swap3A_308], %swap3A_311 {strides = array<i32>} : memref<64x128xf32, #tpu.memory_space<vmem>>, vector<1x16xf32>,
            %get3A_312 = arith.index_cast %add3A_271 : i32 to index
            %get3A_313 = arith.constant 32 : index
            %get3A_314 = tpu.vector_load %arg14[%get3A_312, %get3A_313] {strides = array<i32>} : memref<64x128xf32, #tpu.memory_space<vmem>>, vector<1x16xf32>,
            %get3A_315 = vector.shape_cast %get3A_314 : vector<1x16xf32> to vector<16xf32>
            %add3A_316 = arith.addf %get3A_315, %while3A_291#2 : vector<16xf32>
            %swap3A_317 = arith.index_cast %add3A_271 : i32 to index
            %swap3A_318 = arith.constant 32 : index
            %swap3A_319 = tpu.vector_load %arg14[%swap3A_317, %swap3A_318] {strides = array<i32>} : memref<64x128xf32, #tpu.memory_space<vmem>>, vector<1x16xf32>,
            %swap3A_320 = vector.shape_cast %swap3A_319 : vector<1x16xf32> to vector<16xf32>
            %swap3A_321 = vector.shape_cast %add3A_316 : vector<16xf32> to vector<1x16xf32>
            tpu.vector_store %arg14[%swap3A_317, %swap3A_318], %swap3A_321 {strides = array<i32>} : memref<64x128xf32, #tpu.memory_space<vmem>>, vector<1x16xf32>,
            %get3A_322 = arith.index_cast %add3A_271 : i32 to index
            %get3A_323 = arith.constant 48 : index
            %get3A_324 = tpu.vector_load %arg14[%get3A_322, %get3A_323] {strides = array<i32>} : memref<64x128xf32, #tpu.memory_space<vmem>>, vector<1x16xf32>,
            %get3A_325 = vector.shape_cast %get3A_324 : vector<1x16xf32> to vector<16xf32>
            %add3A_326 = arith.addf %get3A_325, %while3A_291#3 : vector<16xf32>
            %swap3A_327 = arith.index_cast %add3A_271 : i32 to index
            %swap3A_328 = arith.constant 48 : index
            %swap3A_329 = tpu.vector_load %arg14[%swap3A_327, %swap3A_328] {strides = array<i32>} : memref<64x128xf32, #tpu.memory_space<vmem>>, vector<1x16xf32>,
            %swap3A_330 = vector.shape_cast %swap3A_329 : vector<1x16xf32> to vector<16xf32>
            %swap3A_331 = vector.shape_cast %add3A_326 : vector<16xf32> to vector<1x16xf32>
            tpu.vector_store %arg14[%swap3A_327, %swap3A_328], %swap3A_331 {strides = array<i32>} : memref<64x128xf32, #tpu.memory_space<vmem>>, vector<1x16xf32>,
            %get3A_332 = arith.index_cast %add3A_271 : i32 to index
            %get3A_333 = arith.constant 64 : index
            %get3A_334 = tpu.vector_load %arg14[%get3A_332, %get3A_333] {strides = array<i32>} : memref<64x128xf32, #tpu.memory_space<vmem>>, vector<1x16xf32>,
            %get3A_335 = vector.shape_cast %get3A_334 : vector<1x16xf32> to vector<16xf32>
            %add3A_336 = arith.addf %get3A_335, %while3A_291#4 : vector<16xf32>
            %swap3A_337 = arith.index_cast %add3A_271 : i32 to index
            %swap3A_338 = arith.constant 64 : index
            %swap3A_339 = tpu.vector_load %arg14[%swap3A_337, %swap3A_338] {strides = array<i32>} : memref<64x128xf32, #tpu.memory_space<vmem>>, vector<1x16xf32>,
            %swap3A_340 = vector.shape_cast %swap3A_339 : vector<1x16xf32> to vector<16xf32>
            %swap3A_341 = vector.shape_cast %add3A_336 : vector<16xf32> to vector<1x16xf32>
            tpu.vector_store %arg14[%swap3A_337, %swap3A_338], %swap3A_341 {strides = array<i32>} : memref<64x128xf32, #tpu.memory_space<vmem>>, vector<1x16xf32>,
            %get3A_342 = arith.index_cast %add3A_271 : i32 to index
            %get3A_343 = arith.constant 80 : index
            %get3A_344 = tpu.vector_load %arg14[%get3A_342, %get3A_343] {strides = array<i32>} : memref<64x128xf32, #tpu.memory_space<vmem>>, vector<1x16xf32>,
            %get3A_345 = vector.shape_cast %get3A_344 : vector<1x16xf32> to vector<16xf32>
            %add3A_346 = arith.addf %get3A_345, %while3A_291#5 : vector<16xf32>
            %swap3A_347 = arith.index_cast %add3A_271 : i32 to index
            %swap3A_348 = arith.constant 80 : index
            %swap3A_349 = tpu.vector_load %arg14[%swap3A_347, %swap3A_348] {strides = array<i32>} : memref<64x128xf32, #tpu.memory_space<vmem>>, vector<1x16xf32>,
            %swap3A_350 = vector.shape_cast %swap3A_349 : vector<1x16xf32> to vector<16xf32>
            %swap3A_351 = vector.shape_cast %add3A_346 : vector<16xf32> to vector<1x16xf32>
            tpu.vector_store %arg14[%swap3A_347, %swap3A_348], %swap3A_351 {strides = array<i32>} : memref<64x128xf32, #tpu.memory_space<vmem>>, vector<1x16xf32>,
            %get3A_352 = arith.index_cast %add3A_271 : i32 to index
            %get3A_353 = arith.constant 96 : index
            %get3A_354 = tpu.vector_load %arg14[%get3A_352, %get3A_353] {strides = array<i32>} : memref<64x128xf32, #tpu.memory_space<vmem>>, vector<1x16xf32>,
            %get3A_355 = vector.shape_cast %get3A_354 : vector<1x16xf32> to vector<16xf32>
            %add3A_356 = arith.addf %get3A_355, %while3A_291#6 : vector<16xf32>
            %swap3A_357 = arith.index_cast %add3A_271 : i32 to index
            %swap3A_358 = arith.constant 96 : index
            %swap3A_359 = tpu.vector_load %arg14[%swap3A_357, %swap3A_358] {strides = array<i32>} : memref<64x128xf32, #tpu.memory_space<vmem>>, vector<1x16xf32>,
            %swap3A_360 = vector.shape_cast %swap3A_359 : vector<1x16xf32> to vector<16xf32>
            %swap3A_361 = vector.shape_cast %add3A_356 : vector<16xf32> to vector<1x16xf32>
            tpu.vector_store %arg14[%swap3A_357, %swap3A_358], %swap3A_361 {strides = array<i32>} : memref<64x128xf32, #tpu.memory_space<vmem>>, vector<1x16xf32>,
            %get3A_362 = arith.index_cast %add3A_271 : i32 to index
            %get3A_363 = arith.constant 112 : index
            %get3A_364 = tpu.vector_load %arg14[%get3A_362, %get3A_363] {strides = array<i32>} : memref<64x128xf32, #tpu.memory_space<vmem>>, vector<1x16xf32>,
            %get3A_365 = vector.shape_cast %get3A_364 : vector<1x16xf32> to vector<16xf32>
            %add3A_366 = arith.addf %get3A_365, %while3A_291#7 : vector<16xf32>
            %swap3A_367 = arith.index_cast %add3A_271 : i32 to index
            %swap3A_368 = arith.constant 112 : index
            %swap3A_369 = tpu.vector_load %arg14[%swap3A_367, %swap3A_368] {strides = array<i32>} : memref<64x128xf32, #tpu.memory_space<vmem>>, vector<1x16xf32>,
            %swap3A_370 = vector.shape_cast %swap3A_369 : vector<1x16xf32> to vector<16xf32>
            %swap3A_371 = vector.shape_cast %add3A_366 : vector<16xf32> to vector<1x16xf32>
            tpu.vector_store %arg14[%swap3A_367, %swap3A_368], %swap3A_371 {strides = array<i32>} : memref<64x128xf32, #tpu.memory_space<vmem>>, vector<1x16xf32>,
            scf.yield %scan3A_280#1 : i32
          }
          %while3A_267 = arith.constant 1 : i32
          %while3A_268 = scf.for %while3A_269 = %while3A_264 to %while3A_260 step %while3A_267 iter_args(%while3A_270 = %while3A_266) -> (i32)  : i32 {
            %add3A_271 = arith.addi %squeeze3A, %while3A_269 : i32
            %add3A_272 = arith.constant 1 : i32
            %add3A_273 = arith.addi %add3A_271, %add3A_272 : i32
            %scan3A_274 = arith.constant 0 : i32
            %scan3A_275 = arith.constant 256 : i32
            %scan3A_276 = arith.constant 0 : i32
            %scan3A_277 = arith.constant 8 : i32
            %scan3A_278 = arith.addi %scan3A_276, %scan3A_277 : i32
            %scan3A_279 = arith.constant 1 : i32
            %scan3A_280:2 = scf.for %scan3A_372 = %scan3A_276 to %scan3A_278 step %scan3A_279 iter_args(%scan3A_373 = %scan3A_274, %scan3A_374 = %scan3A_275) -> (i32, i32)  : i32 {
              %add3A_375 = arith.addi %scan3A_373, %scan3A_374 : i32
              %jit3A_376 = arith.constant 2 : i32
              %div3A = arith.divsi %add3A_375, %jit3A_376 : i32
              %sign3A = arith.constant 0 : i32
              %sign3A_377 = arith.cmpi sgt, %add3A_375, %sign3A : i32
              %sign3A_378 = arith.extui %sign3A_377 : i1 to i32
              %sign3A_379 = arith.constant 0 : i32
              %sign3A_380 = arith.cmpi slt, %add3A_375, %sign3A_379 : i32
              %sign3A_381 = arith.extui %sign3A_380 : i1 to i32
              %sign3A_382 = arith.subi %sign3A_378, %sign3A_381 : i32
              %sign3A_383 = arith.constant 0 : i32
              %sign3A_384 = arith.cmpi sgt, %jit3A_376, %sign3A_383 : i32
              %sign3A_385 = arith.extui %sign3A_384 : i1 to i32
              %sign3A_386 = arith.constant 0 : i32
              %sign3A_387 = arith.cmpi slt, %jit3A_376, %sign3A_386 : i32
              %sign3A_388 = arith.extui %sign3A_387 : i1 to i32
              %sign3A_389 = arith.subi %sign3A_385, %sign3A_388 : i32
              %ne3A_390 = arith.cmpi ne, %sign3A_382, %sign3A_389 : i32
              %rem3A = arith.remsi %add3A_375, %jit3A_376 : i32
              %ne3A_391 = arith.constant 0 : i32
              %ne3A_392 = arith.cmpi ne, %rem3A, %ne3A_391 : i32
              %and3A = arith.andi %ne3A_390, %ne3A_392 : i1
              %sub3A_393 = arith.constant 1 : i32
              %sub3A_394 = arith.subi %div3A, %sub3A_393 : i32
              %select_n3A_395 = arith.select %and3A, %sub3A_394, %div3A : i32
              %get3A_396 = arith.index_cast %select_n3A_395 : i32 to index
              %get3A_397 = tpu.vector_load %arg9[%get3A_396] {strides = array<i32>} : memref<272xi32, #tpu.memory_space<vmem>>, vector<16xi32>,
              %get3A_398 = vector.shape_cast %get3A_397 : vector<16xi32> to vector<16xi32>
              %slice3A_399 = vector.extract_strided_slice %get3A_398 {offsets = [0], sizes = [1], strides = [1]} : vector<16xi32> to vector<1xi32>
              %squeeze3A_400 = vector.extract %slice3A_399[0] : i32 from vector<1xi32>
              %lt3A_401 = arith.cmpi slt, %squeeze3A_400, %add3A_273 : i32
              %add3A_402 = arith.constant 1 : i32
              %add3A_403 = arith.addi %select_n3A_395, %add3A_402 : i32
              %select_n3A_404 = arith.select %lt3A_401, %add3A_403, %scan3A_373 : i32
              %select_n3A_405 = arith.select %lt3A_401, %scan3A_374, %select_n3A_395 : i32
              scf.yield %select_n3A_404, %select_n3A_405 : i32, i32
            }
            %scan3A_281 = arith.constant 8 : i32
            %while3A_282 = arith.subi %scan3A_280#1, %while3A_270 : i32
            %while3A_283 = arith.addi %while3A_270, %while3A_282 : i32
            %while3A_284 = arith.constant 1 : i32
            %while3A_285 = arith.divsi %while3A_282, %while3A_284 : i32
            %while3A_286 = arith.muli %while3A_285, %while3A_284 : i32
            %while3A_287 = arith.addi %while3A_270, %while3A_286 : i32
            %while3A_288 = arith.constant 1 : i32
            %while3A_289:8 = scf.for %while3A_372 = %while3A_270 to %while3A_287 step %while3A_288 iter_args(%while3A_373 = %broadcast_in_dim3A_233, %while3A_374 = %broadcast_in_dim3A_235, %while3A_375 = %broadcast_in_dim3A_237, %while3A_376 = %broadcast_in_dim3A_239, %while3A_377 = %broadcast_in_dim3A_241, %while3A_378 = %broadcast_in_dim3A_243, %while3A_379 = %broadcast_in_dim3A_245, %while3A_380 = %broadcast_in_dim3A_247) -> (vector<16xf32>, vector<16xf32>, vector<16xf32>, vector<16xf32>, vector<16xf32>, vector<16xf32>, vector<16xf32>, vector<16xf32>)  : i32 {
              %get3A_381 = arith.constant 1 : i32
              %get3A_382 = arith.index_cast %get3A_381 : i32 to index
              %get3A_383 = arith.index_cast %while3A_372 : i32 to index
              %get3A_384 = arith.constant 0 : index
              %get3A_385 = tpu.vector_load %arg7[%get3A_382, %get3A_383, %get3A_384] {strides = array<i32>} : memref<3x256x128xf32, #tpu.memory_space<vmem>>, vector<1x1x16xf32>,
              %get3A_386 = vector.shape_cast %get3A_385 : vector<1x1x16xf32> to vector<16xf32>
              %add3A_387 = arith.addf %while3A_373, %get3A_386 : vector<16xf32>
              %get3A_388 = arith.constant 1 : i32
              %get3A_389 = arith.index_cast %get3A_388 : i32 to index
              %get3A_390 = arith.index_cast %while3A_372 : i32 to index
              %get3A_391 = arith.constant 16 : index
              %get3A_392 = tpu.vector_load %arg7[%get3A_389, %get3A_390, %get3A_391] {strides = array<i32>} : memref<3x256x128xf32, #tpu.memory_space<vmem>>, vector<1x1x16xf32>,
              %get3A_393 = vector.shape_cast %get3A_392 : vector<1x1x16xf32> to vector<16xf32>
              %add3A_394 = arith.addf %while3A_374, %get3A_393 : vector<16xf32>
              %get3A_395 = arith.constant 1 : i32
              %get3A_396 = arith.index_cast %get3A_395 : i32 to index
              %get3A_397 = arith.index_cast %while3A_372 : i32 to index
              %get3A_398 = arith.constant 32 : index
              %get3A_399 = tpu.vector_load %arg7[%get3A_396, %get3A_397, %get3A_398] {strides = array<i32>} : memref<3x256x128xf32, #tpu.memory_space<vmem>>, vector<1x1x16xf32>,
              %get3A_400 = vector.shape_cast %get3A_399 : vector<1x1x16xf32> to vector<16xf32>
              %add3A_401 = arith.addf %while3A_375, %get3A_400 : vector<16xf32>
              %get3A_402 = arith.constant 1 : i32
              %get3A_403 = arith.index_cast %get3A_402 : i32 to index
              %get3A_404 = arith.index_cast %while3A_372 : i32 to index
              %get3A_405 = arith.constant 48 : index
              %get3A_406 = tpu.vector_load %arg7[%get3A_403, %get3A_404, %get3A_405] {strides = array<i32>} : memref<3x256x128xf32, #tpu.memory_space<vmem>>, vector<1x1x16xf32>,
              %get3A_407 = vector.shape_cast %get3A_406 : vector<1x1x16xf32> to vector<16xf32>
              %add3A_408 = arith.addf %while3A_376, %get3A_407 : vector<16xf32>
              %get3A_409 = arith.constant 1 : i32
              %get3A_410 = arith.index_cast %get3A_409 : i32 to index
              %get3A_411 = arith.index_cast %while3A_372 : i32 to index
              %get3A_412 = arith.constant 64 : index
              %get3A_413 = tpu.vector_load %arg7[%get3A_410, %get3A_411, %get3A_412] {strides = array<i32>} : memref<3x256x128xf32, #tpu.memory_space<vmem>>, vector<1x1x16xf32>,
              %get3A_414 = vector.shape_cast %get3A_413 : vector<1x1x16xf32> to vector<16xf32>
              %add3A_415 = arith.addf %while3A_377, %get3A_414 : vector<16xf32>
              %get3A_416 = arith.constant 1 : i32
              %get3A_417 = arith.index_cast %get3A_416 : i32 to index
              %get3A_418 = arith.index_cast %while3A_372 : i32 to index
              %get3A_419 = arith.constant 80 : index
              %get3A_420 = tpu.vector_load %arg7[%get3A_417, %get3A_418, %get3A_419] {strides = array<i32>} : memref<3x256x128xf32, #tpu.memory_space<vmem>>, vector<1x1x16xf32>,
              %get3A_421 = vector.shape_cast %get3A_420 : vector<1x1x16xf32> to vector<16xf32>
              %add3A_422 = arith.addf %while3A_378, %get3A_421 : vector<16xf32>
              %get3A_423 = arith.constant 1 : i32
              %get3A_424 = arith.index_cast %get3A_423 : i32 to index
              %get3A_425 = arith.index_cast %while3A_372 : i32 to index
              %get3A_426 = arith.constant 96 : index
              %get3A_427 = tpu.vector_load %arg7[%get3A_424, %get3A_425, %get3A_426] {strides = array<i32>} : memref<3x256x128xf32, #tpu.memory_space<vmem>>, vector<1x1x16xf32>,
              %get3A_428 = vector.shape_cast %get3A_427 : vector<1x1x16xf32> to vector<16xf32>
              %add3A_429 = arith.addf %while3A_379, %get3A_428 : vector<16xf32>
              %get3A_430 = arith.constant 1 : i32
              %get3A_431 = arith.index_cast %get3A_430 : i32 to index
              %get3A_432 = arith.index_cast %while3A_372 : i32 to index
              %get3A_433 = arith.constant 112 : index
              %get3A_434 = tpu.vector_load %arg7[%get3A_431, %get3A_432, %get3A_433] {strides = array<i32>} : memref<3x256x128xf32, #tpu.memory_space<vmem>>, vector<1x1x16xf32>,
              %get3A_435 = vector.shape_cast %get3A_434 : vector<1x1x16xf32> to vector<16xf32>
              %add3A_436 = arith.addf %while3A_380, %get3A_435 : vector<16xf32>
              scf.yield %add3A_387, %add3A_394, %add3A_401, %add3A_408, %add3A_415, %add3A_422, %add3A_429, %add3A_436 : vector<16xf32>, vector<16xf32>, vector<16xf32>, vector<16xf32>, vector<16xf32>, vector<16xf32>, vector<16xf32>, vector<16xf32>
            }
            %while3A_290 = arith.constant 1 : i32
            %while3A_291:8 = scf.for %while3A_372 = %while3A_287 to %while3A_283 step %while3A_290 iter_args(%while3A_373 = %while3A_289#0, %while3A_374 = %while3A_289#1, %while3A_375 = %while3A_289#2, %while3A_376 = %while3A_289#3, %while3A_377 = %while3A_289#4, %while3A_378 = %while3A_289#5, %while3A_379 = %while3A_289#6, %while3A_380 = %while3A_289#7) -> (vector<16xf32>, vector<16xf32>, vector<16xf32>, vector<16xf32>, vector<16xf32>, vector<16xf32>, vector<16xf32>, vector<16xf32>)  : i32 {
              %get3A_381 = arith.constant 1 : i32
              %get3A_382 = arith.index_cast %get3A_381 : i32 to index
              %get3A_383 = arith.index_cast %while3A_372 : i32 to index
              %get3A_384 = arith.constant 0 : index
              %get3A_385 = tpu.vector_load %arg7[%get3A_382, %get3A_383, %get3A_384] {strides = array<i32>} : memref<3x256x128xf32, #tpu.memory_space<vmem>>, vector<1x1x16xf32>,
              %get3A_386 = vector.shape_cast %get3A_385 : vector<1x1x16xf32> to vector<16xf32>
              %add3A_387 = arith.addf %while3A_373, %get3A_386 : vector<16xf32>
              %get3A_388 = arith.constant 1 : i32
              %get3A_389 = arith.index_cast %get3A_388 : i32 to index
              %get3A_390 = arith.index_cast %while3A_372 : i32 to index
              %get3A_391 = arith.constant 16 : index
              %get3A_392 = tpu.vector_load %arg7[%get3A_389, %get3A_390, %get3A_391] {strides = array<i32>} : memref<3x256x128xf32, #tpu.memory_space<vmem>>, vector<1x1x16xf32>,
              %get3A_393 = vector.shape_cast %get3A_392 : vector<1x1x16xf32> to vector<16xf32>
              %add3A_394 = arith.addf %while3A_374, %get3A_393 : vector<16xf32>
              %get3A_395 = arith.constant 1 : i32
              %get3A_396 = arith.index_cast %get3A_395 : i32 to index
              %get3A_397 = arith.index_cast %while3A_372 : i32 to index
              %get3A_398 = arith.constant 32 : index
              %get3A_399 = tpu.vector_load %arg7[%get3A_396, %get3A_397, %get3A_398] {strides = array<i32>} : memref<3x256x128xf32, #tpu.memory_space<vmem>>, vector<1x1x16xf32>,
              %get3A_400 = vector.shape_cast %get3A_399 : vector<1x1x16xf32> to vector<16xf32>
              %add3A_401 = arith.addf %while3A_375, %get3A_400 : vector<16xf32>
              %get3A_402 = arith.constant 1 : i32
              %get3A_403 = arith.index_cast %get3A_402 : i32 to index
              %get3A_404 = arith.index_cast %while3A_372 : i32 to index
              %get3A_405 = arith.constant 48 : index
              %get3A_406 = tpu.vector_load %arg7[%get3A_403, %get3A_404, %get3A_405] {strides = array<i32>} : memref<3x256x128xf32, #tpu.memory_space<vmem>>, vector<1x1x16xf32>,
              %get3A_407 = vector.shape_cast %get3A_406 : vector<1x1x16xf32> to vector<16xf32>
              %add3A_408 = arith.addf %while3A_376, %get3A_407 : vector<16xf32>
              %get3A_409 = arith.constant 1 : i32
              %get3A_410 = arith.index_cast %get3A_409 : i32 to index
              %get3A_411 = arith.index_cast %while3A_372 : i32 to index
              %get3A_412 = arith.constant 64 : index
              %get3A_413 = tpu.vector_load %arg7[%get3A_410, %get3A_411, %get3A_412] {strides = array<i32>} : memref<3x256x128xf32, #tpu.memory_space<vmem>>, vector<1x1x16xf32>,
              %get3A_414 = vector.shape_cast %get3A_413 : vector<1x1x16xf32> to vector<16xf32>
              %add3A_415 = arith.addf %while3A_377, %get3A_414 : vector<16xf32>
              %get3A_416 = arith.constant 1 : i32
              %get3A_417 = arith.index_cast %get3A_416 : i32 to index
              %get3A_418 = arith.index_cast %while3A_372 : i32 to index
              %get3A_419 = arith.constant 80 : index
              %get3A_420 = tpu.vector_load %arg7[%get3A_417, %get3A_418, %get3A_419] {strides = array<i32>} : memref<3x256x128xf32, #tpu.memory_space<vmem>>, vector<1x1x16xf32>,
              %get3A_421 = vector.shape_cast %get3A_420 : vector<1x1x16xf32> to vector<16xf32>
              %add3A_422 = arith.addf %while3A_378, %get3A_421 : vector<16xf32>
              %get3A_423 = arith.constant 1 : i32
              %get3A_424 = arith.index_cast %get3A_423 : i32 to index
              %get3A_425 = arith.index_cast %while3A_372 : i32 to index
              %get3A_426 = arith.constant 96 : index
              %get3A_427 = tpu.vector_load %arg7[%get3A_424, %get3A_425, %get3A_426] {strides = array<i32>} : memref<3x256x128xf32, #tpu.memory_space<vmem>>, vector<1x1x16xf32>,
              %get3A_428 = vector.shape_cast %get3A_427 : vector<1x1x16xf32> to vector<16xf32>
              %add3A_429 = arith.addf %while3A_379, %get3A_428 : vector<16xf32>
              %get3A_430 = arith.constant 1 : i32
              %get3A_431 = arith.index_cast %get3A_430 : i32 to index
              %get3A_432 = arith.index_cast %while3A_372 : i32 to index
              %get3A_433 = arith.constant 112 : index
              %get3A_434 = tpu.vector_load %arg7[%get3A_431, %get3A_432, %get3A_433] {strides = array<i32>} : memref<3x256x128xf32, #tpu.memory_space<vmem>>, vector<1x1x16xf32>,
              %get3A_435 = vector.shape_cast %get3A_434 : vector<1x1x16xf32> to vector<16xf32>
              %add3A_436 = arith.addf %while3A_380, %get3A_435 : vector<16xf32>
              scf.yield %add3A_387, %add3A_394, %add3A_401, %add3A_408, %add3A_415, %add3A_422, %add3A_429, %add3A_436 : vector<16xf32>, vector<16xf32>, vector<16xf32>, vector<16xf32>, vector<16xf32>, vector<16xf32>, vector<16xf32>, vector<16xf32>
            }
            %get3A_292 = arith.index_cast %add3A_271 : i32 to index
            %get3A_293 = arith.constant 0 : index
            %get3A_294 = tpu.vector_load %arg14[%get3A_292, %get3A_293] {strides = array<i32>} : memref<64x128xf32, #tpu.memory_space<vmem>>, vector<1x16xf32>,
            %get3A_295 = vector.shape_cast %get3A_294 : vector<1x16xf32> to vector<16xf32>
            %add3A_296 = arith.addf %get3A_295, %while3A_291#0 : vector<16xf32>
            %swap3A_297 = arith.index_cast %add3A_271 : i32 to index
            %swap3A_298 = arith.constant 0 : index
            %swap3A_299 = tpu.vector_load %arg14[%swap3A_297, %swap3A_298] {strides = array<i32>} : memref<64x128xf32, #tpu.memory_space<vmem>>, vector<1x16xf32>,
            %swap3A_300 = vector.shape_cast %swap3A_299 : vector<1x16xf32> to vector<16xf32>
            %swap3A_301 = vector.shape_cast %add3A_296 : vector<16xf32> to vector<1x16xf32>
            tpu.vector_store %arg14[%swap3A_297, %swap3A_298], %swap3A_301 {strides = array<i32>} : memref<64x128xf32, #tpu.memory_space<vmem>>, vector<1x16xf32>,
            %get3A_302 = arith.index_cast %add3A_271 : i32 to index
            %get3A_303 = arith.constant 16 : index
            %get3A_304 = tpu.vector_load %arg14[%get3A_302, %get3A_303] {strides = array<i32>} : memref<64x128xf32, #tpu.memory_space<vmem>>, vector<1x16xf32>,
            %get3A_305 = vector.shape_cast %get3A_304 : vector<1x16xf32> to vector<16xf32>
            %add3A_306 = arith.addf %get3A_305, %while3A_291#1 : vector<16xf32>
            %swap3A_307 = arith.index_cast %add3A_271 : i32 to index
            %swap3A_308 = arith.constant 16 : index
            %swap3A_309 = tpu.vector_load %arg14[%swap3A_307, %swap3A_308] {strides = array<i32>} : memref<64x128xf32, #tpu.memory_space<vmem>>, vector<1x16xf32>,
            %swap3A_310 = vector.shape_cast %swap3A_309 : vector<1x16xf32> to vector<16xf32>
            %swap3A_311 = vector.shape_cast %add3A_306 : vector<16xf32> to vector<1x16xf32>
            tpu.vector_store %arg14[%swap3A_307, %swap3A_308], %swap3A_311 {strides = array<i32>} : memref<64x128xf32, #tpu.memory_space<vmem>>, vector<1x16xf32>,
            %get3A_312 = arith.index_cast %add3A_271 : i32 to index
            %get3A_313 = arith.constant 32 : index
            %get3A_314 = tpu.vector_load %arg14[%get3A_312, %get3A_313] {strides = array<i32>} : memref<64x128xf32, #tpu.memory_space<vmem>>, vector<1x16xf32>,
            %get3A_315 = vector.shape_cast %get3A_314 : vector<1x16xf32> to vector<16xf32>
            %add3A_316 = arith.addf %get3A_315, %while3A_291#2 : vector<16xf32>
            %swap3A_317 = arith.index_cast %add3A_271 : i32 to index
            %swap3A_318 = arith.constant 32 : index
            %swap3A_319 = tpu.vector_load %arg14[%swap3A_317, %swap3A_318] {strides = array<i32>} : memref<64x128xf32, #tpu.memory_space<vmem>>, vector<1x16xf32>,
            %swap3A_320 = vector.shape_cast %swap3A_319 : vector<1x16xf32> to vector<16xf32>
            %swap3A_321 = vector.shape_cast %add3A_316 : vector<16xf32> to vector<1x16xf32>
            tpu.vector_store %arg14[%swap3A_317, %swap3A_318], %swap3A_321 {strides = array<i32>} : memref<64x128xf32, #tpu.memory_space<vmem>>, vector<1x16xf32>,
            %get3A_322 = arith.index_cast %add3A_271 : i32 to index
            %get3A_323 = arith.constant 48 : index
            %get3A_324 = tpu.vector_load %arg14[%get3A_322, %get3A_323] {strides = array<i32>} : memref<64x128xf32, #tpu.memory_space<vmem>>, vector<1x16xf32>,
            %get3A_325 = vector.shape_cast %get3A_324 : vector<1x16xf32> to vector<16xf32>
            %add3A_326 = arith.addf %get3A_325, %while3A_291#3 : vector<16xf32>
            %swap3A_327 = arith.index_cast %add3A_271 : i32 to index
            %swap3A_328 = arith.constant 48 : index
            %swap3A_329 = tpu.vector_load %arg14[%swap3A_327, %swap3A_328] {strides = array<i32>} : memref<64x128xf32, #tpu.memory_space<vmem>>, vector<1x16xf32>,
            %swap3A_330 = vector.shape_cast %swap3A_329 : vector<1x16xf32> to vector<16xf32>
            %swap3A_331 = vector.shape_cast %add3A_326 : vector<16xf32> to vector<1x16xf32>
            tpu.vector_store %arg14[%swap3A_327, %swap3A_328], %swap3A_331 {strides = array<i32>} : memref<64x128xf32, #tpu.memory_space<vmem>>, vector<1x16xf32>,
            %get3A_332 = arith.index_cast %add3A_271 : i32 to index
            %get3A_333 = arith.constant 64 : index
            %get3A_334 = tpu.vector_load %arg14[%get3A_332, %get3A_333] {strides = array<i32>} : memref<64x128xf32, #tpu.memory_space<vmem>>, vector<1x16xf32>,
            %get3A_335 = vector.shape_cast %get3A_334 : vector<1x16xf32> to vector<16xf32>
            %add3A_336 = arith.addf %get3A_335, %while3A_291#4 : vector<16xf32>
            %swap3A_337 = arith.index_cast %add3A_271 : i32 to index
            %swap3A_338 = arith.constant 64 : index
            %swap3A_339 = tpu.vector_load %arg14[%swap3A_337, %swap3A_338] {strides = array<i32>} : memref<64x128xf32, #tpu.memory_space<vmem>>, vector<1x16xf32>,
            %swap3A_340 = vector.shape_cast %swap3A_339 : vector<1x16xf32> to vector<16xf32>
            %swap3A_341 = vector.shape_cast %add3A_336 : vector<16xf32> to vector<1x16xf32>
            tpu.vector_store %arg14[%swap3A_337, %swap3A_338], %swap3A_341 {strides = array<i32>} : memref<64x128xf32, #tpu.memory_space<vmem>>, vector<1x16xf32>,
            %get3A_342 = arith.index_cast %add3A_271 : i32 to index
            %get3A_343 = arith.constant 80 : index
            %get3A_344 = tpu.vector_load %arg14[%get3A_342, %get3A_343] {strides = array<i32>} : memref<64x128xf32, #tpu.memory_space<vmem>>, vector<1x16xf32>,
            %get3A_345 = vector.shape_cast %get3A_344 : vector<1x16xf32> to vector<16xf32>
            %add3A_346 = arith.addf %get3A_345, %while3A_291#5 : vector<16xf32>
            %swap3A_347 = arith.index_cast %add3A_271 : i32 to index
            %swap3A_348 = arith.constant 80 : index
            %swap3A_349 = tpu.vector_load %arg14[%swap3A_347, %swap3A_348] {strides = array<i32>} : memref<64x128xf32, #tpu.memory_space<vmem>>, vector<1x16xf32>,
            %swap3A_350 = vector.shape_cast %swap3A_349 : vector<1x16xf32> to vector<16xf32>
            %swap3A_351 = vector.shape_cast %add3A_346 : vector<16xf32> to vector<1x16xf32>
            tpu.vector_store %arg14[%swap3A_347, %swap3A_348], %swap3A_351 {strides = array<i32>} : memref<64x128xf32, #tpu.memory_space<vmem>>, vector<1x16xf32>,
            %get3A_352 = arith.index_cast %add3A_271 : i32 to index
            %get3A_353 = arith.constant 96 : index
            %get3A_354 = tpu.vector_load %arg14[%get3A_352, %get3A_353] {strides = array<i32>} : memref<64x128xf32, #tpu.memory_space<vmem>>, vector<1x16xf32>,
            %get3A_355 = vector.shape_cast %get3A_354 : vector<1x16xf32> to vector<16xf32>
            %add3A_356 = arith.addf %get3A_355, %while3A_291#6 : vector<16xf32>
            %swap3A_357 = arith.index_cast %add3A_271 : i32 to index
            %swap3A_358 = arith.constant 96 : index
            %swap3A_359 = tpu.vector_load %arg14[%swap3A_357, %swap3A_358] {strides = array<i32>} : memref<64x128xf32, #tpu.memory_space<vmem>>, vector<1x16xf32>,
            %swap3A_360 = vector.shape_cast %swap3A_359 : vector<1x16xf32> to vector<16xf32>
            %swap3A_361 = vector.shape_cast %add3A_356 : vector<16xf32> to vector<1x16xf32>
            tpu.vector_store %arg14[%swap3A_357, %swap3A_358], %swap3A_361 {strides = array<i32>} : memref<64x128xf32, #tpu.memory_space<vmem>>, vector<1x16xf32>,
            %get3A_362 = arith.index_cast %add3A_271 : i32 to index
            %get3A_363 = arith.constant 112 : index
            %get3A_364 = tpu.vector_load %arg14[%get3A_362, %get3A_363] {strides = array<i32>} : memref<64x128xf32, #tpu.memory_space<vmem>>, vector<1x16xf32>,
            %get3A_365 = vector.shape_cast %get3A_364 : vector<1x16xf32> to vector<16xf32>
            %add3A_366 = arith.addf %get3A_365, %while3A_291#7 : vector<16xf32>
            %swap3A_367 = arith.index_cast %add3A_271 : i32 to index
            %swap3A_368 = arith.constant 112 : index
            %swap3A_369 = tpu.vector_load %arg14[%swap3A_367, %swap3A_368] {strides = array<i32>} : memref<64x128xf32, #tpu.memory_space<vmem>>, vector<1x16xf32>,
            %swap3A_370 = vector.shape_cast %swap3A_369 : vector<1x16xf32> to vector<16xf32>
            %swap3A_371 = vector.shape_cast %add3A_366 : vector<16xf32> to vector<1x16xf32>
            tpu.vector_store %arg14[%swap3A_367, %swap3A_368], %swap3A_371 {strides = array<i32>} : memref<64x128xf32, #tpu.memory_space<vmem>>, vector<1x16xf32>,
            scf.yield %scan3A_280#1 : i32
          }
        } else {
        }
      } else {
      }
      %add3A_180 = arith.constant 2 : i32
      %add3A_181 = arith.addi %add3A_161, %add3A_180 : i32
      %mul3A_182 = arith.constant 32 : i32
      %mul3A_183 = arith.muli %add3A_181, %mul3A_182 : i32
      %add3A_184 = arith.addi %mul3A_183, %add3A : i32
      %lt3A_185 = arith.constant 1250 : i32
      %lt3A_186 = arith.cmpi slt, %add3A_184, %lt3A_185 : i32
      %convert_element_type3A_187 = arith.extui %lt3A_186 : i1 to i32
      %cond3A_188 = arith.constant 0 : i32
      %cond3A_189 = arith.cmpi ne, %convert_element_type3A_187, %cond3A_188 : i32
      scf.if %cond3A_189 {
        %add3A_190 = arith.constant 64 : i32
        %add3A_191 = arith.addi %add3A_184, %add3A_190 : i32
        %lt3A_192 = arith.constant 1250 : i32
        %lt3A_193 = arith.cmpi slt, %add3A_191, %lt3A_192 : i32
        %convert_element_type3A_194 = arith.extui %lt3A_193 : i1 to i32
        %cond3A_195 = arith.constant 0 : i32
        %cond3A_196 = arith.cmpi ne, %convert_element_type3A_194, %cond3A_195 : i32
        scf.if %cond3A_196 {
          %add3A_255 = arith.constant 64 : i32
          %add3A_256 = arith.addi %add3A_184, %add3A_255 : i32
          %dma_start3A_257 = arith.constant 1 : i32
          %dma_start3A_258 = arith.constant 0 : i32
          %dma_start3A_259 = arith.constant 0 : i32
          %dma_start3A_260 = tpu.memref_slice %arg7[%dma_start3A_257, %dma_start3A_258, %dma_start3A_259] : memref<3x256x128xf32, #tpu.memory_space<vmem>> -> memref<1x256x128xf32, #tpu.memory_space<vmem>>
          %dma_start3A_261 = tpu.memref_squeeze %dma_start3A_260 : memref<1x256x128xf32, #tpu.memory_space<vmem>> -> memref<256x128xf32, #tpu.memory_space<vmem>>
          %dma_start3A_262 = arith.constant 0 : i32
          %dma_start3A_263 = arith.constant 0 : i32
          %dma_start3A_264 = tpu.memref_slice %arg2[%add3A_256, %dma_start3A_262, %dma_start3A_263] : memref<1250x256x128xf32, #tpu.memory_space<hbm>> -> memref<1x256x128xf32, #tpu.memory_space<hbm>>
          %dma_start3A_265 = tpu.memref_squeeze %dma_start3A_264 : memref<1x256x128xf32, #tpu.memory_space<hbm>> -> memref<256x128xf32, #tpu.memory_space<hbm>>
          %dma_start3A_266 = arith.constant 0 : i32
          %dma_start3A_267 = arith.constant 0 : i32
          %dma_start3A_268 = tpu.memref_slice %arg7[%dma_start3A_257, %dma_start3A_266, %dma_start3A_267] : memref<3x256x128xf32, #tpu.memory_space<vmem>> -> memref<1x256x128xf32, #tpu.memory_space<vmem>>
          %dma_start3A_269 = tpu.memref_squeeze %dma_start3A_268 : memref<1x256x128xf32, #tpu.memory_space<vmem>> -> memref<256x128xf32, #tpu.memory_space<vmem>>
          %dma_start3A_270 = arith.constant 0 : i32
          %dma_start3A_271 = arith.constant 0 : i32
          %dma_start3A_272 = tpu.memref_slice %arg2[%add3A_256, %dma_start3A_270, %dma_start3A_271] : memref<1250x256x128xf32, #tpu.memory_space<hbm>> -> memref<1x256x128xf32, #tpu.memory_space<hbm>>
          %dma_start3A_273 = tpu.memref_squeeze %dma_start3A_272 : memref<1x256x128xf32, #tpu.memory_space<hbm>> -> memref<256x128xf32, #tpu.memory_space<hbm>>
          tpu.enqueue_dma source(%dma_start3A_273 : memref<256x128xf32, #tpu.memory_space<hbm>>) target(%dma_start3A_269 : memref<256x128xf32, #tpu.memory_space<vmem>>) target_semaphore(%arg15 : memref<!tpu.dma_semaphore, #tpu.memory_space<semaphore_mem>>)
          %dma_start3A_274 = arith.constant 0 : i32
          %dma_start3A_275 = tpu.memref_slice %arg9[%dma_start3A_274] : memref<272xi32, #tpu.memory_space<vmem>> -> memref<256xi32, #tpu.memory_space<vmem>>
          %dma_start3A_276 = arith.constant 0 : i32
          %dma_start3A_277 = tpu.memref_slice %arg3[%add3A_256, %dma_start3A_276] : memref<1250x256xi32, #tpu.memory_space<hbm>> -> memref<1x256xi32, #tpu.memory_space<hbm>>
          %dma_start3A_278 = tpu.memref_squeeze %dma_start3A_277 : memref<1x256xi32, #tpu.memory_space<hbm>> -> memref<256xi32, #tpu.memory_space<hbm>>
          %dma_start3A_279 = arith.constant 0 : i32
          %dma_start3A_280 = tpu.memref_slice %arg9[%dma_start3A_279] : memref<272xi32, #tpu.memory_space<vmem>> -> memref<256xi32, #tpu.memory_space<vmem>>
          %dma_start3A_281 = arith.constant 0 : i32
          %dma_start3A_282 = tpu.memref_slice %arg3[%add3A_256, %dma_start3A_281] : memref<1250x256xi32, #tpu.memory_space<hbm>> -> memref<1x256xi32, #tpu.memory_space<hbm>>
          %dma_start3A_283 = tpu.memref_squeeze %dma_start3A_282 : memref<1x256xi32, #tpu.memory_space<hbm>> -> memref<256xi32, #tpu.memory_space<hbm>>
          tpu.enqueue_dma source(%dma_start3A_283 : memref<256xi32, #tpu.memory_space<hbm>>) target(%dma_start3A_280 : memref<256xi32, #tpu.memory_space<vmem>>) target_semaphore(%arg15 : memref<!tpu.dma_semaphore, #tpu.memory_space<semaphore_mem>>)
        } else {
        }
        %dma_wait3A = arith.constant 0 : i32
        %dma_wait3A_197 = arith.constant 2 : i32
        %dma_wait3A_198 = arith.constant 0 : i32
        %dma_wait3A_199 = arith.constant 0 : i32
        %dma_wait3A_200 = tpu.memref_slice %arg7[%dma_wait3A_197, %dma_wait3A_198, %dma_wait3A_199] : memref<3x256x128xf32, #tpu.memory_space<vmem>> -> memref<1x256x128xf32, #tpu.memory_space<vmem>>
        %dma_wait3A_201 = tpu.memref_squeeze %dma_wait3A_200 : memref<1x256x128xf32, #tpu.memory_space<vmem>> -> memref<256x128xf32, #tpu.memory_space<vmem>>
        %dma_wait3A_202 = arith.constant 0 : i32
        %dma_wait3A_203 = arith.constant 0 : i32
        %dma_wait3A_204 = tpu.memref_slice %arg2[%dma_wait3A, %dma_wait3A_202, %dma_wait3A_203] : memref<1250x256x128xf32, #tpu.memory_space<hbm>> -> memref<1x256x128xf32, #tpu.memory_space<hbm>>
        %dma_wait3A_205 = tpu.memref_squeeze %dma_wait3A_204 : memref<1x256x128xf32, #tpu.memory_space<hbm>> -> memref<256x128xf32, #tpu.memory_space<hbm>>
        %dma_wait3A_206 = arith.constant 0 : i32
        %dma_wait3A_207 = arith.constant 0 : i32
        %dma_wait3A_208 = tpu.memref_slice %arg7[%dma_wait3A_197, %dma_wait3A_206, %dma_wait3A_207] : memref<3x256x128xf32, #tpu.memory_space<vmem>> -> memref<1x256x128xf32, #tpu.memory_space<vmem>>
        %dma_wait3A_209 = tpu.memref_squeeze %dma_wait3A_208 : memref<1x256x128xf32, #tpu.memory_space<vmem>> -> memref<256x128xf32, #tpu.memory_space<vmem>>
        %dma_wait3A_210 = arith.constant 0 : i32
        %dma_wait3A_211 = arith.constant 0 : i32
        %dma_wait3A_212 = tpu.memref_slice %arg2[%dma_wait3A, %dma_wait3A_210, %dma_wait3A_211] : memref<1250x256x128xf32, #tpu.memory_space<hbm>> -> memref<1x256x128xf32, #tpu.memory_space<hbm>>
        %dma_wait3A_213 = tpu.memref_squeeze %dma_wait3A_212 : memref<1x256x128xf32, #tpu.memory_space<hbm>> -> memref<256x128xf32, #tpu.memory_space<hbm>>
        tpu.wait_dma2 semaphore(%arg15 : memref<!tpu.dma_semaphore, #tpu.memory_space<semaphore_mem>>) src(%dma_wait3A_213 : memref<256x128xf32, #tpu.memory_space<hbm>>) dst(%dma_wait3A_209 : memref<256x128xf32, #tpu.memory_space<vmem>>)
        %dma_wait3A_214 = arith.constant 0 : i32
        %dma_wait3A_215 = arith.constant 0 : i32
        %dma_wait3A_216 = tpu.memref_slice %arg10[%dma_wait3A_215] : memref<272xi32, #tpu.memory_space<vmem>> -> memref<256xi32, #tpu.memory_space<vmem>>
        %dma_wait3A_217 = arith.constant 0 : i32
        %dma_wait3A_218 = tpu.memref_slice %arg3[%dma_wait3A_214, %dma_wait3A_217] : memref<1250x256xi32, #tpu.memory_space<hbm>> -> memref<1x256xi32, #tpu.memory_space<hbm>>
        %dma_wait3A_219 = tpu.memref_squeeze %dma_wait3A_218 : memref<1x256xi32, #tpu.memory_space<hbm>> -> memref<256xi32, #tpu.memory_space<hbm>>
        %dma_wait3A_220 = arith.constant 0 : i32
        %dma_wait3A_221 = tpu.memref_slice %arg10[%dma_wait3A_220] : memref<272xi32, #tpu.memory_space<vmem>> -> memref<256xi32, #tpu.memory_space<vmem>>
        %dma_wait3A_222 = arith.constant 0 : i32
        %dma_wait3A_223 = tpu.memref_slice %arg3[%dma_wait3A_214, %dma_wait3A_222] : memref<1250x256xi32, #tpu.memory_space<hbm>> -> memref<1x256xi32, #tpu.memory_space<hbm>>
        %dma_wait3A_224 = tpu.memref_squeeze %dma_wait3A_223 : memref<1x256xi32, #tpu.memory_space<hbm>> -> memref<256xi32, #tpu.memory_space<hbm>>
        tpu.wait_dma2 semaphore(%arg15 : memref<!tpu.dma_semaphore, #tpu.memory_space<semaphore_mem>>) src(%dma_wait3A_224 : memref<256xi32, #tpu.memory_space<hbm>>) dst(%dma_wait3A_221 : memref<256xi32, #tpu.memory_space<vmem>>)
        %get3A = arith.constant 0 : index
        %get3A_225 = tpu.vector_load %arg10[%get3A] {strides = array<i32>} : memref<272xi32, #tpu.memory_space<vmem>>, vector<16xi32>,
        %get3A_226 = vector.shape_cast %get3A_225 : vector<16xi32> to vector<16xi32>
        %slice3A = vector.extract_strided_slice %get3A_226 {offsets = [0], sizes = [1], strides = [1]} : vector<16xi32> to vector<1xi32>
        %squeeze3A = vector.extract %slice3A[0] : i32 from vector<1xi32>
        %get3A_227 = arith.constant 255 : index
        %get3A_228 = tpu.vector_load %arg10[%get3A_227] {strides = array<i32>} : memref<272xi32, #tpu.memory_space<vmem>>, vector<16xi32>,
        %get3A_229 = vector.shape_cast %get3A_228 : vector<16xi32> to vector<16xi32>
        %slice3A_230 = vector.extract_strided_slice %get3A_229 {offsets = [0], sizes = [1], strides = [1]} : vector<16xi32> to vector<1xi32>
        %squeeze3A_231 = vector.extract %slice3A_230[0] : i32 from vector<1xi32>
        %broadcast_in_dim3A_232 = arith.constant 0.000000e+00 : f32
        %broadcast_in_dim3A_233 = vector.broadcast %broadcast_in_dim3A_232 : f32 to vector<16xf32>
        %broadcast_in_dim3A_234 = arith.constant 0.000000e+00 : f32
        %broadcast_in_dim3A_235 = vector.broadcast %broadcast_in_dim3A_234 : f32 to vector<16xf32>
        %broadcast_in_dim3A_236 = arith.constant 0.000000e+00 : f32
        %broadcast_in_dim3A_237 = vector.broadcast %broadcast_in_dim3A_236 : f32 to vector<16xf32>
        %broadcast_in_dim3A_238 = arith.constant 0.000000e+00 : f32
        %broadcast_in_dim3A_239 = vector.broadcast %broadcast_in_dim3A_238 : f32 to vector<16xf32>
        %broadcast_in_dim3A_240 = arith.constant 0.000000e+00 : f32
        %broadcast_in_dim3A_241 = vector.broadcast %broadcast_in_dim3A_240 : f32 to vector<16xf32>
        %broadcast_in_dim3A_242 = arith.constant 0.000000e+00 : f32
        %broadcast_in_dim3A_243 = vector.broadcast %broadcast_in_dim3A_242 : f32 to vector<16xf32>
        %broadcast_in_dim3A_244 = arith.constant 0.000000e+00 : f32
        %broadcast_in_dim3A_245 = vector.broadcast %broadcast_in_dim3A_244 : f32 to vector<16xf32>
        %broadcast_in_dim3A_246 = arith.constant 0.000000e+00 : f32
        %broadcast_in_dim3A_247 = vector.broadcast %broadcast_in_dim3A_246 : f32 to vector<16xf32>
        %eq3A_248 = arith.cmpi eq, %squeeze3A, %squeeze3A_231 : i32
        %convert_element_type3A_249 = arith.extui %eq3A_248 : i1 to i32
        %cond3A_250 = arith.constant 0 : i32
        %cond3A_251 = arith.cmpi ne, %convert_element_type3A_249, %cond3A_250 : i32
        scf.if %cond3A_251 {
          %scan3A_255 = arith.constant 0 : i32
          %scan3A_256 = arith.constant 32 : i32
          %scan3A_257 = arith.addi %scan3A_255, %scan3A_256 : i32
          %scan3A_258 = arith.constant 1 : i32
          %scan3A_259:8 = scf.for %scan3A_341 = %scan3A_255 to %scan3A_257 step %scan3A_258 iter_args(%scan3A_342 = %broadcast_in_dim3A_233, %scan3A_343 = %broadcast_in_dim3A_235, %scan3A_344 = %broadcast_in_dim3A_237, %scan3A_345 = %broadcast_in_dim3A_239, %scan3A_346 = %broadcast_in_dim3A_241, %scan3A_347 = %broadcast_in_dim3A_243, %scan3A_348 = %broadcast_in_dim3A_245, %scan3A_349 = %broadcast_in_dim3A_247) -> (vector<16xf32>, vector<16xf32>, vector<16xf32>, vector<16xf32>, vector<16xf32>, vector<16xf32>, vector<16xf32>, vector<16xf32>)  : i32 {
            %mul3A_350 = arith.constant 8 : i32
            %mul3A_351 = arith.muli %scan3A_341, %mul3A_350 : i32
            %add3A_352 = arith.constant 0 : i32
            %add3A_353 = arith.addi %mul3A_351, %add3A_352 : i32
            %get3A_354 = arith.constant 2 : i32
            %get3A_355 = arith.index_cast %get3A_354 : i32 to index
            %get3A_356 = arith.index_cast %add3A_353 : i32 to index
            %get3A_357 = arith.constant 0 : index
            %get3A_358 = tpu.vector_load %arg7[%get3A_355, %get3A_356, %get3A_357] {strides = array<i32>} : memref<3x256x128xf32, #tpu.memory_space<vmem>>, vector<1x1x16xf32>,
            %get3A_359 = vector.shape_cast %get3A_358 : vector<1x1x16xf32> to vector<16xf32>
            %add3A_360 = arith.addf %scan3A_342, %get3A_359 : vector<16xf32>
            %get3A_361 = arith.constant 2 : i32
            %get3A_362 = arith.index_cast %get3A_361 : i32 to index
            %get3A_363 = arith.index_cast %add3A_353 : i32 to index
            %get3A_364 = arith.constant 16 : index
            %get3A_365 = tpu.vector_load %arg7[%get3A_362, %get3A_363, %get3A_364] {strides = array<i32>} : memref<3x256x128xf32, #tpu.memory_space<vmem>>, vector<1x1x16xf32>,
            %get3A_366 = vector.shape_cast %get3A_365 : vector<1x1x16xf32> to vector<16xf32>
            %add3A_367 = arith.addf %scan3A_343, %get3A_366 : vector<16xf32>
            %get3A_368 = arith.constant 2 : i32
            %get3A_369 = arith.index_cast %get3A_368 : i32 to index
            %get3A_370 = arith.index_cast %add3A_353 : i32 to index
            %get3A_371 = arith.constant 32 : index
            %get3A_372 = tpu.vector_load %arg7[%get3A_369, %get3A_370, %get3A_371] {strides = array<i32>} : memref<3x256x128xf32, #tpu.memory_space<vmem>>, vector<1x1x16xf32>,
            %get3A_373 = vector.shape_cast %get3A_372 : vector<1x1x16xf32> to vector<16xf32>
            %add3A_374 = arith.addf %scan3A_344, %get3A_373 : vector<16xf32>
            %get3A_375 = arith.constant 2 : i32
            %get3A_376 = arith.index_cast %get3A_375 : i32 to index
            %get3A_377 = arith.index_cast %add3A_353 : i32 to index
            %get3A_378 = arith.constant 48 : index
            %get3A_379 = tpu.vector_load %arg7[%get3A_376, %get3A_377, %get3A_378] {strides = array<i32>} : memref<3x256x128xf32, #tpu.memory_space<vmem>>, vector<1x1x16xf32>,
            %get3A_380 = vector.shape_cast %get3A_379 : vector<1x1x16xf32> to vector<16xf32>
            %add3A_381 = arith.addf %scan3A_345, %get3A_380 : vector<16xf32>
            %get3A_382 = arith.constant 2 : i32
            %get3A_383 = arith.index_cast %get3A_382 : i32 to index
            %get3A_384 = arith.index_cast %add3A_353 : i32 to index
            %get3A_385 = arith.constant 64 : index
            %get3A_386 = tpu.vector_load %arg7[%get3A_383, %get3A_384, %get3A_385] {strides = array<i32>} : memref<3x256x128xf32, #tpu.memory_space<vmem>>, vector<1x1x16xf32>,
            %get3A_387 = vector.shape_cast %get3A_386 : vector<1x1x16xf32> to vector<16xf32>
            %add3A_388 = arith.addf %scan3A_346, %get3A_387 : vector<16xf32>
            %get3A_389 = arith.constant 2 : i32
            %get3A_390 = arith.index_cast %get3A_389 : i32 to index
            %get3A_391 = arith.index_cast %add3A_353 : i32 to index
            %get3A_392 = arith.constant 80 : index
            %get3A_393 = tpu.vector_load %arg7[%get3A_390, %get3A_391, %get3A_392] {strides = array<i32>} : memref<3x256x128xf32, #tpu.memory_space<vmem>>, vector<1x1x16xf32>,
            %get3A_394 = vector.shape_cast %get3A_393 : vector<1x1x16xf32> to vector<16xf32>
            %add3A_395 = arith.addf %scan3A_347, %get3A_394 : vector<16xf32>
            %get3A_396 = arith.constant 2 : i32
            %get3A_397 = arith.index_cast %get3A_396 : i32 to index
            %get3A_398 = arith.index_cast %add3A_353 : i32 to index
            %get3A_399 = arith.constant 96 : index
            %get3A_400 = tpu.vector_load %arg7[%get3A_397, %get3A_398, %get3A_399] {strides = array<i32>} : memref<3x256x128xf32, #tpu.memory_space<vmem>>, vector<1x1x16xf32>,
            %get3A_401 = vector.shape_cast %get3A_400 : vector<1x1x16xf32> to vector<16xf32>
            %add3A_402 = arith.addf %scan3A_348, %get3A_401 : vector<16xf32>
            %get3A_403 = arith.constant 2 : i32
            %get3A_404 = arith.index_cast %get3A_403 : i32 to index
            %get3A_405 = arith.index_cast %add3A_353 : i32 to index
            %get3A_406 = arith.constant 112 : index
            %get3A_407 = tpu.vector_load %arg7[%get3A_404, %get3A_405, %get3A_406] {strides = array<i32>} : memref<3x256x128xf32, #tpu.memory_space<vmem>>, vector<1x1x16xf32>,
            %get3A_408 = vector.shape_cast %get3A_407 : vector<1x1x16xf32> to vector<16xf32>
            %add3A_409 = arith.addf %scan3A_349, %get3A_408 : vector<16xf32>
            %mul3A_410 = arith.constant 8 : i32
            %mul3A_411 = arith.muli %scan3A_341, %mul3A_410 : i32
            %add3A_412 = arith.constant 1 : i32
            %add3A_413 = arith.addi %mul3A_411, %add3A_412 : i32
            %get3A_414 = arith.constant 2 : i32
            %get3A_415 = arith.index_cast %get3A_414 : i32 to index
            %get3A_416 = arith.index_cast %add3A_413 : i32 to index
            %get3A_417 = arith.constant 0 : index
            %get3A_418 = tpu.vector_load %arg7[%get3A_415, %get3A_416, %get3A_417] {strides = array<i32>} : memref<3x256x128xf32, #tpu.memory_space<vmem>>, vector<1x1x16xf32>,
            %get3A_419 = vector.shape_cast %get3A_418 : vector<1x1x16xf32> to vector<16xf32>
            %add3A_420 = arith.addf %add3A_360, %get3A_419 : vector<16xf32>
            %get3A_421 = arith.constant 2 : i32
            %get3A_422 = arith.index_cast %get3A_421 : i32 to index
            %get3A_423 = arith.index_cast %add3A_413 : i32 to index
            %get3A_424 = arith.constant 16 : index
            %get3A_425 = tpu.vector_load %arg7[%get3A_422, %get3A_423, %get3A_424] {strides = array<i32>} : memref<3x256x128xf32, #tpu.memory_space<vmem>>, vector<1x1x16xf32>,
            %get3A_426 = vector.shape_cast %get3A_425 : vector<1x1x16xf32> to vector<16xf32>
            %add3A_427 = arith.addf %add3A_367, %get3A_426 : vector<16xf32>
            %get3A_428 = arith.constant 2 : i32
            %get3A_429 = arith.index_cast %get3A_428 : i32 to index
            %get3A_430 = arith.index_cast %add3A_413 : i32 to index
            %get3A_431 = arith.constant 32 : index
            %get3A_432 = tpu.vector_load %arg7[%get3A_429, %get3A_430, %get3A_431] {strides = array<i32>} : memref<3x256x128xf32, #tpu.memory_space<vmem>>, vector<1x1x16xf32>,
            %get3A_433 = vector.shape_cast %get3A_432 : vector<1x1x16xf32> to vector<16xf32>
            %add3A_434 = arith.addf %add3A_374, %get3A_433 : vector<16xf32>
            %get3A_435 = arith.constant 2 : i32
            %get3A_436 = arith.index_cast %get3A_435 : i32 to index
            %get3A_437 = arith.index_cast %add3A_413 : i32 to index
            %get3A_438 = arith.constant 48 : index
            %get3A_439 = tpu.vector_load %arg7[%get3A_436, %get3A_437, %get3A_438] {strides = array<i32>} : memref<3x256x128xf32, #tpu.memory_space<vmem>>, vector<1x1x16xf32>,
            %get3A_440 = vector.shape_cast %get3A_439 : vector<1x1x16xf32> to vector<16xf32>
            %add3A_441 = arith.addf %add3A_381, %get3A_440 : vector<16xf32>
            %get3A_442 = arith.constant 2 : i32
            %get3A_443 = arith.index_cast %get3A_442 : i32 to index
            %get3A_444 = arith.index_cast %add3A_413 : i32 to index
            %get3A_445 = arith.constant 64 : index
            %get3A_446 = tpu.vector_load %arg7[%get3A_443, %get3A_444, %get3A_445] {strides = array<i32>} : memref<3x256x128xf32, #tpu.memory_space<vmem>>, vector<1x1x16xf32>,
            %get3A_447 = vector.shape_cast %get3A_446 : vector<1x1x16xf32> to vector<16xf32>
            %add3A_448 = arith.addf %add3A_388, %get3A_447 : vector<16xf32>
            %get3A_449 = arith.constant 2 : i32
            %get3A_450 = arith.index_cast %get3A_449 : i32 to index
            %get3A_451 = arith.index_cast %add3A_413 : i32 to index
            %get3A_452 = arith.constant 80 : index
            %get3A_453 = tpu.vector_load %arg7[%get3A_450, %get3A_451, %get3A_452] {strides = array<i32>} : memref<3x256x128xf32, #tpu.memory_space<vmem>>, vector<1x1x16xf32>,
            %get3A_454 = vector.shape_cast %get3A_453 : vector<1x1x16xf32> to vector<16xf32>
            %add3A_455 = arith.addf %add3A_395, %get3A_454 : vector<16xf32>
            %get3A_456 = arith.constant 2 : i32
            %get3A_457 = arith.index_cast %get3A_456 : i32 to index
            %get3A_458 = arith.index_cast %add3A_413 : i32 to index
            %get3A_459 = arith.constant 96 : index
            %get3A_460 = tpu.vector_load %arg7[%get3A_457, %get3A_458, %get3A_459] {strides = array<i32>} : memref<3x256x128xf32, #tpu.memory_space<vmem>>, vector<1x1x16xf32>,
            %get3A_461 = vector.shape_cast %get3A_460 : vector<1x1x16xf32> to vector<16xf32>
            %add3A_462 = arith.addf %add3A_402, %get3A_461 : vector<16xf32>
            %get3A_463 = arith.constant 2 : i32
            %get3A_464 = arith.index_cast %get3A_463 : i32 to index
            %get3A_465 = arith.index_cast %add3A_413 : i32 to index
            %get3A_466 = arith.constant 112 : index
            %get3A_467 = tpu.vector_load %arg7[%get3A_464, %get3A_465, %get3A_466] {strides = array<i32>} : memref<3x256x128xf32, #tpu.memory_space<vmem>>, vector<1x1x16xf32>,
            %get3A_468 = vector.shape_cast %get3A_467 : vector<1x1x16xf32> to vector<16xf32>
            %add3A_469 = arith.addf %add3A_409, %get3A_468 : vector<16xf32>
            %mul3A_470 = arith.constant 8 : i32
            %mul3A_471 = arith.muli %scan3A_341, %mul3A_470 : i32
            %add3A_472 = arith.constant 2 : i32
            %add3A_473 = arith.addi %mul3A_471, %add3A_472 : i32
            %get3A_474 = arith.constant 2 : i32
            %get3A_475 = arith.index_cast %get3A_474 : i32 to index
            %get3A_476 = arith.index_cast %add3A_473 : i32 to index
            %get3A_477 = arith.constant 0 : index
            %get3A_478 = tpu.vector_load %arg7[%get3A_475, %get3A_476, %get3A_477] {strides = array<i32>} : memref<3x256x128xf32, #tpu.memory_space<vmem>>, vector<1x1x16xf32>,
            %get3A_479 = vector.shape_cast %get3A_478 : vector<1x1x16xf32> to vector<16xf32>
            %add3A_480 = arith.addf %add3A_420, %get3A_479 : vector<16xf32>
            %get3A_481 = arith.constant 2 : i32
            %get3A_482 = arith.index_cast %get3A_481 : i32 to index
            %get3A_483 = arith.index_cast %add3A_473 : i32 to index
            %get3A_484 = arith.constant 16 : index
            %get3A_485 = tpu.vector_load %arg7[%get3A_482, %get3A_483, %get3A_484] {strides = array<i32>} : memref<3x256x128xf32, #tpu.memory_space<vmem>>, vector<1x1x16xf32>,
            %get3A_486 = vector.shape_cast %get3A_485 : vector<1x1x16xf32> to vector<16xf32>
            %add3A_487 = arith.addf %add3A_427, %get3A_486 : vector<16xf32>
            %get3A_488 = arith.constant 2 : i32
            %get3A_489 = arith.index_cast %get3A_488 : i32 to index
            %get3A_490 = arith.index_cast %add3A_473 : i32 to index
            %get3A_491 = arith.constant 32 : index
            %get3A_492 = tpu.vector_load %arg7[%get3A_489, %get3A_490, %get3A_491] {strides = array<i32>} : memref<3x256x128xf32, #tpu.memory_space<vmem>>, vector<1x1x16xf32>,
            %get3A_493 = vector.shape_cast %get3A_492 : vector<1x1x16xf32> to vector<16xf32>
            %add3A_494 = arith.addf %add3A_434, %get3A_493 : vector<16xf32>
            %get3A_495 = arith.constant 2 : i32
            %get3A_496 = arith.index_cast %get3A_495 : i32 to index
            %get3A_497 = arith.index_cast %add3A_473 : i32 to index
            %get3A_498 = arith.constant 48 : index
            %get3A_499 = tpu.vector_load %arg7[%get3A_496, %get3A_497, %get3A_498] {strides = array<i32>} : memref<3x256x128xf32, #tpu.memory_space<vmem>>, vector<1x1x16xf32>,
            %get3A_500 = vector.shape_cast %get3A_499 : vector<1x1x16xf32> to vector<16xf32>
            %add3A_501 = arith.addf %add3A_441, %get3A_500 : vector<16xf32>
            %get3A_502 = arith.constant 2 : i32
            %get3A_503 = arith.index_cast %get3A_502 : i32 to index
            %get3A_504 = arith.index_cast %add3A_473 : i32 to index
            %get3A_505 = arith.constant 64 : index
            %get3A_506 = tpu.vector_load %arg7[%get3A_503, %get3A_504, %get3A_505] {strides = array<i32>} : memref<3x256x128xf32, #tpu.memory_space<vmem>>, vector<1x1x16xf32>,
            %get3A_507 = vector.shape_cast %get3A_506 : vector<1x1x16xf32> to vector<16xf32>
            %add3A_508 = arith.addf %add3A_448, %get3A_507 : vector<16xf32>
            %get3A_509 = arith.constant 2 : i32
            %get3A_510 = arith.index_cast %get3A_509 : i32 to index
            %get3A_511 = arith.index_cast %add3A_473 : i32 to index
            %get3A_512 = arith.constant 80 : index
            %get3A_513 = tpu.vector_load %arg7[%get3A_510, %get3A_511, %get3A_512] {strides = array<i32>} : memref<3x256x128xf32, #tpu.memory_space<vmem>>, vector<1x1x16xf32>,
            %get3A_514 = vector.shape_cast %get3A_513 : vector<1x1x16xf32> to vector<16xf32>
            %add3A_515 = arith.addf %add3A_455, %get3A_514 : vector<16xf32>
            %get3A_516 = arith.constant 2 : i32
            %get3A_517 = arith.index_cast %get3A_516 : i32 to index
            %get3A_518 = arith.index_cast %add3A_473 : i32 to index
            %get3A_519 = arith.constant 96 : index
            %get3A_520 = tpu.vector_load %arg7[%get3A_517, %get3A_518, %get3A_519] {strides = array<i32>} : memref<3x256x128xf32, #tpu.memory_space<vmem>>, vector<1x1x16xf32>,
            %get3A_521 = vector.shape_cast %get3A_520 : vector<1x1x16xf32> to vector<16xf32>
            %add3A_522 = arith.addf %add3A_462, %get3A_521 : vector<16xf32>
            %get3A_523 = arith.constant 2 : i32
            %get3A_524 = arith.index_cast %get3A_523 : i32 to index
            %get3A_525 = arith.index_cast %add3A_473 : i32 to index
            %get3A_526 = arith.constant 112 : index
            %get3A_527 = tpu.vector_load %arg7[%get3A_524, %get3A_525, %get3A_526] {strides = array<i32>} : memref<3x256x128xf32, #tpu.memory_space<vmem>>, vector<1x1x16xf32>,
            %get3A_528 = vector.shape_cast %get3A_527 : vector<1x1x16xf32> to vector<16xf32>
            %add3A_529 = arith.addf %add3A_469, %get3A_528 : vector<16xf32>
            %mul3A_530 = arith.constant 8 : i32
            %mul3A_531 = arith.muli %scan3A_341, %mul3A_530 : i32
            %add3A_532 = arith.constant 3 : i32
            %add3A_533 = arith.addi %mul3A_531, %add3A_532 : i32
            %get3A_534 = arith.constant 2 : i32
            %get3A_535 = arith.index_cast %get3A_534 : i32 to index
            %get3A_536 = arith.index_cast %add3A_533 : i32 to index
            %get3A_537 = arith.constant 0 : index
            %get3A_538 = tpu.vector_load %arg7[%get3A_535, %get3A_536, %get3A_537] {strides = array<i32>} : memref<3x256x128xf32, #tpu.memory_space<vmem>>, vector<1x1x16xf32>,
            %get3A_539 = vector.shape_cast %get3A_538 : vector<1x1x16xf32> to vector<16xf32>
            %add3A_540 = arith.addf %add3A_480, %get3A_539 : vector<16xf32>
            %get3A_541 = arith.constant 2 : i32
            %get3A_542 = arith.index_cast %get3A_541 : i32 to index
            %get3A_543 = arith.index_cast %add3A_533 : i32 to index
            %get3A_544 = arith.constant 16 : index
            %get3A_545 = tpu.vector_load %arg7[%get3A_542, %get3A_543, %get3A_544] {strides = array<i32>} : memref<3x256x128xf32, #tpu.memory_space<vmem>>, vector<1x1x16xf32>,
            %get3A_546 = vector.shape_cast %get3A_545 : vector<1x1x16xf32> to vector<16xf32>
            %add3A_547 = arith.addf %add3A_487, %get3A_546 : vector<16xf32>
            %get3A_548 = arith.constant 2 : i32
            %get3A_549 = arith.index_cast %get3A_548 : i32 to index
            %get3A_550 = arith.index_cast %add3A_533 : i32 to index
            %get3A_551 = arith.constant 32 : index
            %get3A_552 = tpu.vector_load %arg7[%get3A_549, %get3A_550, %get3A_551] {strides = array<i32>} : memref<3x256x128xf32, #tpu.memory_space<vmem>>, vector<1x1x16xf32>,
            %get3A_553 = vector.shape_cast %get3A_552 : vector<1x1x16xf32> to vector<16xf32>
            %add3A_554 = arith.addf %add3A_494, %get3A_553 : vector<16xf32>
            %get3A_555 = arith.constant 2 : i32
            %get3A_556 = arith.index_cast %get3A_555 : i32 to index
            %get3A_557 = arith.index_cast %add3A_533 : i32 to index
            %get3A_558 = arith.constant 48 : index
            %get3A_559 = tpu.vector_load %arg7[%get3A_556, %get3A_557, %get3A_558] {strides = array<i32>} : memref<3x256x128xf32, #tpu.memory_space<vmem>>, vector<1x1x16xf32>,
            %get3A_560 = vector.shape_cast %get3A_559 : vector<1x1x16xf32> to vector<16xf32>
            %add3A_561 = arith.addf %add3A_501, %get3A_560 : vector<16xf32>
            %get3A_562 = arith.constant 2 : i32
            %get3A_563 = arith.index_cast %get3A_562 : i32 to index
            %get3A_564 = arith.index_cast %add3A_533 : i32 to index
            %get3A_565 = arith.constant 64 : index
            %get3A_566 = tpu.vector_load %arg7[%get3A_563, %get3A_564, %get3A_565] {strides = array<i32>} : memref<3x256x128xf32, #tpu.memory_space<vmem>>, vector<1x1x16xf32>,
            %get3A_567 = vector.shape_cast %get3A_566 : vector<1x1x16xf32> to vector<16xf32>
            %add3A_568 = arith.addf %add3A_508, %get3A_567 : vector<16xf32>
            %get3A_569 = arith.constant 2 : i32
            %get3A_570 = arith.index_cast %get3A_569 : i32 to index
            %get3A_571 = arith.index_cast %add3A_533 : i32 to index
            %get3A_572 = arith.constant 80 : index
            %get3A_573 = tpu.vector_load %arg7[%get3A_570, %get3A_571, %get3A_572] {strides = array<i32>} : memref<3x256x128xf32, #tpu.memory_space<vmem>>, vector<1x1x16xf32>,
            %get3A_574 = vector.shape_cast %get3A_573 : vector<1x1x16xf32> to vector<16xf32>
            %add3A_575 = arith.addf %add3A_515, %get3A_574 : vector<16xf32>
            %get3A_576 = arith.constant 2 : i32
            %get3A_577 = arith.index_cast %get3A_576 : i32 to index
            %get3A_578 = arith.index_cast %add3A_533 : i32 to index
            %get3A_579 = arith.constant 96 : index
            %get3A_580 = tpu.vector_load %arg7[%get3A_577, %get3A_578, %get3A_579] {strides = array<i32>} : memref<3x256x128xf32, #tpu.memory_space<vmem>>, vector<1x1x16xf32>,
            %get3A_581 = vector.shape_cast %get3A_580 : vector<1x1x16xf32> to vector<16xf32>
            %add3A_582 = arith.addf %add3A_522, %get3A_581 : vector<16xf32>
            %get3A_583 = arith.constant 2 : i32
            %get3A_584 = arith.index_cast %get3A_583 : i32 to index
            %get3A_585 = arith.index_cast %add3A_533 : i32 to index
            %get3A_586 = arith.constant 112 : index
            %get3A_587 = tpu.vector_load %arg7[%get3A_584, %get3A_585, %get3A_586] {strides = array<i32>} : memref<3x256x128xf32, #tpu.memory_space<vmem>>, vector<1x1x16xf32>,
            %get3A_588 = vector.shape_cast %get3A_587 : vector<1x1x16xf32> to vector<16xf32>
            %add3A_589 = arith.addf %add3A_529, %get3A_588 : vector<16xf32>
            %mul3A_590 = arith.constant 8 : i32
            %mul3A_591 = arith.muli %scan3A_341, %mul3A_590 : i32
            %add3A_592 = arith.constant 4 : i32
            %add3A_593 = arith.addi %mul3A_591, %add3A_592 : i32
            %get3A_594 = arith.constant 2 : i32
            %get3A_595 = arith.index_cast %get3A_594 : i32 to index
            %get3A_596 = arith.index_cast %add3A_593 : i32 to index
            %get3A_597 = arith.constant 0 : index
            %get3A_598 = tpu.vector_load %arg7[%get3A_595, %get3A_596, %get3A_597] {strides = array<i32>} : memref<3x256x128xf32, #tpu.memory_space<vmem>>, vector<1x1x16xf32>,
            %get3A_599 = vector.shape_cast %get3A_598 : vector<1x1x16xf32> to vector<16xf32>
            %add3A_600 = arith.addf %add3A_540, %get3A_599 : vector<16xf32>
            %get3A_601 = arith.constant 2 : i32
            %get3A_602 = arith.index_cast %get3A_601 : i32 to index
            %get3A_603 = arith.index_cast %add3A_593 : i32 to index
            %get3A_604 = arith.constant 16 : index
            %get3A_605 = tpu.vector_load %arg7[%get3A_602, %get3A_603, %get3A_604] {strides = array<i32>} : memref<3x256x128xf32, #tpu.memory_space<vmem>>, vector<1x1x16xf32>,
            %get3A_606 = vector.shape_cast %get3A_605 : vector<1x1x16xf32> to vector<16xf32>
            %add3A_607 = arith.addf %add3A_547, %get3A_606 : vector<16xf32>
            %get3A_608 = arith.constant 2 : i32
            %get3A_609 = arith.index_cast %get3A_608 : i32 to index
            %get3A_610 = arith.index_cast %add3A_593 : i32 to index
            %get3A_611 = arith.constant 32 : index
            %get3A_612 = tpu.vector_load %arg7[%get3A_609, %get3A_610, %get3A_611] {strides = array<i32>} : memref<3x256x128xf32, #tpu.memory_space<vmem>>, vector<1x1x16xf32>,
            %get3A_613 = vector.shape_cast %get3A_612 : vector<1x1x16xf32> to vector<16xf32>
            %add3A_614 = arith.addf %add3A_554, %get3A_613 : vector<16xf32>
            %get3A_615 = arith.constant 2 : i32
            %get3A_616 = arith.index_cast %get3A_615 : i32 to index
            %get3A_617 = arith.index_cast %add3A_593 : i32 to index
            %get3A_618 = arith.constant 48 : index
            %get3A_619 = tpu.vector_load %arg7[%get3A_616, %get3A_617, %get3A_618] {strides = array<i32>} : memref<3x256x128xf32, #tpu.memory_space<vmem>>, vector<1x1x16xf32>,
            %get3A_620 = vector.shape_cast %get3A_619 : vector<1x1x16xf32> to vector<16xf32>
            %add3A_621 = arith.addf %add3A_561, %get3A_620 : vector<16xf32>
            %get3A_622 = arith.constant 2 : i32
            %get3A_623 = arith.index_cast %get3A_622 : i32 to index
            %get3A_624 = arith.index_cast %add3A_593 : i32 to index
            %get3A_625 = arith.constant 64 : index
            %get3A_626 = tpu.vector_load %arg7[%get3A_623, %get3A_624, %get3A_625] {strides = array<i32>} : memref<3x256x128xf32, #tpu.memory_space<vmem>>, vector<1x1x16xf32>,
            %get3A_627 = vector.shape_cast %get3A_626 : vector<1x1x16xf32> to vector<16xf32>
            %add3A_628 = arith.addf %add3A_568, %get3A_627 : vector<16xf32>
            %get3A_629 = arith.constant 2 : i32
            %get3A_630 = arith.index_cast %get3A_629 : i32 to index
            %get3A_631 = arith.index_cast %add3A_593 : i32 to index
            %get3A_632 = arith.constant 80 : index
            %get3A_633 = tpu.vector_load %arg7[%get3A_630, %get3A_631, %get3A_632] {strides = array<i32>} : memref<3x256x128xf32, #tpu.memory_space<vmem>>, vector<1x1x16xf32>,
            %get3A_634 = vector.shape_cast %get3A_633 : vector<1x1x16xf32> to vector<16xf32>
            %add3A_635 = arith.addf %add3A_575, %get3A_634 : vector<16xf32>
            %get3A_636 = arith.constant 2 : i32
            %get3A_637 = arith.index_cast %get3A_636 : i32 to index
            %get3A_638 = arith.index_cast %add3A_593 : i32 to index
            %get3A_639 = arith.constant 96 : index
            %get3A_640 = tpu.vector_load %arg7[%get3A_637, %get3A_638, %get3A_639] {strides = array<i32>} : memref<3x256x128xf32, #tpu.memory_space<vmem>>, vector<1x1x16xf32>,
            %get3A_641 = vector.shape_cast %get3A_640 : vector<1x1x16xf32> to vector<16xf32>
            %add3A_642 = arith.addf %add3A_582, %get3A_641 : vector<16xf32>
            %get3A_643 = arith.constant 2 : i32
            %get3A_644 = arith.index_cast %get3A_643 : i32 to index
            %get3A_645 = arith.index_cast %add3A_593 : i32 to index
            %get3A_646 = arith.constant 112 : index
            %get3A_647 = tpu.vector_load %arg7[%get3A_644, %get3A_645, %get3A_646] {strides = array<i32>} : memref<3x256x128xf32, #tpu.memory_space<vmem>>, vector<1x1x16xf32>,
            %get3A_648 = vector.shape_cast %get3A_647 : vector<1x1x16xf32> to vector<16xf32>
            %add3A_649 = arith.addf %add3A_589, %get3A_648 : vector<16xf32>
            %mul3A_650 = arith.constant 8 : i32
            %mul3A_651 = arith.muli %scan3A_341, %mul3A_650 : i32
            %add3A_652 = arith.constant 5 : i32
            %add3A_653 = arith.addi %mul3A_651, %add3A_652 : i32
            %get3A_654 = arith.constant 2 : i32
            %get3A_655 = arith.index_cast %get3A_654 : i32 to index
            %get3A_656 = arith.index_cast %add3A_653 : i32 to index
            %get3A_657 = arith.constant 0 : index
            %get3A_658 = tpu.vector_load %arg7[%get3A_655, %get3A_656, %get3A_657] {strides = array<i32>} : memref<3x256x128xf32, #tpu.memory_space<vmem>>, vector<1x1x16xf32>,
            %get3A_659 = vector.shape_cast %get3A_658 : vector<1x1x16xf32> to vector<16xf32>
            %add3A_660 = arith.addf %add3A_600, %get3A_659 : vector<16xf32>
            %get3A_661 = arith.constant 2 : i32
            %get3A_662 = arith.index_cast %get3A_661 : i32 to index
            %get3A_663 = arith.index_cast %add3A_653 : i32 to index
            %get3A_664 = arith.constant 16 : index
            %get3A_665 = tpu.vector_load %arg7[%get3A_662, %get3A_663, %get3A_664] {strides = array<i32>} : memref<3x256x128xf32, #tpu.memory_space<vmem>>, vector<1x1x16xf32>,
            %get3A_666 = vector.shape_cast %get3A_665 : vector<1x1x16xf32> to vector<16xf32>
            %add3A_667 = arith.addf %add3A_607, %get3A_666 : vector<16xf32>
            %get3A_668 = arith.constant 2 : i32
            %get3A_669 = arith.index_cast %get3A_668 : i32 to index
            %get3A_670 = arith.index_cast %add3A_653 : i32 to index
            %get3A_671 = arith.constant 32 : index
            %get3A_672 = tpu.vector_load %arg7[%get3A_669, %get3A_670, %get3A_671] {strides = array<i32>} : memref<3x256x128xf32, #tpu.memory_space<vmem>>, vector<1x1x16xf32>,
            %get3A_673 = vector.shape_cast %get3A_672 : vector<1x1x16xf32> to vector<16xf32>
            %add3A_674 = arith.addf %add3A_614, %get3A_673 : vector<16xf32>
            %get3A_675 = arith.constant 2 : i32
            %get3A_676 = arith.index_cast %get3A_675 : i32 to index
            %get3A_677 = arith.index_cast %add3A_653 : i32 to index
            %get3A_678 = arith.constant 48 : index
            %get3A_679 = tpu.vector_load %arg7[%get3A_676, %get3A_677, %get3A_678] {strides = array<i32>} : memref<3x256x128xf32, #tpu.memory_space<vmem>>, vector<1x1x16xf32>,
            %get3A_680 = vector.shape_cast %get3A_679 : vector<1x1x16xf32> to vector<16xf32>
            %add3A_681 = arith.addf %add3A_621, %get3A_680 : vector<16xf32>
            %get3A_682 = arith.constant 2 : i32
            %get3A_683 = arith.index_cast %get3A_682 : i32 to index
            %get3A_684 = arith.index_cast %add3A_653 : i32 to index
            %get3A_685 = arith.constant 64 : index
            %get3A_686 = tpu.vector_load %arg7[%get3A_683, %get3A_684, %get3A_685] {strides = array<i32>} : memref<3x256x128xf32, #tpu.memory_space<vmem>>, vector<1x1x16xf32>,
            %get3A_687 = vector.shape_cast %get3A_686 : vector<1x1x16xf32> to vector<16xf32>
            %add3A_688 = arith.addf %add3A_628, %get3A_687 : vector<16xf32>
            %get3A_689 = arith.constant 2 : i32
            %get3A_690 = arith.index_cast %get3A_689 : i32 to index
            %get3A_691 = arith.index_cast %add3A_653 : i32 to index
            %get3A_692 = arith.constant 80 : index
            %get3A_693 = tpu.vector_load %arg7[%get3A_690, %get3A_691, %get3A_692] {strides = array<i32>} : memref<3x256x128xf32, #tpu.memory_space<vmem>>, vector<1x1x16xf32>,
            %get3A_694 = vector.shape_cast %get3A_693 : vector<1x1x16xf32> to vector<16xf32>
            %add3A_695 = arith.addf %add3A_635, %get3A_694 : vector<16xf32>
            %get3A_696 = arith.constant 2 : i32
            %get3A_697 = arith.index_cast %get3A_696 : i32 to index
            %get3A_698 = arith.index_cast %add3A_653 : i32 to index
            %get3A_699 = arith.constant 96 : index
            %get3A_700 = tpu.vector_load %arg7[%get3A_697, %get3A_698, %get3A_699] {strides = array<i32>} : memref<3x256x128xf32, #tpu.memory_space<vmem>>, vector<1x1x16xf32>,
            %get3A_701 = vector.shape_cast %get3A_700 : vector<1x1x16xf32> to vector<16xf32>
            %add3A_702 = arith.addf %add3A_642, %get3A_701 : vector<16xf32>
            %get3A_703 = arith.constant 2 : i32
            %get3A_704 = arith.index_cast %get3A_703 : i32 to index
            %get3A_705 = arith.index_cast %add3A_653 : i32 to index
            %get3A_706 = arith.constant 112 : index
            %get3A_707 = tpu.vector_load %arg7[%get3A_704, %get3A_705, %get3A_706] {strides = array<i32>} : memref<3x256x128xf32, #tpu.memory_space<vmem>>, vector<1x1x16xf32>,
            %get3A_708 = vector.shape_cast %get3A_707 : vector<1x1x16xf32> to vector<16xf32>
            %add3A_709 = arith.addf %add3A_649, %get3A_708 : vector<16xf32>
            %mul3A_710 = arith.constant 8 : i32
            %mul3A_711 = arith.muli %scan3A_341, %mul3A_710 : i32
            %add3A_712 = arith.constant 6 : i32
            %add3A_713 = arith.addi %mul3A_711, %add3A_712 : i32
            %get3A_714 = arith.constant 2 : i32
            %get3A_715 = arith.index_cast %get3A_714 : i32 to index
            %get3A_716 = arith.index_cast %add3A_713 : i32 to index
            %get3A_717 = arith.constant 0 : index
            %get3A_718 = tpu.vector_load %arg7[%get3A_715, %get3A_716, %get3A_717] {strides = array<i32>} : memref<3x256x128xf32, #tpu.memory_space<vmem>>, vector<1x1x16xf32>,
            %get3A_719 = vector.shape_cast %get3A_718 : vector<1x1x16xf32> to vector<16xf32>
            %add3A_720 = arith.addf %add3A_660, %get3A_719 : vector<16xf32>
            %get3A_721 = arith.constant 2 : i32
            %get3A_722 = arith.index_cast %get3A_721 : i32 to index
            %get3A_723 = arith.index_cast %add3A_713 : i32 to index
            %get3A_724 = arith.constant 16 : index
            %get3A_725 = tpu.vector_load %arg7[%get3A_722, %get3A_723, %get3A_724] {strides = array<i32>} : memref<3x256x128xf32, #tpu.memory_space<vmem>>, vector<1x1x16xf32>,
            %get3A_726 = vector.shape_cast %get3A_725 : vector<1x1x16xf32> to vector<16xf32>
            %add3A_727 = arith.addf %add3A_667, %get3A_726 : vector<16xf32>
            %get3A_728 = arith.constant 2 : i32
            %get3A_729 = arith.index_cast %get3A_728 : i32 to index
            %get3A_730 = arith.index_cast %add3A_713 : i32 to index
            %get3A_731 = arith.constant 32 : index
            %get3A_732 = tpu.vector_load %arg7[%get3A_729, %get3A_730, %get3A_731] {strides = array<i32>} : memref<3x256x128xf32, #tpu.memory_space<vmem>>, vector<1x1x16xf32>,
            %get3A_733 = vector.shape_cast %get3A_732 : vector<1x1x16xf32> to vector<16xf32>
            %add3A_734 = arith.addf %add3A_674, %get3A_733 : vector<16xf32>
            %get3A_735 = arith.constant 2 : i32
            %get3A_736 = arith.index_cast %get3A_735 : i32 to index
            %get3A_737 = arith.index_cast %add3A_713 : i32 to index
            %get3A_738 = arith.constant 48 : index
            %get3A_739 = tpu.vector_load %arg7[%get3A_736, %get3A_737, %get3A_738] {strides = array<i32>} : memref<3x256x128xf32, #tpu.memory_space<vmem>>, vector<1x1x16xf32>,
            %get3A_740 = vector.shape_cast %get3A_739 : vector<1x1x16xf32> to vector<16xf32>
            %add3A_741 = arith.addf %add3A_681, %get3A_740 : vector<16xf32>
            %get3A_742 = arith.constant 2 : i32
            %get3A_743 = arith.index_cast %get3A_742 : i32 to index
            %get3A_744 = arith.index_cast %add3A_713 : i32 to index
            %get3A_745 = arith.constant 64 : index
            %get3A_746 = tpu.vector_load %arg7[%get3A_743, %get3A_744, %get3A_745] {strides = array<i32>} : memref<3x256x128xf32, #tpu.memory_space<vmem>>, vector<1x1x16xf32>,
            %get3A_747 = vector.shape_cast %get3A_746 : vector<1x1x16xf32> to vector<16xf32>
            %add3A_748 = arith.addf %add3A_688, %get3A_747 : vector<16xf32>
            %get3A_749 = arith.constant 2 : i32
            %get3A_750 = arith.index_cast %get3A_749 : i32 to index
            %get3A_751 = arith.index_cast %add3A_713 : i32 to index
            %get3A_752 = arith.constant 80 : index
            %get3A_753 = tpu.vector_load %arg7[%get3A_750, %get3A_751, %get3A_752] {strides = array<i32>} : memref<3x256x128xf32, #tpu.memory_space<vmem>>, vector<1x1x16xf32>,
            %get3A_754 = vector.shape_cast %get3A_753 : vector<1x1x16xf32> to vector<16xf32>
            %add3A_755 = arith.addf %add3A_695, %get3A_754 : vector<16xf32>
            %get3A_756 = arith.constant 2 : i32
            %get3A_757 = arith.index_cast %get3A_756 : i32 to index
            %get3A_758 = arith.index_cast %add3A_713 : i32 to index
            %get3A_759 = arith.constant 96 : index
            %get3A_760 = tpu.vector_load %arg7[%get3A_757, %get3A_758, %get3A_759] {strides = array<i32>} : memref<3x256x128xf32, #tpu.memory_space<vmem>>, vector<1x1x16xf32>,
            %get3A_761 = vector.shape_cast %get3A_760 : vector<1x1x16xf32> to vector<16xf32>
            %add3A_762 = arith.addf %add3A_702, %get3A_761 : vector<16xf32>
            %get3A_763 = arith.constant 2 : i32
            %get3A_764 = arith.index_cast %get3A_763 : i32 to index
            %get3A_765 = arith.index_cast %add3A_713 : i32 to index
            %get3A_766 = arith.constant 112 : index
            %get3A_767 = tpu.vector_load %arg7[%get3A_764, %get3A_765, %get3A_766] {strides = array<i32>} : memref<3x256x128xf32, #tpu.memory_space<vmem>>, vector<1x1x16xf32>,
            %get3A_768 = vector.shape_cast %get3A_767 : vector<1x1x16xf32> to vector<16xf32>
            %add3A_769 = arith.addf %add3A_709, %get3A_768 : vector<16xf32>
            %mul3A_770 = arith.constant 8 : i32
            %mul3A_771 = arith.muli %scan3A_341, %mul3A_770 : i32
            %add3A_772 = arith.constant 7 : i32
            %add3A_773 = arith.addi %mul3A_771, %add3A_772 : i32
            %get3A_774 = arith.constant 2 : i32
            %get3A_775 = arith.index_cast %get3A_774 : i32 to index
            %get3A_776 = arith.index_cast %add3A_773 : i32 to index
            %get3A_777 = arith.constant 0 : index
            %get3A_778 = tpu.vector_load %arg7[%get3A_775, %get3A_776, %get3A_777] {strides = array<i32>} : memref<3x256x128xf32, #tpu.memory_space<vmem>>, vector<1x1x16xf32>,
            %get3A_779 = vector.shape_cast %get3A_778 : vector<1x1x16xf32> to vector<16xf32>
            %add3A_780 = arith.addf %add3A_720, %get3A_779 : vector<16xf32>
            %get3A_781 = arith.constant 2 : i32
            %get3A_782 = arith.index_cast %get3A_781 : i32 to index
            %get3A_783 = arith.index_cast %add3A_773 : i32 to index
            %get3A_784 = arith.constant 16 : index
            %get3A_785 = tpu.vector_load %arg7[%get3A_782, %get3A_783, %get3A_784] {strides = array<i32>} : memref<3x256x128xf32, #tpu.memory_space<vmem>>, vector<1x1x16xf32>,
            %get3A_786 = vector.shape_cast %get3A_785 : vector<1x1x16xf32> to vector<16xf32>
            %add3A_787 = arith.addf %add3A_727, %get3A_786 : vector<16xf32>
            %get3A_788 = arith.constant 2 : i32
            %get3A_789 = arith.index_cast %get3A_788 : i32 to index
            %get3A_790 = arith.index_cast %add3A_773 : i32 to index
            %get3A_791 = arith.constant 32 : index
            %get3A_792 = tpu.vector_load %arg7[%get3A_789, %get3A_790, %get3A_791] {strides = array<i32>} : memref<3x256x128xf32, #tpu.memory_space<vmem>>, vector<1x1x16xf32>,
            %get3A_793 = vector.shape_cast %get3A_792 : vector<1x1x16xf32> to vector<16xf32>
            %add3A_794 = arith.addf %add3A_734, %get3A_793 : vector<16xf32>
            %get3A_795 = arith.constant 2 : i32
            %get3A_796 = arith.index_cast %get3A_795 : i32 to index
            %get3A_797 = arith.index_cast %add3A_773 : i32 to index
            %get3A_798 = arith.constant 48 : index
            %get3A_799 = tpu.vector_load %arg7[%get3A_796, %get3A_797, %get3A_798] {strides = array<i32>} : memref<3x256x128xf32, #tpu.memory_space<vmem>>, vector<1x1x16xf32>,
            %get3A_800 = vector.shape_cast %get3A_799 : vector<1x1x16xf32> to vector<16xf32>
            %add3A_801 = arith.addf %add3A_741, %get3A_800 : vector<16xf32>
            %get3A_802 = arith.constant 2 : i32
            %get3A_803 = arith.index_cast %get3A_802 : i32 to index
            %get3A_804 = arith.index_cast %add3A_773 : i32 to index
            %get3A_805 = arith.constant 64 : index
            %get3A_806 = tpu.vector_load %arg7[%get3A_803, %get3A_804, %get3A_805] {strides = array<i32>} : memref<3x256x128xf32, #tpu.memory_space<vmem>>, vector<1x1x16xf32>,
            %get3A_807 = vector.shape_cast %get3A_806 : vector<1x1x16xf32> to vector<16xf32>
            %add3A_808 = arith.addf %add3A_748, %get3A_807 : vector<16xf32>
            %get3A_809 = arith.constant 2 : i32
            %get3A_810 = arith.index_cast %get3A_809 : i32 to index
            %get3A_811 = arith.index_cast %add3A_773 : i32 to index
            %get3A_812 = arith.constant 80 : index
            %get3A_813 = tpu.vector_load %arg7[%get3A_810, %get3A_811, %get3A_812] {strides = array<i32>} : memref<3x256x128xf32, #tpu.memory_space<vmem>>, vector<1x1x16xf32>,
            %get3A_814 = vector.shape_cast %get3A_813 : vector<1x1x16xf32> to vector<16xf32>
            %add3A_815 = arith.addf %add3A_755, %get3A_814 : vector<16xf32>
            %get3A_816 = arith.constant 2 : i32
            %get3A_817 = arith.index_cast %get3A_816 : i32 to index
            %get3A_818 = arith.index_cast %add3A_773 : i32 to index
            %get3A_819 = arith.constant 96 : index
            %get3A_820 = tpu.vector_load %arg7[%get3A_817, %get3A_818, %get3A_819] {strides = array<i32>} : memref<3x256x128xf32, #tpu.memory_space<vmem>>, vector<1x1x16xf32>,
            %get3A_821 = vector.shape_cast %get3A_820 : vector<1x1x16xf32> to vector<16xf32>
            %add3A_822 = arith.addf %add3A_762, %get3A_821 : vector<16xf32>
            %get3A_823 = arith.constant 2 : i32
            %get3A_824 = arith.index_cast %get3A_823 : i32 to index
            %get3A_825 = arith.index_cast %add3A_773 : i32 to index
            %get3A_826 = arith.constant 112 : index
            %get3A_827 = tpu.vector_load %arg7[%get3A_824, %get3A_825, %get3A_826] {strides = array<i32>} : memref<3x256x128xf32, #tpu.memory_space<vmem>>, vector<1x1x16xf32>,
            %get3A_828 = vector.shape_cast %get3A_827 : vector<1x1x16xf32> to vector<16xf32>
            %add3A_829 = arith.addf %add3A_769, %get3A_828 : vector<16xf32>
            scf.yield %add3A_780, %add3A_787, %add3A_794, %add3A_801, %add3A_808, %add3A_815, %add3A_822, %add3A_829 : vector<16xf32>, vector<16xf32>, vector<16xf32>, vector<16xf32>, vector<16xf32>, vector<16xf32>, vector<16xf32>, vector<16xf32>
          }
          %scan3A_260 = arith.constant 32 : i32
          %get3A_261 = arith.index_cast %squeeze3A : i32 to index
          %get3A_262 = arith.constant 0 : index
          %get3A_263 = tpu.vector_load %arg14[%get3A_261, %get3A_262] {strides = array<i32>} : memref<64x128xf32, #tpu.memory_space<vmem>>, vector<1x16xf32>,
          %get3A_264 = vector.shape_cast %get3A_263 : vector<1x16xf32> to vector<16xf32>
          %add3A_265 = arith.addf %get3A_264, %scan3A_259#0 : vector<16xf32>
          %swap3A_266 = arith.index_cast %squeeze3A : i32 to index
          %swap3A_267 = arith.constant 0 : index
          %swap3A_268 = tpu.vector_load %arg14[%swap3A_266, %swap3A_267] {strides = array<i32>} : memref<64x128xf32, #tpu.memory_space<vmem>>, vector<1x16xf32>,
          %swap3A_269 = vector.shape_cast %swap3A_268 : vector<1x16xf32> to vector<16xf32>
          %swap3A_270 = vector.shape_cast %add3A_265 : vector<16xf32> to vector<1x16xf32>
          tpu.vector_store %arg14[%swap3A_266, %swap3A_267], %swap3A_270 {strides = array<i32>} : memref<64x128xf32, #tpu.memory_space<vmem>>, vector<1x16xf32>,
          %get3A_271 = arith.index_cast %squeeze3A : i32 to index
          %get3A_272 = arith.constant 16 : index
          %get3A_273 = tpu.vector_load %arg14[%get3A_271, %get3A_272] {strides = array<i32>} : memref<64x128xf32, #tpu.memory_space<vmem>>, vector<1x16xf32>,
          %get3A_274 = vector.shape_cast %get3A_273 : vector<1x16xf32> to vector<16xf32>
          %add3A_275 = arith.addf %get3A_274, %scan3A_259#1 : vector<16xf32>
          %swap3A_276 = arith.index_cast %squeeze3A : i32 to index
          %swap3A_277 = arith.constant 16 : index
          %swap3A_278 = tpu.vector_load %arg14[%swap3A_276, %swap3A_277] {strides = array<i32>} : memref<64x128xf32, #tpu.memory_space<vmem>>, vector<1x16xf32>,
          %swap3A_279 = vector.shape_cast %swap3A_278 : vector<1x16xf32> to vector<16xf32>
          %swap3A_280 = vector.shape_cast %add3A_275 : vector<16xf32> to vector<1x16xf32>
          tpu.vector_store %arg14[%swap3A_276, %swap3A_277], %swap3A_280 {strides = array<i32>} : memref<64x128xf32, #tpu.memory_space<vmem>>, vector<1x16xf32>,
          %get3A_281 = arith.index_cast %squeeze3A : i32 to index
          %get3A_282 = arith.constant 32 : index
          %get3A_283 = tpu.vector_load %arg14[%get3A_281, %get3A_282] {strides = array<i32>} : memref<64x128xf32, #tpu.memory_space<vmem>>, vector<1x16xf32>,
          %get3A_284 = vector.shape_cast %get3A_283 : vector<1x16xf32> to vector<16xf32>
          %add3A_285 = arith.addf %get3A_284, %scan3A_259#2 : vector<16xf32>
          %swap3A_286 = arith.index_cast %squeeze3A : i32 to index
          %swap3A_287 = arith.constant 32 : index
          %swap3A_288 = tpu.vector_load %arg14[%swap3A_286, %swap3A_287] {strides = array<i32>} : memref<64x128xf32, #tpu.memory_space<vmem>>, vector<1x16xf32>,
          %swap3A_289 = vector.shape_cast %swap3A_288 : vector<1x16xf32> to vector<16xf32>
          %swap3A_290 = vector.shape_cast %add3A_285 : vector<16xf32> to vector<1x16xf32>
          tpu.vector_store %arg14[%swap3A_286, %swap3A_287], %swap3A_290 {strides = array<i32>} : memref<64x128xf32, #tpu.memory_space<vmem>>, vector<1x16xf32>,
          %get3A_291 = arith.index_cast %squeeze3A : i32 to index
          %get3A_292 = arith.constant 48 : index
          %get3A_293 = tpu.vector_load %arg14[%get3A_291, %get3A_292] {strides = array<i32>} : memref<64x128xf32, #tpu.memory_space<vmem>>, vector<1x16xf32>,
          %get3A_294 = vector.shape_cast %get3A_293 : vector<1x16xf32> to vector<16xf32>
          %add3A_295 = arith.addf %get3A_294, %scan3A_259#3 : vector<16xf32>
          %swap3A_296 = arith.index_cast %squeeze3A : i32 to index
          %swap3A_297 = arith.constant 48 : index
          %swap3A_298 = tpu.vector_load %arg14[%swap3A_296, %swap3A_297] {strides = array<i32>} : memref<64x128xf32, #tpu.memory_space<vmem>>, vector<1x16xf32>,
          %swap3A_299 = vector.shape_cast %swap3A_298 : vector<1x16xf32> to vector<16xf32>
          %swap3A_300 = vector.shape_cast %add3A_295 : vector<16xf32> to vector<1x16xf32>
          tpu.vector_store %arg14[%swap3A_296, %swap3A_297], %swap3A_300 {strides = array<i32>} : memref<64x128xf32, #tpu.memory_space<vmem>>, vector<1x16xf32>,
          %get3A_301 = arith.index_cast %squeeze3A : i32 to index
          %get3A_302 = arith.constant 64 : index
          %get3A_303 = tpu.vector_load %arg14[%get3A_301, %get3A_302] {strides = array<i32>} : memref<64x128xf32, #tpu.memory_space<vmem>>, vector<1x16xf32>,
          %get3A_304 = vector.shape_cast %get3A_303 : vector<1x16xf32> to vector<16xf32>
          %add3A_305 = arith.addf %get3A_304, %scan3A_259#4 : vector<16xf32>
          %swap3A_306 = arith.index_cast %squeeze3A : i32 to index
          %swap3A_307 = arith.constant 64 : index
          %swap3A_308 = tpu.vector_load %arg14[%swap3A_306, %swap3A_307] {strides = array<i32>} : memref<64x128xf32, #tpu.memory_space<vmem>>, vector<1x16xf32>,
          %swap3A_309 = vector.shape_cast %swap3A_308 : vector<1x16xf32> to vector<16xf32>
          %swap3A_310 = vector.shape_cast %add3A_305 : vector<16xf32> to vector<1x16xf32>
          tpu.vector_store %arg14[%swap3A_306, %swap3A_307], %swap3A_310 {strides = array<i32>} : memref<64x128xf32, #tpu.memory_space<vmem>>, vector<1x16xf32>,
          %get3A_311 = arith.index_cast %squeeze3A : i32 to index
          %get3A_312 = arith.constant 80 : index
          %get3A_313 = tpu.vector_load %arg14[%get3A_311, %get3A_312] {strides = array<i32>} : memref<64x128xf32, #tpu.memory_space<vmem>>, vector<1x16xf32>,
          %get3A_314 = vector.shape_cast %get3A_313 : vector<1x16xf32> to vector<16xf32>
          %add3A_315 = arith.addf %get3A_314, %scan3A_259#5 : vector<16xf32>
          %swap3A_316 = arith.index_cast %squeeze3A : i32 to index
          %swap3A_317 = arith.constant 80 : index
          %swap3A_318 = tpu.vector_load %arg14[%swap3A_316, %swap3A_317] {strides = array<i32>} : memref<64x128xf32, #tpu.memory_space<vmem>>, vector<1x16xf32>,
          %swap3A_319 = vector.shape_cast %swap3A_318 : vector<1x16xf32> to vector<16xf32>
          %swap3A_320 = vector.shape_cast %add3A_315 : vector<16xf32> to vector<1x16xf32>
          tpu.vector_store %arg14[%swap3A_316, %swap3A_317], %swap3A_320 {strides = array<i32>} : memref<64x128xf32, #tpu.memory_space<vmem>>, vector<1x16xf32>,
          %get3A_321 = arith.index_cast %squeeze3A : i32 to index
          %get3A_322 = arith.constant 96 : index
          %get3A_323 = tpu.vector_load %arg14[%get3A_321, %get3A_322] {strides = array<i32>} : memref<64x128xf32, #tpu.memory_space<vmem>>, vector<1x16xf32>,
          %get3A_324 = vector.shape_cast %get3A_323 : vector<1x16xf32> to vector<16xf32>
          %add3A_325 = arith.addf %get3A_324, %scan3A_259#6 : vector<16xf32>
          %swap3A_326 = arith.index_cast %squeeze3A : i32 to index
          %swap3A_327 = arith.constant 96 : index
          %swap3A_328 = tpu.vector_load %arg14[%swap3A_326, %swap3A_327] {strides = array<i32>} : memref<64x128xf32, #tpu.memory_space<vmem>>, vector<1x16xf32>,
          %swap3A_329 = vector.shape_cast %swap3A_328 : vector<1x16xf32> to vector<16xf32>
          %swap3A_330 = vector.shape_cast %add3A_325 : vector<16xf32> to vector<1x16xf32>
          tpu.vector_store %arg14[%swap3A_326, %swap3A_327], %swap3A_330 {strides = array<i32>} : memref<64x128xf32, #tpu.memory_space<vmem>>, vector<1x16xf32>,
          %get3A_331 = arith.index_cast %squeeze3A : i32 to index
          %get3A_332 = arith.constant 112 : index
          %get3A_333 = tpu.vector_load %arg14[%get3A_331, %get3A_332] {strides = array<i32>} : memref<64x128xf32, #tpu.memory_space<vmem>>, vector<1x16xf32>,
          %get3A_334 = vector.shape_cast %get3A_333 : vector<1x16xf32> to vector<16xf32>
          %add3A_335 = arith.addf %get3A_334, %scan3A_259#7 : vector<16xf32>
          %swap3A_336 = arith.index_cast %squeeze3A : i32 to index
          %swap3A_337 = arith.constant 112 : index
          %swap3A_338 = tpu.vector_load %arg14[%swap3A_336, %swap3A_337] {strides = array<i32>} : memref<64x128xf32, #tpu.memory_space<vmem>>, vector<1x16xf32>,
          %swap3A_339 = vector.shape_cast %swap3A_338 : vector<1x16xf32> to vector<16xf32>
          %swap3A_340 = vector.shape_cast %add3A_335 : vector<16xf32> to vector<1x16xf32>
          tpu.vector_store %arg14[%swap3A_336, %swap3A_337], %swap3A_340 {strides = array<i32>} : memref<64x128xf32, #tpu.memory_space<vmem>>, vector<1x16xf32>,
        } else {
        }
        %ne3A = arith.cmpi ne, %squeeze3A, %squeeze3A_231 : i32
        %convert_element_type3A_252 = arith.extui %ne3A : i1 to i32
        %cond3A_253 = arith.constant 0 : i32
        %cond3A_254 = arith.cmpi ne, %convert_element_type3A_252, %cond3A_253 : i32
        scf.if %cond3A_254 {
          %sub3A_255 = arith.subi %squeeze3A_231, %squeeze3A : i32
          %add3A_256 = arith.constant 1 : i32
          %add3A_257 = arith.addi %sub3A_255, %add3A_256 : i32
          %while3A = arith.constant 0 : i32
          %while3A_258 = arith.constant 0 : i32
          %while3A_259 = arith.subi %add3A_257, %while3A : i32
          %while3A_260 = arith.addi %while3A, %while3A_259 : i32
          %while3A_261 = arith.constant 1 : i32
          %while3A_262 = arith.divsi %while3A_259, %while3A_261 : i32
          %while3A_263 = arith.muli %while3A_262, %while3A_261 : i32
          %while3A_264 = arith.addi %while3A, %while3A_263 : i32
          %while3A_265 = arith.constant 1 : i32
          %while3A_266 = scf.for %while3A_269 = %while3A to %while3A_264 step %while3A_265 iter_args(%while3A_270 = %while3A_258) -> (i32)  : i32 {
            %add3A_271 = arith.addi %squeeze3A, %while3A_269 : i32
            %add3A_272 = arith.constant 1 : i32
            %add3A_273 = arith.addi %add3A_271, %add3A_272 : i32
            %scan3A_274 = arith.constant 0 : i32
            %scan3A_275 = arith.constant 256 : i32
            %scan3A_276 = arith.constant 0 : i32
            %scan3A_277 = arith.constant 8 : i32
            %scan3A_278 = arith.addi %scan3A_276, %scan3A_277 : i32
            %scan3A_279 = arith.constant 1 : i32
            %scan3A_280:2 = scf.for %scan3A_372 = %scan3A_276 to %scan3A_278 step %scan3A_279 iter_args(%scan3A_373 = %scan3A_274, %scan3A_374 = %scan3A_275) -> (i32, i32)  : i32 {
              %add3A_375 = arith.addi %scan3A_373, %scan3A_374 : i32
              %jit3A_376 = arith.constant 2 : i32
              %div3A = arith.divsi %add3A_375, %jit3A_376 : i32
              %sign3A = arith.constant 0 : i32
              %sign3A_377 = arith.cmpi sgt, %add3A_375, %sign3A : i32
              %sign3A_378 = arith.extui %sign3A_377 : i1 to i32
              %sign3A_379 = arith.constant 0 : i32
              %sign3A_380 = arith.cmpi slt, %add3A_375, %sign3A_379 : i32
              %sign3A_381 = arith.extui %sign3A_380 : i1 to i32
              %sign3A_382 = arith.subi %sign3A_378, %sign3A_381 : i32
              %sign3A_383 = arith.constant 0 : i32
              %sign3A_384 = arith.cmpi sgt, %jit3A_376, %sign3A_383 : i32
              %sign3A_385 = arith.extui %sign3A_384 : i1 to i32
              %sign3A_386 = arith.constant 0 : i32
              %sign3A_387 = arith.cmpi slt, %jit3A_376, %sign3A_386 : i32
              %sign3A_388 = arith.extui %sign3A_387 : i1 to i32
              %sign3A_389 = arith.subi %sign3A_385, %sign3A_388 : i32
              %ne3A_390 = arith.cmpi ne, %sign3A_382, %sign3A_389 : i32
              %rem3A = arith.remsi %add3A_375, %jit3A_376 : i32
              %ne3A_391 = arith.constant 0 : i32
              %ne3A_392 = arith.cmpi ne, %rem3A, %ne3A_391 : i32
              %and3A = arith.andi %ne3A_390, %ne3A_392 : i1
              %sub3A_393 = arith.constant 1 : i32
              %sub3A_394 = arith.subi %div3A, %sub3A_393 : i32
              %select_n3A_395 = arith.select %and3A, %sub3A_394, %div3A : i32
              %get3A_396 = arith.index_cast %select_n3A_395 : i32 to index
              %get3A_397 = tpu.vector_load %arg10[%get3A_396] {strides = array<i32>} : memref<272xi32, #tpu.memory_space<vmem>>, vector<16xi32>,
              %get3A_398 = vector.shape_cast %get3A_397 : vector<16xi32> to vector<16xi32>
              %slice3A_399 = vector.extract_strided_slice %get3A_398 {offsets = [0], sizes = [1], strides = [1]} : vector<16xi32> to vector<1xi32>
              %squeeze3A_400 = vector.extract %slice3A_399[0] : i32 from vector<1xi32>
              %lt3A_401 = arith.cmpi slt, %squeeze3A_400, %add3A_273 : i32
              %add3A_402 = arith.constant 1 : i32
              %add3A_403 = arith.addi %select_n3A_395, %add3A_402 : i32
              %select_n3A_404 = arith.select %lt3A_401, %add3A_403, %scan3A_373 : i32
              %select_n3A_405 = arith.select %lt3A_401, %scan3A_374, %select_n3A_395 : i32
              scf.yield %select_n3A_404, %select_n3A_405 : i32, i32
            }
            %scan3A_281 = arith.constant 8 : i32
            %while3A_282 = arith.subi %scan3A_280#1, %while3A_270 : i32
            %while3A_283 = arith.addi %while3A_270, %while3A_282 : i32
            %while3A_284 = arith.constant 1 : i32
            %while3A_285 = arith.divsi %while3A_282, %while3A_284 : i32
            %while3A_286 = arith.muli %while3A_285, %while3A_284 : i32
            %while3A_287 = arith.addi %while3A_270, %while3A_286 : i32
            %while3A_288 = arith.constant 1 : i32
            %while3A_289:8 = scf.for %while3A_372 = %while3A_270 to %while3A_287 step %while3A_288 iter_args(%while3A_373 = %broadcast_in_dim3A_233, %while3A_374 = %broadcast_in_dim3A_235, %while3A_375 = %broadcast_in_dim3A_237, %while3A_376 = %broadcast_in_dim3A_239, %while3A_377 = %broadcast_in_dim3A_241, %while3A_378 = %broadcast_in_dim3A_243, %while3A_379 = %broadcast_in_dim3A_245, %while3A_380 = %broadcast_in_dim3A_247) -> (vector<16xf32>, vector<16xf32>, vector<16xf32>, vector<16xf32>, vector<16xf32>, vector<16xf32>, vector<16xf32>, vector<16xf32>)  : i32 {
              %get3A_381 = arith.constant 2 : i32
              %get3A_382 = arith.index_cast %get3A_381 : i32 to index
              %get3A_383 = arith.index_cast %while3A_372 : i32 to index
              %get3A_384 = arith.constant 0 : index
              %get3A_385 = tpu.vector_load %arg7[%get3A_382, %get3A_383, %get3A_384] {strides = array<i32>} : memref<3x256x128xf32, #tpu.memory_space<vmem>>, vector<1x1x16xf32>,
              %get3A_386 = vector.shape_cast %get3A_385 : vector<1x1x16xf32> to vector<16xf32>
              %add3A_387 = arith.addf %while3A_373, %get3A_386 : vector<16xf32>
              %get3A_388 = arith.constant 2 : i32
              %get3A_389 = arith.index_cast %get3A_388 : i32 to index
              %get3A_390 = arith.index_cast %while3A_372 : i32 to index
              %get3A_391 = arith.constant 16 : index
              %get3A_392 = tpu.vector_load %arg7[%get3A_389, %get3A_390, %get3A_391] {strides = array<i32>} : memref<3x256x128xf32, #tpu.memory_space<vmem>>, vector<1x1x16xf32>,
              %get3A_393 = vector.shape_cast %get3A_392 : vector<1x1x16xf32> to vector<16xf32>
              %add3A_394 = arith.addf %while3A_374, %get3A_393 : vector<16xf32>
              %get3A_395 = arith.constant 2 : i32
              %get3A_396 = arith.index_cast %get3A_395 : i32 to index
              %get3A_397 = arith.index_cast %while3A_372 : i32 to index
              %get3A_398 = arith.constant 32 : index
              %get3A_399 = tpu.vector_load %arg7[%get3A_396, %get3A_397, %get3A_398] {strides = array<i32>} : memref<3x256x128xf32, #tpu.memory_space<vmem>>, vector<1x1x16xf32>,
              %get3A_400 = vector.shape_cast %get3A_399 : vector<1x1x16xf32> to vector<16xf32>
              %add3A_401 = arith.addf %while3A_375, %get3A_400 : vector<16xf32>
              %get3A_402 = arith.constant 2 : i32
              %get3A_403 = arith.index_cast %get3A_402 : i32 to index
              %get3A_404 = arith.index_cast %while3A_372 : i32 to index
              %get3A_405 = arith.constant 48 : index
              %get3A_406 = tpu.vector_load %arg7[%get3A_403, %get3A_404, %get3A_405] {strides = array<i32>} : memref<3x256x128xf32, #tpu.memory_space<vmem>>, vector<1x1x16xf32>,
              %get3A_407 = vector.shape_cast %get3A_406 : vector<1x1x16xf32> to vector<16xf32>
              %add3A_408 = arith.addf %while3A_376, %get3A_407 : vector<16xf32>
              %get3A_409 = arith.constant 2 : i32
              %get3A_410 = arith.index_cast %get3A_409 : i32 to index
              %get3A_411 = arith.index_cast %while3A_372 : i32 to index
              %get3A_412 = arith.constant 64 : index
              %get3A_413 = tpu.vector_load %arg7[%get3A_410, %get3A_411, %get3A_412] {strides = array<i32>} : memref<3x256x128xf32, #tpu.memory_space<vmem>>, vector<1x1x16xf32>,
              %get3A_414 = vector.shape_cast %get3A_413 : vector<1x1x16xf32> to vector<16xf32>
              %add3A_415 = arith.addf %while3A_377, %get3A_414 : vector<16xf32>
              %get3A_416 = arith.constant 2 : i32
              %get3A_417 = arith.index_cast %get3A_416 : i32 to index
              %get3A_418 = arith.index_cast %while3A_372 : i32 to index
              %get3A_419 = arith.constant 80 : index
              %get3A_420 = tpu.vector_load %arg7[%get3A_417, %get3A_418, %get3A_419] {strides = array<i32>} : memref<3x256x128xf32, #tpu.memory_space<vmem>>, vector<1x1x16xf32>,
              %get3A_421 = vector.shape_cast %get3A_420 : vector<1x1x16xf32> to vector<16xf32>
              %add3A_422 = arith.addf %while3A_378, %get3A_421 : vector<16xf32>
              %get3A_423 = arith.constant 2 : i32
              %get3A_424 = arith.index_cast %get3A_423 : i32 to index
              %get3A_425 = arith.index_cast %while3A_372 : i32 to index
              %get3A_426 = arith.constant 96 : index
              %get3A_427 = tpu.vector_load %arg7[%get3A_424, %get3A_425, %get3A_426] {strides = array<i32>} : memref<3x256x128xf32, #tpu.memory_space<vmem>>, vector<1x1x16xf32>,
              %get3A_428 = vector.shape_cast %get3A_427 : vector<1x1x16xf32> to vector<16xf32>
              %add3A_429 = arith.addf %while3A_379, %get3A_428 : vector<16xf32>
              %get3A_430 = arith.constant 2 : i32
              %get3A_431 = arith.index_cast %get3A_430 : i32 to index
              %get3A_432 = arith.index_cast %while3A_372 : i32 to index
              %get3A_433 = arith.constant 112 : index
              %get3A_434 = tpu.vector_load %arg7[%get3A_431, %get3A_432, %get3A_433] {strides = array<i32>} : memref<3x256x128xf32, #tpu.memory_space<vmem>>, vector<1x1x16xf32>,
              %get3A_435 = vector.shape_cast %get3A_434 : vector<1x1x16xf32> to vector<16xf32>
              %add3A_436 = arith.addf %while3A_380, %get3A_435 : vector<16xf32>
              scf.yield %add3A_387, %add3A_394, %add3A_401, %add3A_408, %add3A_415, %add3A_422, %add3A_429, %add3A_436 : vector<16xf32>, vector<16xf32>, vector<16xf32>, vector<16xf32>, vector<16xf32>, vector<16xf32>, vector<16xf32>, vector<16xf32>
            }
            %while3A_290 = arith.constant 1 : i32
            %while3A_291:8 = scf.for %while3A_372 = %while3A_287 to %while3A_283 step %while3A_290 iter_args(%while3A_373 = %while3A_289#0, %while3A_374 = %while3A_289#1, %while3A_375 = %while3A_289#2, %while3A_376 = %while3A_289#3, %while3A_377 = %while3A_289#4, %while3A_378 = %while3A_289#5, %while3A_379 = %while3A_289#6, %while3A_380 = %while3A_289#7) -> (vector<16xf32>, vector<16xf32>, vector<16xf32>, vector<16xf32>, vector<16xf32>, vector<16xf32>, vector<16xf32>, vector<16xf32>)  : i32 {
              %get3A_381 = arith.constant 2 : i32
              %get3A_382 = arith.index_cast %get3A_381 : i32 to index
              %get3A_383 = arith.index_cast %while3A_372 : i32 to index
              %get3A_384 = arith.constant 0 : index
              %get3A_385 = tpu.vector_load %arg7[%get3A_382, %get3A_383, %get3A_384] {strides = array<i32>} : memref<3x256x128xf32, #tpu.memory_space<vmem>>, vector<1x1x16xf32>,
              %get3A_386 = vector.shape_cast %get3A_385 : vector<1x1x16xf32> to vector<16xf32>
              %add3A_387 = arith.addf %while3A_373, %get3A_386 : vector<16xf32>
              %get3A_388 = arith.constant 2 : i32
              %get3A_389 = arith.index_cast %get3A_388 : i32 to index
              %get3A_390 = arith.index_cast %while3A_372 : i32 to index
              %get3A_391 = arith.constant 16 : index
              %get3A_392 = tpu.vector_load %arg7[%get3A_389, %get3A_390, %get3A_391] {strides = array<i32>} : memref<3x256x128xf32, #tpu.memory_space<vmem>>, vector<1x1x16xf32>,
              %get3A_393 = vector.shape_cast %get3A_392 : vector<1x1x16xf32> to vector<16xf32>
              %add3A_394 = arith.addf %while3A_374, %get3A_393 : vector<16xf32>
              %get3A_395 = arith.constant 2 : i32
              %get3A_396 = arith.index_cast %get3A_395 : i32 to index
              %get3A_397 = arith.index_cast %while3A_372 : i32 to index
              %get3A_398 = arith.constant 32 : index
              %get3A_399 = tpu.vector_load %arg7[%get3A_396, %get3A_397, %get3A_398] {strides = array<i32>} : memref<3x256x128xf32, #tpu.memory_space<vmem>>, vector<1x1x16xf32>,
              %get3A_400 = vector.shape_cast %get3A_399 : vector<1x1x16xf32> to vector<16xf32>
              %add3A_401 = arith.addf %while3A_375, %get3A_400 : vector<16xf32>
              %get3A_402 = arith.constant 2 : i32
              %get3A_403 = arith.index_cast %get3A_402 : i32 to index
              %get3A_404 = arith.index_cast %while3A_372 : i32 to index
              %get3A_405 = arith.constant 48 : index
              %get3A_406 = tpu.vector_load %arg7[%get3A_403, %get3A_404, %get3A_405] {strides = array<i32>} : memref<3x256x128xf32, #tpu.memory_space<vmem>>, vector<1x1x16xf32>,
              %get3A_407 = vector.shape_cast %get3A_406 : vector<1x1x16xf32> to vector<16xf32>
              %add3A_408 = arith.addf %while3A_376, %get3A_407 : vector<16xf32>
              %get3A_409 = arith.constant 2 : i32
              %get3A_410 = arith.index_cast %get3A_409 : i32 to index
              %get3A_411 = arith.index_cast %while3A_372 : i32 to index
              %get3A_412 = arith.constant 64 : index
              %get3A_413 = tpu.vector_load %arg7[%get3A_410, %get3A_411, %get3A_412] {strides = array<i32>} : memref<3x256x128xf32, #tpu.memory_space<vmem>>, vector<1x1x16xf32>,
              %get3A_414 = vector.shape_cast %get3A_413 : vector<1x1x16xf32> to vector<16xf32>
              %add3A_415 = arith.addf %while3A_377, %get3A_414 : vector<16xf32>
              %get3A_416 = arith.constant 2 : i32
              %get3A_417 = arith.index_cast %get3A_416 : i32 to index
              %get3A_418 = arith.index_cast %while3A_372 : i32 to index
              %get3A_419 = arith.constant 80 : index
              %get3A_420 = tpu.vector_load %arg7[%get3A_417, %get3A_418, %get3A_419] {strides = array<i32>} : memref<3x256x128xf32, #tpu.memory_space<vmem>>, vector<1x1x16xf32>,
              %get3A_421 = vector.shape_cast %get3A_420 : vector<1x1x16xf32> to vector<16xf32>
              %add3A_422 = arith.addf %while3A_378, %get3A_421 : vector<16xf32>
              %get3A_423 = arith.constant 2 : i32
              %get3A_424 = arith.index_cast %get3A_423 : i32 to index
              %get3A_425 = arith.index_cast %while3A_372 : i32 to index
              %get3A_426 = arith.constant 96 : index
              %get3A_427 = tpu.vector_load %arg7[%get3A_424, %get3A_425, %get3A_426] {strides = array<i32>} : memref<3x256x128xf32, #tpu.memory_space<vmem>>, vector<1x1x16xf32>,
              %get3A_428 = vector.shape_cast %get3A_427 : vector<1x1x16xf32> to vector<16xf32>
              %add3A_429 = arith.addf %while3A_379, %get3A_428 : vector<16xf32>
              %get3A_430 = arith.constant 2 : i32
              %get3A_431 = arith.index_cast %get3A_430 : i32 to index
              %get3A_432 = arith.index_cast %while3A_372 : i32 to index
              %get3A_433 = arith.constant 112 : index
              %get3A_434 = tpu.vector_load %arg7[%get3A_431, %get3A_432, %get3A_433] {strides = array<i32>} : memref<3x256x128xf32, #tpu.memory_space<vmem>>, vector<1x1x16xf32>,
              %get3A_435 = vector.shape_cast %get3A_434 : vector<1x1x16xf32> to vector<16xf32>
              %add3A_436 = arith.addf %while3A_380, %get3A_435 : vector<16xf32>
              scf.yield %add3A_387, %add3A_394, %add3A_401, %add3A_408, %add3A_415, %add3A_422, %add3A_429, %add3A_436 : vector<16xf32>, vector<16xf32>, vector<16xf32>, vector<16xf32>, vector<16xf32>, vector<16xf32>, vector<16xf32>, vector<16xf32>
            }
            %get3A_292 = arith.index_cast %add3A_271 : i32 to index
            %get3A_293 = arith.constant 0 : index
            %get3A_294 = tpu.vector_load %arg14[%get3A_292, %get3A_293] {strides = array<i32>} : memref<64x128xf32, #tpu.memory_space<vmem>>, vector<1x16xf32>,
            %get3A_295 = vector.shape_cast %get3A_294 : vector<1x16xf32> to vector<16xf32>
            %add3A_296 = arith.addf %get3A_295, %while3A_291#0 : vector<16xf32>
            %swap3A_297 = arith.index_cast %add3A_271 : i32 to index
            %swap3A_298 = arith.constant 0 : index
            %swap3A_299 = tpu.vector_load %arg14[%swap3A_297, %swap3A_298] {strides = array<i32>} : memref<64x128xf32, #tpu.memory_space<vmem>>, vector<1x16xf32>,
            %swap3A_300 = vector.shape_cast %swap3A_299 : vector<1x16xf32> to vector<16xf32>
            %swap3A_301 = vector.shape_cast %add3A_296 : vector<16xf32> to vector<1x16xf32>
            tpu.vector_store %arg14[%swap3A_297, %swap3A_298], %swap3A_301 {strides = array<i32>} : memref<64x128xf32, #tpu.memory_space<vmem>>, vector<1x16xf32>,
            %get3A_302 = arith.index_cast %add3A_271 : i32 to index
            %get3A_303 = arith.constant 16 : index
            %get3A_304 = tpu.vector_load %arg14[%get3A_302, %get3A_303] {strides = array<i32>} : memref<64x128xf32, #tpu.memory_space<vmem>>, vector<1x16xf32>,
            %get3A_305 = vector.shape_cast %get3A_304 : vector<1x16xf32> to vector<16xf32>
            %add3A_306 = arith.addf %get3A_305, %while3A_291#1 : vector<16xf32>
            %swap3A_307 = arith.index_cast %add3A_271 : i32 to index
            %swap3A_308 = arith.constant 16 : index
            %swap3A_309 = tpu.vector_load %arg14[%swap3A_307, %swap3A_308] {strides = array<i32>} : memref<64x128xf32, #tpu.memory_space<vmem>>, vector<1x16xf32>,
            %swap3A_310 = vector.shape_cast %swap3A_309 : vector<1x16xf32> to vector<16xf32>
            %swap3A_311 = vector.shape_cast %add3A_306 : vector<16xf32> to vector<1x16xf32>
            tpu.vector_store %arg14[%swap3A_307, %swap3A_308], %swap3A_311 {strides = array<i32>} : memref<64x128xf32, #tpu.memory_space<vmem>>, vector<1x16xf32>,
            %get3A_312 = arith.index_cast %add3A_271 : i32 to index
            %get3A_313 = arith.constant 32 : index
            %get3A_314 = tpu.vector_load %arg14[%get3A_312, %get3A_313] {strides = array<i32>} : memref<64x128xf32, #tpu.memory_space<vmem>>, vector<1x16xf32>,
            %get3A_315 = vector.shape_cast %get3A_314 : vector<1x16xf32> to vector<16xf32>
            %add3A_316 = arith.addf %get3A_315, %while3A_291#2 : vector<16xf32>
            %swap3A_317 = arith.index_cast %add3A_271 : i32 to index
            %swap3A_318 = arith.constant 32 : index
            %swap3A_319 = tpu.vector_load %arg14[%swap3A_317, %swap3A_318] {strides = array<i32>} : memref<64x128xf32, #tpu.memory_space<vmem>>, vector<1x16xf32>,
            %swap3A_320 = vector.shape_cast %swap3A_319 : vector<1x16xf32> to vector<16xf32>
            %swap3A_321 = vector.shape_cast %add3A_316 : vector<16xf32> to vector<1x16xf32>
            tpu.vector_store %arg14[%swap3A_317, %swap3A_318], %swap3A_321 {strides = array<i32>} : memref<64x128xf32, #tpu.memory_space<vmem>>, vector<1x16xf32>,
            %get3A_322 = arith.index_cast %add3A_271 : i32 to index
            %get3A_323 = arith.constant 48 : index
            %get3A_324 = tpu.vector_load %arg14[%get3A_322, %get3A_323] {strides = array<i32>} : memref<64x128xf32, #tpu.memory_space<vmem>>, vector<1x16xf32>,
            %get3A_325 = vector.shape_cast %get3A_324 : vector<1x16xf32> to vector<16xf32>
            %add3A_326 = arith.addf %get3A_325, %while3A_291#3 : vector<16xf32>
            %swap3A_327 = arith.index_cast %add3A_271 : i32 to index
            %swap3A_328 = arith.constant 48 : index
            %swap3A_329 = tpu.vector_load %arg14[%swap3A_327, %swap3A_328] {strides = array<i32>} : memref<64x128xf32, #tpu.memory_space<vmem>>, vector<1x16xf32>,
            %swap3A_330 = vector.shape_cast %swap3A_329 : vector<1x16xf32> to vector<16xf32>
            %swap3A_331 = vector.shape_cast %add3A_326 : vector<16xf32> to vector<1x16xf32>
            tpu.vector_store %arg14[%swap3A_327, %swap3A_328], %swap3A_331 {strides = array<i32>} : memref<64x128xf32, #tpu.memory_space<vmem>>, vector<1x16xf32>,
            %get3A_332 = arith.index_cast %add3A_271 : i32 to index
            %get3A_333 = arith.constant 64 : index
            %get3A_334 = tpu.vector_load %arg14[%get3A_332, %get3A_333] {strides = array<i32>} : memref<64x128xf32, #tpu.memory_space<vmem>>, vector<1x16xf32>,
            %get3A_335 = vector.shape_cast %get3A_334 : vector<1x16xf32> to vector<16xf32>
            %add3A_336 = arith.addf %get3A_335, %while3A_291#4 : vector<16xf32>
            %swap3A_337 = arith.index_cast %add3A_271 : i32 to index
            %swap3A_338 = arith.constant 64 : index
            %swap3A_339 = tpu.vector_load %arg14[%swap3A_337, %swap3A_338] {strides = array<i32>} : memref<64x128xf32, #tpu.memory_space<vmem>>, vector<1x16xf32>,
            %swap3A_340 = vector.shape_cast %swap3A_339 : vector<1x16xf32> to vector<16xf32>
            %swap3A_341 = vector.shape_cast %add3A_336 : vector<16xf32> to vector<1x16xf32>
            tpu.vector_store %arg14[%swap3A_337, %swap3A_338], %swap3A_341 {strides = array<i32>} : memref<64x128xf32, #tpu.memory_space<vmem>>, vector<1x16xf32>,
            %get3A_342 = arith.index_cast %add3A_271 : i32 to index
            %get3A_343 = arith.constant 80 : index
            %get3A_344 = tpu.vector_load %arg14[%get3A_342, %get3A_343] {strides = array<i32>} : memref<64x128xf32, #tpu.memory_space<vmem>>, vector<1x16xf32>,
            %get3A_345 = vector.shape_cast %get3A_344 : vector<1x16xf32> to vector<16xf32>
            %add3A_346 = arith.addf %get3A_345, %while3A_291#5 : vector<16xf32>
            %swap3A_347 = arith.index_cast %add3A_271 : i32 to index
            %swap3A_348 = arith.constant 80 : index
            %swap3A_349 = tpu.vector_load %arg14[%swap3A_347, %swap3A_348] {strides = array<i32>} : memref<64x128xf32, #tpu.memory_space<vmem>>, vector<1x16xf32>,
            %swap3A_350 = vector.shape_cast %swap3A_349 : vector<1x16xf32> to vector<16xf32>
            %swap3A_351 = vector.shape_cast %add3A_346 : vector<16xf32> to vector<1x16xf32>
            tpu.vector_store %arg14[%swap3A_347, %swap3A_348], %swap3A_351 {strides = array<i32>} : memref<64x128xf32, #tpu.memory_space<vmem>>, vector<1x16xf32>,
            %get3A_352 = arith.index_cast %add3A_271 : i32 to index
            %get3A_353 = arith.constant 96 : index
            %get3A_354 = tpu.vector_load %arg14[%get3A_352, %get3A_353] {strides = array<i32>} : memref<64x128xf32, #tpu.memory_space<vmem>>, vector<1x16xf32>,
            %get3A_355 = vector.shape_cast %get3A_354 : vector<1x16xf32> to vector<16xf32>
            %add3A_356 = arith.addf %get3A_355, %while3A_291#6 : vector<16xf32>
            %swap3A_357 = arith.index_cast %add3A_271 : i32 to index
            %swap3A_358 = arith.constant 96 : index
            %swap3A_359 = tpu.vector_load %arg14[%swap3A_357, %swap3A_358] {strides = array<i32>} : memref<64x128xf32, #tpu.memory_space<vmem>>, vector<1x16xf32>,
            %swap3A_360 = vector.shape_cast %swap3A_359 : vector<1x16xf32> to vector<16xf32>
            %swap3A_361 = vector.shape_cast %add3A_356 : vector<16xf32> to vector<1x16xf32>
            tpu.vector_store %arg14[%swap3A_357, %swap3A_358], %swap3A_361 {strides = array<i32>} : memref<64x128xf32, #tpu.memory_space<vmem>>, vector<1x16xf32>,
            %get3A_362 = arith.index_cast %add3A_271 : i32 to index
            %get3A_363 = arith.constant 112 : index
            %get3A_364 = tpu.vector_load %arg14[%get3A_362, %get3A_363] {strides = array<i32>} : memref<64x128xf32, #tpu.memory_space<vmem>>, vector<1x16xf32>,
            %get3A_365 = vector.shape_cast %get3A_364 : vector<1x16xf32> to vector<16xf32>
            %add3A_366 = arith.addf %get3A_365, %while3A_291#7 : vector<16xf32>
            %swap3A_367 = arith.index_cast %add3A_271 : i32 to index
            %swap3A_368 = arith.constant 112 : index
            %swap3A_369 = tpu.vector_load %arg14[%swap3A_367, %swap3A_368] {strides = array<i32>} : memref<64x128xf32, #tpu.memory_space<vmem>>, vector<1x16xf32>,
            %swap3A_370 = vector.shape_cast %swap3A_369 : vector<1x16xf32> to vector<16xf32>
            %swap3A_371 = vector.shape_cast %add3A_366 : vector<16xf32> to vector<1x16xf32>
            tpu.vector_store %arg14[%swap3A_367, %swap3A_368], %swap3A_371 {strides = array<i32>} : memref<64x128xf32, #tpu.memory_space<vmem>>, vector<1x16xf32>,
            scf.yield %scan3A_280#1 : i32
          }
          %while3A_267 = arith.constant 1 : i32
          %while3A_268 = scf.for %while3A_269 = %while3A_264 to %while3A_260 step %while3A_267 iter_args(%while3A_270 = %while3A_266) -> (i32)  : i32 {
            %add3A_271 = arith.addi %squeeze3A, %while3A_269 : i32
            %add3A_272 = arith.constant 1 : i32
            %add3A_273 = arith.addi %add3A_271, %add3A_272 : i32
            %scan3A_274 = arith.constant 0 : i32
            %scan3A_275 = arith.constant 256 : i32
            %scan3A_276 = arith.constant 0 : i32
            %scan3A_277 = arith.constant 8 : i32
            %scan3A_278 = arith.addi %scan3A_276, %scan3A_277 : i32
            %scan3A_279 = arith.constant 1 : i32
            %scan3A_280:2 = scf.for %scan3A_372 = %scan3A_276 to %scan3A_278 step %scan3A_279 iter_args(%scan3A_373 = %scan3A_274, %scan3A_374 = %scan3A_275) -> (i32, i32)  : i32 {
              %add3A_375 = arith.addi %scan3A_373, %scan3A_374 : i32
              %jit3A_376 = arith.constant 2 : i32
              %div3A = arith.divsi %add3A_375, %jit3A_376 : i32
              %sign3A = arith.constant 0 : i32
              %sign3A_377 = arith.cmpi sgt, %add3A_375, %sign3A : i32
              %sign3A_378 = arith.extui %sign3A_377 : i1 to i32
              %sign3A_379 = arith.constant 0 : i32
              %sign3A_380 = arith.cmpi slt, %add3A_375, %sign3A_379 : i32
              %sign3A_381 = arith.extui %sign3A_380 : i1 to i32
              %sign3A_382 = arith.subi %sign3A_378, %sign3A_381 : i32
              %sign3A_383 = arith.constant 0 : i32
              %sign3A_384 = arith.cmpi sgt, %jit3A_376, %sign3A_383 : i32
              %sign3A_385 = arith.extui %sign3A_384 : i1 to i32
              %sign3A_386 = arith.constant 0 : i32
              %sign3A_387 = arith.cmpi slt, %jit3A_376, %sign3A_386 : i32
              %sign3A_388 = arith.extui %sign3A_387 : i1 to i32
              %sign3A_389 = arith.subi %sign3A_385, %sign3A_388 : i32
              %ne3A_390 = arith.cmpi ne, %sign3A_382, %sign3A_389 : i32
              %rem3A = arith.remsi %add3A_375, %jit3A_376 : i32
              %ne3A_391 = arith.constant 0 : i32
              %ne3A_392 = arith.cmpi ne, %rem3A, %ne3A_391 : i32
              %and3A = arith.andi %ne3A_390, %ne3A_392 : i1
              %sub3A_393 = arith.constant 1 : i32
              %sub3A_394 = arith.subi %div3A, %sub3A_393 : i32
              %select_n3A_395 = arith.select %and3A, %sub3A_394, %div3A : i32
              %get3A_396 = arith.index_cast %select_n3A_395 : i32 to index
              %get3A_397 = tpu.vector_load %arg10[%get3A_396] {strides = array<i32>} : memref<272xi32, #tpu.memory_space<vmem>>, vector<16xi32>,
              %get3A_398 = vector.shape_cast %get3A_397 : vector<16xi32> to vector<16xi32>
              %slice3A_399 = vector.extract_strided_slice %get3A_398 {offsets = [0], sizes = [1], strides = [1]} : vector<16xi32> to vector<1xi32>
              %squeeze3A_400 = vector.extract %slice3A_399[0] : i32 from vector<1xi32>
              %lt3A_401 = arith.cmpi slt, %squeeze3A_400, %add3A_273 : i32
              %add3A_402 = arith.constant 1 : i32
              %add3A_403 = arith.addi %select_n3A_395, %add3A_402 : i32
              %select_n3A_404 = arith.select %lt3A_401, %add3A_403, %scan3A_373 : i32
              %select_n3A_405 = arith.select %lt3A_401, %scan3A_374, %select_n3A_395 : i32
              scf.yield %select_n3A_404, %select_n3A_405 : i32, i32
            }
            %scan3A_281 = arith.constant 8 : i32
            %while3A_282 = arith.subi %scan3A_280#1, %while3A_270 : i32
            %while3A_283 = arith.addi %while3A_270, %while3A_282 : i32
            %while3A_284 = arith.constant 1 : i32
            %while3A_285 = arith.divsi %while3A_282, %while3A_284 : i32
            %while3A_286 = arith.muli %while3A_285, %while3A_284 : i32
            %while3A_287 = arith.addi %while3A_270, %while3A_286 : i32
            %while3A_288 = arith.constant 1 : i32
            %while3A_289:8 = scf.for %while3A_372 = %while3A_270 to %while3A_287 step %while3A_288 iter_args(%while3A_373 = %broadcast_in_dim3A_233, %while3A_374 = %broadcast_in_dim3A_235, %while3A_375 = %broadcast_in_dim3A_237, %while3A_376 = %broadcast_in_dim3A_239, %while3A_377 = %broadcast_in_dim3A_241, %while3A_378 = %broadcast_in_dim3A_243, %while3A_379 = %broadcast_in_dim3A_245, %while3A_380 = %broadcast_in_dim3A_247) -> (vector<16xf32>, vector<16xf32>, vector<16xf32>, vector<16xf32>, vector<16xf32>, vector<16xf32>, vector<16xf32>, vector<16xf32>)  : i32 {
              %get3A_381 = arith.constant 2 : i32
              %get3A_382 = arith.index_cast %get3A_381 : i32 to index
              %get3A_383 = arith.index_cast %while3A_372 : i32 to index
              %get3A_384 = arith.constant 0 : index
              %get3A_385 = tpu.vector_load %arg7[%get3A_382, %get3A_383, %get3A_384] {strides = array<i32>} : memref<3x256x128xf32, #tpu.memory_space<vmem>>, vector<1x1x16xf32>,
              %get3A_386 = vector.shape_cast %get3A_385 : vector<1x1x16xf32> to vector<16xf32>
              %add3A_387 = arith.addf %while3A_373, %get3A_386 : vector<16xf32>
              %get3A_388 = arith.constant 2 : i32
              %get3A_389 = arith.index_cast %get3A_388 : i32 to index
              %get3A_390 = arith.index_cast %while3A_372 : i32 to index
              %get3A_391 = arith.constant 16 : index
              %get3A_392 = tpu.vector_load %arg7[%get3A_389, %get3A_390, %get3A_391] {strides = array<i32>} : memref<3x256x128xf32, #tpu.memory_space<vmem>>, vector<1x1x16xf32>,
              %get3A_393 = vector.shape_cast %get3A_392 : vector<1x1x16xf32> to vector<16xf32>
              %add3A_394 = arith.addf %while3A_374, %get3A_393 : vector<16xf32>
              %get3A_395 = arith.constant 2 : i32
              %get3A_396 = arith.index_cast %get3A_395 : i32 to index
              %get3A_397 = arith.index_cast %while3A_372 : i32 to index
              %get3A_398 = arith.constant 32 : index
              %get3A_399 = tpu.vector_load %arg7[%get3A_396, %get3A_397, %get3A_398] {strides = array<i32>} : memref<3x256x128xf32, #tpu.memory_space<vmem>>, vector<1x1x16xf32>,
              %get3A_400 = vector.shape_cast %get3A_399 : vector<1x1x16xf32> to vector<16xf32>
              %add3A_401 = arith.addf %while3A_375, %get3A_400 : vector<16xf32>
              %get3A_402 = arith.constant 2 : i32
              %get3A_403 = arith.index_cast %get3A_402 : i32 to index
              %get3A_404 = arith.index_cast %while3A_372 : i32 to index
              %get3A_405 = arith.constant 48 : index
              %get3A_406 = tpu.vector_load %arg7[%get3A_403, %get3A_404, %get3A_405] {strides = array<i32>} : memref<3x256x128xf32, #tpu.memory_space<vmem>>, vector<1x1x16xf32>,
              %get3A_407 = vector.shape_cast %get3A_406 : vector<1x1x16xf32> to vector<16xf32>
              %add3A_408 = arith.addf %while3A_376, %get3A_407 : vector<16xf32>
              %get3A_409 = arith.constant 2 : i32
              %get3A_410 = arith.index_cast %get3A_409 : i32 to index
              %get3A_411 = arith.index_cast %while3A_372 : i32 to index
              %get3A_412 = arith.constant 64 : index
              %get3A_413 = tpu.vector_load %arg7[%get3A_410, %get3A_411, %get3A_412] {strides = array<i32>} : memref<3x256x128xf32, #tpu.memory_space<vmem>>, vector<1x1x16xf32>,
              %get3A_414 = vector.shape_cast %get3A_413 : vector<1x1x16xf32> to vector<16xf32>
              %add3A_415 = arith.addf %while3A_377, %get3A_414 : vector<16xf32>
              %get3A_416 = arith.constant 2 : i32
              %get3A_417 = arith.index_cast %get3A_416 : i32 to index
              %get3A_418 = arith.index_cast %while3A_372 : i32 to index
              %get3A_419 = arith.constant 80 : index
              %get3A_420 = tpu.vector_load %arg7[%get3A_417, %get3A_418, %get3A_419] {strides = array<i32>} : memref<3x256x128xf32, #tpu.memory_space<vmem>>, vector<1x1x16xf32>,
              %get3A_421 = vector.shape_cast %get3A_420 : vector<1x1x16xf32> to vector<16xf32>
              %add3A_422 = arith.addf %while3A_378, %get3A_421 : vector<16xf32>
              %get3A_423 = arith.constant 2 : i32
              %get3A_424 = arith.index_cast %get3A_423 : i32 to index
              %get3A_425 = arith.index_cast %while3A_372 : i32 to index
              %get3A_426 = arith.constant 96 : index
              %get3A_427 = tpu.vector_load %arg7[%get3A_424, %get3A_425, %get3A_426] {strides = array<i32>} : memref<3x256x128xf32, #tpu.memory_space<vmem>>, vector<1x1x16xf32>,
              %get3A_428 = vector.shape_cast %get3A_427 : vector<1x1x16xf32> to vector<16xf32>
              %add3A_429 = arith.addf %while3A_379, %get3A_428 : vector<16xf32>
              %get3A_430 = arith.constant 2 : i32
              %get3A_431 = arith.index_cast %get3A_430 : i32 to index
              %get3A_432 = arith.index_cast %while3A_372 : i32 to index
              %get3A_433 = arith.constant 112 : index
              %get3A_434 = tpu.vector_load %arg7[%get3A_431, %get3A_432, %get3A_433] {strides = array<i32>} : memref<3x256x128xf32, #tpu.memory_space<vmem>>, vector<1x1x16xf32>,
              %get3A_435 = vector.shape_cast %get3A_434 : vector<1x1x16xf32> to vector<16xf32>
              %add3A_436 = arith.addf %while3A_380, %get3A_435 : vector<16xf32>
              scf.yield %add3A_387, %add3A_394, %add3A_401, %add3A_408, %add3A_415, %add3A_422, %add3A_429, %add3A_436 : vector<16xf32>, vector<16xf32>, vector<16xf32>, vector<16xf32>, vector<16xf32>, vector<16xf32>, vector<16xf32>, vector<16xf32>
            }
            %while3A_290 = arith.constant 1 : i32
            %while3A_291:8 = scf.for %while3A_372 = %while3A_287 to %while3A_283 step %while3A_290 iter_args(%while3A_373 = %while3A_289#0, %while3A_374 = %while3A_289#1, %while3A_375 = %while3A_289#2, %while3A_376 = %while3A_289#3, %while3A_377 = %while3A_289#4, %while3A_378 = %while3A_289#5, %while3A_379 = %while3A_289#6, %while3A_380 = %while3A_289#7) -> (vector<16xf32>, vector<16xf32>, vector<16xf32>, vector<16xf32>, vector<16xf32>, vector<16xf32>, vector<16xf32>, vector<16xf32>)  : i32 {
              %get3A_381 = arith.constant 2 : i32
              %get3A_382 = arith.index_cast %get3A_381 : i32 to index
              %get3A_383 = arith.index_cast %while3A_372 : i32 to index
              %get3A_384 = arith.constant 0 : index
              %get3A_385 = tpu.vector_load %arg7[%get3A_382, %get3A_383, %get3A_384] {strides = array<i32>} : memref<3x256x128xf32, #tpu.memory_space<vmem>>, vector<1x1x16xf32>,
              %get3A_386 = vector.shape_cast %get3A_385 : vector<1x1x16xf32> to vector<16xf32>
              %add3A_387 = arith.addf %while3A_373, %get3A_386 : vector<16xf32>
              %get3A_388 = arith.constant 2 : i32
              %get3A_389 = arith.index_cast %get3A_388 : i32 to index
              %get3A_390 = arith.index_cast %while3A_372 : i32 to index
              %get3A_391 = arith.constant 16 : index
              %get3A_392 = tpu.vector_load %arg7[%get3A_389, %get3A_390, %get3A_391] {strides = array<i32>} : memref<3x256x128xf32, #tpu.memory_space<vmem>>, vector<1x1x16xf32>,
              %get3A_393 = vector.shape_cast %get3A_392 : vector<1x1x16xf32> to vector<16xf32>
              %add3A_394 = arith.addf %while3A_374, %get3A_393 : vector<16xf32>
              %get3A_395 = arith.constant 2 : i32
              %get3A_396 = arith.index_cast %get3A_395 : i32 to index
              %get3A_397 = arith.index_cast %while3A_372 : i32 to index
              %get3A_398 = arith.constant 32 : index
              %get3A_399 = tpu.vector_load %arg7[%get3A_396, %get3A_397, %get3A_398] {strides = array<i32>} : memref<3x256x128xf32, #tpu.memory_space<vmem>>, vector<1x1x16xf32>,
              %get3A_400 = vector.shape_cast %get3A_399 : vector<1x1x16xf32> to vector<16xf32>
              %add3A_401 = arith.addf %while3A_375, %get3A_400 : vector<16xf32>
              %get3A_402 = arith.constant 2 : i32
              %get3A_403 = arith.index_cast %get3A_402 : i32 to index
              %get3A_404 = arith.index_cast %while3A_372 : i32 to index
              %get3A_405 = arith.constant 48 : index
              %get3A_406 = tpu.vector_load %arg7[%get3A_403, %get3A_404, %get3A_405] {strides = array<i32>} : memref<3x256x128xf32, #tpu.memory_space<vmem>>, vector<1x1x16xf32>,
              %get3A_407 = vector.shape_cast %get3A_406 : vector<1x1x16xf32> to vector<16xf32>
              %add3A_408 = arith.addf %while3A_376, %get3A_407 : vector<16xf32>
              %get3A_409 = arith.constant 2 : i32
              %get3A_410 = arith.index_cast %get3A_409 : i32 to index
              %get3A_411 = arith.index_cast %while3A_372 : i32 to index
              %get3A_412 = arith.constant 64 : index
              %get3A_413 = tpu.vector_load %arg7[%get3A_410, %get3A_411, %get3A_412] {strides = array<i32>} : memref<3x256x128xf32, #tpu.memory_space<vmem>>, vector<1x1x16xf32>,
              %get3A_414 = vector.shape_cast %get3A_413 : vector<1x1x16xf32> to vector<16xf32>
              %add3A_415 = arith.addf %while3A_377, %get3A_414 : vector<16xf32>
              %get3A_416 = arith.constant 2 : i32
              %get3A_417 = arith.index_cast %get3A_416 : i32 to index
              %get3A_418 = arith.index_cast %while3A_372 : i32 to index
              %get3A_419 = arith.constant 80 : index
              %get3A_420 = tpu.vector_load %arg7[%get3A_417, %get3A_418, %get3A_419] {strides = array<i32>} : memref<3x256x128xf32, #tpu.memory_space<vmem>>, vector<1x1x16xf32>,
              %get3A_421 = vector.shape_cast %get3A_420 : vector<1x1x16xf32> to vector<16xf32>
              %add3A_422 = arith.addf %while3A_378, %get3A_421 : vector<16xf32>
              %get3A_423 = arith.constant 2 : i32
              %get3A_424 = arith.index_cast %get3A_423 : i32 to index
              %get3A_425 = arith.index_cast %while3A_372 : i32 to index
              %get3A_426 = arith.constant 96 : index
              %get3A_427 = tpu.vector_load %arg7[%get3A_424, %get3A_425, %get3A_426] {strides = array<i32>} : memref<3x256x128xf32, #tpu.memory_space<vmem>>, vector<1x1x16xf32>,
              %get3A_428 = vector.shape_cast %get3A_427 : vector<1x1x16xf32> to vector<16xf32>
              %add3A_429 = arith.addf %while3A_379, %get3A_428 : vector<16xf32>
              %get3A_430 = arith.constant 2 : i32
              %get3A_431 = arith.index_cast %get3A_430 : i32 to index
              %get3A_432 = arith.index_cast %while3A_372 : i32 to index
              %get3A_433 = arith.constant 112 : index
              %get3A_434 = tpu.vector_load %arg7[%get3A_431, %get3A_432, %get3A_433] {strides = array<i32>} : memref<3x256x128xf32, #tpu.memory_space<vmem>>, vector<1x1x16xf32>,
              %get3A_435 = vector.shape_cast %get3A_434 : vector<1x1x16xf32> to vector<16xf32>
              %add3A_436 = arith.addf %while3A_380, %get3A_435 : vector<16xf32>
              scf.yield %add3A_387, %add3A_394, %add3A_401, %add3A_408, %add3A_415, %add3A_422, %add3A_429, %add3A_436 : vector<16xf32>, vector<16xf32>, vector<16xf32>, vector<16xf32>, vector<16xf32>, vector<16xf32>, vector<16xf32>, vector<16xf32>
            }
            %get3A_292 = arith.index_cast %add3A_271 : i32 to index
            %get3A_293 = arith.constant 0 : index
            %get3A_294 = tpu.vector_load %arg14[%get3A_292, %get3A_293] {strides = array<i32>} : memref<64x128xf32, #tpu.memory_space<vmem>>, vector<1x16xf32>,
            %get3A_295 = vector.shape_cast %get3A_294 : vector<1x16xf32> to vector<16xf32>
            %add3A_296 = arith.addf %get3A_295, %while3A_291#0 : vector<16xf32>
            %swap3A_297 = arith.index_cast %add3A_271 : i32 to index
            %swap3A_298 = arith.constant 0 : index
            %swap3A_299 = tpu.vector_load %arg14[%swap3A_297, %swap3A_298] {strides = array<i32>} : memref<64x128xf32, #tpu.memory_space<vmem>>, vector<1x16xf32>,
            %swap3A_300 = vector.shape_cast %swap3A_299 : vector<1x16xf32> to vector<16xf32>
            %swap3A_301 = vector.shape_cast %add3A_296 : vector<16xf32> to vector<1x16xf32>
            tpu.vector_store %arg14[%swap3A_297, %swap3A_298], %swap3A_301 {strides = array<i32>} : memref<64x128xf32, #tpu.memory_space<vmem>>, vector<1x16xf32>,
            %get3A_302 = arith.index_cast %add3A_271 : i32 to index
            %get3A_303 = arith.constant 16 : index
            %get3A_304 = tpu.vector_load %arg14[%get3A_302, %get3A_303] {strides = array<i32>} : memref<64x128xf32, #tpu.memory_space<vmem>>, vector<1x16xf32>,
            %get3A_305 = vector.shape_cast %get3A_304 : vector<1x16xf32> to vector<16xf32>
            %add3A_306 = arith.addf %get3A_305, %while3A_291#1 : vector<16xf32>
            %swap3A_307 = arith.index_cast %add3A_271 : i32 to index
            %swap3A_308 = arith.constant 16 : index
            %swap3A_309 = tpu.vector_load %arg14[%swap3A_307, %swap3A_308] {strides = array<i32>} : memref<64x128xf32, #tpu.memory_space<vmem>>, vector<1x16xf32>,
            %swap3A_310 = vector.shape_cast %swap3A_309 : vector<1x16xf32> to vector<16xf32>
            %swap3A_311 = vector.shape_cast %add3A_306 : vector<16xf32> to vector<1x16xf32>
            tpu.vector_store %arg14[%swap3A_307, %swap3A_308], %swap3A_311 {strides = array<i32>} : memref<64x128xf32, #tpu.memory_space<vmem>>, vector<1x16xf32>,
            %get3A_312 = arith.index_cast %add3A_271 : i32 to index
            %get3A_313 = arith.constant 32 : index
            %get3A_314 = tpu.vector_load %arg14[%get3A_312, %get3A_313] {strides = array<i32>} : memref<64x128xf32, #tpu.memory_space<vmem>>, vector<1x16xf32>,
            %get3A_315 = vector.shape_cast %get3A_314 : vector<1x16xf32> to vector<16xf32>
            %add3A_316 = arith.addf %get3A_315, %while3A_291#2 : vector<16xf32>
            %swap3A_317 = arith.index_cast %add3A_271 : i32 to index
            %swap3A_318 = arith.constant 32 : index
            %swap3A_319 = tpu.vector_load %arg14[%swap3A_317, %swap3A_318] {strides = array<i32>} : memref<64x128xf32, #tpu.memory_space<vmem>>, vector<1x16xf32>,
            %swap3A_320 = vector.shape_cast %swap3A_319 : vector<1x16xf32> to vector<16xf32>
            %swap3A_321 = vector.shape_cast %add3A_316 : vector<16xf32> to vector<1x16xf32>
            tpu.vector_store %arg14[%swap3A_317, %swap3A_318], %swap3A_321 {strides = array<i32>} : memref<64x128xf32, #tpu.memory_space<vmem>>, vector<1x16xf32>,
            %get3A_322 = arith.index_cast %add3A_271 : i32 to index
            %get3A_323 = arith.constant 48 : index
            %get3A_324 = tpu.vector_load %arg14[%get3A_322, %get3A_323] {strides = array<i32>} : memref<64x128xf32, #tpu.memory_space<vmem>>, vector<1x16xf32>,
            %get3A_325 = vector.shape_cast %get3A_324 : vector<1x16xf32> to vector<16xf32>
            %add3A_326 = arith.addf %get3A_325, %while3A_291#3 : vector<16xf32>
            %swap3A_327 = arith.index_cast %add3A_271 : i32 to index
            %swap3A_328 = arith.constant 48 : index
            %swap3A_329 = tpu.vector_load %arg14[%swap3A_327, %swap3A_328] {strides = array<i32>} : memref<64x128xf32, #tpu.memory_space<vmem>>, vector<1x16xf32>,
            %swap3A_330 = vector.shape_cast %swap3A_329 : vector<1x16xf32> to vector<16xf32>
            %swap3A_331 = vector.shape_cast %add3A_326 : vector<16xf32> to vector<1x16xf32>
            tpu.vector_store %arg14[%swap3A_327, %swap3A_328], %swap3A_331 {strides = array<i32>} : memref<64x128xf32, #tpu.memory_space<vmem>>, vector<1x16xf32>,
            %get3A_332 = arith.index_cast %add3A_271 : i32 to index
            %get3A_333 = arith.constant 64 : index
            %get3A_334 = tpu.vector_load %arg14[%get3A_332, %get3A_333] {strides = array<i32>} : memref<64x128xf32, #tpu.memory_space<vmem>>, vector<1x16xf32>,
            %get3A_335 = vector.shape_cast %get3A_334 : vector<1x16xf32> to vector<16xf32>
            %add3A_336 = arith.addf %get3A_335, %while3A_291#4 : vector<16xf32>
            %swap3A_337 = arith.index_cast %add3A_271 : i32 to index
            %swap3A_338 = arith.constant 64 : index
            %swap3A_339 = tpu.vector_load %arg14[%swap3A_337, %swap3A_338] {strides = array<i32>} : memref<64x128xf32, #tpu.memory_space<vmem>>, vector<1x16xf32>,
            %swap3A_340 = vector.shape_cast %swap3A_339 : vector<1x16xf32> to vector<16xf32>
            %swap3A_341 = vector.shape_cast %add3A_336 : vector<16xf32> to vector<1x16xf32>
            tpu.vector_store %arg14[%swap3A_337, %swap3A_338], %swap3A_341 {strides = array<i32>} : memref<64x128xf32, #tpu.memory_space<vmem>>, vector<1x16xf32>,
            %get3A_342 = arith.index_cast %add3A_271 : i32 to index
            %get3A_343 = arith.constant 80 : index
            %get3A_344 = tpu.vector_load %arg14[%get3A_342, %get3A_343] {strides = array<i32>} : memref<64x128xf32, #tpu.memory_space<vmem>>, vector<1x16xf32>,
            %get3A_345 = vector.shape_cast %get3A_344 : vector<1x16xf32> to vector<16xf32>
            %add3A_346 = arith.addf %get3A_345, %while3A_291#5 : vector<16xf32>
            %swap3A_347 = arith.index_cast %add3A_271 : i32 to index
            %swap3A_348 = arith.constant 80 : index
            %swap3A_349 = tpu.vector_load %arg14[%swap3A_347, %swap3A_348] {strides = array<i32>} : memref<64x128xf32, #tpu.memory_space<vmem>>, vector<1x16xf32>,
            %swap3A_350 = vector.shape_cast %swap3A_349 : vector<1x16xf32> to vector<16xf32>
            %swap3A_351 = vector.shape_cast %add3A_346 : vector<16xf32> to vector<1x16xf32>
            tpu.vector_store %arg14[%swap3A_347, %swap3A_348], %swap3A_351 {strides = array<i32>} : memref<64x128xf32, #tpu.memory_space<vmem>>, vector<1x16xf32>,
            %get3A_352 = arith.index_cast %add3A_271 : i32 to index
            %get3A_353 = arith.constant 96 : index
            %get3A_354 = tpu.vector_load %arg14[%get3A_352, %get3A_353] {strides = array<i32>} : memref<64x128xf32, #tpu.memory_space<vmem>>, vector<1x16xf32>,
            %get3A_355 = vector.shape_cast %get3A_354 : vector<1x16xf32> to vector<16xf32>
            %add3A_356 = arith.addf %get3A_355, %while3A_291#6 : vector<16xf32>
            %swap3A_357 = arith.index_cast %add3A_271 : i32 to index
            %swap3A_358 = arith.constant 96 : index
            %swap3A_359 = tpu.vector_load %arg14[%swap3A_357, %swap3A_358] {strides = array<i32>} : memref<64x128xf32, #tpu.memory_space<vmem>>, vector<1x16xf32>,
            %swap3A_360 = vector.shape_cast %swap3A_359 : vector<1x16xf32> to vector<16xf32>
            %swap3A_361 = vector.shape_cast %add3A_356 : vector<16xf32> to vector<1x16xf32>
            tpu.vector_store %arg14[%swap3A_357, %swap3A_358], %swap3A_361 {strides = array<i32>} : memref<64x128xf32, #tpu.memory_space<vmem>>, vector<1x16xf32>,
            %get3A_362 = arith.index_cast %add3A_271 : i32 to index
            %get3A_363 = arith.constant 112 : index
            %get3A_364 = tpu.vector_load %arg14[%get3A_362, %get3A_363] {strides = array<i32>} : memref<64x128xf32, #tpu.memory_space<vmem>>, vector<1x16xf32>,
            %get3A_365 = vector.shape_cast %get3A_364 : vector<1x16xf32> to vector<16xf32>
            %add3A_366 = arith.addf %get3A_365, %while3A_291#7 : vector<16xf32>
            %swap3A_367 = arith.index_cast %add3A_271 : i32 to index
            %swap3A_368 = arith.constant 112 : index
            %swap3A_369 = tpu.vector_load %arg14[%swap3A_367, %swap3A_368] {strides = array<i32>} : memref<64x128xf32, #tpu.memory_space<vmem>>, vector<1x16xf32>,
            %swap3A_370 = vector.shape_cast %swap3A_369 : vector<1x16xf32> to vector<16xf32>
            %swap3A_371 = vector.shape_cast %add3A_366 : vector<16xf32> to vector<1x16xf32>
            tpu.vector_store %arg14[%swap3A_367, %swap3A_368], %swap3A_371 {strides = array<i32>} : memref<64x128xf32, #tpu.memory_space<vmem>>, vector<1x16xf32>,
            scf.yield %scan3A_280#1 : i32
          }
        } else {
        }
      } else {
      }
    }
    %scan3A_156 = arith.constant 14 : i32
    "tpu.region"() ({
      %run_scoped3A = tpu.sem_alloc : memref<!tpu.dma_semaphore, #tpu.memory_space<semaphore_mem>>
      %dma_start3A_157 = arith.constant 0 : i32
      %dma_start3A_158 = arith.constant 0 : i32
      %dma_start3A_159 = tpu.memref_slice %arg5[%add3A, %dma_start3A_157, %dma_start3A_158] : memref<32x64x128xf32, #tpu.memory_space<hbm>> -> memref<1x64x128xf32, #tpu.memory_space<hbm>>
      %dma_start3A_160 = tpu.memref_squeeze %dma_start3A_159 : memref<1x64x128xf32, #tpu.memory_space<hbm>> -> memref<64x128xf32, #tpu.memory_space<hbm>>
      %dma_start3A_161 = arith.constant 0 : i32
      %dma_start3A_162 = arith.constant 0 : i32
      %dma_start3A_163 = tpu.memref_slice %arg5[%add3A, %dma_start3A_161, %dma_start3A_162] : memref<32x64x128xf32, #tpu.memory_space<hbm>> -> memref<1x64x128xf32, #tpu.memory_space<hbm>>
      %dma_start3A_164 = tpu.memref_squeeze %dma_start3A_163 : memref<1x64x128xf32, #tpu.memory_space<hbm>> -> memref<64x128xf32, #tpu.memory_space<hbm>>
      tpu.enqueue_dma source(%arg14 : memref<64x128xf32, #tpu.memory_space<vmem>>) target(%dma_start3A_164 : memref<64x128xf32, #tpu.memory_space<hbm>>) target_semaphore(%run_scoped3A : memref<!tpu.dma_semaphore, #tpu.memory_space<semaphore_mem>>)
      %dma_wait3A = arith.constant 0 : i32
      %dma_wait3A_165 = arith.constant 0 : i32
      %dma_wait3A_166 = tpu.memref_slice %arg5[%add3A, %dma_wait3A, %dma_wait3A_165] : memref<32x64x128xf32, #tpu.memory_space<hbm>> -> memref<1x64x128xf32, #tpu.memory_space<hbm>>
      %dma_wait3A_167 = tpu.memref_squeeze %dma_wait3A_166 : memref<1x64x128xf32, #tpu.memory_space<hbm>> -> memref<64x128xf32, #tpu.memory_space<hbm>>
      %dma_wait3A_168 = arith.constant 0 : i32
      %dma_wait3A_169 = arith.constant 0 : i32
      %dma_wait3A_170 = tpu.memref_slice %arg5[%add3A, %dma_wait3A_168, %dma_wait3A_169] : memref<32x64x128xf32, #tpu.memory_space<hbm>> -> memref<1x64x128xf32, #tpu.memory_space<hbm>>
      %dma_wait3A_171 = tpu.memref_squeeze %dma_wait3A_170 : memref<1x64x128xf32, #tpu.memory_space<hbm>> -> memref<64x128xf32, #tpu.memory_space<hbm>>
      tpu.wait_dma2 semaphore(%run_scoped3A : memref<!tpu.dma_semaphore, #tpu.memory_space<semaphore_mem>>) src(%arg14 : memref<64x128xf32, #tpu.memory_space<vmem>>) dst(%dma_wait3A_171 : memref<64x128xf32, #tpu.memory_space<hbm>>)
      tpu.yield
    }) : () -> ()
    return
  }
}

module attributes {stable_mosaic.version = 14 : i64} {
  func.func @_combine_body(%arg0: memref<32x64x128xf32, #tpu.memory_space<vmem>>, %arg1: memref<64x1xf32, #tpu.memory_space<vmem>>, %arg2: memref<64x128xf32, #tpu.memory_space<vmem>>) attributes {dimension_semantics = [], scalar_prefetch = 0 : i64, scratch_operands = 0 : i64, tpu.core_type = #tpu.core_type<tc>} {
    %get3A = arith.constant 0 : index
    %get3A_0 = arith.constant 0 : index
    %get3A_1 = arith.constant 0 : index
    %get3A_2 = vector.load %arg0[%get3A, %get3A_0, %get3A_1] : memref<32x64x128xf32, #tpu.memory_space<vmem>>, vector<32x64x128xf32>
    %reduce_sum3A = arith.constant dense<0.000000e+00> : vector<64x128xf32>
    %reduce_sum3A_3 = vector.multi_reduction <add>, %get3A_2, %reduce_sum3A [0] : vector<32x64x128xf32> to vector<64x128xf32>
    %get3A_4 = arith.constant 0 : index
    %get3A_5 = arith.constant 0 : index
    %get3A_6 = vector.load %arg1[%get3A_4, %get3A_5] : memref<64x1xf32, #tpu.memory_space<vmem>>, vector<64x1xf32>
    %div3A = vector.broadcast %get3A_6 : vector<64x1xf32> to vector<64x128xf32>
    %div3A_7 = arith.divf %reduce_sum3A_3, %div3A : vector<64x128xf32>
    %swap3A = arith.constant 0 : index
    %swap3A_8 = arith.constant 0 : index
    %swap3A_9 = vector.load %arg2[%swap3A, %swap3A_8] : memref<64x128xf32, #tpu.memory_space<vmem>>, vector<64x128xf32>
    tpu.vector_store %arg2[%swap3A, %swap3A_8], %div3A_7 {strides = array<i32>} : memref<64x128xf32, #tpu.memory_space<vmem>>, vector<64x128xf32>,
    return
  }
}

</mosaic_0001>

<sc_bundles>
// kernel: kernel.4.cloned.1.call-start
scs
__scs_entry_jumppad:
0x0: {  	(pc) =	sbr.rel $0x88, $3  }
0x1: {  	(tag) =	ssettag $0x0;
	lr =	simm.s32 $0x1  }
0x2: {  	[smem:$0x3F9F] =	sst lr;
	_ =	strace $0xD0000000  }
0x3: {  	_ = 	snop  }
0x4: {  	_ = 	snop  }
0x5: {  	_ = 	snop  }
0x6: {  	_ = 	snop  }
0x7: {  	_ = 	snop  }
__scs_overlays_trampoline_lowered:
0x8: {  	[smem:$0x3FAE] =	sst s0  }
0x9: {  	[smem:$0x3FAF] =	sst s1  }
0xa: {  	[smem:$0x3FB0] =	sst s2  }
0xb: {  	[smem:$0x3FB1] =	sst s3  }
0xc: {  	[smem:$0x3FB2] =	sst s4  }
0xd: {  	[smem:$0x3FB3] =	sst s5  }
0xe: {  	[smem:$0x3FB4] =	sst s6  }
0xf: {  	[smem:$0x3FB5] =	sst s7  }
0x10: {  	[smem:$0x3FB6] =	sst s8  }
0x11: {  	[smem:$0x3FB7] =	sst s9;
	s0 =	simm.s32 @!p0 $0x0  }
0x12: {  	s1 =	sld [smem:$0x3F9D];
	s0 =	simm.s32 @p0 $0x1  }
0x13: {  	[smem:$0x3FB8] =	sst s0;
	s0 =	simm.s32 @!p1 $0x0  }
0x14: {  	s2 =	sld [smem:$0x3F9C];
	s0 =	simm.s32 @p1 $0x1  }
0x15: {  	[smem:$0x3FB9] =	sst s0;
	s0 =	simm.s32 @!p2 $0x0  }
0x16: {  	s3 =	sld [smem:$0x3FDB];
	s0 =	simm.s32 @p2 $0x1  }
0x17: {  	s4 =	simm.s32 $0x1BF5;
	[smem:$0x3FBB] =	sst s0  }
0x18: {  	s0 =	sld [smem:$0x3F9E];
	_ =	swait.ge [sflag:s4], $0x0  }
0x19: {  	s7 =	sld [smem:$0x3F9F]  }
0x1a: {  	s8 =	sadd.s32 $0xFFFFE003, lr  }
0x1b: {  	s9 =	sadd.s32 $0xFFFFFEF7, lr;
	s5 =	simm.s32 $0xFFFFFFFF;
	p2 =	slt.u32 s8, $0xFFFFF086  }
0x1c: {  	p1 =	slt.u32 s9, $0xF7A;
	s5 =	simm.s32 @!p2 $0x0  }
0x1d: {  	s5 =	simm.s32 @p1 $0x1;
	p0 =	seq.s32 s7, s2  }
0x1e: {  	s7 =	smul.u32 @!p0 $0xF7A, s2;
	p2 =	seq.s32 @!p0 s5, $0x0  }
0x1f: {  	s9 =	smul.u32 $0xF7A, s1;
	s8 =	simm.s32 @!p0 $0x1BF5;
	p2 =	por !p2, p0  }
0x20: {  	[sflag:s8] =	ssyncset.s32 @!p0 $0xFFFFF086;
	s6 =	sadd.s32 @!p0 s3, s7;
	s7 =	simm.s32 @!p0 $0x108  }
0x21: {  	s3 =	sadd.s32 s3, s9;
	s6 =	sadd.s32 @!p0 $0x88, s6;
	s7 =	simm.s32 @p2 $0x1082  }
0x22: {  	[simem:s7], [sflag:s8] =	dma.local @!p0 [hbm:s6], $0xF7A  }
0x23: {  	s9 =	sor.u32 $0xD0000000, s2;
	s6 =	simm.s32 $0x108;
	_ =	swait.ge @!p0 [sflag:s8], $0x0  }
0x24: {  	s3 =	sadd.s32 $0x88, s3;
	s6 =	simm.s32 @!p1 $0x1082;
	[sflag:s4] =	ssyncset.s32 $0xFFFFF086  }
0x25: {  	[simem:s6], [sflag:s4] =	dma.local [hbm:s3], $0xF7A  }
0x26: {  	[smem:$0x3F9F] =	sst s1;
	(tag) =	ssettag s2;
	_ =	strace s9  }
0x27: {  	s1 =	sld [smem:$0x3FAF]  }
0x28: {  	s2 =	sld [smem:$0x3FB0]  }
0x29: {  	s4 =	sld [smem:$0x3FB2]  }
0x2a: {  	p0 =	seq.s32 s5, $0x0;
	s5 =	sld [smem:$0x3FB3]  }
0x2b: {  	s6 =	sld [smem:$0x3FB4]  }
0x2c: {  	s7 =	sld [smem:$0x3FB5]  }
0x2d: {  	s3 =	simm.s32 $0x108;
	s8 =	sld [smem:$0x3FB6]  }
0x2e: {  	s3 =	simm.s32 @!p0 $0x1082;
	s9 =	sld [smem:$0x3FB7]  }
0x2f: {  	lr =	sadd.s32 s0, s3;
	s0 =	sld [smem:$0x3FAE]  }
0x30: {  	s3 =	sld [smem:$0x3FB1]  }
0x31: {  	[smem:$0x3FBA] =	sst s10  }
0x32: {  	s10 =	sld [smem:$0x3FB8];
	_ =	sdelay $0x3  }
0x33: {  	p0 =	seq.s32 s10, $0x1;
	s10 =	sld [smem:$0x3FBA];
	_ =	sdelay $0x3  }
0x34: {  	[smem:$0x3FBA] =	sst s10  }
0x35: {  	s10 =	sld [smem:$0x3FB9];
	_ =	sdelay $0x3  }
0x36: {  	p1 =	seq.s32 s10, $0x1;
	s10 =	sld [smem:$0x3FBA];
	_ =	sdelay $0x3  }
0x37: {  	[smem:$0x3FBA] =	sst s10  }
0x38: {  	s10 =	sld [smem:$0x3FBB]  }
0x39: {  	_ = 	snop;
	(pc) =	sbr.ind lr, $3  }
0x3a: {  	_ = 	snop  }
0x3b: {  	_ = 	snop  }
0x3c: {  	p2 =	seq.s32 s10, $0x1;
	s10 =	sld [smem:$0x3FBA]  }
0x3d: {  	_ =	shalt  }
0x3e: {  	_ =	shalt  }
0x3f: {  	_ =	shalt  }
0x40: {  	_ =	shalt  }
0x41: {  	_ =	shalt  }
0x42: {  	_ =	shalt  }
0x43: {  	_ =	shalt  }
0x44: {  	_ =	shalt  }
0x45: {  	_ =	shalt  }
0x46: {  	_ =	shalt  }
0x47: {  	_ =	shalt  }
0x48: {  	_ =	shalt  }
0x49: {  	_ =	shalt  }
0x4a: {  	_ =	shalt  }
0x4b: {  	_ =	shalt  }
0x4c: {  	_ =	shalt  }
0x4d: {  	_ =	shalt  }
0x4e: {  	_ =	shalt  }
0x4f: {  	_ =	shalt  }
0x50: {  	_ =	shalt  }
0x51: {  	_ =	shalt  }
0x52: {  	_ =	shalt  }
0x53: {  	_ =	shalt  }
0x54: {  	_ =	shalt  }
0x55: {  	_ =	shalt  }
0x56: {  	_ =	shalt  }
0x57: {  	_ =	shalt  }
0x58: {  	_ =	shalt  }
0x59: {  	_ =	shalt  }
0x5a: {  	_ =	shalt  }
0x5b: {  	_ =	shalt  }
0x5c: {  	_ =	shalt  }
0x5d: {  	_ =	shalt  }
0x5e: {  	_ =	shalt  }
0x5f: {  	_ =	shalt  }
0x60: {  	_ =	shalt  }
0x61: {  	_ =	shalt  }
0x62: {  	_ =	shalt  }
0x63: {  	_ =	shalt  }
0x64: {  	_ =	shalt  }
0x65: {  	_ =	shalt  }
0x66: {  	_ =	shalt  }
0x67: {  	_ =	shalt  }
0x68: {  	_ =	shalt  }
0x69: {  	_ =	shalt  }
0x6a: {  	_ =	shalt  }
0x6b: {  	_ =	shalt  }
0x6c: {  	_ =	shalt  }
0x6d: {  	_ =	shalt  }
0x6e: {  	_ =	shalt  }
0x6f: {  	_ =	shalt  }
0x70: {  	_ =	shalt  }
0x71: {  	_ =	shalt  }
0x72: {  	_ =	shalt  }
0x73: {  	_ =	shalt  }
0x74: {  	_ =	shalt  }
0x75: {  	_ =	shalt  }
0x76: {  	_ =	shalt  }
0x77: {  	_ =	shalt  }
0x78: {  	_ =	shalt  }
0x79: {  	_ =	shalt  }
0x7a: {  	_ =	shalt  }
0x7b: {  	_ =	shalt  }
0x7c: {  	_ =	shalt  }
0x7d: {  	_ =	shalt  }
0x7e: {  	_ =	shalt  }
0x7f: {  	_ =	shalt  }
0x80: {  	_ =	shalt  }
0x81: {  	_ =	shalt  }
0x82: {  	_ =	shalt  }
0x83: {  	_ =	shalt  }
0x84: {  	_ =	shalt  }
0x85: {  	_ =	shalt  }
0x86: {  	_ =	shalt  }
0x87: {  	_ =	shalt  }
.Lfunc_end0:
.L_simem_size_0:
called_computation_lowered:
.L_overlay_start_0:
0x88: {  	s2 =	sld [smem:$0x3FD9]  }
0x89: {  	s3 =	sld [smem:$0x3FFE];
	_ =	sdelay $0x1  }
0x8a: {  	s1 =	srdreg.scid  }
0x8b: {  	s0 =	sand.u32 $0x1, s1  }
0x8c: {  	s17 =	sshll.u32 s0, $0xA;
	s2 =	sadd.s32 s3, s2  }
0x8d: {  	s2 =	sadd.s32 s2, s17  }
0x8e: {  	[smem:$0x3FC6] =	sst s2  }
0x8f: {  	_ = 	snop  }
0x90: {  	s2 =	sld [smem:$0x3FC9]  }
0x91: {  	s18 =	sld [smem:$0x3FD0];
	(tm) =	ssettm $0x1  }
0x92: {  	s4 =	sld [smem:$0x3FFB];
	_ =	sdelay $0x3  }
0x93: {  	_ =	strace s4  }
0x94: {  	s4 =	sld [smem:$0x3FFC];
	_ =	sdelay $0x3  }
0x95: {  	_ =	strace s4  }
0x96: {  	s4 =	sld [smem:$0x3FFD];
	_ =	sdelay $0x3  }
0x97: {  	_ =	strace s4  }
0x98: {  	_ =	strace $0x8FFFFFFF  }
0x99: {  	s19 =	sld [smem:$0x3FDB];
	_ =	sdelay $0x1  }
0x9a: {  	s5 =	simm.s32 $_scs_section_size  }
0x9b: {  	s6 =	simm.s32 $_size__tile_overlayer_lowered;
	s7 =	simm.s32 $_tile_overlayer_lowered  }
0x9c: {  	s22 =	simm.s32 $0x1BFF;
	s21 =	sshll.u32 s7, $0x1;
	s4 =	sadd.s32 s5, s19  }
0x9d: {  	s8 =	simm.s32 $0x0;
	s20 =	sshll.u32 s6, $0x1;
	s6 =	sadd.s32 s21, s4  }
0x9e: {  	[timem:s8], [sflag:s22] =	dma.local [hbm:s6], s20  }
0x9f: {  	_ =	swait.ge [sflag:s22], s20  }
0xa0: {  	s5 =	ssub.s32 $0x0, s20;
	[sflag:s22] =	ssyncset.done $0x0  }
0xa1: {  	[sflag:s22] =	ssyncadd.s32 s5;
	_ =	sdelay $0x1  }
0xa2: {  	s23 =	simm.s32 $0x1B8B  }
0xa3: {  	_ =	swait.ge [sflag:s23], $0x1  }
0xa4: {  	[sflag:s23] =	ssyncset.done $0x0  }
0xa5: {  	s25 =	simm.s32 $0x1B8E;
	s24 =	sld [smem:$0x3FFE];
	[sflag:s23] =	ssyncadd.s32 $0xFFFFFFFF  }
0xa6: {  	s26 =	simm.s32 $execute0_lowered;
	[smem:$0x3FD2] =	sst s25  }
0xa7: {  	s6 =	sshll.u32 s26, $0x1;
	_ =	strace $0x80000046;
	[dreg:$0x1] =	wrdreg $0xFFFFFFFF  }
0xa8: {  	s28 =	simm.s32 $_size_execute0_lowered;
	s4 =	sadd.s32 s4, s6;
	[dreg:$0x0] =	wrdreg $0x0  }
0xa9: {  	s6 =	sshll.u32 s28, $0x1;
	[dreg:$0x2] =	wrdreg s4  }
0xaa: {  	[dreg:$0x3] =	wrdreg s6  }
0xab: {  	[dreg:$0x4] =	wrdreg $0xC0  }
0xac: {  	_ =	task [dreg:s8], $0x5FFFF  }
0xad: {  	[dreg:$0x1] =	wrdreg $0xFFFFFFFF  }
0xae: {  	[dreg:$0x0] =	wrdreg $0x60  }
0xaf: {  	[dreg:$0x2] =	wrdreg s2  }
0xb0: {  	[dreg:$0x3] =	wrdreg s24  }
0xb1: {  	[dreg:$0x4] =	wrdreg s18  }
0xb2: {  	[dreg:$0x5] =	wrdreg $0x9  }
0xb3: {  	_ =	task.clear_ibuf [dreg:s8], $0x6FFFF;
	_ =	strace $0x90000046  }
0xb4: {  	s29 =	simm.s32 $0x9;
	_ =	strace $0x80000048  }
0xb5: {  	_ =	swait.ge [sflag:s29], $0x1  }
0xb6: {  	[sflag:s29] =	ssyncadd.s32 $0xFFFFFFFF  }
0xb7: {  	_ =	strace $0x90000048  }
0xb8: {  	_ =	sfence  }
0xb9: {  	s30 =	sld [smem:$0x0];
	_ =	sdelay $0x2  }
0xba: {  	s31 =	sshll.u32 s1, $0xD;
	s1 =	sshrl.u32 s1, $0x2  }
0xbb: {  	s3 =	sand.u32 $0x4000, s31;
	s1 =	sadd.s32 s1, s30  }
0xbc: {  	s0 =	sor.u32 s3, s0;
	s1 =	sshll.u32 s1, $0x11  }
0xbd: {  	s0 =	sor.u32 s1, s0  }
0xbe: {  	s0 =	sadd.s32 $0x8F2B, s0  }
0xbf: {  	[sflag:s0] =	ssyncadd.remote.s32 $0x1  }
0xc0: {  	_ =	sfence.sel $0xFFFF  }
0xc1: {  	[dreg:$0x0] =	wrdreg $0xFFFFFFFF;
	(pc) =	sbr.abs _section_cstart, $3  }
0xc2: {  	[dreg:$0x1] =	wrdreg $0xFFFFFFFF  }
0xc3: {  	_ =	task.clear_ibuf [dreg:s8], $0x2FFFF;
	_ =	strace $0x9FFFFFFF  }
0xc4: {  	(tm) =	ssettm $0x7FFFFFFF  }
0xc5: {  	_ =	shalt  }
tec
execute0_lowered:
.L_overlay_start_1:
0x0: {  	(tag) =	ssettag $0x1  }
0x1: {  	s1 =	rddreg [dreg:$0x0]  }
0x2: {  	s0 =	rddreg [dreg:$0x1]  }
0x3: {  	s2 =	rddreg [dreg:$0x2];
	s3 =	simm.s32 $0x0;
	s4 =	srdreg.scid  }
0x4: {  	s8 =	stileid.u32;
	s19 =	simm.s32 $0x80;
	s28 =	simm.s32 $0x18480  }
0x5: {  	s31 =	simm.s32 $0x0;
	[smem:$0x7FF] =	sst s3;
	s6 =	sand.u32 $0x1, s4  }
0x6: {  	s20 =	sshll.u32 s8, $0x1;
	s5 =	sadd.s32 $0x800, s0;
	s9 =	sadd.s32 $0xA600, s0  }
0x7: {  	s8 =	sshrl.u32 s8, $0x2;
	_ =	strace $0x80000047;
	s4 =	sor.u32 s6, s20  }
0x8: {  	s6 =	ssub.s32 $0x2, s6;
	[dreg:$0x4] =	wrdreg s9;
	s10 =	sshll.u32 s8, $0xB  }
0x9: {  	s8 =	sshll.u32 s8, $0xA;
	s20 =	simm.s32 $0x400;
	s7 =	sshll.u32 s4, $0xA  }
0xa: {  	s21 =	sshrl.u32 s6, $0x1;
	s22 =	sshll.u32 s4, $0x7;
	s11 =	sshll.u32 s4, $0xC  }
0xb: {  	s29 =	sshll.u32 s4, $0x4;
	s15 =	sor.u32 $0x40, s4;
	s0 =	sadd.s32 s7, s0  }
0xc: {  	s6 =	ssub.s32 s6, s21;
	s23 =	sand.u32 $0x380, s22;
	s7 =	sor.u32 $0x20, s4  }
0xd: {  	s11 =	sadd.s32 s1, s11;
	s30 =	sand.u32 $0x70, s29;
	s10 =	sor.u32 s10, s23  }
0xe: {  	s12 =	sshll.u32 s7, $0x8;
	[dreg:$0x5] =	wrdreg s11;
	s25 =	sshll.u32 s7, $0xC  }
0xf: {  	s8 =	sor.u32 s8, s23;
	s16 =	sadd.s32 s5, s30;
	s17 =	sadd.s32 $0xA800, s0  }
0x10: {  	s18 =	smax.u32 s6, $0x1;
	s10 =	sshrl.u32 s10, $0x3;
	s24 =	sand.u32 $0x3800, s12  }
.Ltmp0:
0x11: {  	s12 =	sshll.u32 s4, $0x1;
	s8 =	sshrl.u32 s8, $0x3;
	(pc) =	sbr.rel .LBB2_1-.Ltmp0, $4  }
0x12: {  	s10 =	sadd.s32 s5, s10;
	s11 =	sor.u32 s23, s24;
	s13 =	sadd.s32 $0x2, s12  }
0x13: {  	[dreg:$0x6] =	wrdreg s10;
	s10 =	sadd.s32 s1, s25;
	s26 =	sshrl.u32 s11, $0x3  }
0x14: {  	s14 =	sadd.s32 s2, s8;
	[dreg:$0x7] =	wrdreg s10;
	s10 =	sadd.s32 s5, s26  }
0x15: {  	vm0 =	vcmask $0x300;
	vm1 =	vcmask $0x704;
	v0 =	vimm.f32 $0.0e+00;
	s25 =	simm.s32 $0x2;
	s26 =	simm.s32 $0x1;
	[dreg:$0x8] =	wrdreg s10  }
.LBB2_65:
0x16: {  	s31 =	sadd.s32 $0x1, s31  }
0x17: {  	p0 =	sne.s32 s31, s18  }
.Ltmp1:
0x18: {  	s0 =	simm.s32 $0x18B80;
	(pc) =	sbr.rel @!p0 .LBB2_66-.Ltmp1, $4  }
0x19: {  	[hbm4b:s17+s3] =	stream.linear.scatter [tilespmem:s0], [sflag:$0x2], $0x2000, $0x38;
	[tilespmem:$0x1AB80] =	vst v63  }
0x1a: {  	_ =	swait.ge [sflag:s25], $0x2000  }
0x1b: {  	[sflag:s25] =	ssyncset.done $0x0  }
0x1c: {  	[sflag:s25] =	ssyncadd.s32 $0xFFFFE000  }
.LBB2_1:
0x1d: {  	s0 =	rddreg [dreg:$0x5]  }
0x1e: {  	[tilespmem:s3], [sflag:$0x1] =	stream.linear.gather [hbm4b:s0+s3], $0x8000, $0x38;
	[tilespmem:$0x1AB80] =	vst v63  }
0x1f: {  	s11 =	rddreg [dreg:$0x6];
	s2 =	simm.s32 $0x18000  }
0x20: {  	[tilespmem:s2], [sflag:$0x1] =	stream.strided.gather [hbm4b:s11+s19], $0x100, s20, s19, $0x38;
	[tilespmem:$0x1AB80] =	vst v63  }
0x21: {  	s21 =	rddreg [dreg:$0x7];
	s22 =	simm.s32 $0x8000  }
0x22: {  	[tilespmem:s22], [sflag:$0x1] =	stream.linear.gather [hbm4b:s21+s3], $0x8000, $0x38;
	[tilespmem:$0x1AB80] =	vst v63  }
0x23: {  	s23 =	rddreg [dreg:$0x8];
	s24 =	simm.s32 $0x18180  }
0x24: {  	[tilespmem:s24], [sflag:$0x1] =	stream.strided.gather [hbm4b:s23+s19], $0x100, s20, s19, $0x38;
	[tilespmem:$0x1AB80] =	vst v63  }
0x25: {  	s29 =	rddreg [dreg:$0x4];
	s30 =	simm.s32 $0x18600  }
0x26: {  	[tilespmem:s30], [sflag:$0x2] =	stream.linear.gather [hbm4b:s29+s3], $0x500, $0x38;
	[tilespmem:$0x1AB80] =	vst v63  }
0x27: {  	_ =	swait.ge [sflag:s25], $0x500  }
0x28: {  	s8 =	simm.s32 $0x4E2;
	s6 =	simm.s32 $0x0;
	[sflag:s25] =	ssyncset.done $0x0  }
0x29: {  	s0 =	simm.s32 $0x4E2;
	s2 =	simm.s32 $0xB;
	[sflag:s25] =	ssyncadd.s32 $0xFFFFFB00  }
.LBB2_2:
0x2a: {  	s9 =	smov.u32 s0  }
0x2b: {  	p0 =	sne.s32 s2, $0x1;
	s0 =	sand.u32 $0x1, s8  }
0x2c: {  	p1 =	slt.s32 s8, $0x1;
	p2 =	seq.s32 s0, $0x1  }
0x2d: {  	s0 =	sshrl.u32 s8, $0x1F;
	p1 =	por !p1, !p2  }
0x2e: {  	s0 =	sadd.s32 s0, s8;
	s8 =	simm.s32 $0x1;
	p1 =	por !p1, !p1  }
0x2f: {  	s0 =	sshra.s32 s0, $0x1;
	s8 =	simm.s32 @!p1 $0x0  }
0x30: {  	s0 =	ssub.s32 s0, s8  }
0x31: {  	v1 =	vld [tilespmem:s0+$0x18600];
	_ =	sdelay $0x4  }
0x32: {  	(v2sf) =	vpush v1, $0x0;
	_ =	sdelay $0xd  }
.Ltmp2:
0x33: {  	(pc) =	sbr.rel @p0 .LBB2_2-.Ltmp2, $4  }
0x34: {  	s8 =	spop (v2sf)  }
0x35: {  	p1 =	slt.s32 s8, s12;
	s8 =	sadd.s32 $0x1, s0  }
0x36: {  	s6 =	smov.u32 @p1 s8;
	s0 =	smov.u32 @p1 s9  }
0x37: {  	s2 =	sadd.s32 $0xFFFFFFFF, s2;
	s8 =	sadd.s32 s6, s0  }
0x38: {  	s2 =	sand.u32 $0x1, s8  }
0x39: {  	p0 =	slt.s32 s8, $0x1;
	p1 =	seq.s32 s2, $0x1  }
0x3a: {  	s24 =	sshrl.u32 s8, $0x1F;
	p0 =	por !p0, !p1  }
0x3b: {  	s6 =	simm.s32 $0x1;
	s2 =	sadd.s32 s24, s8;
	p0 =	por !p0, !p0  }
0x3c: {  	s2 =	sshra.s32 s2, $0x1;
	s6 =	simm.s32 @!p0 $0x0  }
0x3d: {  	s2 =	ssub.s32 s2, s6  }
0x3e: {  	v1 =	vld [tilespmem:s2+$0x18600];
	_ =	sdelay $0x4  }
0x3f: {  	(v2sf) =	vpush v1, $0x0;
	_ =	sdelay $0xe  }
0x40: {  	s29 =	spop (v2sf)  }
0x41: {  	p0 =	slt.s32 s29, s12  }
0x42: {  	s2 =	smov.u32 @p0 s0  }
0x43: {  	s2 =	sadd.s32 $0xFFFFFFFF, s2  }
0x44: {  	p0 =	sgt.s32 s2, $0x0  }
0x45: {  	s2 =	simm.s32 @!p0 $0x0  }
0x46: {  	s0 =	sshll.u32 s2, $0x8;
	s2 =	sshll.u32 s2, $0x7  }
0x47: {  	s30 =	sand.u32 $0xFFFFF800, s0;
	s2 =	sand.u32 $0x380, s2  }
0x48: {  	s2 =	sor.u32 s2, s30  }
0x49: {  	s2 =	sshrl.u32 s2, $0x3  }
0x4a: {  	s2 =	sadd.s32 s5, s2  }
0x4b: {  	[tilespmem:s28], [sflag:$0x2] =	stream.strided.gather [hbm4b:s2+s19], $0x100, s20, s19, $0x38;
	[tilespmem:$0x1AB80] =	vst v63  }
0x4c: {  	s21 =	simm.s32 $0x0;
	_ =	swait.ge [sflag:s25], $0x100  }
0x4d: {  	s9 =	simm.s32 $0x100;
	s8 =	simm.s32 $0x0;
	[sflag:s25] =	ssyncset.done $0x0  }
0x4e: {  	s6 =	simm.s32 $0x100;
	s2 =	simm.s32 $0x7;
	[sflag:s25] =	ssyncadd.s32 $0xFFFFFF00  }
.LBB2_4:
0x4f: {  	s10 =	smov.u32 s6  }
0x50: {  	p0 =	sne.s32 s2, $0x1;
	s6 =	sand.u32 $0x1, s9  }
0x51: {  	p1 =	slt.s32 s9, $0x1;
	p2 =	seq.s32 s6, $0x1  }
0x52: {  	s6 =	sshrl.u32 s9, $0x1F;
	p1 =	por !p1, !p2  }
0x53: {  	s6 =	sadd.s32 s6, s9;
	s9 =	simm.s32 $0x1;
	p1 =	por !p1, !p1  }
0x54: {  	s6 =	sshra.s32 s6, $0x1;
	s9 =	simm.s32 @!p1 $0x0  }
0x55: {  	s6 =	ssub.s32 s6, s9  }
0x56: {  	v1 =	vld [tilespmem:s6+$0x18480];
	_ =	sdelay $0x4  }
0x57: {  	(v2sf) =	vpush v1, $0x0;
	_ =	sdelay $0xd  }
.Ltmp3:
0x58: {  	(pc) =	sbr.rel @p0 .LBB2_4-.Ltmp3, $4  }
0x59: {  	s9 =	spop (v2sf)  }
0x5a: {  	p1 =	slt.s32 s9, s12;
	s9 =	sadd.s32 $0x1, s6  }
0x5b: {  	s8 =	smov.u32 @p1 s9;
	s6 =	smov.u32 @p1 s10  }
0x5c: {  	s2 =	sadd.s32 $0xFFFFFFFF, s2;
	s9 =	sadd.s32 s8, s6  }
0x5d: {  	s2 =	sand.u32 $0x1, s9  }
0x5e: {  	p0 =	slt.s32 s9, $0x1;
	p1 =	seq.s32 s2, $0x1  }
0x5f: {  	s29 =	sshrl.u32 s9, $0x1F;
	p0 =	por !p0, !p1  }
0x60: {  	s8 =	simm.s32 $0x1;
	s2 =	sadd.s32 s29, s9;
	p0 =	por !p0, !p0  }
0x61: {  	s2 =	sshra.s32 s2, $0x1;
	s8 =	simm.s32 @!p0 $0x0  }
0x62: {  	s2 =	ssub.s32 s2, s8  }
0x63: {  	v1 =	vld [tilespmem:s2+$0x18480];
	_ =	sdelay $0x4  }
0x64: {  	(v2sf) =	vpush v1, $0x0;
	_ =	sdelay $0xe  }
0x65: {  	s30 =	spop (v2sf)  }
0x66: {  	s9 =	simm.s32 $0x4E2;
	p0 =	slt.s32 s30, s12  }
0x67: {  	s8 =	simm.s32 $0xB;
	s2 =	smov.u32 @p0 s6;
	s6 =	simm.s32 $0x4E2  }
.LBB2_6:
0x68: {  	s10 =	smov.u32 s21  }
0x69: {  	p0 =	sne.s32 s8, $0x1;
	s21 =	sand.u32 $0x1, s9  }
0x6a: {  	p1 =	slt.s32 s9, $0x1;
	p2 =	seq.s32 s21, $0x1  }
0x6b: {  	s21 =	sshrl.u32 s9, $0x1F;
	p1 =	por !p1, !p2  }
0x6c: {  	s9 =	sadd.s32 s21, s9;
	s21 =	simm.s32 $0x1;
	p1 =	por !p1, !p1  }
0x6d: {  	s9 =	sshra.s32 s9, $0x1;
	s21 =	simm.s32 @!p1 $0x0  }
0x6e: {  	s9 =	ssub.s32 s9, s21  }
0x6f: {  	v1 =	vld [tilespmem:s9+$0x18600];
	_ =	sdelay $0x4  }
0x70: {  	(v2sf) =	vpush v1, $0x0;
	_ =	sdelay $0xd  }
.Ltmp4:
0x71: {  	(pc) =	sbr.rel @p0 .LBB2_6-.Ltmp4, $4  }
0x72: {  	s21 =	spop (v2sf)  }
0x73: {  	p1 =	sgt.s32 s21, s12;
	s21 =	sadd.s32 $0x1, s9  }
0x74: {  	s21 =	smov.u32 @p1 s10;
	s6 =	smov.u32 @p1 s9  }
0x75: {  	s8 =	sadd.s32 $0xFFFFFFFF, s8;
	s9 =	sadd.s32 s21, s6  }
0x76: {  	s8 =	sand.u32 $0x1, s9  }
0x77: {  	p0 =	slt.s32 s9, $0x1;
	p1 =	seq.s32 s8, $0x1  }
0x78: {  	s24 =	sshrl.u32 s9, $0x1F;
	p0 =	por !p0, !p1  }
0x79: {  	s8 =	sadd.s32 s24, s9;
	s9 =	simm.s32 $0x1;
	p0 =	por !p0, !p0  }
0x7a: {  	s8 =	sshra.s32 s8, $0x1;
	s9 =	simm.s32 @!p0 $0x0  }
0x7b: {  	s8 =	ssub.s32 s8, s9  }
0x7c: {  	v1 =	vld [tilespmem:s8+$0x18600];
	_ =	sdelay $0x4  }
0x7d: {  	(v2sf) =	vpush v1, $0x0;
	_ =	sdelay $0xe  }
0x7e: {  	s29 =	spop (v2sf)  }
0x7f: {  	p0 =	sgt.s32 s29, s12  }
0x80: {  	s6 =	smov.u32 @p0 s8  }
0x81: {  	s6 =	sadd.s32 $0xFFFFFFFF, s6  }
0x82: {  	p0 =	sgt.s32 s6, $0x0  }
0x83: {  	s6 =	simm.s32 @!p0 $0x0  }
0x84: {  	s21 =	sshll.u32 s6, $0x8;
	s6 =	sshll.u32 s6, $0x7  }
0x85: {  	s30 =	sand.u32 $0xFFFFF800, s21;
	s6 =	sand.u32 $0x380, s6  }
0x86: {  	s6 =	sor.u32 s6, s30  }
0x87: {  	s6 =	sshrl.u32 s6, $0x3  }
0x88: {  	s6 =	sadd.s32 s5, s6  }
0x89: {  	[tilespmem:s28], [sflag:$0x2] =	stream.strided.gather [hbm4b:s6+s19], $0x100, s20, s19, $0x38;
	[tilespmem:$0x1AB80] =	vst v63  }
0x8a: {  	s23 =	simm.s32 $0x0;
	_ =	swait.ge [sflag:s25], $0x100  }
0x8b: {  	s22 =	simm.s32 $0x100;
	s9 =	simm.s32 $0x0;
	[sflag:s25] =	ssyncset.done $0x0  }
0x8c: {  	s8 =	simm.s32 $0x100;
	s6 =	simm.s32 $0x7;
	[sflag:s25] =	ssyncadd.s32 $0xFFFFFF00  }
.LBB2_8:
0x8d: {  	s10 =	smov.u32 s9  }
0x8e: {  	p0 =	sne.s32 s6, $0x1;
	s9 =	sand.u32 $0x1, s8  }
0x8f: {  	p1 =	slt.s32 s8, $0x1;
	p2 =	seq.s32 s9, $0x1  }
0x90: {  	s9 =	sshrl.u32 s8, $0x1F;
	p1 =	por !p1, !p2  }
0x91: {  	s8 =	sadd.s32 s9, s8;
	s9 =	simm.s32 $0x1;
	p1 =	por !p1, !p1  }
0x92: {  	s8 =	sshra.s32 s8, $0x1;
	s9 =	simm.s32 @!p1 $0x0  }
0x93: {  	s8 =	ssub.s32 s8, s9  }
0x94: {  	v1 =	vld [tilespmem:s8+$0x18480];
	_ =	sdelay $0x4  }
0x95: {  	(v2sf) =	vpush v1, $0x0;
	_ =	sdelay $0xd  }
.Ltmp5:
0x96: {  	(pc) =	sbr.rel @p0 .LBB2_8-.Ltmp5, $4  }
0x97: {  	s9 =	spop (v2sf)  }
0x98: {  	p1 =	sgt.s32 s9, s12;
	s9 =	sadd.s32 $0x1, s8  }
0x99: {  	s9 =	smov.u32 @p1 s10;
	s22 =	smov.u32 @p1 s8  }
0x9a: {  	s6 =	sadd.s32 $0xFFFFFFFF, s6;
	s8 =	sadd.s32 s9, s22  }
0x9b: {  	s6 =	sand.u32 $0x1, s8  }
0x9c: {  	p0 =	slt.s32 s8, $0x1;
	p1 =	seq.s32 s6, $0x1  }
0x9d: {  	s29 =	sshrl.u32 s8, $0x1F;
	p0 =	por !p0, !p1  }
0x9e: {  	s6 =	sadd.s32 s29, s8;
	s8 =	simm.s32 $0x1;
	p0 =	por !p0, !p0  }
0x9f: {  	s6 =	sshra.s32 s6, $0x1;
	s8 =	simm.s32 @!p0 $0x0  }
0xa0: {  	s6 =	ssub.s32 s6, s8  }
0xa1: {  	v1 =	vld [tilespmem:s6+$0x18480];
	_ =	sdelay $0x4  }
0xa2: {  	(v2sf) =	vpush v1, $0x0;
	_ =	sdelay $0xe  }
0xa3: {  	s30 =	spop (v2sf)  }
0xa4: {  	s9 =	simm.s32 $0x4E2;
	p0 =	sgt.s32 s30, s12  }
0xa5: {  	s8 =	simm.s32 $0xB;
	s22 =	smov.u32 @p0 s6;
	s6 =	simm.s32 $0x4E2  }
.LBB2_10:
0xa6: {  	s10 =	smov.u32 s6  }
0xa7: {  	p0 =	sne.s32 s8, $0x1;
	s6 =	sand.u32 $0x1, s9  }
0xa8: {  	p1 =	slt.s32 s9, $0x1;
	p2 =	seq.s32 s6, $0x1  }
0xa9: {  	s6 =	sshrl.u32 s9, $0x1F;
	p1 =	por !p1, !p2  }
0xaa: {  	s6 =	sadd.s32 s6, s9;
	s9 =	simm.s32 $0x1;
	p1 =	por !p1, !p1  }
0xab: {  	s6 =	sshra.s32 s6, $0x1;
	s9 =	simm.s32 @!p1 $0x0  }
0xac: {  	s6 =	ssub.s32 s6, s9  }
0xad: {  	v1 =	vld [tilespmem:s6+$0x18600];
	_ =	sdelay $0x4  }
0xae: {  	(v2sf) =	vpush v1, $0x0;
	_ =	sdelay $0xd  }
.Ltmp6:
0xaf: {  	(pc) =	sbr.rel @p0 .LBB2_10-.Ltmp6, $4  }
0xb0: {  	s9 =	spop (v2sf)  }
0xb1: {  	p1 =	slt.s32 s9, s13;
	s9 =	sadd.s32 $0x1, s6  }
0xb2: {  	s23 =	smov.u32 @p1 s9;
	s6 =	smov.u32 @p1 s10  }
0xb3: {  	s8 =	sadd.s32 $0xFFFFFFFF, s8;
	s9 =	sadd.s32 s23, s6  }
0xb4: {  	s8 =	sand.u32 $0x1, s9  }
0xb5: {  	p0 =	slt.s32 s9, $0x1;
	p1 =	seq.s32 s8, $0x1  }
0xb6: {  	s24 =	sshrl.u32 s9, $0x1F;
	p0 =	por !p0, !p1  }
0xb7: {  	s8 =	sadd.s32 s24, s9;
	s9 =	simm.s32 $0x1;
	p0 =	por !p0, !p0  }
0xb8: {  	s8 =	sshra.s32 s8, $0x1;
	s9 =	simm.s32 @!p0 $0x0  }
0xb9: {  	s8 =	ssub.s32 s8, s9  }
0xba: {  	v1 =	vld [tilespmem:s8+$0x18600];
	_ =	sdelay $0x4  }
0xbb: {  	(v2sf) =	vpush v1, $0x0;
	_ =	sdelay $0xe  }
0xbc: {  	s29 =	spop (v2sf)  }
0xbd: {  	p0 =	slt.s32 s29, s13  }
0xbe: {  	s8 =	smov.u32 @p0 s6  }
0xbf: {  	s6 =	sadd.s32 $0xFFFFFFFF, s8  }
0xc0: {  	p0 =	sgt.s32 s6, $0x0  }
0xc1: {  	s6 =	simm.s32 @!p0 $0x0  }
0xc2: {  	s23 =	sshll.u32 s6, $0x8;
	s6 =	sshll.u32 s6, $0x7  }
0xc3: {  	s30 =	sand.u32 $0xFFFFF800, s23;
	s6 =	sand.u32 $0x380, s6  }
0xc4: {  	s6 =	sor.u32 s6, s30  }
0xc5: {  	s6 =	sshrl.u32 s6, $0x3  }
0xc6: {  	s6 =	sadd.s32 s5, s6  }
0xc7: {  	[tilespmem:s28], [sflag:$0x2] =	stream.strided.gather [hbm4b:s6+s19], $0x100, s20, s19, $0x38;
	[tilespmem:$0x1AB80] =	vst v63  }
0xc8: {  	_ =	swait.ge [sflag:s25], $0x100  }
0xc9: {  	s24 =	simm.s32 $0x7;
	s9 =	simm.s32 $0x100;
	[sflag:s25] =	ssyncset.done $0x0  }
0xca: {  	s8 =	simm.s32 $0x100;
	s6 =	simm.s32 $0x0;
	[sflag:s25] =	ssyncadd.s32 $0xFFFFFF00  }
.LBB2_12:
0xcb: {  	s10 =	smov.u32 s8  }
0xcc: {  	p0 =	sne.s32 s24, $0x1;
	s8 =	sand.u32 $0x1, s9  }
0xcd: {  	p1 =	slt.s32 s9, $0x1;
	p2 =	seq.s32 s8, $0x1  }
0xce: {  	s8 =	sshrl.u32 s9, $0x1F;
	p1 =	por !p1, !p2  }
0xcf: {  	s8 =	sadd.s32 s8, s9;
	s9 =	simm.s32 $0x1;
	p1 =	por !p1, !p1  }
0xd0: {  	s8 =	sshra.s32 s8, $0x1;
	s9 =	simm.s32 @!p1 $0x0  }
0xd1: {  	s8 =	ssub.s32 s8, s9  }
0xd2: {  	v1 =	vld [tilespmem:s8+$0x18480];
	_ =	sdelay $0x4  }
0xd3: {  	(v2sf) =	vpush v1, $0x0;
	_ =	sdelay $0xd  }
.Ltmp7:
0xd4: {  	(pc) =	sbr.rel @p0 .LBB2_12-.Ltmp7, $4  }
0xd5: {  	s9 =	spop (v2sf)  }
0xd6: {  	p1 =	slt.s32 s9, s13;
	s9 =	sadd.s32 $0x1, s8  }
0xd7: {  	s6 =	smov.u32 @p1 s9;
	s8 =	smov.u32 @p1 s10  }
0xd8: {  	s24 =	sadd.s32 $0xFFFFFFFF, s24;
	s9 =	sadd.s32 s6, s8  }
0xd9: {  	s6 =	sand.u32 $0x1, s9  }
0xda: {  	p0 =	slt.s32 s9, $0x1;
	p1 =	seq.s32 s6, $0x1  }
0xdb: {  	s11 =	sshrl.u32 s9, $0x1F;
	p0 =	por !p0, !p1  }
0xdc: {  	s6 =	sadd.s32 s11, s9;
	s9 =	simm.s32 $0x1;
	p0 =	por !p0, !p0  }
0xdd: {  	s6 =	sshra.s32 s6, $0x1;
	s9 =	simm.s32 @!p0 $0x0  }
0xde: {  	s6 =	ssub.s32 s6, s9  }
0xdf: {  	v1 =	vld [tilespmem:s6+$0x18480];
	_ =	sdelay $0x4  }
0xe0: {  	(v2sf) =	vpush v1, $0x0;
	_ =	sdelay $0xe  }
0xe1: {  	s24 =	spop (v2sf)  }
0xe2: {  	s0 =	sadd.s32 s0, s2;
	s29 =	sadd.s32 s21, s22;
	p0 =	slt.s32 s24, s13  }
0xe3: {  	s0 =	scvt.s32.f32 s0;
	s2 =	scvt.s32.f32 s29;
	s6 =	smov.u32 @p0 s8  }
0xe4: {  	s6 =	sadd.s32 s23, s6  }
0xe5: {  	s0 =	ssub.f32 s2, s0;
	s6 =	scvt.s32.f32 s6  }
0xe6: {  	_ = 	snop  }
0xe7: {  	v1 =	vmov s0;
	s2 =	ssub.f32 s6, s2  }
0xe8: {  	v1 =	vnsel vm0, $0x0, v1  }
0xe9: {  	v1 =	vsel vm1, s2, v1  }
0xea: {  	s30 =	simm.s32 $0x18B00;
	s0 =	simm.s32 $0x0;
	[tilespmem:$0x18B00] =	vst v1  }
0xeb: {  	[hbm4b:s14+s0] =	stream.linear.scatter [tilespmem:s30], [sflag:$0x2], $0x80, $0x38;
	[tilespmem:$0x1AB80] =	vst v63  }
0xec: {  	_ =	swait.ge [sflag:s25], $0x80  }
0xed: {  	[sflag:s25] =	ssyncset.done $0x0  }
0xee: {  	s6 =	simm.s32 $0x200;
	s2 =	simm.s32 $0x0;
	[sflag:s25] =	ssyncadd.s32 $0xFFFFFF80  }
.LBB2_14:
0xef: {  	p0 =	sne.s32 s6, $0x7E00;
	[tilespmem:s2+$0x18BF0] =	vst v0  }
0xf0: {  	[tilespmem:s2+$0x18B80] =	vst v0  }
0xf1: {  	[tilespmem:s2+$0x18B90] =	vst v0  }
.Ltmp8:
0xf2: {  	[tilespmem:s2+$0x18BA0] =	vst v0;
	(pc) =	sbr.rel @p0 .LBB2_14-.Ltmp8, $4  }
0xf3: {  	[tilespmem:s2+$0x18BB0] =	vst v0  }
0xf4: {  	[tilespmem:s2+$0x18BC0] =	vst v0  }
0xf5: {  	[tilespmem:s2+$0x18BD0] =	vst v0  }
0xf6: {  	[tilespmem:s2+$0x18BE0] =	vst v0;
	s2 =	sshra.s32 s6, $0x2;
	s6 =	sadd.s32 $0x200, s6  }
0xf7: {  	[tilespmem:s2+$0x18BF0] =	vst v0  }
0xf8: {  	[tilespmem:s2+$0x18B80] =	vst v0  }
0xf9: {  	[tilespmem:s2+$0x18B90] =	vst v0  }
.Ltmp9:
0xfa: {  	[tilespmem:s2+$0x18BA0] =	vst v0;
	(pc) =	sbr.rel .LBB2_16-.Ltmp9, $4  }
0xfb: {  	[tilespmem:s2+$0x18BB0] =	vst v0  }
0xfc: {  	[tilespmem:s2+$0x18BC0] =	vst v0  }
0xfd: {  	[tilespmem:s2+$0x18BD0] =	vst v0  }
0xfe: {  	[tilespmem:s2+$0x18BE0] =	vst v0  }
.LBB2_64:
0xff: {  	s0 =	sadd.s32 $0x1, s0  }
0x100: {  	p0 =	sne.s32 s0, $0xE  }
.Ltmp10:
0x101: {  	_ = 	snop;
	(pc) =	sbr.rel @!p0 .LBB2_65-.Ltmp10, $1  }
0x102: {  	_ =	sdelay $0x3  }
.LBB2_16:
0x103: {  	s2 =	smul.u32 $0x60, s0;
	_ =	sdelay $0x1  }
0x104: {  	s6 =	sor.u32 s4, s2  }
0x105: {  	p0 =	sgt.u32 s6, $0x4E1  }
.Ltmp11:
0x106: {  	_ = 	snop;
	(pc) =	sbr.rel @p0 .LBB2_32-.Ltmp11, $1  }
0x107: {  	_ =	sdelay $0x3  }
0x108: {  	p0 =	sgt.u32 s6, $0x4A1  }
0x109: {  	s6 =	sadd.s32 @!p0 $0x40, s6  }
0x10a: {  	s9 =	simm.s32 @!p0 $0x0;
	s8 =	sshll.u32 @!p0 s6, $0xC;
	s6 =	sshll.u32 @!p0 s6, $0x5  }
0x10b: {  	s10 =	simm.s32 @!p0 $0x10000;
	s8 =	sadd.s32 @!p0 s1, s8;
	s6 =	sand.u32 @!p0 $0x1FF00, s6  }
0x10c: {  	[tilespmem:s10], [sflag:$0x1] =	stream.linear.gather @!p0 [hbm4b:s8+s9], $0x8000, $0x38;
	[tilespmem:$0x1AB80] =	vst v63  }
0x10d: {  	s6 =	sadd.s32 @!p0 s6, s16  }
0x10e: {  	s8 =	simm.s32 @!p0 $0x80;
	s9 =	simm.s32 @!p0 $0x400;
	s10 =	simm.s32 @!p0 $0x18300  }
0x10f: {  	[tilespmem:s10], [sflag:$0x1] =	stream.strided.gather @!p0 [hbm4b:s6+s8], $0x100, s9, s8, $0x38;
	[tilespmem:$0x1AB80] =	vst v63  }
0x110: {  	_ =	swait.ge [sflag:s26], $0x8000  }
0x111: {  	[sflag:s26] =	ssyncset.done $0x0  }
0x112: {  	[sflag:s26] =	ssyncadd.s32 $0xFFFF8000  }
0x113: {  	_ =	swait.ge [sflag:s26], $0x100  }
0x114: {  	[sflag:s26] =	ssyncset.done $0x0  }
0x115: {  	[sflag:s26] =	ssyncadd.s32 $0xFFFFFF00  }
0x116: {  	v1 =	vld [tilespmem:$0x18000]  }
0x117: {  	v2 =	vld [tilespmem:$0x180FF];
	_ =	sdelay $0x3  }
0x118: {  	(v2sf) =	vpush v1, $0x0  }
0x119: {  	(v2sf) =	vpush v2, $0x0;
	_ =	sdelay $0xd  }
0x11a: {  	s21 =	spop (v2sf)  }
0x11b: {  	s6 =	spop (v2sf)  }
0x11c: {  	p0 =	sne.s32 s6, s21  }
.Ltmp12:
0x11d: {  	_ = 	snop;
	(pc) =	sbr.rel @p0 .LBB2_21-.Ltmp12, $1  }
0x11e: {  	_ =	sdelay $0x3  }
0x11f: {  	s22 =	simm.s32 $0x0  }
0x120: {  	v7 =	vld [tilespmem:s22+$0x380]  }
0x121: {  	v8 =	vld [tilespmem:s22+$0x390]  }
0x122: {  	v9 =	vld [tilespmem:s22+$0x3A0]  }
0x123: {  	v11 =	vld [tilespmem:s22+$0x3B0]  }
0x124: {  	v1 =	vld [tilespmem:s22+$0x3C0]  }
0x125: {  	v2 =	vld [tilespmem:s22+$0x3D0]  }
0x126: {  	v15 =	vld [tilespmem:s22+$0x300]  }
0x127: {  	v17 =	vld [tilespmem:s22+$0x310]  }
0x128: {  	v14 =	vld [tilespmem:s22+$0x320]  }
0x129: {  	v16 =	vld [tilespmem:s22+$0x330]  }
0x12a: {  	v3 =	vld [tilespmem:s22+$0x340]  }
0x12b: {  	v4 =	vld [tilespmem:s22+$0x350]  }
0x12c: {  	v18 =	vld [tilespmem:s22+$0x280]  }
0x12d: {  	v19 =	vld [tilespmem:s22+$0x290]  }
0x12e: {  	v20 =	vld [tilespmem:s22+$0x2A0]  }
0x12f: {  	v26 =	vld [tilespmem:s22+$0x2B0]  }
0x130: {  	v5 =	vld [tilespmem:s22+$0x2C0]  }
0x131: {  	v6 =	vld [tilespmem:s22+$0x2D0]  }
0x132: {  	v23 =	vld [tilespmem:s22+$0x200]  }
0x133: {  	v24 =	vld [tilespmem:s22+$0x210]  }
0x134: {  	v25 =	vld [tilespmem:s22+$0x220]  }
0x135: {  	v31 =	vld [tilespmem:s22+$0x230]  }
0x136: {  	v10 =	vld [tilespmem:s22+$0x240]  }
0x137: {  	v28 =	vld [tilespmem:s22+$0x180]  }
0x138: {  	v29 =	vld [tilespmem:s22+$0x190]  }
0x139: {  	v22 =	vld [tilespmem:s22+$0x100]  }
0x13a: {  	v27 =	vld [tilespmem:s22+$0x110]  }
0x13b: {  	v12 =	vld [tilespmem:s22+$0x80]  }
0x13c: {  	v21 =	vld [tilespmem:s22+$0x90]  }
0x13d: {  	v30 =	vld [tilespmem:s22+$0x0]  }
0x13e: {  	v32 =	vld [tilespmem:s22+$0x10]  }
0x13f: {  	v33 =	vld [tilespmem:s22+$0x20]  }
0x140: {  	v34 =	vld [tilespmem:s22+$0x30]  }
0x141: {  	v35 =	vld [tilespmem:s22+$0xA0]  }
0x142: {  	v36 =	vld [tilespmem:s22+$0xB0]  }
0x143: {  	v13 =	vimm.f32 $0.0e+00;
	v37 =	vld [tilespmem:s22+$0x120]  }
0x144: {  	v38 =	vld [tilespmem:s22+$0x130];
	v30 =	vadd.f32 v30, v13;
	v32 =	vadd.f32 v32, v13  }
0x145: {  	v39 =	vld [tilespmem:s22+$0x1A0];
	v33 =	vadd.f32 v33, v13;
	v34 =	vadd.f32 v34, v13  }
0x146: {  	v40 =	vld [tilespmem:s22+$0x1B0];
	v30 =	vadd.f32 v12, v30;
	v32 =	vadd.f32 v21, v32  }
0x147: {  	v12 =	vld [tilespmem:s22+$0x250];
	v33 =	vadd.f32 v35, v33;
	v34 =	vadd.f32 v36, v34  }
0x148: {  	v21 =	vld [tilespmem:s22+$0x1C0];
	v30 =	vadd.f32 v22, v30;
	v32 =	vadd.f32 v27, v32  }
0x149: {  	v22 =	vld [tilespmem:s22+$0x1D0];
	v33 =	vadd.f32 v37, v33;
	v34 =	vadd.f32 v38, v34  }
0x14a: {  	v27 =	vld [tilespmem:s22+$0x140];
	v30 =	vadd.f32 v28, v30;
	v32 =	vadd.f32 v29, v32  }
0x14b: {  	v28 =	vld [tilespmem:s22+$0x150];
	v33 =	vadd.f32 v39, v33;
	v34 =	vadd.f32 v40, v34  }
0x14c: {  	v29 =	vld [tilespmem:s22+$0xC0];
	v23 =	vadd.f32 v23, v30;
	v24 =	vadd.f32 v24, v32  }
0x14d: {  	v30 =	vld [tilespmem:s22+$0xD0];
	v25 =	vadd.f32 v25, v33;
	v63 =	vadd.f32 v31, v34  }
0x14e: {  	v31 =	vld [tilespmem:s22+$0x40];
	v23 =	vadd.f32 v18, v23;
	v24 =	vadd.f32 v19, v24  }
0x14f: {  	v32 =	vld [tilespmem:s22+$0x50];
	v25 =	vadd.f32 v20, v25;
	v26 =	vadd.f32 v26, v63  }
0x150: {  	s23 =	simm.s32 $0x1000;
	v33 =	vld [tilespmem:s22+$0x60];
	v20 =	vimm.f32 $0.0e+00;
	v18 =	vimm.f32 $0.0e+00;
	v19 =	vimm.f32 $0.0e+00  }
.LBB2_19:
0x151: {  	p0 =	sne.s32 s23, $0x1F000;
	v34 =	vld [tilespmem:s22+$0x70];
	v15 =	vadd.f32 v15, v23;
	v17 =	vadd.f32 v17, v24  }
0x152: {  	v35 =	vld [tilespmem:s22+$0xE0];
	v14 =	vadd.f32 v14, v25;
	v16 =	vadd.f32 v16, v26  }
0x153: {  	v36 =	vld [tilespmem:s22+$0xF0];
	v23 =	vadd.f32 v7, v15;
	v24 =	vadd.f32 v8, v17  }
0x154: {  	v7 =	vld [tilespmem:s22+$0x160];
	v25 =	vadd.f32 v9, v14;
	v26 =	vadd.f32 v11, v16  }
0x155: {  	v8 =	vadd.f32 v31, v13;
	v9 =	vadd.f32 v32, v20;
	v11 =	vld [tilespmem:s22+$0x170]  }
0x156: {  	v13 =	vadd.f32 v33, v18;
	v14 =	vadd.f32 v34, v19;
	v15 =	vld [tilespmem:s22+$0x1E0]  }
0x157: {  	v8 =	vadd.f32 v29, v8;
	v9 =	vadd.f32 v30, v9;
	v16 =	vld [tilespmem:s22+$0x1F0]  }
0x158: {  	v13 =	vadd.f32 v35, v13;
	v14 =	vadd.f32 v36, v14;
	v17 =	vld [tilespmem:s22+$0x260]  }
0x159: {  	v8 =	vadd.f32 v27, v8;
	v9 =	vadd.f32 v28, v9;
	v18 =	vld [tilespmem:s22+$0x270]  }
0x15a: {  	v7 =	vadd.f32 v7, v13;
	v11 =	vadd.f32 v11, v14;
	v13 =	vld [tilespmem:s22+$0x2E0]  }
0x15b: {  	v8 =	vadd.f32 v21, v8;
	v9 =	vadd.f32 v22, v9;
	v14 =	vld [tilespmem:s22+$0x2F0]  }
0x15c: {  	v7 =	vadd.f32 v15, v7;
	v11 =	vadd.f32 v16, v11;
	v15 =	vld [tilespmem:s22+$0x360]  }
0x15d: {  	v8 =	vadd.f32 v10, v8;
	v9 =	vadd.f32 v12, v9;
	v10 =	vld [tilespmem:s22+$0x370]  }
0x15e: {  	v12 =	vadd.f32 v17, v7;
	v11 =	vadd.f32 v18, v11;
	v16 =	vld [tilespmem:s22+$0x3E0]  }
0x15f: {  	v5 =	vadd.f32 v5, v8;
	v6 =	vadd.f32 v6, v9;
	v17 =	vld [tilespmem:s22+$0x3F0];
	s22 =	sshra.s32 s23, $0x2  }
0x160: {  	v12 =	vadd.f32 v13, v12;
	v7 =	vld [tilespmem:s22+$0x380];
	v11 =	vadd.f32 v14, v11  }
0x161: {  	v3 =	vadd.f32 v3, v5;
	v4 =	vadd.f32 v4, v6;
	v8 =	vld [tilespmem:s22+$0x390]  }
0x162: {  	v5 =	vadd.f32 v15, v12;
	v9 =	vld [tilespmem:s22+$0x3A0];
	v6 =	vadd.f32 v10, v11  }
0x163: {  	v13 =	vadd.f32 v1, v3;
	v20 =	vadd.f32 v2, v4;
	v11 =	vld [tilespmem:s22+$0x3B0]  }
0x164: {  	v18 =	vadd.f32 v16, v5;
	v1 =	vld [tilespmem:s22+$0x3C0];
	v19 =	vadd.f32 v17, v6  }
0x165: {  	v2 =	vld [tilespmem:s22+$0x3D0]  }
0x166: {  	v15 =	vld [tilespmem:s22+$0x300]  }
0x167: {  	v17 =	vld [tilespmem:s22+$0x310]  }
0x168: {  	v14 =	vld [tilespmem:s22+$0x320]  }
0x169: {  	v16 =	vld [tilespmem:s22+$0x330]  }
0x16a: {  	v3 =	vld [tilespmem:s22+$0x340]  }
0x16b: {  	v4 =	vld [tilespmem:s22+$0x350]  }
0x16c: {  	v33 =	vld [tilespmem:s22+$0x280]  }
0x16d: {  	v34 =	vld [tilespmem:s22+$0x290]  }
0x16e: {  	v35 =	vld [tilespmem:s22+$0x2A0]  }
0x16f: {  	v36 =	vld [tilespmem:s22+$0x2B0]  }
0x170: {  	v5 =	vld [tilespmem:s22+$0x2C0]  }
0x171: {  	v6 =	vld [tilespmem:s22+$0x2D0]  }
0x172: {  	v31 =	vld [tilespmem:s22+$0x200]  }
0x173: {  	v32 =	vld [tilespmem:s22+$0x210]  }
0x174: {  	v37 =	vld [tilespmem:s22+$0x220]  }
0x175: {  	v38 =	vld [tilespmem:s22+$0x230]  }
0x176: {  	v10 =	vld [tilespmem:s22+$0x240]  }
0x177: {  	v12 =	vld [tilespmem:s22+$0x250]  }
0x178: {  	v29 =	vld [tilespmem:s22+$0x180]  }
0x179: {  	v30 =	vld [tilespmem:s22+$0x190]  }
0x17a: {  	v22 =	vld [tilespmem:s22+$0x100]  }
0x17b: {  	v27 =	vld [tilespmem:s22+$0x110]  }
0x17c: {  	v21 =	vld [tilespmem:s22+$0x80]  }
0x17d: {  	v28 =	vld [tilespmem:s22+$0x90]  }
0x17e: {  	v39 =	vld [tilespmem:s22+$0x0]  }
0x17f: {  	v40 =	vld [tilespmem:s22+$0x10]  }
0x180: {  	v41 =	vld [tilespmem:s22+$0x20]  }
0x181: {  	v42 =	vld [tilespmem:s22+$0x30]  }
0x182: {  	v43 =	vld [tilespmem:s22+$0xA0]  }
0x183: {  	v44 =	vld [tilespmem:s22+$0xB0]  }
0x184: {  	v45 =	vld [tilespmem:s22+$0x120]  }
0x185: {  	v23 =	vadd.f32 v39, v23;
	v24 =	vadd.f32 v40, v24;
	v39 =	vld [tilespmem:s22+$0x130]  }
0x186: {  	v25 =	vadd.f32 v41, v25;
	v26 =	vadd.f32 v42, v26;
	v40 =	vld [tilespmem:s22+$0x1A0]  }
0x187: {  	v23 =	vadd.f32 v21, v23;
	v24 =	vadd.f32 v28, v24;
	v41 =	vld [tilespmem:s22+$0x1B0]  }
0x188: {  	v25 =	vadd.f32 v43, v25;
	v26 =	vadd.f32 v44, v26;
	v21 =	vld [tilespmem:s22+$0x1C0]  }
0x189: {  	v23 =	vadd.f32 v22, v23;
	v24 =	vadd.f32 v27, v24;
	v22 =	vld [tilespmem:s22+$0x1D0]  }
0x18a: {  	v25 =	vadd.f32 v45, v25;
	v26 =	vadd.f32 v39, v26;
	v27 =	vld [tilespmem:s22+$0x140]  }
0x18b: {  	v23 =	vadd.f32 v29, v23;
	v24 =	vadd.f32 v30, v24;
	v28 =	vld [tilespmem:s22+$0x150]  }
.Ltmp13:
0x18c: {  	v25 =	vadd.f32 v40, v25;
	v29 =	vld [tilespmem:s22+$0xC0];
	v26 =	vadd.f32 v41, v26;
	(pc) =	sbr.rel @p0 .LBB2_19-.Ltmp13, $4  }
0x18d: {  	v23 =	vadd.f32 v31, v23;
	v24 =	vadd.f32 v32, v24;
	v30 =	vld [tilespmem:s22+$0xD0]  }
0x18e: {  	v25 =	vadd.f32 v37, v25;
	v31 =	vld [tilespmem:s22+$0x40];
	v26 =	vadd.f32 v38, v26  }
0x18f: {  	v23 =	vadd.f32 v33, v23;
	v24 =	vadd.f32 v34, v24;
	v32 =	vld [tilespmem:s22+$0x50]  }
0x190: {  	s23 =	sadd.s32 $0x1000, s23;
	v25 =	vadd.f32 v35, v25;
	v33 =	vld [tilespmem:s22+$0x60];
	v26 =	vadd.f32 v36, v26  }
0x191: {  	v34 =	vld [tilespmem:s22+$0x70]  }
0x192: {  	v35 =	vld [tilespmem:s22+$0xE0]  }
0x193: {  	v36 =	vld [tilespmem:s22+$0xF0]  }
0x194: {  	v15 =	vadd.f32 v15, v23;
	v17 =	vadd.f32 v17, v24;
	v39 =	vld [tilespmem:s22+$0x160]  }
0x195: {  	v40 =	vld [tilespmem:s22+$0x170];
	s6 =	sshll.u32 s21, $0x9;
	v14 =	vadd.f32 v14, v25;
	v16 =	vadd.f32 v16, v26  }
0x196: {  	v41 =	vld [tilespmem:s22+$0x1E0];
	s6 =	sshra.s32 s6, $0x2;
	v7 =	vadd.f32 v7, v15;
	v8 =	vadd.f32 v8, v17  }
0x197: {  	v13 =	vadd.f32 v31, v13;
	v52 =	vld [tilespmem:s6+$0x18B80];
	v9 =	vadd.f32 v9, v14  }
0x198: {  	v53 =	vld [tilespmem:s6+$0x18B90];
	v11 =	vadd.f32 v11, v16;
	v43 =	vadd.f32 v32, v20  }
0x199: {  	v56 =	vld [tilespmem:s6+$0x18BB0];
	v18 =	vadd.f32 v33, v18;
	v13 =	vadd.f32 v29, v13  }
0x19a: {  	v42 =	vld [tilespmem:s22+$0x1F0];
	v19 =	vadd.f32 v34, v19;
	v16 =	vadd.f32 v30, v43  }
0x19b: {  	v44 =	vld [tilespmem:s22+$0x260];
	v18 =	vadd.f32 v35, v18;
	v13 =	vadd.f32 v27, v13  }
0x19c: {  	v45 =	vld [tilespmem:s22+$0x270];
	v19 =	vadd.f32 v36, v19;
	v16 =	vadd.f32 v28, v16  }
0x19d: {  	v46 =	vld [tilespmem:s22+$0x2E0];
	v7 =	vadd.f32 v52, v7;
	v8 =	vadd.f32 v53, v8  }
0x19e: {  	v47 =	vld [tilespmem:s22+$0x2F0];
	v63 =	vadd.f32 v56, v11;
	v18 =	vadd.f32 v39, v18  }
0x19f: {  	v48 =	vld [tilespmem:s22+$0x360];
	v13 =	vadd.f32 v21, v13;
	v19 =	vadd.f32 v40, v19  }
0x1a0: {  	v49 =	vld [tilespmem:s22+$0x370];
	v16 =	vadd.f32 v22, v16;
	v15 =	vadd.f32 v41, v18  }
0x1a1: {  	v50 =	vld [tilespmem:s22+$0x3E0];
	v10 =	vadd.f32 v10, v13;
	v14 =	vadd.f32 v42, v19  }
0x1a2: {  	v54 =	vld [tilespmem:s6+$0x18BA0];
	v12 =	vadd.f32 v12, v16;
	v15 =	vadd.f32 v44, v15  }
0x1a3: {  	v51 =	vld [tilespmem:s22+$0x3F0];
	v5 =	vadd.f32 v5, v10;
	v14 =	vadd.f32 v45, v14  }
0x1a4: {  	v57 =	vld [tilespmem:s6+$0x18BC0];
	v6 =	vadd.f32 v6, v12;
	v55 =	vadd.f32 v46, v15  }
0x1a5: {  	v59 =	vld [tilespmem:s6+$0x18BD0];
	v3 =	vadd.f32 v3, v5;
	v14 =	vadd.f32 v47, v14  }
0x1a6: {  	v61 =	vld [tilespmem:s6+$0x18BE0];
	v4 =	vadd.f32 v4, v6;
	v58 =	vadd.f32 v48, v55  }
0x1a7: {  	v62 =	vld [tilespmem:s6+$0x18BF0];
	[tilespmem:s6+$0x18B80] =	vst v7;
	v1 =	vadd.f32 v1, v3;
	v3 =	vadd.f32 v54, v9  }
0x1a8: {  	[tilespmem:s6+$0x18B90] =	vst v8;
	v60 =	vadd.f32 v49, v14;
	v2 =	vadd.f32 v2, v4  }
0x1a9: {  	[tilespmem:s6+$0x18BB0] =	vst v63;
	v6 =	vadd.f32 v50, v58;
	v1 =	vadd.f32 v57, v1  }
.Ltmp14:
0x1aa: {  	[tilespmem:s6+$0x18BA0] =	vst v3;
	v3 =	vadd.f32 v51, v60;
	v2 =	vadd.f32 v59, v2;
	(pc) =	sbr.rel .LBB2_32-.Ltmp14, $4  }
0x1ab: {  	[tilespmem:s6+$0x18BC0] =	vst v1;
	v1 =	vadd.f32 v61, v6  }
0x1ac: {  	[tilespmem:s6+$0x18BD0] =	vst v2;
	v2 =	vadd.f32 v62, v3  }
0x1ad: {  	[tilespmem:s6+$0x18BE0] =	vst v1  }
0x1ae: {  	[tilespmem:s6+$0x18BF0] =	vst v2  }
.LBB2_21:
0x1af: {  	s22 =	ssub.s32 s6, s21  }
0x1b0: {  	p0 =	sgt.u32 s22, $0x7FFFFFFE  }
.Ltmp15:
0x1b1: {  	_ = 	snop;
	(pc) =	sbr.rel @!p0 .LBB2_22-.Ltmp15, $2  }
0x1b2: {  	_ =	sdelay $0x2  }
0x1b3: {  	s29 =	simm.s32 $0x0;
	s23 =	simm.s32 $0x0  }
.LBB2_32:
0x1b4: {  	s6 =	sadd.s32 s7, s2  }
0x1b5: {  	p0 =	sgt.u32 s6, $0x4E1  }
.Ltmp16:
0x1b6: {  	_ = 	snop;
	(pc) =	sbr.rel @p0 .LBB2_48-.Ltmp16, $1  }
0x1b7: {  	_ =	sdelay $0x3  }
0x1b8: {  	p0 =	sgt.u32 s6, $0x4A1  }
0x1b9: {  	s6 =	sadd.s32 @!p0 $0x40, s6  }
0x1ba: {  	s9 =	simm.s32 @!p0 $0x0;
	s8 =	sshll.u32 @!p0 s6, $0xC;
	s6 =	sshll.u32 @!p0 s6, $0x5  }
0x1bb: {  	s10 =	simm.s32 @!p0 $0x18000;
	s8 =	sadd.s32 @!p0 s1, s8;
	s6 =	sand.u32 @!p0 $0x1FF00, s6  }
0x1bc: {  	[tilespmem:s9], [sflag:$0x1] =	stream.linear.gather @!p0 [hbm4b:s8+s9], $0x8000, $0x38;
	[tilespmem:$0x1AB80] =	vst v63  }
0x1bd: {  	s6 =	sadd.s32 @!p0 s6, s16;
	s8 =	simm.s32 @!p0 $0x80;
	s9 =	simm.s32 @!p0 $0x400  }
0x1be: {  	[tilespmem:s10], [sflag:$0x1] =	stream.strided.gather @!p0 [hbm4b:s6+s8], $0x100, s9, s8, $0x38;
	[tilespmem:$0x1AB80] =	vst v63  }
0x1bf: {  	_ =	swait.ge [sflag:s26], $0x8000  }
0x1c0: {  	[sflag:s26] =	ssyncset.done $0x0  }
0x1c1: {  	[sflag:s26] =	ssyncadd.s32 $0xFFFF8000  }
0x1c2: {  	_ =	swait.ge [sflag:s26], $0x100  }
0x1c3: {  	[sflag:s26] =	ssyncset.done $0x0  }
0x1c4: {  	[sflag:s26] =	ssyncadd.s32 $0xFFFFFF00  }
0x1c5: {  	v1 =	vld [tilespmem:$0x18180]  }
0x1c6: {  	v2 =	vld [tilespmem:$0x1827F];
	_ =	sdelay $0x3  }
0x1c7: {  	(v2sf) =	vpush v1, $0x0  }
0x1c8: {  	(v2sf) =	vpush v2, $0x0;
	_ =	sdelay $0xd  }
0x1c9: {  	s21 =	spop (v2sf)  }
0x1ca: {  	s6 =	spop (v2sf)  }
0x1cb: {  	p0 =	sne.s32 s6, s21  }
.Ltmp17:
0x1cc: {  	_ = 	snop;
	(pc) =	sbr.rel @p0 .LBB2_37-.Ltmp17, $1  }
0x1cd: {  	_ =	sdelay $0x3  }
0x1ce: {  	s22 =	simm.s32 $0x0  }
0x1cf: {  	v7 =	vld [tilespmem:s22+$0x8380]  }
0x1d0: {  	v8 =	vld [tilespmem:s22+$0x8390]  }
0x1d1: {  	v9 =	vld [tilespmem:s22+$0x83A0]  }
0x1d2: {  	v11 =	vld [tilespmem:s22+$0x83B0]  }
0x1d3: {  	v1 =	vld [tilespmem:s22+$0x83C0]  }
0x1d4: {  	v2 =	vld [tilespmem:s22+$0x83D0]  }
0x1d5: {  	v15 =	vld [tilespmem:s22+$0x8300]  }
0x1d6: {  	v17 =	vld [tilespmem:s22+$0x8310]  }
0x1d7: {  	v14 =	vld [tilespmem:s22+$0x8320]  }
0x1d8: {  	v16 =	vld [tilespmem:s22+$0x8330]  }
0x1d9: {  	v3 =	vld [tilespmem:s22+$0x8340]  }
0x1da: {  	v4 =	vld [tilespmem:s22+$0x8350]  }
0x1db: {  	v18 =	vld [tilespmem:s22+$0x8280]  }
0x1dc: {  	v19 =	vld [tilespmem:s22+$0x8290]  }
0x1dd: {  	v20 =	vld [tilespmem:s22+$0x82A0]  }
0x1de: {  	v26 =	vld [tilespmem:s22+$0x82B0]  }
0x1df: {  	v5 =	vld [tilespmem:s22+$0x82C0]  }
0x1e0: {  	v6 =	vld [tilespmem:s22+$0x82D0]  }
0x1e1: {  	v23 =	vld [tilespmem:s22+$0x8200]  }
0x1e2: {  	v24 =	vld [tilespmem:s22+$0x8210]  }
0x1e3: {  	v25 =	vld [tilespmem:s22+$0x8220]  }
0x1e4: {  	v31 =	vld [tilespmem:s22+$0x8230]  }
0x1e5: {  	v10 =	vld [tilespmem:s22+$0x8240]  }
0x1e6: {  	v28 =	vld [tilespmem:s22+$0x8180]  }
0x1e7: {  	v29 =	vld [tilespmem:s22+$0x8190]  }
0x1e8: {  	v22 =	vld [tilespmem:s22+$0x8100]  }
0x1e9: {  	v27 =	vld [tilespmem:s22+$0x8110]  }
0x1ea: {  	v12 =	vld [tilespmem:s22+$0x8080]  }
0x1eb: {  	v21 =	vld [tilespmem:s22+$0x8090]  }
0x1ec: {  	v30 =	vld [tilespmem:s22+$0x8000]  }
0x1ed: {  	v32 =	vld [tilespmem:s22+$0x8010]  }
0x1ee: {  	v33 =	vld [tilespmem:s22+$0x8020]  }
0x1ef: {  	v34 =	vld [tilespmem:s22+$0x8030]  }
0x1f0: {  	v35 =	vld [tilespmem:s22+$0x80A0]  }
0x1f1: {  	v36 =	vld [tilespmem:s22+$0x80B0]  }
0x1f2: {  	v13 =	vimm.f32 $0.0e+00;
	v37 =	vld [tilespmem:s22+$0x8120]  }
0x1f3: {  	v38 =	vld [tilespmem:s22+$0x8130];
	v30 =	vadd.f32 v30, v13;
	v32 =	vadd.f32 v32, v13  }
0x1f4: {  	v39 =	vld [tilespmem:s22+$0x81A0];
	v33 =	vadd.f32 v33, v13;
	v34 =	vadd.f32 v34, v13  }
0x1f5: {  	v40 =	vld [tilespmem:s22+$0x81B0];
	v30 =	vadd.f32 v12, v30;
	v32 =	vadd.f32 v21, v32  }
0x1f6: {  	v12 =	vld [tilespmem:s22+$0x8250];
	v33 =	vadd.f32 v35, v33;
	v34 =	vadd.f32 v36, v34  }
0x1f7: {  	v21 =	vld [tilespmem:s22+$0x81C0];
	v30 =	vadd.f32 v22, v30;
	v32 =	vadd.f32 v27, v32  }
0x1f8: {  	v22 =	vld [tilespmem:s22+$0x81D0];
	v33 =	vadd.f32 v37, v33;
	v34 =	vadd.f32 v38, v34  }
0x1f9: {  	v27 =	vld [tilespmem:s22+$0x8140];
	v30 =	vadd.f32 v28, v30;
	v32 =	vadd.f32 v29, v32  }
0x1fa: {  	v28 =	vld [tilespmem:s22+$0x8150];
	v33 =	vadd.f32 v39, v33;
	v34 =	vadd.f32 v40, v34  }
0x1fb: {  	v29 =	vld [tilespmem:s22+$0x80C0];
	v23 =	vadd.f32 v23, v30;
	v24 =	vadd.f32 v24, v32  }
0x1fc: {  	v30 =	vld [tilespmem:s22+$0x80D0];
	v25 =	vadd.f32 v25, v33;
	v63 =	vadd.f32 v31, v34  }
0x1fd: {  	v31 =	vld [tilespmem:s22+$0x8040];
	v23 =	vadd.f32 v18, v23;
	v24 =	vadd.f32 v19, v24  }
0x1fe: {  	v32 =	vld [tilespmem:s22+$0x8050];
	v25 =	vadd.f32 v20, v25;
	v26 =	vadd.f32 v26, v63  }
0x1ff: {  	s23 =	simm.s32 $0x1000;
	v33 =	vld [tilespmem:s22+$0x8060];
	v20 =	vimm.f32 $0.0e+00;
	v18 =	vimm.f32 $0.0e+00;
	v19 =	vimm.f32 $0.0e+00  }
.LBB2_35:
0x200: {  	p0 =	sne.s32 s23, $0x1F000;
	v34 =	vld [tilespmem:s22+$0x8070];
	v15 =	vadd.f32 v15, v23;
	v17 =	vadd.f32 v17, v24  }
0x201: {  	v35 =	vld [tilespmem:s22+$0x80E0];
	v14 =	vadd.f32 v14, v25;
	v16 =	vadd.f32 v16, v26  }
0x202: {  	v36 =	vld [tilespmem:s22+$0x80F0];
	v23 =	vadd.f32 v7, v15;
	v24 =	vadd.f32 v8, v17  }
0x203: {  	v7 =	vld [tilespmem:s22+$0x8160];
	v25 =	vadd.f32 v9, v14;
	v26 =	vadd.f32 v11, v16  }
0x204: {  	v8 =	vadd.f32 v31, v13;
	v9 =	vadd.f32 v32, v20;
	v11 =	vld [tilespmem:s22+$0x8170]  }
0x205: {  	v13 =	vadd.f32 v33, v18;
	v14 =	vadd.f32 v34, v19;
	v15 =	vld [tilespmem:s22+$0x81E0]  }
0x206: {  	v8 =	vadd.f32 v29, v8;
	v9 =	vadd.f32 v30, v9;
	v16 =	vld [tilespmem:s22+$0x81F0]  }
0x207: {  	v13 =	vadd.f32 v35, v13;
	v14 =	vadd.f32 v36, v14;
	v17 =	vld [tilespmem:s22+$0x8260]  }
0x208: {  	v8 =	vadd.f32 v27, v8;
	v9 =	vadd.f32 v28, v9;
	v18 =	vld [tilespmem:s22+$0x8270]  }
0x209: {  	v7 =	vadd.f32 v7, v13;
	v11 =	vadd.f32 v11, v14;
	v13 =	vld [tilespmem:s22+$0x82E0]  }
0x20a: {  	v8 =	vadd.f32 v21, v8;
	v9 =	vadd.f32 v22, v9;
	v14 =	vld [tilespmem:s22+$0x82F0]  }
0x20b: {  	v7 =	vadd.f32 v15, v7;
	v11 =	vadd.f32 v16, v11;
	v15 =	vld [tilespmem:s22+$0x8360]  }
0x20c: {  	v8 =	vadd.f32 v10, v8;
	v9 =	vadd.f32 v12, v9;
	v10 =	vld [tilespmem:s22+$0x8370]  }
0x20d: {  	v12 =	vadd.f32 v17, v7;
	v11 =	vadd.f32 v18, v11;
	v16 =	vld [tilespmem:s22+$0x83E0]  }
0x20e: {  	v5 =	vadd.f32 v5, v8;
	v6 =	vadd.f32 v6, v9;
	v17 =	vld [tilespmem:s22+$0x83F0];
	s22 =	sshra.s32 s23, $0x2  }
0x20f: {  	v12 =	vadd.f32 v13, v12;
	v7 =	vld [tilespmem:s22+$0x8380];
	v11 =	vadd.f32 v14, v11  }
0x210: {  	v3 =	vadd.f32 v3, v5;
	v4 =	vadd.f32 v4, v6;
	v8 =	vld [tilespmem:s22+$0x8390]  }
0x211: {  	v5 =	vadd.f32 v15, v12;
	v9 =	vld [tilespmem:s22+$0x83A0];
	v6 =	vadd.f32 v10, v11  }
0x212: {  	v13 =	vadd.f32 v1, v3;
	v20 =	vadd.f32 v2, v4;
	v11 =	vld [tilespmem:s22+$0x83B0]  }
0x213: {  	v18 =	vadd.f32 v16, v5;
	v1 =	vld [tilespmem:s22+$0x83C0];
	v19 =	vadd.f32 v17, v6  }
0x214: {  	v2 =	vld [tilespmem:s22+$0x83D0]  }
0x215: {  	v15 =	vld [tilespmem:s22+$0x8300]  }
0x216: {  	v17 =	vld [tilespmem:s22+$0x8310]  }
0x217: {  	v14 =	vld [tilespmem:s22+$0x8320]  }
0x218: {  	v16 =	vld [tilespmem:s22+$0x8330]  }
0x219: {  	v3 =	vld [tilespmem:s22+$0x8340]  }
0x21a: {  	v4 =	vld [tilespmem:s22+$0x8350]  }
0x21b: {  	v33 =	vld [tilespmem:s22+$0x8280]  }
0x21c: {  	v34 =	vld [tilespmem:s22+$0x8290]  }
0x21d: {  	v35 =	vld [tilespmem:s22+$0x82A0]  }
0x21e: {  	v36 =	vld [tilespmem:s22+$0x82B0]  }
0x21f: {  	v5 =	vld [tilespmem:s22+$0x82C0]  }
0x220: {  	v6 =	vld [tilespmem:s22+$0x82D0]  }
0x221: {  	v31 =	vld [tilespmem:s22+$0x8200]  }
0x222: {  	v32 =	vld [tilespmem:s22+$0x8210]  }
0x223: {  	v37 =	vld [tilespmem:s22+$0x8220]  }
0x224: {  	v38 =	vld [tilespmem:s22+$0x8230]  }
0x225: {  	v10 =	vld [tilespmem:s22+$0x8240]  }
0x226: {  	v12 =	vld [tilespmem:s22+$0x8250]  }
0x227: {  	v29 =	vld [tilespmem:s22+$0x8180]  }
0x228: {  	v30 =	vld [tilespmem:s22+$0x8190]  }
0x229: {  	v22 =	vld [tilespmem:s22+$0x8100]  }
0x22a: {  	v27 =	vld [tilespmem:s22+$0x8110]  }
0x22b: {  	v21 =	vld [tilespmem:s22+$0x8080]  }
0x22c: {  	v28 =	vld [tilespmem:s22+$0x8090]  }
0x22d: {  	v39 =	vld [tilespmem:s22+$0x8000]  }
0x22e: {  	v40 =	vld [tilespmem:s22+$0x8010]  }
0x22f: {  	v41 =	vld [tilespmem:s22+$0x8020]  }
0x230: {  	v42 =	vld [tilespmem:s22+$0x8030]  }
0x231: {  	v43 =	vld [tilespmem:s22+$0x80A0]  }
0x232: {  	v44 =	vld [tilespmem:s22+$0x80B0]  }
0x233: {  	v45 =	vld [tilespmem:s22+$0x8120]  }
0x234: {  	v23 =	vadd.f32 v39, v23;
	v24 =	vadd.f32 v40, v24;
	v39 =	vld [tilespmem:s22+$0x8130]  }
0x235: {  	v25 =	vadd.f32 v41, v25;
	v26 =	vadd.f32 v42, v26;
	v40 =	vld [tilespmem:s22+$0x81A0]  }
0x236: {  	v23 =	vadd.f32 v21, v23;
	v24 =	vadd.f32 v28, v24;
	v41 =	vld [tilespmem:s22+$0x81B0]  }
0x237: {  	v25 =	vadd.f32 v43, v25;
	v26 =	vadd.f32 v44, v26;
	v21 =	vld [tilespmem:s22+$0x81C0]  }
0x238: {  	v23 =	vadd.f32 v22, v23;
	v24 =	vadd.f32 v27, v24;
	v22 =	vld [tilespmem:s22+$0x81D0]  }
0x239: {  	v25 =	vadd.f32 v45, v25;
	v26 =	vadd.f32 v39, v26;
	v27 =	vld [tilespmem:s22+$0x8140]  }
0x23a: {  	v23 =	vadd.f32 v29, v23;
	v24 =	vadd.f32 v30, v24;
	v28 =	vld [tilespmem:s22+$0x8150]  }
.Ltmp18:
0x23b: {  	v25 =	vadd.f32 v40, v25;
	v29 =	vld [tilespmem:s22+$0x80C0];
	v26 =	vadd.f32 v41, v26;
	(pc) =	sbr.rel @p0 .LBB2_35-.Ltmp18, $4  }
0x23c: {  	v23 =	vadd.f32 v31, v23;
	v24 =	vadd.f32 v32, v24;
	v30 =	vld [tilespmem:s22+$0x80D0]  }
0x23d: {  	v25 =	vadd.f32 v37, v25;
	v31 =	vld [tilespmem:s22+$0x8040];
	v26 =	vadd.f32 v38, v26  }
0x23e: {  	v23 =	vadd.f32 v33, v23;
	v24 =	vadd.f32 v34, v24;
	v32 =	vld [tilespmem:s22+$0x8050]  }
0x23f: {  	s23 =	sadd.s32 $0x1000, s23;
	v25 =	vadd.f32 v35, v25;
	v33 =	vld [tilespmem:s22+$0x8060];
	v26 =	vadd.f32 v36, v26  }
0x240: {  	v34 =	vld [tilespmem:s22+$0x8070]  }
0x241: {  	v35 =	vld [tilespmem:s22+$0x80E0]  }
0x242: {  	v36 =	vld [tilespmem:s22+$0x80F0]  }
0x243: {  	v15 =	vadd.f32 v15, v23;
	v17 =	vadd.f32 v17, v24;
	v39 =	vld [tilespmem:s22+$0x8160]  }
0x244: {  	v40 =	vld [tilespmem:s22+$0x8170];
	s6 =	sshll.u32 s21, $0x9;
	v14 =	vadd.f32 v14, v25;
	v16 =	vadd.f32 v16, v26  }
0x245: {  	v41 =	vld [tilespmem:s22+$0x81E0];
	s6 =	sshra.s32 s6, $0x2;
	v7 =	vadd.f32 v7, v15;
	v8 =	vadd.f32 v8, v17  }
0x246: {  	v13 =	vadd.f32 v31, v13;
	v52 =	vld [tilespmem:s6+$0x18B80];
	v9 =	vadd.f32 v9, v14  }
0x247: {  	v53 =	vld [tilespmem:s6+$0x18B90];
	v11 =	vadd.f32 v11, v16;
	v43 =	vadd.f32 v32, v20  }
0x248: {  	v56 =	vld [tilespmem:s6+$0x18BB0];
	v18 =	vadd.f32 v33, v18;
	v13 =	vadd.f32 v29, v13  }
0x249: {  	v42 =	vld [tilespmem:s22+$0x81F0];
	v19 =	vadd.f32 v34, v19;
	v16 =	vadd.f32 v30, v43  }
0x24a: {  	v44 =	vld [tilespmem:s22+$0x8260];
	v18 =	vadd.f32 v35, v18;
	v13 =	vadd.f32 v27, v13  }
0x24b: {  	v45 =	vld [tilespmem:s22+$0x8270];
	v19 =	vadd.f32 v36, v19;
	v16 =	vadd.f32 v28, v16  }
0x24c: {  	v46 =	vld [tilespmem:s22+$0x82E0];
	v7 =	vadd.f32 v52, v7;
	v8 =	vadd.f32 v53, v8  }
0x24d: {  	v47 =	vld [tilespmem:s22+$0x82F0];
	v63 =	vadd.f32 v56, v11;
	v18 =	vadd.f32 v39, v18  }
0x24e: {  	v48 =	vld [tilespmem:s22+$0x8360];
	v13 =	vadd.f32 v21, v13;
	v19 =	vadd.f32 v40, v19  }
0x24f: {  	v49 =	vld [tilespmem:s22+$0x8370];
	v16 =	vadd.f32 v22, v16;
	v15 =	vadd.f32 v41, v18  }
0x250: {  	v50 =	vld [tilespmem:s22+$0x83E0];
	v10 =	vadd.f32 v10, v13;
	v14 =	vadd.f32 v42, v19  }
0x251: {  	v54 =	vld [tilespmem:s6+$0x18BA0];
	v12 =	vadd.f32 v12, v16;
	v15 =	vadd.f32 v44, v15  }
0x252: {  	v51 =	vld [tilespmem:s22+$0x83F0];
	v5 =	vadd.f32 v5, v10;
	v14 =	vadd.f32 v45, v14  }
0x253: {  	v57 =	vld [tilespmem:s6+$0x18BC0];
	v6 =	vadd.f32 v6, v12;
	v55 =	vadd.f32 v46, v15  }
0x254: {  	v59 =	vld [tilespmem:s6+$0x18BD0];
	v3 =	vadd.f32 v3, v5;
	v14 =	vadd.f32 v47, v14  }
0x255: {  	v61 =	vld [tilespmem:s6+$0x18BE0];
	v4 =	vadd.f32 v4, v6;
	v58 =	vadd.f32 v48, v55  }
0x256: {  	v62 =	vld [tilespmem:s6+$0x18BF0];
	[tilespmem:s6+$0x18B80] =	vst v7;
	v1 =	vadd.f32 v1, v3;
	v3 =	vadd.f32 v54, v9  }
0x257: {  	[tilespmem:s6+$0x18B90] =	vst v8;
	v60 =	vadd.f32 v49, v14;
	v2 =	vadd.f32 v2, v4  }
0x258: {  	[tilespmem:s6+$0x18BB0] =	vst v63;
	v6 =	vadd.f32 v50, v58;
	v1 =	vadd.f32 v57, v1  }
.Ltmp19:
0x259: {  	[tilespmem:s6+$0x18BA0] =	vst v3;
	v3 =	vadd.f32 v51, v60;
	v2 =	vadd.f32 v59, v2;
	(pc) =	sbr.rel .LBB2_48-.Ltmp19, $4  }
0x25a: {  	[tilespmem:s6+$0x18BC0] =	vst v1;
	v1 =	vadd.f32 v61, v6  }
0x25b: {  	[tilespmem:s6+$0x18BD0] =	vst v2;
	v2 =	vadd.f32 v62, v3  }
0x25c: {  	[tilespmem:s6+$0x18BE0] =	vst v1  }
0x25d: {  	[tilespmem:s6+$0x18BF0] =	vst v2  }
.LBB2_37:
0x25e: {  	s22 =	ssub.s32 s6, s21  }
0x25f: {  	p0 =	sgt.u32 s22, $0x7FFFFFFE  }
.Ltmp20:
0x260: {  	_ = 	snop;
	(pc) =	sbr.rel @!p0 .LBB2_38-.Ltmp20, $2  }
0x261: {  	_ =	sdelay $0x2  }
0x262: {  	s29 =	simm.s32 $0x0;
	s23 =	simm.s32 $0x0  }
.LBB2_48:
0x263: {  	s2 =	sadd.s32 s15, s2  }
0x264: {  	p0 =	sgt.u32 s2, $0x4E1  }
.Ltmp21:
0x265: {  	_ = 	snop;
	(pc) =	sbr.rel @p0 .LBB2_64-.Ltmp21, $1  }
0x266: {  	_ =	sdelay $0x3  }
0x267: {  	p0 =	sgt.u32 s2, $0x4A1  }
0x268: {  	s2 =	sadd.s32 @!p0 $0x40, s2  }
0x269: {  	s8 =	simm.s32 @!p0 $0x0;
	s6 =	sshll.u32 @!p0 s2, $0xC;
	s2 =	sshll.u32 @!p0 s2, $0x5  }
0x26a: {  	s9 =	simm.s32 @!p0 $0x8000;
	s6 =	sadd.s32 @!p0 s1, s6;
	s2 =	sand.u32 @!p0 $0x1FF00, s2  }
0x26b: {  	[tilespmem:s9], [sflag:$0x1] =	stream.linear.gather @!p0 [hbm4b:s6+s8], $0x8000, $0x38;
	[tilespmem:$0x1AB80] =	vst v63  }
0x26c: {  	s2 =	sadd.s32 @!p0 s2, s16  }
0x26d: {  	s6 =	simm.s32 @!p0 $0x80;
	s8 =	simm.s32 @!p0 $0x400;
	s9 =	simm.s32 @!p0 $0x18180  }
0x26e: {  	[tilespmem:s9], [sflag:$0x1] =	stream.strided.gather @!p0 [hbm4b:s2+s6], $0x100, s8, s6, $0x38;
	[tilespmem:$0x1AB80] =	vst v63  }
0x26f: {  	_ =	swait.ge [sflag:s26], $0x8000  }
0x270: {  	[sflag:s26] =	ssyncset.done $0x0  }
0x271: {  	[sflag:s26] =	ssyncadd.s32 $0xFFFF8000  }
0x272: {  	_ =	swait.ge [sflag:s26], $0x100  }
0x273: {  	[sflag:s26] =	ssyncset.done $0x0  }
0x274: {  	[sflag:s26] =	ssyncadd.s32 $0xFFFFFF00  }
0x275: {  	v1 =	vld [tilespmem:$0x18300]  }
0x276: {  	v2 =	vld [tilespmem:$0x183FF];
	_ =	sdelay $0x3  }
0x277: {  	(v2sf) =	vpush v1, $0x0  }
0x278: {  	(v2sf) =	vpush v2, $0x0;
	_ =	sdelay $0xd  }
0x279: {  	s2 =	spop (v2sf)  }
0x27a: {  	s6 =	spop (v2sf)  }
0x27b: {  	p0 =	sne.s32 s6, s2  }
.Ltmp22:
0x27c: {  	_ = 	snop;
	(pc) =	sbr.rel @p0 .LBB2_53-.Ltmp22, $1  }
0x27d: {  	_ =	sdelay $0x3  }
0x27e: {  	s21 =	simm.s32 $0x0  }
0x27f: {  	v7 =	vld [tilespmem:s21+$0x10380]  }
0x280: {  	v8 =	vld [tilespmem:s21+$0x10390]  }
0x281: {  	v9 =	vld [tilespmem:s21+$0x103A0]  }
0x282: {  	v11 =	vld [tilespmem:s21+$0x103B0]  }
0x283: {  	v1 =	vld [tilespmem:s21+$0x103C0]  }
0x284: {  	v2 =	vld [tilespmem:s21+$0x103D0]  }
0x285: {  	v15 =	vld [tilespmem:s21+$0x10300]  }
0x286: {  	v17 =	vld [tilespmem:s21+$0x10310]  }
0x287: {  	v14 =	vld [tilespmem:s21+$0x10320]  }
0x288: {  	v16 =	vld [tilespmem:s21+$0x10330]  }
0x289: {  	v3 =	vld [tilespmem:s21+$0x10340]  }
0x28a: {  	v4 =	vld [tilespmem:s21+$0x10350]  }
0x28b: {  	v18 =	vld [tilespmem:s21+$0x10280]  }
0x28c: {  	v19 =	vld [tilespmem:s21+$0x10290]  }
0x28d: {  	v20 =	vld [tilespmem:s21+$0x102A0]  }
0x28e: {  	v26 =	vld [tilespmem:s21+$0x102B0]  }
0x28f: {  	v5 =	vld [tilespmem:s21+$0x102C0]  }
0x290: {  	v6 =	vld [tilespmem:s21+$0x102D0]  }
0x291: {  	v23 =	vld [tilespmem:s21+$0x10200]  }
0x292: {  	v24 =	vld [tilespmem:s21+$0x10210]  }
0x293: {  	v25 =	vld [tilespmem:s21+$0x10220]  }
0x294: {  	v31 =	vld [tilespmem:s21+$0x10230]  }
0x295: {  	v10 =	vld [tilespmem:s21+$0x10240]  }
0x296: {  	v28 =	vld [tilespmem:s21+$0x10180]  }
0x297: {  	v29 =	vld [tilespmem:s21+$0x10190]  }
0x298: {  	v22 =	vld [tilespmem:s21+$0x10100]  }
0x299: {  	v27 =	vld [tilespmem:s21+$0x10110]  }
0x29a: {  	v12 =	vld [tilespmem:s21+$0x10080]  }
0x29b: {  	v21 =	vld [tilespmem:s21+$0x10090]  }
0x29c: {  	v30 =	vld [tilespmem:s21+$0x10000]  }
0x29d: {  	v32 =	vld [tilespmem:s21+$0x10010]  }
0x29e: {  	v33 =	vld [tilespmem:s21+$0x10020]  }
0x29f: {  	v34 =	vld [tilespmem:s21+$0x10030]  }
0x2a0: {  	v35 =	vld [tilespmem:s21+$0x100A0]  }
0x2a1: {  	v36 =	vld [tilespmem:s21+$0x100B0]  }
0x2a2: {  	v13 =	vimm.f32 $0.0e+00;
	v37 =	vld [tilespmem:s21+$0x10120]  }
0x2a3: {  	v38 =	vld [tilespmem:s21+$0x10130];
	v30 =	vadd.f32 v30, v13;
	v32 =	vadd.f32 v32, v13  }
0x2a4: {  	v39 =	vld [tilespmem:s21+$0x101A0];
	v33 =	vadd.f32 v33, v13;
	v34 =	vadd.f32 v34, v13  }
0x2a5: {  	v40 =	vld [tilespmem:s21+$0x101B0];
	v30 =	vadd.f32 v12, v30;
	v32 =	vadd.f32 v21, v32  }
0x2a6: {  	v12 =	vld [tilespmem:s21+$0x10250];
	v33 =	vadd.f32 v35, v33;
	v34 =	vadd.f32 v36, v34  }
0x2a7: {  	v21 =	vld [tilespmem:s21+$0x101C0];
	v30 =	vadd.f32 v22, v30;
	v32 =	vadd.f32 v27, v32  }
0x2a8: {  	v22 =	vld [tilespmem:s21+$0x101D0];
	v33 =	vadd.f32 v37, v33;
	v34 =	vadd.f32 v38, v34  }
0x2a9: {  	v27 =	vld [tilespmem:s21+$0x10140];
	v30 =	vadd.f32 v28, v30;
	v32 =	vadd.f32 v29, v32  }
0x2aa: {  	v28 =	vld [tilespmem:s21+$0x10150];
	v33 =	vadd.f32 v39, v33;
	v34 =	vadd.f32 v40, v34  }
0x2ab: {  	v29 =	vld [tilespmem:s21+$0x100C0];
	v23 =	vadd.f32 v23, v30;
	v24 =	vadd.f32 v24, v32  }
0x2ac: {  	v30 =	vld [tilespmem:s21+$0x100D0];
	v25 =	vadd.f32 v25, v33;
	v63 =	vadd.f32 v31, v34  }
0x2ad: {  	v31 =	vld [tilespmem:s21+$0x10040];
	v23 =	vadd.f32 v18, v23;
	v24 =	vadd.f32 v19, v24  }
0x2ae: {  	v32 =	vld [tilespmem:s21+$0x10050];
	v25 =	vadd.f32 v20, v25;
	v26 =	vadd.f32 v26, v63  }
0x2af: {  	s22 =	simm.s32 $0x1000;
	v33 =	vld [tilespmem:s21+$0x10060];
	v20 =	vimm.f32 $0.0e+00;
	v18 =	vimm.f32 $0.0e+00;
	v19 =	vimm.f32 $0.0e+00  }
.LBB2_51:
0x2b0: {  	p0 =	sne.s32 s22, $0x1F000;
	v34 =	vld [tilespmem:s21+$0x10070];
	v15 =	vadd.f32 v15, v23;
	v17 =	vadd.f32 v17, v24  }
0x2b1: {  	v35 =	vld [tilespmem:s21+$0x100E0];
	v14 =	vadd.f32 v14, v25;
	v16 =	vadd.f32 v16, v26  }
0x2b2: {  	v36 =	vld [tilespmem:s21+$0x100F0];
	v23 =	vadd.f32 v7, v15;
	v24 =	vadd.f32 v8, v17  }
0x2b3: {  	v7 =	vld [tilespmem:s21+$0x10160];
	v25 =	vadd.f32 v9, v14;
	v26 =	vadd.f32 v11, v16  }
0x2b4: {  	v8 =	vadd.f32 v31, v13;
	v9 =	vadd.f32 v32, v20;
	v11 =	vld [tilespmem:s21+$0x10170]  }
0x2b5: {  	v13 =	vadd.f32 v33, v18;
	v14 =	vadd.f32 v34, v19;
	v15 =	vld [tilespmem:s21+$0x101E0]  }
0x2b6: {  	v8 =	vadd.f32 v29, v8;
	v9 =	vadd.f32 v30, v9;
	v16 =	vld [tilespmem:s21+$0x101F0]  }
0x2b7: {  	v13 =	vadd.f32 v35, v13;
	v14 =	vadd.f32 v36, v14;
	v17 =	vld [tilespmem:s21+$0x10260]  }
0x2b8: {  	v8 =	vadd.f32 v27, v8;
	v9 =	vadd.f32 v28, v9;
	v18 =	vld [tilespmem:s21+$0x10270]  }
0x2b9: {  	v7 =	vadd.f32 v7, v13;
	v11 =	vadd.f32 v11, v14;
	v13 =	vld [tilespmem:s21+$0x102E0]  }
0x2ba: {  	v8 =	vadd.f32 v21, v8;
	v9 =	vadd.f32 v22, v9;
	v14 =	vld [tilespmem:s21+$0x102F0]  }
0x2bb: {  	v7 =	vadd.f32 v15, v7;
	v11 =	vadd.f32 v16, v11;
	v15 =	vld [tilespmem:s21+$0x10360]  }
0x2bc: {  	v8 =	vadd.f32 v10, v8;
	v9 =	vadd.f32 v12, v9;
	v10 =	vld [tilespmem:s21+$0x10370]  }
0x2bd: {  	v12 =	vadd.f32 v17, v7;
	v11 =	vadd.f32 v18, v11;
	v16 =	vld [tilespmem:s21+$0x103E0]  }
0x2be: {  	v5 =	vadd.f32 v5, v8;
	v6 =	vadd.f32 v6, v9;
	v17 =	vld [tilespmem:s21+$0x103F0];
	s21 =	sshra.s32 s22, $0x2  }
0x2bf: {  	v12 =	vadd.f32 v13, v12;
	v7 =	vld [tilespmem:s21+$0x10380];
	v11 =	vadd.f32 v14, v11  }
0x2c0: {  	v3 =	vadd.f32 v3, v5;
	v4 =	vadd.f32 v4, v6;
	v8 =	vld [tilespmem:s21+$0x10390]  }
0x2c1: {  	v5 =	vadd.f32 v15, v12;
	v9 =	vld [tilespmem:s21+$0x103A0];
	v6 =	vadd.f32 v10, v11  }
0x2c2: {  	v13 =	vadd.f32 v1, v3;
	v20 =	vadd.f32 v2, v4;
	v11 =	vld [tilespmem:s21+$0x103B0]  }
0x2c3: {  	v18 =	vadd.f32 v16, v5;
	v1 =	vld [tilespmem:s21+$0x103C0];
	v19 =	vadd.f32 v17, v6  }
0x2c4: {  	v2 =	vld [tilespmem:s21+$0x103D0]  }
0x2c5: {  	v15 =	vld [tilespmem:s21+$0x10300]  }
0x2c6: {  	v17 =	vld [tilespmem:s21+$0x10310]  }
0x2c7: {  	v14 =	vld [tilespmem:s21+$0x10320]  }
0x2c8: {  	v16 =	vld [tilespmem:s21+$0x10330]  }
0x2c9: {  	v3 =	vld [tilespmem:s21+$0x10340]  }
0x2ca: {  	v4 =	vld [tilespmem:s21+$0x10350]  }
0x2cb: {  	v33 =	vld [tilespmem:s21+$0x10280]  }
0x2cc: {  	v34 =	vld [tilespmem:s21+$0x10290]  }
0x2cd: {  	v35 =	vld [tilespmem:s21+$0x102A0]  }
0x2ce: {  	v36 =	vld [tilespmem:s21+$0x102B0]  }
0x2cf: {  	v5 =	vld [tilespmem:s21+$0x102C0]  }
0x2d0: {  	v6 =	vld [tilespmem:s21+$0x102D0]  }
0x2d1: {  	v31 =	vld [tilespmem:s21+$0x10200]  }
0x2d2: {  	v32 =	vld [tilespmem:s21+$0x10210]  }
0x2d3: {  	v37 =	vld [tilespmem:s21+$0x10220]  }
0x2d4: {  	v38 =	vld [tilespmem:s21+$0x10230]  }
0x2d5: {  	v10 =	vld [tilespmem:s21+$0x10240]  }
0x2d6: {  	v12 =	vld [tilespmem:s21+$0x10250]  }
0x2d7: {  	v29 =	vld [tilespmem:s21+$0x10180]  }
0x2d8: {  	v30 =	vld [tilespmem:s21+$0x10190]  }
0x2d9: {  	v22 =	vld [tilespmem:s21+$0x10100]  }
0x2da: {  	v27 =	vld [tilespmem:s21+$0x10110]  }
0x2db: {  	v21 =	vld [tilespmem:s21+$0x10080]  }
0x2dc: {  	v28 =	vld [tilespmem:s21+$0x10090]  }
0x2dd: {  	v39 =	vld [tilespmem:s21+$0x10000]  }
0x2de: {  	v40 =	vld [tilespmem:s21+$0x10010]  }
0x2df: {  	v41 =	vld [tilespmem:s21+$0x10020]  }
0x2e0: {  	v42 =	vld [tilespmem:s21+$0x10030]  }
0x2e1: {  	v43 =	vld [tilespmem:s21+$0x100A0]  }
0x2e2: {  	v44 =	vld [tilespmem:s21+$0x100B0]  }
0x2e3: {  	v45 =	vld [tilespmem:s21+$0x10120]  }
0x2e4: {  	v23 =	vadd.f32 v39, v23;
	v24 =	vadd.f32 v40, v24;
	v39 =	vld [tilespmem:s21+$0x10130]  }
0x2e5: {  	v25 =	vadd.f32 v41, v25;
	v26 =	vadd.f32 v42, v26;
	v40 =	vld [tilespmem:s21+$0x101A0]  }
0x2e6: {  	v23 =	vadd.f32 v21, v23;
	v24 =	vadd.f32 v28, v24;
	v41 =	vld [tilespmem:s21+$0x101B0]  }
0x2e7: {  	v25 =	vadd.f32 v43, v25;
	v26 =	vadd.f32 v44, v26;
	v21 =	vld [tilespmem:s21+$0x101C0]  }
0x2e8: {  	v23 =	vadd.f32 v22, v23;
	v24 =	vadd.f32 v27, v24;
	v22 =	vld [tilespmem:s21+$0x101D0]  }
0x2e9: {  	v25 =	vadd.f32 v45, v25;
	v26 =	vadd.f32 v39, v26;
	v27 =	vld [tilespmem:s21+$0x10140]  }
0x2ea: {  	v23 =	vadd.f32 v29, v23;
	v24 =	vadd.f32 v30, v24;
	v28 =	vld [tilespmem:s21+$0x10150]  }
.Ltmp23:
0x2eb: {  	v25 =	vadd.f32 v40, v25;
	v29 =	vld [tilespmem:s21+$0x100C0];
	v26 =	vadd.f32 v41, v26;
	(pc) =	sbr.rel @p0 .LBB2_51-.Ltmp23, $4  }
0x2ec: {  	v23 =	vadd.f32 v31, v23;
	v24 =	vadd.f32 v32, v24;
	v30 =	vld [tilespmem:s21+$0x100D0]  }
0x2ed: {  	v25 =	vadd.f32 v37, v25;
	v31 =	vld [tilespmem:s21+$0x10040];
	v26 =	vadd.f32 v38, v26  }
0x2ee: {  	v23 =	vadd.f32 v33, v23;
	v24 =	vadd.f32 v34, v24;
	v32 =	vld [tilespmem:s21+$0x10050]  }
0x2ef: {  	s22 =	sadd.s32 $0x1000, s22;
	v25 =	vadd.f32 v35, v25;
	v33 =	vld [tilespmem:s21+$0x10060];
	v26 =	vadd.f32 v36, v26  }
0x2f0: {  	v34 =	vld [tilespmem:s21+$0x10070]  }
0x2f1: {  	v35 =	vld [tilespmem:s21+$0x100E0]  }
0x2f2: {  	v36 =	vld [tilespmem:s21+$0x100F0]  }
0x2f3: {  	v15 =	vadd.f32 v15, v23;
	v17 =	vadd.f32 v17, v24;
	v39 =	vld [tilespmem:s21+$0x10160]  }
0x2f4: {  	v40 =	vld [tilespmem:s21+$0x10170];
	s2 =	sshll.u32 s2, $0x9;
	v14 =	vadd.f32 v14, v25;
	v16 =	vadd.f32 v16, v26  }
0x2f5: {  	v41 =	vld [tilespmem:s21+$0x101E0];
	s2 =	sshra.s32 s2, $0x2;
	v7 =	vadd.f32 v7, v15;
	v8 =	vadd.f32 v8, v17  }
0x2f6: {  	v13 =	vadd.f32 v31, v13;
	v52 =	vld [tilespmem:s2+$0x18B80];
	v9 =	vadd.f32 v9, v14  }
0x2f7: {  	v53 =	vld [tilespmem:s2+$0x18B90];
	v11 =	vadd.f32 v11, v16;
	v43 =	vadd.f32 v32, v20  }
0x2f8: {  	v56 =	vld [tilespmem:s2+$0x18BB0];
	v18 =	vadd.f32 v33, v18;
	v13 =	vadd.f32 v29, v13  }
0x2f9: {  	v42 =	vld [tilespmem:s21+$0x101F0];
	v19 =	vadd.f32 v34, v19;
	v16 =	vadd.f32 v30, v43  }
0x2fa: {  	v44 =	vld [tilespmem:s21+$0x10260];
	v18 =	vadd.f32 v35, v18;
	v13 =	vadd.f32 v27, v13  }
0x2fb: {  	v45 =	vld [tilespmem:s21+$0x10270];
	v19 =	vadd.f32 v36, v19;
	v16 =	vadd.f32 v28, v16  }
0x2fc: {  	v46 =	vld [tilespmem:s21+$0x102E0];
	v7 =	vadd.f32 v52, v7;
	v8 =	vadd.f32 v53, v8  }
0x2fd: {  	v47 =	vld [tilespmem:s21+$0x102F0];
	v63 =	vadd.f32 v56, v11;
	v18 =	vadd.f32 v39, v18  }
0x2fe: {  	v48 =	vld [tilespmem:s21+$0x10360];
	v13 =	vadd.f32 v21, v13;
	v19 =	vadd.f32 v40, v19  }
0x2ff: {  	v49 =	vld [tilespmem:s21+$0x10370];
	v16 =	vadd.f32 v22, v16;
	v15 =	vadd.f32 v41, v18  }
0x300: {  	v50 =	vld [tilespmem:s21+$0x103E0];
	v10 =	vadd.f32 v10, v13;
	v14 =	vadd.f32 v42, v19  }
0x301: {  	v54 =	vld [tilespmem:s2+$0x18BA0];
	v12 =	vadd.f32 v12, v16;
	v15 =	vadd.f32 v44, v15  }
0x302: {  	v51 =	vld [tilespmem:s21+$0x103F0];
	v5 =	vadd.f32 v5, v10;
	v14 =	vadd.f32 v45, v14  }
0x303: {  	v57 =	vld [tilespmem:s2+$0x18BC0];
	v6 =	vadd.f32 v6, v12;
	v55 =	vadd.f32 v46, v15  }
0x304: {  	v59 =	vld [tilespmem:s2+$0x18BD0];
	v3 =	vadd.f32 v3, v5;
	v14 =	vadd.f32 v47, v14  }
0x305: {  	v61 =	vld [tilespmem:s2+$0x18BE0];
	v4 =	vadd.f32 v4, v6;
	v58 =	vadd.f32 v48, v55  }
0x306: {  	v62 =	vld [tilespmem:s2+$0x18BF0];
	[tilespmem:s2+$0x18B80] =	vst v7;
	v1 =	vadd.f32 v1, v3;
	v3 =	vadd.f32 v54, v9  }
0x307: {  	[tilespmem:s2+$0x18B90] =	vst v8;
	v60 =	vadd.f32 v49, v14;
	v2 =	vadd.f32 v2, v4  }
0x308: {  	[tilespmem:s2+$0x18BB0] =	vst v63;
	v6 =	vadd.f32 v50, v58;
	v1 =	vadd.f32 v57, v1  }
.Ltmp24:
0x309: {  	[tilespmem:s2+$0x18BA0] =	vst v3;
	v3 =	vadd.f32 v51, v60;
	v2 =	vadd.f32 v59, v2;
	(pc) =	sbr.rel .LBB2_64-.Ltmp24, $4  }
0x30a: {  	[tilespmem:s2+$0x18BC0] =	vst v1;
	v1 =	vadd.f32 v61, v6  }
0x30b: {  	[tilespmem:s2+$0x18BD0] =	vst v2;
	v2 =	vadd.f32 v62, v3  }
0x30c: {  	[tilespmem:s2+$0x18BE0] =	vst v1  }
0x30d: {  	[tilespmem:s2+$0x18BF0] =	vst v2  }
.LBB2_53:
0x30e: {  	s21 =	ssub.s32 s6, s2  }
0x30f: {  	p0 =	sgt.u32 s21, $0x7FFFFFFE  }
.Ltmp25:
0x310: {  	_ = 	snop;
	(pc) =	sbr.rel @p0 .LBB2_64-.Ltmp25, $4  }
.Ltmp26:
0x311: {  	_ = 	snop;
	(pc) =	sbr.rel @!p0 .LBB2_54-.Ltmp26, $4  }
0x312: {  	_ = 	snop  }
0x313: {  	_ = 	snop  }
0x314: {  	s24 =	simm.s32 $0x0;
	s22 =	simm.s32 $0x0  }
0x315: {  	_ = 	snop  }
.LBB2_26:
0x316: {  	v7 =	vimm.f32 $0.0e+00;
	v11 =	vimm.f32 $0.0e+00  }
0x317: {  	v13 =	vimm.f32 $0.0e+00;
	v14 =	vimm.f32 $0.0e+00;
	v2 =	vimm.f32 $0.0e+00  }
0x318: {  	v4 =	vimm.f32 $0.0e+00;
	v5 =	vimm.f32 $0.0e+00;
	v6 =	vimm.f32 $0.0e+00  }
.LBB2_30:
0x319: {  	v15 =	vld [tilespmem:s30+$0xFFFFFFD0]  }
0x31a: {  	v16 =	vld [tilespmem:s30+$0xFFFFFFE0]  }
0x31b: {  	v17 =	vld [tilespmem:s30+$0xFFFFFFF0]  }
0x31c: {  	v18 =	vld [tilespmem:s30+$0x0]  }
0x31d: {  	v19 =	vld [tilespmem:s30+$0x10]  }
0x31e: {  	v7 =	vadd.f32 @p0 v8, v7;
	v8 =	vadd.f32 @p0 v9, v11;
	v9 =	vld [tilespmem:s30+$0x20]  }
0x31f: {  	v10 =	vadd.f32 @p0 v10, v13;
	v11 =	vadd.f32 @p0 v12, v14;
	v63 =	vld [tilespmem:s30+$0xFFFFFFC0]  }
0x320: {  	v2 =	vadd.f32 v3, v2;
	v4 =	vadd.f32 v15, v4  }
0x321: {  	v5 =	vadd.f32 v16, v5;
	v3 =	vadd.f32 v17, v6  }
0x322: {  	v6 =	vpsel p0, v7, v1;
	v7 =	vpsel p0, v8, v1;
	v8 =	vpsel p0, v10, v1  }
0x323: {  	v10 =	vpsel p0, v11, v1;
	v1 =	vadd.f32 v18, v6;
	v6 =	vadd.f32 v19, v7  }
0x324: {  	v7 =	vadd.f32 v9, v8;
	v8 =	vadd.f32 v63, v10  }
.LBB2_31:
0x325: {  	s6 =	sshll.u32 s24, $0x9  }
0x326: {  	s6 =	sshra.s32 s6, $0x2  }
0x327: {  	v9 =	vld [tilespmem:s6+$0x18B80]  }
0x328: {  	v10 =	vld [tilespmem:s6+$0x18B90]  }
0x329: {  	v11 =	vld [tilespmem:s6+$0x18BA0]  }
0x32a: {  	v12 =	vld [tilespmem:s6+$0x18BB0]  }
0x32b: {  	v13 =	vld [tilespmem:s6+$0x18BC0]  }
0x32c: {  	v63 =	vld [tilespmem:s6+$0x18BF0];
	v8 =	vadd.f32 v9, v8  }
0x32d: {  	v61 =	vld [tilespmem:s6+$0x18BD0];
	v4 =	vadd.f32 v10, v4  }
0x32e: {  	v62 =	vld [tilespmem:s6+$0x18BE0];
	v5 =	vadd.f32 v11, v5;
	[tilespmem:s6+$0x18B80] =	vst v8  }
0x32f: {  	v3 =	vadd.f32 v12, v3;
	[tilespmem:s6+$0x18B90] =	vst v4  }
0x330: {  	p0 =	sne.s32 s23, s22;
	v1 =	vadd.f32 v13, v1;
	[tilespmem:s6+$0x18BA0] =	vst v5  }
.Ltmp27:
0x331: {  	v2 =	vadd.f32 v63, v2;
	[tilespmem:s6+$0x18BB0] =	vst v3;
	(pc) =	sbr.rel @!p0 .LBB2_32-.Ltmp27, $4  }
0x332: {  	v3 =	vadd.f32 v61, v6;
	[tilespmem:s6+$0x18BC0] =	vst v1  }
0x333: {  	v1 =	vadd.f32 v62, v7;
	[tilespmem:s6+$0x18BF0] =	vst v2  }
0x334: {  	[tilespmem:s6+$0x18BD0] =	vst v3  }
0x335: {  	s23 =	sadd.s32 $0x1, s23;
	[tilespmem:s6+$0x18BE0] =	vst v1  }
.LBB2_22:
0x336: {  	s24 =	sadd.s32 s21, s23  }
0x337: {  	s8 =	simm.s32 $0x100;
	s30 =	smov.u32 s29;
	s10 =	simm.s32 $0x100  }
0x338: {  	s29 =	simm.s32 $0x7;
	s9 =	simm.s32 $0x0;
	s6 =	sadd.s32 $0x1, s24  }
.LBB2_23:
0x339: {  	s11 =	smov.u32 s8  }
0x33a: {  	p0 =	seq.s32 s29, $0x1;
	s8 =	sand.u32 $0x1, s10  }
0x33b: {  	p1 =	slt.s32 s10, $0x1;
	p2 =	seq.s32 s8, $0x1  }
0x33c: {  	s8 =	sshrl.u32 s10, $0x1F;
	p1 =	por !p1, !p2  }
0x33d: {  	s8 =	sadd.s32 s8, s10;
	s10 =	simm.s32 $0x1;
	p1 =	por !p1, !p1  }
0x33e: {  	s8 =	sshra.s32 s8, $0x1;
	s10 =	simm.s32 @!p1 $0x0  }
0x33f: {  	s8 =	ssub.s32 s8, s10  }
0x340: {  	v1 =	vld [tilespmem:s8+$0x18000];
	_ =	sdelay $0x4  }
0x341: {  	(v2sf) =	vpush v1, $0x0;
	_ =	sdelay $0xd  }
.Ltmp28:
0x342: {  	(pc) =	sbr.rel @!p0 .LBB2_23-.Ltmp28, $4  }
0x343: {  	s10 =	spop (v2sf)  }
0x344: {  	p1 =	slt.s32 s10, s6;
	s10 =	sadd.s32 $0x1, s8  }
0x345: {  	s9 =	smov.u32 @p1 s10;
	s8 =	smov.u32 @p1 s11  }
0x346: {  	s29 =	sadd.s32 $0xFFFFFFFF, s29;
	s10 =	sadd.s32 s9, s8  }
0x347: {  	s9 =	sand.u32 $0x1, s10  }
0x348: {  	p0 =	slt.s32 s10, $0x1;
	p1 =	seq.s32 s9, $0x1  }
0x349: {  	s11 =	sshrl.u32 s10, $0x1F;
	p0 =	por !p0, !p1  }
0x34a: {  	s9 =	sadd.s32 s11, s10;
	s10 =	simm.s32 $0x1;
	p0 =	por !p0, !p0  }
0x34b: {  	s9 =	sshra.s32 s9, $0x1;
	s10 =	simm.s32 @!p0 $0x0  }
0x34c: {  	s29 =	ssub.s32 s9, s10  }
0x34d: {  	v1 =	vld [tilespmem:s29+$0x18000];
	_ =	sdelay $0x4  }
0x34e: {  	(v2sf) =	vpush v1, $0x0;
	_ =	sdelay $0xe  }
0x34f: {  	s11 =	spop (v2sf)  }
0x350: {  	p0 =	slt.s32 s11, s6  }
0x351: {  	s29 =	smov.u32 @p0 s8  }
0x352: {  	p0 =	sge.s32 s30, s29  }
.Ltmp29:
0x353: {  	_ = 	snop;
	(pc) =	sbr.rel @p0 .LBB2_31-.Ltmp29, $4  }
0x354: {  	_ = 	snop  }
0x355: {  	v8 =	vimm.f32 $0.0e+00;
	v4 =	vimm.f32 $0.0e+00  }
0x356: {  	v5 =	vimm.f32 $0.0e+00;
	v3 =	vimm.f32 $0.0e+00;
	v6 =	vimm.f32 $0.0e+00  }
0x357: {  	v7 =	vimm.f32 $0.0e+00;
	v2 =	vimm.f32 $0.0e+00;
	v1 =	vimm.f32 $0.0e+00  }
0x358: {  	s11 =	ssub.s32 s29, s30  }
0x359: {  	p1 =	sne.s32 s11, $0x1  }
.Ltmp30:
0x35a: {  	_ = 	snop;
	(pc) =	sbr.rel @!p1 .LBB2_26-.Ltmp30, $4  }
0x35b: {  	s6 =	sshll.u32 s30, $0x9  }
0x35c: {  	s8 =	sshra.s32 s6, $0x2  }
0x35d: {  	s30 =	sor.u32 $0x40, s8  }
0x35e: {  	v1 =	vimm.f32 $0.0e+00;
	p0 =	por $0x0, $0x0;
	s6 =	sadd.s32 $0xFFFFFFFF, s11;
	v3 =	vld [tilespmem:s30+$0x30]  }
0x35f: {  	v4 =	vld [tilespmem:s30+$0xFFFFFFD0]  }
0x360: {  	v5 =	vld [tilespmem:s30+$0xFFFFFFE0]  }
0x361: {  	v6 =	vld [tilespmem:s30+$0xFFFFFFF0];
	p1 =	sne.s32 s6, $0x1  }
.Ltmp31:
0x362: {  	v8 =	vld [tilespmem:s30+$0x0];
	(pc) =	sbr.rel @!p1 .LBB2_28-.Ltmp31, $4  }
0x363: {  	v9 =	vld [tilespmem:s30+$0x10]  }
0x364: {  	v10 =	vld [tilespmem:s30+$0x20];
	v7 =	vimm.f32 $0.0e+00;
	v11 =	vimm.f32 $0.0e+00  }
0x365: {  	v12 =	vld [tilespmem:s30+$0xFFFFFFC0];
	s30 =	sadd.s32 $0x80, s30;
	v13 =	vimm.f32 $0.0e+00;
	v2 =	vadd.f32 v3, v1;
	v4 =	vadd.f32 v4, v1  }
0x366: {  	s6 =	sadd.s32 $0xFFFFFFFF, s6;
	p0 =	por $0x1, $0x1;
	v14 =	vimm.f32 $0.0e+00;
	v3 =	vld [tilespmem:s30+$0x30];
	v5 =	vadd.f32 v5, v1;
	v6 =	vadd.f32 v6, v1  }
.LBB2_29:
0x367: {  	p1 =	sne.s32 s6, $0x1;
	v15 =	vld [tilespmem:s30+$0xFFFFFFD0];
	v7 =	vadd.f32 v8, v7  }
0x368: {  	v11 =	vadd.f32 v9, v11;
	v16 =	vld [tilespmem:s30+$0xFFFFFFE0]  }
0x369: {  	v13 =	vadd.f32 v10, v13;
	v17 =	vld [tilespmem:s30+$0xFFFFFFF0]  }
.Ltmp32:
0x36a: {  	v14 =	vadd.f32 v12, v14;
	v8 =	vld [tilespmem:s30+$0x0];
	(pc) =	sbr.rel @p1 .LBB2_29-.Ltmp32, $4  }
0x36b: {  	v2 =	vadd.f32 v3, v2;
	v9 =	vld [tilespmem:s30+$0x10]  }
0x36c: {  	v4 =	vadd.f32 v15, v4;
	v10 =	vld [tilespmem:s30+$0x20]  }
0x36d: {  	v12 =	vld [tilespmem:s30+$0xFFFFFFC0];
	v5 =	vadd.f32 v16, v5;
	s30 =	sadd.s32 $0x80, s30  }
0x36e: {  	s6 =	sadd.s32 $0xFFFFFFFF, s6;
	v3 =	vld [tilespmem:s30+$0x30];
	v6 =	vadd.f32 v17, v6  }
.Ltmp33:
0x36f: {  	_ = 	snop;
	(pc) =	sbr.rel .LBB2_30-.Ltmp33, $1  }
0x370: {  	_ =	sdelay $0x3  }
.LBB2_28:
.Ltmp34:
0x371: {  	(pc) =	sbr.rel .LBB2_30-.Ltmp34, $3  }
0x372: {  	_ =	sdelay $0x1  }
0x373: {  	v7 =	vimm.f32 $0.0e+00  }
0x374: {  	v11 =	vimm.f32 $0.0e+00;
	v13 =	vimm.f32 $0.0e+00;
	v14 =	vimm.f32 $0.0e+00  }
.LBB2_42:
0x375: {  	v7 =	vimm.f32 $0.0e+00;
	v11 =	vimm.f32 $0.0e+00  }
0x376: {  	v13 =	vimm.f32 $0.0e+00;
	v14 =	vimm.f32 $0.0e+00;
	v2 =	vimm.f32 $0.0e+00  }
0x377: {  	v4 =	vimm.f32 $0.0e+00;
	v5 =	vimm.f32 $0.0e+00;
	v6 =	vimm.f32 $0.0e+00  }
.LBB2_46:
0x378: {  	v15 =	vld [tilespmem:s30+$0x10]  }
0x379: {  	v16 =	vld [tilespmem:s30+$0x20]  }
0x37a: {  	v17 =	vld [tilespmem:s30+$0x30]  }
0x37b: {  	v18 =	vld [tilespmem:s30+$0x40]  }
0x37c: {  	v19 =	vld [tilespmem:s30+$0x50]  }
0x37d: {  	v7 =	vadd.f32 @p0 v8, v7;
	v8 =	vadd.f32 @p0 v9, v11;
	v9 =	vld [tilespmem:s30+$0x60]  }
0x37e: {  	v10 =	vadd.f32 @p0 v10, v13;
	v11 =	vadd.f32 @p0 v12, v14;
	v63 =	vld [tilespmem:s30+$0x0]  }
0x37f: {  	v2 =	vadd.f32 v3, v2;
	v4 =	vadd.f32 v15, v4  }
0x380: {  	v5 =	vadd.f32 v16, v5;
	v3 =	vadd.f32 v17, v6  }
0x381: {  	v6 =	vpsel p0, v7, v1;
	v7 =	vpsel p0, v8, v1;
	v8 =	vpsel p0, v10, v1  }
0x382: {  	v10 =	vpsel p0, v11, v1;
	v1 =	vadd.f32 v18, v6;
	v6 =	vadd.f32 v19, v7  }
0x383: {  	v7 =	vadd.f32 v9, v8;
	v8 =	vadd.f32 v63, v10  }
.LBB2_47:
0x384: {  	s6 =	sshll.u32 s24, $0x9  }
0x385: {  	s6 =	sshra.s32 s6, $0x2  }
0x386: {  	v9 =	vld [tilespmem:s6+$0x18B80]  }
0x387: {  	v10 =	vld [tilespmem:s6+$0x18B90]  }
0x388: {  	v11 =	vld [tilespmem:s6+$0x18BA0]  }
0x389: {  	v12 =	vld [tilespmem:s6+$0x18BB0]  }
0x38a: {  	v13 =	vld [tilespmem:s6+$0x18BC0]  }
0x38b: {  	v63 =	vld [tilespmem:s6+$0x18BF0];
	v8 =	vadd.f32 v9, v8  }
0x38c: {  	v61 =	vld [tilespmem:s6+$0x18BD0];
	v4 =	vadd.f32 v10, v4  }
0x38d: {  	v62 =	vld [tilespmem:s6+$0x18BE0];
	v5 =	vadd.f32 v11, v5;
	[tilespmem:s6+$0x18B80] =	vst v8  }
0x38e: {  	v3 =	vadd.f32 v12, v3;
	[tilespmem:s6+$0x18B90] =	vst v4  }
0x38f: {  	p0 =	sne.s32 s23, s22;
	v1 =	vadd.f32 v13, v1;
	[tilespmem:s6+$0x18BA0] =	vst v5  }
.Ltmp35:
0x390: {  	v2 =	vadd.f32 v63, v2;
	[tilespmem:s6+$0x18BB0] =	vst v3;
	(pc) =	sbr.rel @!p0 .LBB2_48-.Ltmp35, $4  }
0x391: {  	v3 =	vadd.f32 v61, v6;
	[tilespmem:s6+$0x18BC0] =	vst v1  }
0x392: {  	v1 =	vadd.f32 v62, v7;
	[tilespmem:s6+$0x18BF0] =	vst v2  }
0x393: {  	[tilespmem:s6+$0x18BD0] =	vst v3  }
0x394: {  	s23 =	sadd.s32 $0x1, s23;
	[tilespmem:s6+$0x18BE0] =	vst v1  }
.LBB2_38:
0x395: {  	s24 =	sadd.s32 s21, s23  }
0x396: {  	s8 =	simm.s32 $0x100;
	s30 =	smov.u32 s29;
	s10 =	simm.s32 $0x100  }
0x397: {  	s29 =	simm.s32 $0x7;
	s9 =	simm.s32 $0x0;
	s6 =	sadd.s32 $0x1, s24  }
.LBB2_39:
0x398: {  	s11 =	smov.u32 s8  }
0x399: {  	p0 =	seq.s32 s29, $0x1;
	s8 =	sand.u32 $0x1, s10  }
0x39a: {  	p1 =	slt.s32 s10, $0x1;
	p2 =	seq.s32 s8, $0x1  }
0x39b: {  	s8 =	sshrl.u32 s10, $0x1F;
	p1 =	por !p1, !p2  }
0x39c: {  	s8 =	sadd.s32 s8, s10;
	s10 =	simm.s32 $0x1;
	p1 =	por !p1, !p1  }
0x39d: {  	s8 =	sshra.s32 s8, $0x1;
	s10 =	simm.s32 @!p1 $0x0  }
0x39e: {  	s8 =	ssub.s32 s8, s10  }
0x39f: {  	v1 =	vld [tilespmem:s8+$0x18180];
	_ =	sdelay $0x4  }
0x3a0: {  	(v2sf) =	vpush v1, $0x0;
	_ =	sdelay $0xd  }
.Ltmp36:
0x3a1: {  	(pc) =	sbr.rel @!p0 .LBB2_39-.Ltmp36, $4  }
0x3a2: {  	s10 =	spop (v2sf)  }
0x3a3: {  	p1 =	slt.s32 s10, s6;
	s10 =	sadd.s32 $0x1, s8  }
0x3a4: {  	s9 =	smov.u32 @p1 s10;
	s8 =	smov.u32 @p1 s11  }
0x3a5: {  	s29 =	sadd.s32 $0xFFFFFFFF, s29;
	s10 =	sadd.s32 s9, s8  }
0x3a6: {  	s9 =	sand.u32 $0x1, s10  }
0x3a7: {  	p0 =	slt.s32 s10, $0x1;
	p1 =	seq.s32 s9, $0x1  }
0x3a8: {  	s11 =	sshrl.u32 s10, $0x1F;
	p0 =	por !p0, !p1  }
0x3a9: {  	s9 =	sadd.s32 s11, s10;
	s10 =	simm.s32 $0x1;
	p0 =	por !p0, !p0  }
0x3aa: {  	s9 =	sshra.s32 s9, $0x1;
	s10 =	simm.s32 @!p0 $0x0  }
0x3ab: {  	s29 =	ssub.s32 s9, s10  }
0x3ac: {  	v1 =	vld [tilespmem:s29+$0x18180];
	_ =	sdelay $0x4  }
0x3ad: {  	(v2sf) =	vpush v1, $0x0;
	_ =	sdelay $0xe  }
0x3ae: {  	s11 =	spop (v2sf)  }
0x3af: {  	p0 =	slt.s32 s11, s6  }
0x3b0: {  	s29 =	smov.u32 @p0 s8  }
0x3b1: {  	p0 =	sge.s32 s30, s29  }
.Ltmp37:
0x3b2: {  	_ = 	snop;
	(pc) =	sbr.rel @p0 .LBB2_47-.Ltmp37, $4  }
0x3b3: {  	_ = 	snop  }
0x3b4: {  	v8 =	vimm.f32 $0.0e+00;
	v4 =	vimm.f32 $0.0e+00  }
0x3b5: {  	v5 =	vimm.f32 $0.0e+00;
	v3 =	vimm.f32 $0.0e+00;
	v6 =	vimm.f32 $0.0e+00  }
0x3b6: {  	v7 =	vimm.f32 $0.0e+00;
	v2 =	vimm.f32 $0.0e+00;
	v1 =	vimm.f32 $0.0e+00  }
0x3b7: {  	s11 =	ssub.s32 s29, s30  }
0x3b8: {  	p1 =	sne.s32 s11, $0x1  }
.Ltmp38:
0x3b9: {  	_ = 	snop;
	(pc) =	sbr.rel @!p1 .LBB2_42-.Ltmp38, $4  }
0x3ba: {  	s6 =	sshll.u32 s30, $0x9  }
0x3bb: {  	s8 =	sshra.s32 s6, $0x2  }
0x3bc: {  	s30 =	sadd.s32 $0x8000, s8  }
0x3bd: {  	v1 =	vimm.f32 $0.0e+00;
	p0 =	por $0x0, $0x0;
	s6 =	sadd.s32 $0xFFFFFFFF, s11;
	v3 =	vld [tilespmem:s30+$0x70]  }
0x3be: {  	v4 =	vld [tilespmem:s30+$0x10]  }
0x3bf: {  	v5 =	vld [tilespmem:s30+$0x20]  }
0x3c0: {  	v6 =	vld [tilespmem:s30+$0x30];
	p1 =	sne.s32 s6, $0x1  }
.Ltmp39:
0x3c1: {  	v8 =	vld [tilespmem:s30+$0x40];
	(pc) =	sbr.rel @!p1 .LBB2_44-.Ltmp39, $4  }
0x3c2: {  	v9 =	vld [tilespmem:s30+$0x50]  }
0x3c3: {  	v10 =	vld [tilespmem:s30+$0x60];
	v7 =	vimm.f32 $0.0e+00;
	v11 =	vimm.f32 $0.0e+00  }
0x3c4: {  	v12 =	vld [tilespmem:s30+$0x0];
	s30 =	sadd.s32 $0x80, s30;
	v13 =	vimm.f32 $0.0e+00;
	v2 =	vadd.f32 v3, v1;
	v4 =	vadd.f32 v4, v1  }
0x3c5: {  	s6 =	sadd.s32 $0xFFFFFFFF, s6;
	p0 =	por $0x1, $0x1;
	v14 =	vimm.f32 $0.0e+00;
	v3 =	vld [tilespmem:s30+$0x70];
	v5 =	vadd.f32 v5, v1;
	v6 =	vadd.f32 v6, v1  }
.LBB2_45:
0x3c6: {  	p1 =	sne.s32 s6, $0x1;
	v15 =	vld [tilespmem:s30+$0x10];
	v7 =	vadd.f32 v8, v7  }
0x3c7: {  	v11 =	vadd.f32 v9, v11;
	v16 =	vld [tilespmem:s30+$0x20]  }
0x3c8: {  	v13 =	vadd.f32 v10, v13;
	v17 =	vld [tilespmem:s30+$0x30]  }
.Ltmp40:
0x3c9: {  	v14 =	vadd.f32 v12, v14;
	v8 =	vld [tilespmem:s30+$0x40];
	(pc) =	sbr.rel @p1 .LBB2_45-.Ltmp40, $4  }
0x3ca: {  	v2 =	vadd.f32 v3, v2;
	v9 =	vld [tilespmem:s30+$0x50]  }
0x3cb: {  	v4 =	vadd.f32 v15, v4;
	v10 =	vld [tilespmem:s30+$0x60]  }
0x3cc: {  	v12 =	vld [tilespmem:s30+$0x0];
	v5 =	vadd.f32 v16, v5;
	s30 =	sadd.s32 $0x80, s30  }
0x3cd: {  	s6 =	sadd.s32 $0xFFFFFFFF, s6;
	v3 =	vld [tilespmem:s30+$0x70];
	v6 =	vadd.f32 v17, v6  }
.Ltmp41:
0x3ce: {  	_ = 	snop;
	(pc) =	sbr.rel .LBB2_46-.Ltmp41, $1  }
0x3cf: {  	_ =	sdelay $0x3  }
.LBB2_44:
.Ltmp42:
0x3d0: {  	(pc) =	sbr.rel .LBB2_46-.Ltmp42, $3  }
0x3d1: {  	_ =	sdelay $0x1  }
0x3d2: {  	v7 =	vimm.f32 $0.0e+00  }
0x3d3: {  	v11 =	vimm.f32 $0.0e+00;
	v13 =	vimm.f32 $0.0e+00;
	v14 =	vimm.f32 $0.0e+00  }
.LBB2_58:
0x3d4: {  	v7 =	vimm.f32 $0.0e+00;
	v11 =	vimm.f32 $0.0e+00  }
0x3d5: {  	v13 =	vimm.f32 $0.0e+00;
	v14 =	vimm.f32 $0.0e+00;
	v2 =	vimm.f32 $0.0e+00  }
0x3d6: {  	v4 =	vimm.f32 $0.0e+00;
	v5 =	vimm.f32 $0.0e+00;
	v6 =	vimm.f32 $0.0e+00  }
.LBB2_62:
0x3d7: {  	v15 =	vld [tilespmem:s29+$0x10]  }
0x3d8: {  	v16 =	vld [tilespmem:s29+$0x20]  }
0x3d9: {  	v17 =	vld [tilespmem:s29+$0x30]  }
0x3da: {  	v18 =	vld [tilespmem:s29+$0x40]  }
0x3db: {  	v19 =	vld [tilespmem:s29+$0x50]  }
0x3dc: {  	v7 =	vadd.f32 @p0 v8, v7;
	v8 =	vadd.f32 @p0 v9, v11;
	v9 =	vld [tilespmem:s29+$0x60]  }
0x3dd: {  	v10 =	vadd.f32 @p0 v10, v13;
	v11 =	vadd.f32 @p0 v12, v14;
	v63 =	vld [tilespmem:s29+$0x0]  }
0x3de: {  	v2 =	vadd.f32 v3, v2;
	v4 =	vadd.f32 v15, v4  }
0x3df: {  	v5 =	vadd.f32 v16, v5;
	v3 =	vadd.f32 v17, v6  }
0x3e0: {  	v6 =	vpsel p0, v7, v1;
	v7 =	vpsel p0, v8, v1;
	v8 =	vpsel p0, v10, v1  }
0x3e1: {  	v10 =	vpsel p0, v11, v1;
	v1 =	vadd.f32 v18, v6;
	v6 =	vadd.f32 v19, v7  }
0x3e2: {  	v7 =	vadd.f32 v9, v8;
	v8 =	vadd.f32 v63, v10  }
.LBB2_63:
0x3e3: {  	s6 =	sshll.u32 s23, $0x9  }
0x3e4: {  	s6 =	sshra.s32 s6, $0x2  }
0x3e5: {  	v9 =	vld [tilespmem:s6+$0x18B80]  }
0x3e6: {  	v10 =	vld [tilespmem:s6+$0x18B90]  }
0x3e7: {  	v11 =	vld [tilespmem:s6+$0x18BA0]  }
0x3e8: {  	v12 =	vld [tilespmem:s6+$0x18BB0]  }
0x3e9: {  	v13 =	vld [tilespmem:s6+$0x18BC0]  }
0x3ea: {  	v63 =	vld [tilespmem:s6+$0x18BF0];
	v8 =	vadd.f32 v9, v8  }
0x3eb: {  	v61 =	vld [tilespmem:s6+$0x18BD0];
	v4 =	vadd.f32 v10, v4  }
0x3ec: {  	v62 =	vld [tilespmem:s6+$0x18BE0];
	v5 =	vadd.f32 v11, v5;
	[tilespmem:s6+$0x18B80] =	vst v8  }
0x3ed: {  	v3 =	vadd.f32 v12, v3;
	[tilespmem:s6+$0x18B90] =	vst v4  }
0x3ee: {  	p0 =	sne.s32 s22, s21;
	v1 =	vadd.f32 v13, v1;
	[tilespmem:s6+$0x18BA0] =	vst v5  }
.Ltmp43:
0x3ef: {  	v2 =	vadd.f32 v63, v2;
	[tilespmem:s6+$0x18BB0] =	vst v3;
	(pc) =	sbr.rel @!p0 .LBB2_64-.Ltmp43, $4  }
0x3f0: {  	v3 =	vadd.f32 v61, v6;
	[tilespmem:s6+$0x18BC0] =	vst v1  }
0x3f1: {  	v1 =	vadd.f32 v62, v7;
	[tilespmem:s6+$0x18BF0] =	vst v2  }
0x3f2: {  	[tilespmem:s6+$0x18BD0] =	vst v3  }
0x3f3: {  	s22 =	sadd.s32 $0x1, s22;
	[tilespmem:s6+$0x18BE0] =	vst v1  }
.LBB2_54:
0x3f4: {  	s23 =	sadd.s32 s2, s22  }
0x3f5: {  	s8 =	simm.s32 $0x100;
	s29 =	smov.u32 s24;
	s10 =	simm.s32 $0x100  }
0x3f6: {  	s24 =	simm.s32 $0x7;
	s9 =	simm.s32 $0x0;
	s6 =	sadd.s32 $0x1, s23  }
.LBB2_55:
0x3f7: {  	s11 =	smov.u32 s8  }
0x3f8: {  	p0 =	seq.s32 s24, $0x1;
	s8 =	sand.u32 $0x1, s10  }
0x3f9: {  	p1 =	slt.s32 s10, $0x1;
	p2 =	seq.s32 s8, $0x1  }
0x3fa: {  	s8 =	sshrl.u32 s10, $0x1F;
	p1 =	por !p1, !p2  }
0x3fb: {  	s8 =	sadd.s32 s8, s10;
	s10 =	simm.s32 $0x1;
	p1 =	por !p1, !p1  }
0x3fc: {  	s8 =	sshra.s32 s8, $0x1;
	s10 =	simm.s32 @!p1 $0x0  }
0x3fd: {  	s8 =	ssub.s32 s8, s10  }
0x3fe: {  	v1 =	vld [tilespmem:s8+$0x18300];
	_ =	sdelay $0x4  }
0x3ff: {  	(v2sf) =	vpush v1, $0x0;
	_ =	sdelay $0xd  }
.Ltmp44:
0x400: {  	(pc) =	sbr.rel @!p0 .LBB2_55-.Ltmp44, $4  }
0x401: {  	s10 =	spop (v2sf)  }
0x402: {  	p1 =	slt.s32 s10, s6;
	s10 =	sadd.s32 $0x1, s8  }
0x403: {  	s9 =	smov.u32 @p1 s10;
	s8 =	smov.u32 @p1 s11  }
0x404: {  	s24 =	sadd.s32 $0xFFFFFFFF, s24;
	s10 =	sadd.s32 s9, s8  }
0x405: {  	s9 =	sand.u32 $0x1, s10  }
0x406: {  	p0 =	slt.s32 s10, $0x1;
	p1 =	seq.s32 s9, $0x1  }
0x407: {  	s24 =	sshrl.u32 s10, $0x1F;
	p0 =	por !p0, !p1  }
0x408: {  	s9 =	sadd.s32 s24, s10;
	s10 =	simm.s32 $0x1;
	p0 =	por !p0, !p0  }
0x409: {  	s9 =	sshra.s32 s9, $0x1;
	s10 =	simm.s32 @!p0 $0x0  }
0x40a: {  	s24 =	ssub.s32 s9, s10  }
0x40b: {  	v1 =	vld [tilespmem:s24+$0x18300];
	_ =	sdelay $0x4  }
0x40c: {  	(v2sf) =	vpush v1, $0x0;
	_ =	sdelay $0xe  }
0x40d: {  	s30 =	spop (v2sf)  }
0x40e: {  	p0 =	slt.s32 s30, s6  }
0x40f: {  	s24 =	smov.u32 @p0 s8  }
0x410: {  	p0 =	sge.s32 s29, s24  }
.Ltmp45:
0x411: {  	_ = 	snop;
	(pc) =	sbr.rel @p0 .LBB2_63-.Ltmp45, $4  }
0x412: {  	_ = 	snop  }
0x413: {  	v8 =	vimm.f32 $0.0e+00;
	v4 =	vimm.f32 $0.0e+00  }
0x414: {  	v5 =	vimm.f32 $0.0e+00;
	v3 =	vimm.f32 $0.0e+00;
	v6 =	vimm.f32 $0.0e+00  }
0x415: {  	v7 =	vimm.f32 $0.0e+00;
	v2 =	vimm.f32 $0.0e+00;
	v1 =	vimm.f32 $0.0e+00  }
0x416: {  	s30 =	ssub.s32 s24, s29  }
0x417: {  	p1 =	sne.s32 s30, $0x1  }
.Ltmp46:
0x418: {  	_ = 	snop;
	(pc) =	sbr.rel @!p1 .LBB2_58-.Ltmp46, $4  }
0x419: {  	s6 =	sshll.u32 s29, $0x9  }
0x41a: {  	s8 =	sshra.s32 s6, $0x2  }
0x41b: {  	s29 =	sadd.s32 $0x10000, s8  }
0x41c: {  	v1 =	vimm.f32 $0.0e+00;
	p0 =	por $0x0, $0x0;
	s6 =	sadd.s32 $0xFFFFFFFF, s30;
	v3 =	vld [tilespmem:s29+$0x70]  }
0x41d: {  	v4 =	vld [tilespmem:s29+$0x10]  }
0x41e: {  	v5 =	vld [tilespmem:s29+$0x20]  }
0x41f: {  	v6 =	vld [tilespmem:s29+$0x30];
	p1 =	sne.s32 s6, $0x1  }
.Ltmp47:
0x420: {  	v8 =	vld [tilespmem:s29+$0x40];
	(pc) =	sbr.rel @!p1 .LBB2_60-.Ltmp47, $4  }
0x421: {  	v9 =	vld [tilespmem:s29+$0x50]  }
0x422: {  	v10 =	vld [tilespmem:s29+$0x60];
	v7 =	vimm.f32 $0.0e+00;
	v11 =	vimm.f32 $0.0e+00  }
0x423: {  	v12 =	vld [tilespmem:s29+$0x0];
	s29 =	sadd.s32 $0x80, s29;
	v13 =	vimm.f32 $0.0e+00;
	v2 =	vadd.f32 v3, v1;
	v4 =	vadd.f32 v4, v1  }
0x424: {  	s6 =	sadd.s32 $0xFFFFFFFF, s6;
	p0 =	por $0x1, $0x1;
	v14 =	vimm.f32 $0.0e+00;
	v3 =	vld [tilespmem:s29+$0x70];
	v5 =	vadd.f32 v5, v1;
	v6 =	vadd.f32 v6, v1  }
.LBB2_61:
0x425: {  	p1 =	sne.s32 s6, $0x1;
	v15 =	vld [tilespmem:s29+$0x10];
	v7 =	vadd.f32 v8, v7  }
0x426: {  	v11 =	vadd.f32 v9, v11;
	v16 =	vld [tilespmem:s29+$0x20]  }
0x427: {  	v13 =	vadd.f32 v10, v13;
	v17 =	vld [tilespmem:s29+$0x30]  }
.Ltmp48:
0x428: {  	v14 =	vadd.f32 v12, v14;
	v8 =	vld [tilespmem:s29+$0x40];
	(pc) =	sbr.rel @p1 .LBB2_61-.Ltmp48, $4  }
0x429: {  	v2 =	vadd.f32 v3, v2;
	v9 =	vld [tilespmem:s29+$0x50]  }
0x42a: {  	v4 =	vadd.f32 v15, v4;
	v10 =	vld [tilespmem:s29+$0x60]  }
0x42b: {  	v12 =	vld [tilespmem:s29+$0x0];
	v5 =	vadd.f32 v16, v5;
	s29 =	sadd.s32 $0x80, s29  }
0x42c: {  	s6 =	sadd.s32 $0xFFFFFFFF, s6;
	v3 =	vld [tilespmem:s29+$0x70];
	v6 =	vadd.f32 v17, v6  }
.Ltmp49:
0x42d: {  	_ = 	snop;
	(pc) =	sbr.rel .LBB2_62-.Ltmp49, $1  }
0x42e: {  	_ =	sdelay $0x3  }
.LBB2_60:
.Ltmp50:
0x42f: {  	(pc) =	sbr.rel .LBB2_62-.Ltmp50, $3  }
0x430: {  	_ =	sdelay $0x1  }
0x431: {  	v7 =	vimm.f32 $0.0e+00  }
0x432: {  	v11 =	vimm.f32 $0.0e+00;
	v13 =	vimm.f32 $0.0e+00;
	v14 =	vimm.f32 $0.0e+00  }
.LBB2_66:
0x433: {  	_ =	sfence.sel $0x180000  }
0x434: {  	[bflag:$0x0] =	sbarrier.arrive $0xFFFF  }
0x435: {  	_ =	strace $0x90000047  }
0x436: {  	s0 =	stileid.u32;
	[bflag:$0x2] =	sbarrier.arrive $0xFFFF  }
0x437: {  	p0 =	sne.s32 s0, $0x0;
	s0 =	rddreg [dreg:$0x3]  }
0x438: {  	s0 =	sadd.s32 @!p0 $0x100000, s0  }
0x439: {  	[sflag:s0] =	ssyncadd.tile.s32 @!p0 $0x1;
	_ =	shalt  }
.Lfunc_end2:
_tile_overlayer_lowered:
.L_overlay_start_2:
0x43a: {  	(tag) =	ssettag $0x2  }
0x43b: {  	s0 =	rddreg [dreg:$0x0];
	s2 =	stileid.u32  }
0x43c: {  	s1 =	rddreg [dreg:$0x1];
	p0 =	sne.s32 s2, $0x0  }
0x43d: {  	s3 =	rddreg [dreg:$0x2];
	[bflag:$0x3] =	sbarrier.arrive $0xFFFF;
	s2 =	simm.s32 @!p0 $0x1C02  }
0x43e: {  	[timem:s3], [sflag:s2] =	dma.local @!p0 [hbm:s0], s1  }
0x43f: {  	s0 =	simm.s32 @!p0 $0x2  }
0x440: {  	_ =	swait.ge @!p0 [sflag:s0], s1  }
0x441: {  	s1 =	ssub.s32 @!p0 $0x0, s1;
	[sflag:s0] =	ssyncset.done @!p0 $0x0  }
0x442: {  	[sflag:s0] =	ssyncadd.s32 @!p0 s1  }
0x443: {  	[bflag:$0x3] =	sbarrier.arrive $0xFFFF  }
0x444: {  	_ =	shalt  }

</sc_bundles>
